<compile_context>
chip_gen: v7x
topology: tpu7x:2x2x1
jax: 0.10.2.dev20260603
libtpu: 0.0.44.dev20260713+nightly
codegen_flags: <defaults>
</compile_context>

<pallas_src>
import functools

import jax
import jax.numpy as jnp
from jax import lax
from jax.experimental import pallas as pl
from jax.experimental.pallas import tpu as pltpu
from jax.experimental.pallas import tpu_sc as plsc

_ROWS = 512
_SC_BATCHES = 8
_SC_CHUNK = 16
_NEG = -3.0e38


def _tc_adj_kernel(s_ref, o_ref, *, n, other_k):
    rb = pl.program_id(1)
    r = s_ref.shape[1]
    s = s_ref[0]

    col = jax.lax.broadcasted_iota(jnp.int32, (r, n), 1)
    row = jax.lax.broadcasted_iota(jnp.int32, (r, n), 0) + rb * r
    diag = col == row

    work = jnp.where(diag, _NEG, s)
    m1 = jnp.max(work, axis=-1, keepdims=True)
    mask = jnp.zeros((r, n), dtype=jnp.bool_)
    mx = m1
    for t in range(other_k):
        sel = work == mx
        mask = jnp.logical_or(mask, sel)
        if t < other_k - 1:
            work = jnp.where(sel, _NEG, work)
            mx = jnp.max(work, axis=-1, keepdims=True)

    e_all = jnp.exp(jnp.minimum(s - m1, 60.0))
    z = jnp.sum(e_all, axis=-1, keepdims=True)
    e_sel = jnp.where(mask, e_all, 0.0)
    s7 = jnp.sum(e_sel, axis=-1, keepdims=True)
    sp = e_sel / (s7 + 1e-8 * z)

    o_ref[0, :, 0, :] = jnp.where(diag, 1.0, 0.0)
    o_ref[0, :, 1:, :] = jnp.broadcast_to(sp[:, None, :], (r, other_k, n))


def _tc_adjacency(scores):
    b, n, _ = scores.shape
    total_k = 8
    rows = min(_ROWS, n)
    grid = (b, n // rows)
    return pl.pallas_call(
        functools.partial(_tc_adj_kernel, n=n, other_k=total_k - 1),
        grid=grid,
        in_specs=[
            pl.BlockSpec((1, rows, n), lambda bi, ri: (bi, ri, 0)),
        ],
        out_specs=pl.BlockSpec(
            (1, rows, total_k, n), lambda bi, ri: (bi, ri, 0, 0)
        ),
        out_shape=jax.ShapeDtypeStruct((b, n, total_k, n), scores.dtype),
    )(scores)


def _sc_adjacency(scores):
    sb, n, _ = scores.shape
    total_k = 8
    other_k = total_k - 1
    nvec = n // 16

    info = plsc.get_sparse_core_info()
    nw = info.num_cores * info.num_subcores
    rows_per_w = sb * n // nw
    assert n % rows_per_w == 0, "worker slab must stay inside one batch"
    workers_per_b = n // rows_per_w
    chunk = min(_SC_CHUNK, rows_per_w)
    chunks_per_w = rows_per_w // chunk

    mesh = plsc.VectorSubcoreMesh(core_axis_name="c", subcore_axis_name="s")

    @functools.partial(
        pl.kernel,
        out_type=jax.ShapeDtypeStruct((sb, n, total_k, n), jnp.float32),
        mesh=mesh,
        scratch_types=[
            pltpu.VMEM((chunk, n), jnp.float32),
            pltpu.VMEM((chunk, total_k, n), jnp.float32),
        ],
    )
    def sc_k(scores_hbm, out_hbm, in_v, out_v):
        wid = lax.axis_index("s") * info.num_cores + lax.axis_index("c")
        bb = wid // workers_per_b
        wrow0 = (wid % workers_per_b) * rows_per_w
        ii = lax.iota(jnp.int32, 16)
        perms = [jnp.bitwise_xor(ii, kk) for kk in (1, 2, 4, 8)]

        def bmax(x):
            for p in perms:
                x = jnp.maximum(x, x[p])
            return x

        def bsum(x):
            for p in perms:
                x = x + x[p]
            return x

        def chunk_body(c, carry):
            row0 = wrow0 + c * chunk
            pltpu.sync_copy(scores_hbm.at[bb, pl.ds(row0, chunk)], in_v)

            def row_body(r, carry2):
                g = row0 + r
                vs = [in_v[r, pl.ds(j * 16, 16)] for j in range(nvec)]
                w0 = [
                    jnp.where(ii + (j * 16) == g, _NEG, vs[j])
                    for j in range(nvec)
                ]
                work = w0
                m1 = None
                t = None
                for it in range(other_k):
                    m = work[0]
                    for j in range(1, nvec):
                        m = jnp.maximum(m, work[j])
                    t = bmax(m)
                    if it == 0:
                        m1 = t
                    if it < other_k - 1:
                        work = [jnp.where(w == t, _NEG, w) for w in work]

                es = [
                    jnp.exp(jnp.minimum(vs[j] - m1, 60.0))
                    for j in range(nvec)
                ]
                zv = es[0]
                for j in range(1, nvec):
                    zv = zv + es[j]
                sel = [
                    jnp.where(w0[j] >= t, es[j], 0.0) for j in range(nvec)
                ]
                sv = sel[0]
                for j in range(1, nvec):
                    sv = sv + sel[j]
                z = bsum(zv)
                s7 = bsum(sv)
                inv = 1.0 / (s7 + 1e-8 * z)

                for j in range(nvec):
                    out_v[r, 0, pl.ds(j * 16, 16)] = jnp.where(
                        ii + (j * 16) == g, 1.0, 0.0
                    )
                for j in range(nvec):
                    spj = sel[j] * inv
                    for k in range(1, total_k):
                        out_v[r, k, pl.ds(j * 16, 16)] = spj
                return carry2

            lax.fori_loop(0, chunk, row_body, 0)
            pltpu.sync_copy(out_v, out_hbm.at[bb, pl.ds(row0, chunk)])
            return carry

        lax.fori_loop(0, chunks_per_w, chunk_body, 0)

    return sc_k(scores)


def kernel(scores):
    b = scores.shape[0]
    sc_b = _SC_BATCHES if b > _SC_BATCHES else 0
    tc_part = _tc_adjacency(scores[: b - sc_b])
    if sc_b == 0:
        return tc_part
    sc_part = _sc_adjacency(scores[b - sc_b :])
    return jnp.concatenate([tc_part, sc_part], axis=0)

# --- scband reference (transcript-rebuilt; emitter-appended) ---
"""Pipeline reference for scband-co-sdynamic-adjacency-24807731102418 (READ-ONLY COPY).

The authoritative reference and input builder live on the scoring server;
editing this copy changes nothing except your own understanding.
"""

import jax, jax.numpy as jnp
import numpy as np

B = 32
N = 512
TOTAL_K = 8
INCLUDE_SELF = True


def setup_inputs(seed: int = 0) -> dict:
    key = jax.random.key(seed)
    scores = jax.random.normal(key, (B, N, N), dtype=jnp.float32)
    return {"scores": scores}


def reference(scores):
    n = N
    probs = jax.nn.softmax(scores, axis=-1)
    dtype = probs.dtype
    batch = scores.shape[0]
    eye = jnp.eye(n, dtype=dtype)
    max_k = max(n - 1, 0) if INCLUDE_SELF else n
    other_k = TOTAL_K - (1 if INCLUDE_SELF else 0)
    other_k = max(0, min(other_k, max_k))
    if INCLUDE_SELF:
        probs_others = probs * (1.0 - eye)[None, :, :]
    else:
        probs_others = probs
    if other_k > 0:
        _, idx = jax.lax.top_k(probs_others, other_k)
        mask = jnp.sum(jax.nn.one_hot(idx, n, dtype=dtype), axis=2)
        sparse = probs_others * mask
        sparse = sparse / (jnp.sum(sparse, axis=-1, keepdims=True) + 1e-08)
        other_rows = jnp.tile(sparse[:, :, None, :], (1, 1, other_k, 1))
    else:
        other_rows = jnp.zeros((batch, n, 0, n), dtype=dtype)
    if INCLUDE_SELF:
        self_row = jnp.tile(eye.reshape(1, n, 1, n), (batch, 1, 1, 1))
        return jnp.concatenate([self_row, other_rows], axis=2)
    return other_rows

if __name__ == "__main__":
    import jax
    _d = setup_inputs()
    print(jax.jit(kernel)(*tuple(_d.values())))

</pallas_src>

<mosaic_0001>
#map = affine_map<(d0, d1) -> (0, 0, 0)>
#map1 = affine_map<(d0, d1) -> (0, 0, 0, 0)>
module attributes {stable_mosaic.version = 14 : i64} {
  func.func @sc_k(%arg0: i32, %arg1: i32, %arg2: memref<8x512x512xf32, #tpu.memory_space<hbm>>, %arg3: memref<8x512x8x512xf32, #tpu.memory_space<hbm>>, %arg4: memref<16x512xf32, #tpu.memory_space<vmem>>, %arg5: memref<16x8x512xf32, #tpu.memory_space<vmem>>) attributes {dimension_semantics = [#tpu.dimension_semantics<core_parallel>, #tpu.dimension_semantics<subcore_parallel>], iteration_bounds = array<i64: 2, 16>, scalar_prefetch = 0 : i64, scratch_operands = 2 : i64, tpu.core_type = #tpu.core_type<sc_vector_subcore>, window_params = [{transform_indices = #map}, {transform_indices = #map1}]} {
    %mul3A = arith.constant 2 : i32
    %mul3A_0 = arith.muli %arg1, %mul3A : i32
    %add3A = arith.addi %mul3A_0, %arg0 : i32
    %jit3A = arith.constant 4 : i32
    %div3A = arith.divsi %add3A, %jit3A : i32
    %sign3A = arith.constant 0 : i32
    %sign3A_1 = arith.cmpi sgt, %add3A, %sign3A : i32
    %sign3A_2 = arith.extui %sign3A_1 : i1 to i32
    %sign3A_3 = arith.constant 0 : i32
    %sign3A_4 = arith.cmpi slt, %add3A, %sign3A_3 : i32
    %sign3A_5 = arith.extui %sign3A_4 : i1 to i32
    %sign3A_6 = arith.subi %sign3A_2, %sign3A_5 : i32
    %sign3A_7 = arith.constant 0 : i32
    %sign3A_8 = arith.cmpi sgt, %jit3A, %sign3A_7 : i32
    %sign3A_9 = arith.extui %sign3A_8 : i1 to i32
    %sign3A_10 = arith.constant 0 : i32
    %sign3A_11 = arith.cmpi slt, %jit3A, %sign3A_10 : i32
    %sign3A_12 = arith.extui %sign3A_11 : i1 to i32
    %sign3A_13 = arith.subi %sign3A_9, %sign3A_12 : i32
    %ne3A = arith.cmpi ne, %sign3A_6, %sign3A_13 : i32
    %rem3A = arith.remsi %add3A, %jit3A : i32
    %ne3A_14 = arith.constant 0 : i32
    %ne3A_15 = arith.cmpi ne, %rem3A, %ne3A_14 : i32
    %and3A = arith.andi %ne3A, %ne3A_15 : i1
    %sub3A = arith.constant 1 : i32
    %sub3A_16 = arith.subi %div3A, %sub3A : i32
    %select_n3A = arith.select %and3A, %sub3A_16, %div3A : i32
    %jit3A_17 = arith.constant 4 : i32
    %eq3A = arith.constant 0 : i32
    %eq3A_18 = arith.cmpi eq, %jit3A_17, %eq3A : i32
    %jit3A_19 = arith.constant 1 : i32
    %select_n3A_20 = arith.select %eq3A_18, %jit3A_19, %jit3A_17 : i32
    %rem3A_21 = arith.remsi %add3A, %select_n3A_20 : i32
    %ne3A_22 = arith.constant 0 : i32
    %ne3A_23 = arith.cmpi ne, %rem3A_21, %ne3A_22 : i32
    %lt3A = arith.constant 0 : i32
    %lt3A_24 = arith.cmpi slt, %rem3A_21, %lt3A : i32
    %lt3A_25 = arith.constant 0 : i32
    %lt3A_26 = arith.cmpi slt, %select_n3A_20, %lt3A_25 : i32
    %ne3A_27 = arith.xori %lt3A_24, %lt3A_26 : i1
    %and3A_28 = arith.andi %ne3A_27, %ne3A_23 : i1
    %add3A_29 = arith.addi %rem3A_21, %select_n3A_20 : i32
    %select_n3A_30 = arith.select %and3A_28, %add3A_29, %rem3A_21 : i32
    %mul3A_31 = arith.constant 128 : i32
    %mul3A_32 = arith.muli %select_n3A_30, %mul3A_31 : i32
    %iota3A = tpu.iota {dimensions = array<i32: 0>} : vector<16xi32>
    %xor3A = arith.constant 1 : i32
    %xor3A_33 = vector.broadcast %xor3A : i32 to vector<16xi32>
    %xor3A_34 = arith.xori %iota3A, %xor3A_33 : vector<16xi32>
    %xor3A_35 = arith.constant 2 : i32
    %xor3A_36 = vector.broadcast %xor3A_35 : i32 to vector<16xi32>
    %xor3A_37 = arith.xori %iota3A, %xor3A_36 : vector<16xi32>
    %xor3A_38 = arith.constant 4 : i32
    %xor3A_39 = vector.broadcast %xor3A_38 : i32 to vector<16xi32>
    %xor3A_40 = arith.xori %iota3A, %xor3A_39 : vector<16xi32>
    %xor3A_41 = arith.constant 8 : i32
    %xor3A_42 = vector.broadcast %xor3A_41 : i32 to vector<16xi32>
    %xor3A_43 = arith.xori %iota3A, %xor3A_42 : vector<16xi32>
    %scan3A = arith.constant 0 : i32
    %scan3A_44 = arith.constant 0 : i32
    %scan3A_45 = arith.constant 8 : i32
    %scan3A_46 = arith.addi %scan3A_44, %scan3A_45 : i32
    %scan3A_47 = arith.constant 1 : i32
    scf.for %scan3A_49 = %scan3A_44 to %scan3A_46 step %scan3A_47  : i32 {
      %mul3A_50 = arith.constant 16 : i32
      %mul3A_51 = arith.muli %scan3A_49, %mul3A_50 : i32
      %add3A_52 = arith.addi %mul3A_32, %mul3A_51 : i32
      "tpu.region"() ({
        %run_scoped3A = tpu.sem_alloc : memref<!tpu.dma_semaphore, #tpu.memory_space<semaphore_mem>>
        %dma_start3A = arith.constant 0 : i32
        %dma_start3A_59 = tpu.memref_slice %arg2[%select_n3A, %add3A_52, %dma_start3A] : memref<8x512x512xf32, #tpu.memory_space<hbm>> -> memref<1x16x512xf32, #tpu.memory_space<hbm>>
        %dma_start3A_60 = tpu.memref_squeeze %dma_start3A_59 : memref<1x16x512xf32, #tpu.memory_space<hbm>> -> memref<16x512xf32, #tpu.memory_space<hbm>>
        %dma_start3A_61 = arith.constant 0 : i32
        %dma_start3A_62 = tpu.memref_slice %arg2[%select_n3A, %add3A_52, %dma_start3A_61] : memref<8x512x512xf32, #tpu.memory_space<hbm>> -> memref<1x16x512xf32, #tpu.memory_space<hbm>>
        %dma_start3A_63 = tpu.memref_squeeze %dma_start3A_62 : memref<1x16x512xf32, #tpu.memory_space<hbm>> -> memref<16x512xf32, #tpu.memory_space<hbm>>
        tpu.enqueue_dma source(%dma_start3A_63 : memref<16x512xf32, #tpu.memory_space<hbm>>) target(%arg4 : memref<16x512xf32, #tpu.memory_space<vmem>>) target_semaphore(%run_scoped3A : memref<!tpu.dma_semaphore, #tpu.memory_space<semaphore_mem>>)
        %dma_wait3A = arith.constant 0 : i32
        %dma_wait3A_64 = tpu.memref_slice %arg2[%select_n3A, %add3A_52, %dma_wait3A] : memref<8x512x512xf32, #tpu.memory_space<hbm>> -> memref<1x16x512xf32, #tpu.memory_space<hbm>>
        %dma_wait3A_65 = tpu.memref_squeeze %dma_wait3A_64 : memref<1x16x512xf32, #tpu.memory_space<hbm>> -> memref<16x512xf32, #tpu.memory_space<hbm>>
        %dma_wait3A_66 = arith.constant 0 : i32
        %dma_wait3A_67 = tpu.memref_slice %arg2[%select_n3A, %add3A_52, %dma_wait3A_66] : memref<8x512x512xf32, #tpu.memory_space<hbm>> -> memref<1x16x512xf32, #tpu.memory_space<hbm>>
        %dma_wait3A_68 = tpu.memref_squeeze %dma_wait3A_67 : memref<1x16x512xf32, #tpu.memory_space<hbm>> -> memref<16x512xf32, #tpu.memory_space<hbm>>
        tpu.wait_dma2 semaphore(%run_scoped3A : memref<!tpu.dma_semaphore, #tpu.memory_space<semaphore_mem>>) src(%dma_wait3A_68 : memref<16x512xf32, #tpu.memory_space<hbm>>) dst(%arg4 : memref<16x512xf32, #tpu.memory_space<vmem>>)
        tpu.yield
      }) : () -> ()
      %scan3A_53 = arith.constant 0 : i32
      %scan3A_54 = arith.constant 0 : i32
      %scan3A_55 = arith.constant 16 : i32
      %scan3A_56 = arith.addi %scan3A_54, %scan3A_55 : i32
      %scan3A_57 = arith.constant 1 : i32
      scf.for %scan3A_59 = %scan3A_54 to %scan3A_56 step %scan3A_57  : i32 {
        %add3A_60 = arith.addi %add3A_52, %scan3A_59 : i32
        %get3A = arith.index_cast %scan3A_59 : i32 to index
        %get3A_61 = arith.constant 0 : index
        %get3A_62 = tpu.vector_load %arg4[%get3A, %get3A_61] {strides = array<i32>} : memref<16x512xf32, #tpu.memory_space<vmem>>, vector<1x16xf32>,
        %get3A_63 = vector.shape_cast %get3A_62 : vector<1x16xf32> to vector<16xf32>
        %get3A_64 = arith.index_cast %scan3A_59 : i32 to index
        %get3A_65 = arith.constant 16 : index
        %get3A_66 = tpu.vector_load %arg4[%get3A_64, %get3A_65] {strides = array<i32>} : memref<16x512xf32, #tpu.memory_space<vmem>>, vector<1x16xf32>,
        %get3A_67 = vector.shape_cast %get3A_66 : vector<1x16xf32> to vector<16xf32>
        %get3A_68 = arith.index_cast %scan3A_59 : i32 to index
        %get3A_69 = arith.constant 32 : index
        %get3A_70 = tpu.vector_load %arg4[%get3A_68, %get3A_69] {strides = array<i32>} : memref<16x512xf32, #tpu.memory_space<vmem>>, vector<1x16xf32>,
        %get3A_71 = vector.shape_cast %get3A_70 : vector<1x16xf32> to vector<16xf32>
        %get3A_72 = arith.index_cast %scan3A_59 : i32 to index
        %get3A_73 = arith.constant 48 : index
        %get3A_74 = tpu.vector_load %arg4[%get3A_72, %get3A_73] {strides = array<i32>} : memref<16x512xf32, #tpu.memory_space<vmem>>, vector<1x16xf32>,
        %get3A_75 = vector.shape_cast %get3A_74 : vector<1x16xf32> to vector<16xf32>
        %get3A_76 = arith.index_cast %scan3A_59 : i32 to index
        %get3A_77 = arith.constant 64 : index
        %get3A_78 = tpu.vector_load %arg4[%get3A_76, %get3A_77] {strides = array<i32>} : memref<16x512xf32, #tpu.memory_space<vmem>>, vector<1x16xf32>,
        %get3A_79 = vector.shape_cast %get3A_78 : vector<1x16xf32> to vector<16xf32>
        %get3A_80 = arith.index_cast %scan3A_59 : i32 to index
        %get3A_81 = arith.constant 80 : index
        %get3A_82 = tpu.vector_load %arg4[%get3A_80, %get3A_81] {strides = array<i32>} : memref<16x512xf32, #tpu.memory_space<vmem>>, vector<1x16xf32>,
        %get3A_83 = vector.shape_cast %get3A_82 : vector<1x16xf32> to vector<16xf32>
        %get3A_84 = arith.index_cast %scan3A_59 : i32 to index
        %get3A_85 = arith.constant 96 : index
        %get3A_86 = tpu.vector_load %arg4[%get3A_84, %get3A_85] {strides = array<i32>} : memref<16x512xf32, #tpu.memory_space<vmem>>, vector<1x16xf32>,
        %get3A_87 = vector.shape_cast %get3A_86 : vector<1x16xf32> to vector<16xf32>
        %get3A_88 = arith.index_cast %scan3A_59 : i32 to index
        %get3A_89 = arith.constant 112 : index
        %get3A_90 = tpu.vector_load %arg4[%get3A_88, %get3A_89] {strides = array<i32>} : memref<16x512xf32, #tpu.memory_space<vmem>>, vector<1x16xf32>,
        %get3A_91 = vector.shape_cast %get3A_90 : vector<1x16xf32> to vector<16xf32>
        %get3A_92 = arith.index_cast %scan3A_59 : i32 to index
        %get3A_93 = arith.constant 128 : index
        %get3A_94 = tpu.vector_load %arg4[%get3A_92, %get3A_93] {strides = array<i32>} : memref<16x512xf32, #tpu.memory_space<vmem>>, vector<1x16xf32>,
        %get3A_95 = vector.shape_cast %get3A_94 : vector<1x16xf32> to vector<16xf32>
        %get3A_96 = arith.index_cast %scan3A_59 : i32 to index
        %get3A_97 = arith.constant 144 : index
        %get3A_98 = tpu.vector_load %arg4[%get3A_96, %get3A_97] {strides = array<i32>} : memref<16x512xf32, #tpu.memory_space<vmem>>, vector<1x16xf32>,
        %get3A_99 = vector.shape_cast %get3A_98 : vector<1x16xf32> to vector<16xf32>
        %get3A_100 = arith.index_cast %scan3A_59 : i32 to index
        %get3A_101 = arith.constant 160 : index
        %get3A_102 = tpu.vector_load %arg4[%get3A_100, %get3A_101] {strides = array<i32>} : memref<16x512xf32, #tpu.memory_space<vmem>>, vector<1x16xf32>,
        %get3A_103 = vector.shape_cast %get3A_102 : vector<1x16xf32> to vector<16xf32>
        %get3A_104 = arith.index_cast %scan3A_59 : i32 to index
        %get3A_105 = arith.constant 176 : index
        %get3A_106 = tpu.vector_load %arg4[%get3A_104, %get3A_105] {strides = array<i32>} : memref<16x512xf32, #tpu.memory_space<vmem>>, vector<1x16xf32>,
        %get3A_107 = vector.shape_cast %get3A_106 : vector<1x16xf32> to vector<16xf32>
        %get3A_108 = arith.index_cast %scan3A_59 : i32 to index
        %get3A_109 = arith.constant 192 : index
        %get3A_110 = tpu.vector_load %arg4[%get3A_108, %get3A_109] {strides = array<i32>} : memref<16x512xf32, #tpu.memory_space<vmem>>, vector<1x16xf32>,
        %get3A_111 = vector.shape_cast %get3A_110 : vector<1x16xf32> to vector<16xf32>
        %get3A_112 = arith.index_cast %scan3A_59 : i32 to index
        %get3A_113 = arith.constant 208 : index
        %get3A_114 = tpu.vector_load %arg4[%get3A_112, %get3A_113] {strides = array<i32>} : memref<16x512xf32, #tpu.memory_space<vmem>>, vector<1x16xf32>,
        %get3A_115 = vector.shape_cast %get3A_114 : vector<1x16xf32> to vector<16xf32>
        %get3A_116 = arith.index_cast %scan3A_59 : i32 to index
        %get3A_117 = arith.constant 224 : index
        %get3A_118 = tpu.vector_load %arg4[%get3A_116, %get3A_117] {strides = array<i32>} : memref<16x512xf32, #tpu.memory_space<vmem>>, vector<1x16xf32>,
        %get3A_119 = vector.shape_cast %get3A_118 : vector<1x16xf32> to vector<16xf32>
        %get3A_120 = arith.index_cast %scan3A_59 : i32 to index
        %get3A_121 = arith.constant 240 : index
        %get3A_122 = tpu.vector_load %arg4[%get3A_120, %get3A_121] {strides = array<i32>} : memref<16x512xf32, #tpu.memory_space<vmem>>, vector<1x16xf32>,
        %get3A_123 = vector.shape_cast %get3A_122 : vector<1x16xf32> to vector<16xf32>
        %get3A_124 = arith.index_cast %scan3A_59 : i32 to index
        %get3A_125 = arith.constant 256 : index
        %get3A_126 = tpu.vector_load %arg4[%get3A_124, %get3A_125] {strides = array<i32>} : memref<16x512xf32, #tpu.memory_space<vmem>>, vector<1x16xf32>,
        %get3A_127 = vector.shape_cast %get3A_126 : vector<1x16xf32> to vector<16xf32>
        %get3A_128 = arith.index_cast %scan3A_59 : i32 to index
        %get3A_129 = arith.constant 272 : index
        %get3A_130 = tpu.vector_load %arg4[%get3A_128, %get3A_129] {strides = array<i32>} : memref<16x512xf32, #tpu.memory_space<vmem>>, vector<1x16xf32>,
        %get3A_131 = vector.shape_cast %get3A_130 : vector<1x16xf32> to vector<16xf32>
        %get3A_132 = arith.index_cast %scan3A_59 : i32 to index
        %get3A_133 = arith.constant 288 : index
        %get3A_134 = tpu.vector_load %arg4[%get3A_132, %get3A_133] {strides = array<i32>} : memref<16x512xf32, #tpu.memory_space<vmem>>, vector<1x16xf32>,
        %get3A_135 = vector.shape_cast %get3A_134 : vector<1x16xf32> to vector<16xf32>
        %get3A_136 = arith.index_cast %scan3A_59 : i32 to index
        %get3A_137 = arith.constant 304 : index
        %get3A_138 = tpu.vector_load %arg4[%get3A_136, %get3A_137] {strides = array<i32>} : memref<16x512xf32, #tpu.memory_space<vmem>>, vector<1x16xf32>,
        %get3A_139 = vector.shape_cast %get3A_138 : vector<1x16xf32> to vector<16xf32>
        %get3A_140 = arith.index_cast %scan3A_59 : i32 to index
        %get3A_141 = arith.constant 320 : index
        %get3A_142 = tpu.vector_load %arg4[%get3A_140, %get3A_141] {strides = array<i32>} : memref<16x512xf32, #tpu.memory_space<vmem>>, vector<1x16xf32>,
        %get3A_143 = vector.shape_cast %get3A_142 : vector<1x16xf32> to vector<16xf32>
        %get3A_144 = arith.index_cast %scan3A_59 : i32 to index
        %get3A_145 = arith.constant 336 : index
        %get3A_146 = tpu.vector_load %arg4[%get3A_144, %get3A_145] {strides = array<i32>} : memref<16x512xf32, #tpu.memory_space<vmem>>, vector<1x16xf32>,
        %get3A_147 = vector.shape_cast %get3A_146 : vector<1x16xf32> to vector<16xf32>
        %get3A_148 = arith.index_cast %scan3A_59 : i32 to index
        %get3A_149 = arith.constant 352 : index
        %get3A_150 = tpu.vector_load %arg4[%get3A_148, %get3A_149] {strides = array<i32>} : memref<16x512xf32, #tpu.memory_space<vmem>>, vector<1x16xf32>,
        %get3A_151 = vector.shape_cast %get3A_150 : vector<1x16xf32> to vector<16xf32>
        %get3A_152 = arith.index_cast %scan3A_59 : i32 to index
        %get3A_153 = arith.constant 368 : index
        %get3A_154 = tpu.vector_load %arg4[%get3A_152, %get3A_153] {strides = array<i32>} : memref<16x512xf32, #tpu.memory_space<vmem>>, vector<1x16xf32>,
        %get3A_155 = vector.shape_cast %get3A_154 : vector<1x16xf32> to vector<16xf32>
        %get3A_156 = arith.index_cast %scan3A_59 : i32 to index
        %get3A_157 = arith.constant 384 : index
        %get3A_158 = tpu.vector_load %arg4[%get3A_156, %get3A_157] {strides = array<i32>} : memref<16x512xf32, #tpu.memory_space<vmem>>, vector<1x16xf32>,
        %get3A_159 = vector.shape_cast %get3A_158 : vector<1x16xf32> to vector<16xf32>
        %get3A_160 = arith.index_cast %scan3A_59 : i32 to index
        %get3A_161 = arith.constant 400 : index
        %get3A_162 = tpu.vector_load %arg4[%get3A_160, %get3A_161] {strides = array<i32>} : memref<16x512xf32, #tpu.memory_space<vmem>>, vector<1x16xf32>,
        %get3A_163 = vector.shape_cast %get3A_162 : vector<1x16xf32> to vector<16xf32>
        %get3A_164 = arith.index_cast %scan3A_59 : i32 to index
        %get3A_165 = arith.constant 416 : index
        %get3A_166 = tpu.vector_load %arg4[%get3A_164, %get3A_165] {strides = array<i32>} : memref<16x512xf32, #tpu.memory_space<vmem>>, vector<1x16xf32>,
        %get3A_167 = vector.shape_cast %get3A_166 : vector<1x16xf32> to vector<16xf32>
        %get3A_168 = arith.index_cast %scan3A_59 : i32 to index
        %get3A_169 = arith.constant 432 : index
        %get3A_170 = tpu.vector_load %arg4[%get3A_168, %get3A_169] {strides = array<i32>} : memref<16x512xf32, #tpu.memory_space<vmem>>, vector<1x16xf32>,
        %get3A_171 = vector.shape_cast %get3A_170 : vector<1x16xf32> to vector<16xf32>
        %get3A_172 = arith.index_cast %scan3A_59 : i32 to index
        %get3A_173 = arith.constant 448 : index
        %get3A_174 = tpu.vector_load %arg4[%get3A_172, %get3A_173] {strides = array<i32>} : memref<16x512xf32, #tpu.memory_space<vmem>>, vector<1x16xf32>,
        %get3A_175 = vector.shape_cast %get3A_174 : vector<1x16xf32> to vector<16xf32>
        %get3A_176 = arith.index_cast %scan3A_59 : i32 to index
        %get3A_177 = arith.constant 464 : index
        %get3A_178 = tpu.vector_load %arg4[%get3A_176, %get3A_177] {strides = array<i32>} : memref<16x512xf32, #tpu.memory_space<vmem>>, vector<1x16xf32>,
        %get3A_179 = vector.shape_cast %get3A_178 : vector<1x16xf32> to vector<16xf32>
        %get3A_180 = arith.index_cast %scan3A_59 : i32 to index
        %get3A_181 = arith.constant 480 : index
        %get3A_182 = tpu.vector_load %arg4[%get3A_180, %get3A_181] {strides = array<i32>} : memref<16x512xf32, #tpu.memory_space<vmem>>, vector<1x16xf32>,
        %get3A_183 = vector.shape_cast %get3A_182 : vector<1x16xf32> to vector<16xf32>
        %get3A_184 = arith.index_cast %scan3A_59 : i32 to index
        %get3A_185 = arith.constant 496 : index
        %get3A_186 = tpu.vector_load %arg4[%get3A_184, %get3A_185] {strides = array<i32>} : memref<16x512xf32, #tpu.memory_space<vmem>>, vector<1x16xf32>,
        %get3A_187 = vector.shape_cast %get3A_186 : vector<1x16xf32> to vector<16xf32>
        %add3A_188 = arith.constant 0 : i32
        %add3A_189 = vector.broadcast %add3A_188 : i32 to vector<16xi32>
        %add3A_190 = arith.addi %iota3A, %add3A_189 : vector<16xi32>
        %eq3A_191 = vector.broadcast %add3A_60 : i32 to vector<16xi32>
        %eq3A_192 = arith.cmpi eq, %add3A_190, %eq3A_191 : vector<16xi32>
        %jit3A_193 = arith.constant -3.000000e+38 : f32
        %broadcast_in_dim3A = vector.broadcast %jit3A_193 : f32 to vector<16xf32>
        %select_n3A_194 = arith.select %eq3A_192, %broadcast_in_dim3A, %get3A_63 : vector<16xi1>, vector<16xf32>
        %add3A_195 = arith.constant 16 : i32
        %add3A_196 = vector.broadcast %add3A_195 : i32 to vector<16xi32>
        %add3A_197 = arith.addi %iota3A, %add3A_196 : vector<16xi32>
        %eq3A_198 = vector.broadcast %add3A_60 : i32 to vector<16xi32>
        %eq3A_199 = arith.cmpi eq, %add3A_197, %eq3A_198 : vector<16xi32>
        %jit3A_200 = arith.constant -3.000000e+38 : f32
        %broadcast_in_dim3A_201 = vector.broadcast %jit3A_200 : f32 to vector<16xf32>
        %select_n3A_202 = arith.select %eq3A_199, %broadcast_in_dim3A_201, %get3A_67 : vector<16xi1>, vector<16xf32>
        %add3A_203 = arith.constant 32 : i32
        %add3A_204 = vector.broadcast %add3A_203 : i32 to vector<16xi32>
        %add3A_205 = arith.addi %iota3A, %add3A_204 : vector<16xi32>
        %eq3A_206 = vector.broadcast %add3A_60 : i32 to vector<16xi32>
        %eq3A_207 = arith.cmpi eq, %add3A_205, %eq3A_206 : vector<16xi32>
        %jit3A_208 = arith.constant -3.000000e+38 : f32
        %broadcast_in_dim3A_209 = vector.broadcast %jit3A_208 : f32 to vector<16xf32>
        %select_n3A_210 = arith.select %eq3A_207, %broadcast_in_dim3A_209, %get3A_71 : vector<16xi1>, vector<16xf32>
        %add3A_211 = arith.constant 48 : i32
        %add3A_212 = vector.broadcast %add3A_211 : i32 to vector<16xi32>
        %add3A_213 = arith.addi %iota3A, %add3A_212 : vector<16xi32>
        %eq3A_214 = vector.broadcast %add3A_60 : i32 to vector<16xi32>
        %eq3A_215 = arith.cmpi eq, %add3A_213, %eq3A_214 : vector<16xi32>
        %jit3A_216 = arith.constant -3.000000e+38 : f32
        %broadcast_in_dim3A_217 = vector.broadcast %jit3A_216 : f32 to vector<16xf32>
        %select_n3A_218 = arith.select %eq3A_215, %broadcast_in_dim3A_217, %get3A_75 : vector<16xi1>, vector<16xf32>
        %add3A_219 = arith.constant 64 : i32
        %add3A_220 = vector.broadcast %add3A_219 : i32 to vector<16xi32>
        %add3A_221 = arith.addi %iota3A, %add3A_220 : vector<16xi32>
        %eq3A_222 = vector.broadcast %add3A_60 : i32 to vector<16xi32>
        %eq3A_223 = arith.cmpi eq, %add3A_221, %eq3A_222 : vector<16xi32>
        %jit3A_224 = arith.constant -3.000000e+38 : f32
        %broadcast_in_dim3A_225 = vector.broadcast %jit3A_224 : f32 to vector<16xf32>
        %select_n3A_226 = arith.select %eq3A_223, %broadcast_in_dim3A_225, %get3A_79 : vector<16xi1>, vector<16xf32>
        %add3A_227 = arith.constant 80 : i32
        %add3A_228 = vector.broadcast %add3A_227 : i32 to vector<16xi32>
        %add3A_229 = arith.addi %iota3A, %add3A_228 : vector<16xi32>
        %eq3A_230 = vector.broadcast %add3A_60 : i32 to vector<16xi32>
        %eq3A_231 = arith.cmpi eq, %add3A_229, %eq3A_230 : vector<16xi32>
        %jit3A_232 = arith.constant -3.000000e+38 : f32
        %broadcast_in_dim3A_233 = vector.broadcast %jit3A_232 : f32 to vector<16xf32>
        %select_n3A_234 = arith.select %eq3A_231, %broadcast_in_dim3A_233, %get3A_83 : vector<16xi1>, vector<16xf32>
        %add3A_235 = arith.constant 96 : i32
        %add3A_236 = vector.broadcast %add3A_235 : i32 to vector<16xi32>
        %add3A_237 = arith.addi %iota3A, %add3A_236 : vector<16xi32>
        %eq3A_238 = vector.broadcast %add3A_60 : i32 to vector<16xi32>
        %eq3A_239 = arith.cmpi eq, %add3A_237, %eq3A_238 : vector<16xi32>
        %jit3A_240 = arith.constant -3.000000e+38 : f32
        %broadcast_in_dim3A_241 = vector.broadcast %jit3A_240 : f32 to vector<16xf32>
        %select_n3A_242 = arith.select %eq3A_239, %broadcast_in_dim3A_241, %get3A_87 : vector<16xi1>, vector<16xf32>
        %add3A_243 = arith.constant 112 : i32
        %add3A_244 = vector.broadcast %add3A_243 : i32 to vector<16xi32>
        %add3A_245 = arith.addi %iota3A, %add3A_244 : vector<16xi32>
        %eq3A_246 = vector.broadcast %add3A_60 : i32 to vector<16xi32>
        %eq3A_247 = arith.cmpi eq, %add3A_245, %eq3A_246 : vector<16xi32>
        %jit3A_248 = arith.constant -3.000000e+38 : f32
        %broadcast_in_dim3A_249 = vector.broadcast %jit3A_248 : f32 to vector<16xf32>
        %select_n3A_250 = arith.select %eq3A_247, %broadcast_in_dim3A_249, %get3A_91 : vector<16xi1>, vector<16xf32>
        %add3A_251 = arith.constant 128 : i32
        %add3A_252 = vector.broadcast %add3A_251 : i32 to vector<16xi32>
        %add3A_253 = arith.addi %iota3A, %add3A_252 : vector<16xi32>
        %eq3A_254 = vector.broadcast %add3A_60 : i32 to vector<16xi32>
        %eq3A_255 = arith.cmpi eq, %add3A_253, %eq3A_254 : vector<16xi32>
        %jit3A_256 = arith.constant -3.000000e+38 : f32
        %broadcast_in_dim3A_257 = vector.broadcast %jit3A_256 : f32 to vector<16xf32>
        %select_n3A_258 = arith.select %eq3A_255, %broadcast_in_dim3A_257, %get3A_95 : vector<16xi1>, vector<16xf32>
        %add3A_259 = arith.constant 144 : i32
        %add3A_260 = vector.broadcast %add3A_259 : i32 to vector<16xi32>
        %add3A_261 = arith.addi %iota3A, %add3A_260 : vector<16xi32>
        %eq3A_262 = vector.broadcast %add3A_60 : i32 to vector<16xi32>
        %eq3A_263 = arith.cmpi eq, %add3A_261, %eq3A_262 : vector<16xi32>
        %jit3A_264 = arith.constant -3.000000e+38 : f32
        %broadcast_in_dim3A_265 = vector.broadcast %jit3A_264 : f32 to vector<16xf32>
        %select_n3A_266 = arith.select %eq3A_263, %broadcast_in_dim3A_265, %get3A_99 : vector<16xi1>, vector<16xf32>
        %add3A_267 = arith.constant 160 : i32
        %add3A_268 = vector.broadcast %add3A_267 : i32 to vector<16xi32>
        %add3A_269 = arith.addi %iota3A, %add3A_268 : vector<16xi32>
        %eq3A_270 = vector.broadcast %add3A_60 : i32 to vector<16xi32>
        %eq3A_271 = arith.cmpi eq, %add3A_269, %eq3A_270 : vector<16xi32>
        %jit3A_272 = arith.constant -3.000000e+38 : f32
        %broadcast_in_dim3A_273 = vector.broadcast %jit3A_272 : f32 to vector<16xf32>
        %select_n3A_274 = arith.select %eq3A_271, %broadcast_in_dim3A_273, %get3A_103 : vector<16xi1>, vector<16xf32>
        %add3A_275 = arith.constant 176 : i32
        %add3A_276 = vector.broadcast %add3A_275 : i32 to vector<16xi32>
        %add3A_277 = arith.addi %iota3A, %add3A_276 : vector<16xi32>
        %eq3A_278 = vector.broadcast %add3A_60 : i32 to vector<16xi32>
        %eq3A_279 = arith.cmpi eq, %add3A_277, %eq3A_278 : vector<16xi32>
        %jit3A_280 = arith.constant -3.000000e+38 : f32
        %broadcast_in_dim3A_281 = vector.broadcast %jit3A_280 : f32 to vector<16xf32>
        %select_n3A_282 = arith.select %eq3A_279, %broadcast_in_dim3A_281, %get3A_107 : vector<16xi1>, vector<16xf32>
        %add3A_283 = arith.constant 192 : i32
        %add3A_284 = vector.broadcast %add3A_283 : i32 to vector<16xi32>
        %add3A_285 = arith.addi %iota3A, %add3A_284 : vector<16xi32>
        %eq3A_286 = vector.broadcast %add3A_60 : i32 to vector<16xi32>
        %eq3A_287 = arith.cmpi eq, %add3A_285, %eq3A_286 : vector<16xi32>
        %jit3A_288 = arith.constant -3.000000e+38 : f32
        %broadcast_in_dim3A_289 = vector.broadcast %jit3A_288 : f32 to vector<16xf32>
        %select_n3A_290 = arith.select %eq3A_287, %broadcast_in_dim3A_289, %get3A_111 : vector<16xi1>, vector<16xf32>
        %add3A_291 = arith.constant 208 : i32
        %add3A_292 = vector.broadcast %add3A_291 : i32 to vector<16xi32>
        %add3A_293 = arith.addi %iota3A, %add3A_292 : vector<16xi32>
        %eq3A_294 = vector.broadcast %add3A_60 : i32 to vector<16xi32>
        %eq3A_295 = arith.cmpi eq, %add3A_293, %eq3A_294 : vector<16xi32>
        %jit3A_296 = arith.constant -3.000000e+38 : f32
        %broadcast_in_dim3A_297 = vector.broadcast %jit3A_296 : f32 to vector<16xf32>
        %select_n3A_298 = arith.select %eq3A_295, %broadcast_in_dim3A_297, %get3A_115 : vector<16xi1>, vector<16xf32>
        %add3A_299 = arith.constant 224 : i32
        %add3A_300 = vector.broadcast %add3A_299 : i32 to vector<16xi32>
        %add3A_301 = arith.addi %iota3A, %add3A_300 : vector<16xi32>
        %eq3A_302 = vector.broadcast %add3A_60 : i32 to vector<16xi32>
        %eq3A_303 = arith.cmpi eq, %add3A_301, %eq3A_302 : vector<16xi32>
        %jit3A_304 = arith.constant -3.000000e+38 : f32
        %broadcast_in_dim3A_305 = vector.broadcast %jit3A_304 : f32 to vector<16xf32>
        %select_n3A_306 = arith.select %eq3A_303, %broadcast_in_dim3A_305, %get3A_119 : vector<16xi1>, vector<16xf32>
        %add3A_307 = arith.constant 240 : i32
        %add3A_308 = vector.broadcast %add3A_307 : i32 to vector<16xi32>
        %add3A_309 = arith.addi %iota3A, %add3A_308 : vector<16xi32>
        %eq3A_310 = vector.broadcast %add3A_60 : i32 to vector<16xi32>
        %eq3A_311 = arith.cmpi eq, %add3A_309, %eq3A_310 : vector<16xi32>
        %jit3A_312 = arith.constant -3.000000e+38 : f32
        %broadcast_in_dim3A_313 = vector.broadcast %jit3A_312 : f32 to vector<16xf32>
        %select_n3A_314 = arith.select %eq3A_311, %broadcast_in_dim3A_313, %get3A_123 : vector<16xi1>, vector<16xf32>
        %add3A_315 = arith.constant 256 : i32
        %add3A_316 = vector.broadcast %add3A_315 : i32 to vector<16xi32>
        %add3A_317 = arith.addi %iota3A, %add3A_316 : vector<16xi32>
        %eq3A_318 = vector.broadcast %add3A_60 : i32 to vector<16xi32>
        %eq3A_319 = arith.cmpi eq, %add3A_317, %eq3A_318 : vector<16xi32>
        %jit3A_320 = arith.constant -3.000000e+38 : f32
        %broadcast_in_dim3A_321 = vector.broadcast %jit3A_320 : f32 to vector<16xf32>
        %select_n3A_322 = arith.select %eq3A_319, %broadcast_in_dim3A_321, %get3A_127 : vector<16xi1>, vector<16xf32>
        %add3A_323 = arith.constant 272 : i32
        %add3A_324 = vector.broadcast %add3A_323 : i32 to vector<16xi32>
        %add3A_325 = arith.addi %iota3A, %add3A_324 : vector<16xi32>
        %eq3A_326 = vector.broadcast %add3A_60 : i32 to vector<16xi32>
        %eq3A_327 = arith.cmpi eq, %add3A_325, %eq3A_326 : vector<16xi32>
        %jit3A_328 = arith.constant -3.000000e+38 : f32
        %broadcast_in_dim3A_329 = vector.broadcast %jit3A_328 : f32 to vector<16xf32>
        %select_n3A_330 = arith.select %eq3A_327, %broadcast_in_dim3A_329, %get3A_131 : vector<16xi1>, vector<16xf32>
        %add3A_331 = arith.constant 288 : i32
        %add3A_332 = vector.broadcast %add3A_331 : i32 to vector<16xi32>
        %add3A_333 = arith.addi %iota3A, %add3A_332 : vector<16xi32>
        %eq3A_334 = vector.broadcast %add3A_60 : i32 to vector<16xi32>
        %eq3A_335 = arith.cmpi eq, %add3A_333, %eq3A_334 : vector<16xi32>
        %jit3A_336 = arith.constant -3.000000e+38 : f32
        %broadcast_in_dim3A_337 = vector.broadcast %jit3A_336 : f32 to vector<16xf32>
        %select_n3A_338 = arith.select %eq3A_335, %broadcast_in_dim3A_337, %get3A_135 : vector<16xi1>, vector<16xf32>
        %add3A_339 = arith.constant 304 : i32
        %add3A_340 = vector.broadcast %add3A_339 : i32 to vector<16xi32>
        %add3A_341 = arith.addi %iota3A, %add3A_340 : vector<16xi32>
        %eq3A_342 = vector.broadcast %add3A_60 : i32 to vector<16xi32>
        %eq3A_343 = arith.cmpi eq, %add3A_341, %eq3A_342 : vector<16xi32>
        %jit3A_344 = arith.constant -3.000000e+38 : f32
        %broadcast_in_dim3A_345 = vector.broadcast %jit3A_344 : f32 to vector<16xf32>
        %select_n3A_346 = arith.select %eq3A_343, %broadcast_in_dim3A_345, %get3A_139 : vector<16xi1>, vector<16xf32>
        %add3A_347 = arith.constant 320 : i32
        %add3A_348 = vector.broadcast %add3A_347 : i32 to vector<16xi32>
        %add3A_349 = arith.addi %iota3A, %add3A_348 : vector<16xi32>
        %eq3A_350 = vector.broadcast %add3A_60 : i32 to vector<16xi32>
        %eq3A_351 = arith.cmpi eq, %add3A_349, %eq3A_350 : vector<16xi32>
        %jit3A_352 = arith.constant -3.000000e+38 : f32
        %broadcast_in_dim3A_353 = vector.broadcast %jit3A_352 : f32 to vector<16xf32>
        %select_n3A_354 = arith.select %eq3A_351, %broadcast_in_dim3A_353, %get3A_143 : vector<16xi1>, vector<16xf32>
        %add3A_355 = arith.constant 336 : i32
        %add3A_356 = vector.broadcast %add3A_355 : i32 to vector<16xi32>
        %add3A_357 = arith.addi %iota3A, %add3A_356 : vector<16xi32>
        %eq3A_358 = vector.broadcast %add3A_60 : i32 to vector<16xi32>
        %eq3A_359 = arith.cmpi eq, %add3A_357, %eq3A_358 : vector<16xi32>
        %jit3A_360 = arith.constant -3.000000e+38 : f32
        %broadcast_in_dim3A_361 = vector.broadcast %jit3A_360 : f32 to vector<16xf32>
        %select_n3A_362 = arith.select %eq3A_359, %broadcast_in_dim3A_361, %get3A_147 : vector<16xi1>, vector<16xf32>
        %add3A_363 = arith.constant 352 : i32
        %add3A_364 = vector.broadcast %add3A_363 : i32 to vector<16xi32>
        %add3A_365 = arith.addi %iota3A, %add3A_364 : vector<16xi32>
        %eq3A_366 = vector.broadcast %add3A_60 : i32 to vector<16xi32>
        %eq3A_367 = arith.cmpi eq, %add3A_365, %eq3A_366 : vector<16xi32>
        %jit3A_368 = arith.constant -3.000000e+38 : f32
        %broadcast_in_dim3A_369 = vector.broadcast %jit3A_368 : f32 to vector<16xf32>
        %select_n3A_370 = arith.select %eq3A_367, %broadcast_in_dim3A_369, %get3A_151 : vector<16xi1>, vector<16xf32>
        %add3A_371 = arith.constant 368 : i32
        %add3A_372 = vector.broadcast %add3A_371 : i32 to vector<16xi32>
        %add3A_373 = arith.addi %iota3A, %add3A_372 : vector<16xi32>
        %eq3A_374 = vector.broadcast %add3A_60 : i32 to vector<16xi32>
        %eq3A_375 = arith.cmpi eq, %add3A_373, %eq3A_374 : vector<16xi32>
        %jit3A_376 = arith.constant -3.000000e+38 : f32
        %broadcast_in_dim3A_377 = vector.broadcast %jit3A_376 : f32 to vector<16xf32>
        %select_n3A_378 = arith.select %eq3A_375, %broadcast_in_dim3A_377, %get3A_155 : vector<16xi1>, vector<16xf32>
        %add3A_379 = arith.constant 384 : i32
        %add3A_380 = vector.broadcast %add3A_379 : i32 to vector<16xi32>
        %add3A_381 = arith.addi %iota3A, %add3A_380 : vector<16xi32>
        %eq3A_382 = vector.broadcast %add3A_60 : i32 to vector<16xi32>
        %eq3A_383 = arith.cmpi eq, %add3A_381, %eq3A_382 : vector<16xi32>
        %jit3A_384 = arith.constant -3.000000e+38 : f32
        %broadcast_in_dim3A_385 = vector.broadcast %jit3A_384 : f32 to vector<16xf32>
        %select_n3A_386 = arith.select %eq3A_383, %broadcast_in_dim3A_385, %get3A_159 : vector<16xi1>, vector<16xf32>
        %add3A_387 = arith.constant 400 : i32
        %add3A_388 = vector.broadcast %add3A_387 : i32 to vector<16xi32>
        %add3A_389 = arith.addi %iota3A, %add3A_388 : vector<16xi32>
        %eq3A_390 = vector.broadcast %add3A_60 : i32 to vector<16xi32>
        %eq3A_391 = arith.cmpi eq, %add3A_389, %eq3A_390 : vector<16xi32>
        %jit3A_392 = arith.constant -3.000000e+38 : f32
        %broadcast_in_dim3A_393 = vector.broadcast %jit3A_392 : f32 to vector<16xf32>
        %select_n3A_394 = arith.select %eq3A_391, %broadcast_in_dim3A_393, %get3A_163 : vector<16xi1>, vector<16xf32>
        %add3A_395 = arith.constant 416 : i32
        %add3A_396 = vector.broadcast %add3A_395 : i32 to vector<16xi32>
        %add3A_397 = arith.addi %iota3A, %add3A_396 : vector<16xi32>
        %eq3A_398 = vector.broadcast %add3A_60 : i32 to vector<16xi32>
        %eq3A_399 = arith.cmpi eq, %add3A_397, %eq3A_398 : vector<16xi32>
        %jit3A_400 = arith.constant -3.000000e+38 : f32
        %broadcast_in_dim3A_401 = vector.broadcast %jit3A_400 : f32 to vector<16xf32>
        %select_n3A_402 = arith.select %eq3A_399, %broadcast_in_dim3A_401, %get3A_167 : vector<16xi1>, vector<16xf32>
        %add3A_403 = arith.constant 432 : i32
        %add3A_404 = vector.broadcast %add3A_403 : i32 to vector<16xi32>
        %add3A_405 = arith.addi %iota3A, %add3A_404 : vector<16xi32>
        %eq3A_406 = vector.broadcast %add3A_60 : i32 to vector<16xi32>
        %eq3A_407 = arith.cmpi eq, %add3A_405, %eq3A_406 : vector<16xi32>
        %jit3A_408 = arith.constant -3.000000e+38 : f32
        %broadcast_in_dim3A_409 = vector.broadcast %jit3A_408 : f32 to vector<16xf32>
        %select_n3A_410 = arith.select %eq3A_407, %broadcast_in_dim3A_409, %get3A_171 : vector<16xi1>, vector<16xf32>
        %add3A_411 = arith.constant 448 : i32
        %add3A_412 = vector.broadcast %add3A_411 : i32 to vector<16xi32>
        %add3A_413 = arith.addi %iota3A, %add3A_412 : vector<16xi32>
        %eq3A_414 = vector.broadcast %add3A_60 : i32 to vector<16xi32>
        %eq3A_415 = arith.cmpi eq, %add3A_413, %eq3A_414 : vector<16xi32>
        %jit3A_416 = arith.constant -3.000000e+38 : f32
        %broadcast_in_dim3A_417 = vector.broadcast %jit3A_416 : f32 to vector<16xf32>
        %select_n3A_418 = arith.select %eq3A_415, %broadcast_in_dim3A_417, %get3A_175 : vector<16xi1>, vector<16xf32>
        %add3A_419 = arith.constant 464 : i32
        %add3A_420 = vector.broadcast %add3A_419 : i32 to vector<16xi32>
        %add3A_421 = arith.addi %iota3A, %add3A_420 : vector<16xi32>
        %eq3A_422 = vector.broadcast %add3A_60 : i32 to vector<16xi32>
        %eq3A_423 = arith.cmpi eq, %add3A_421, %eq3A_422 : vector<16xi32>
        %jit3A_424 = arith.constant -3.000000e+38 : f32
        %broadcast_in_dim3A_425 = vector.broadcast %jit3A_424 : f32 to vector<16xf32>
        %select_n3A_426 = arith.select %eq3A_423, %broadcast_in_dim3A_425, %get3A_179 : vector<16xi1>, vector<16xf32>
        %add3A_427 = arith.constant 480 : i32
        %add3A_428 = vector.broadcast %add3A_427 : i32 to vector<16xi32>
        %add3A_429 = arith.addi %iota3A, %add3A_428 : vector<16xi32>
        %eq3A_430 = vector.broadcast %add3A_60 : i32 to vector<16xi32>
        %eq3A_431 = arith.cmpi eq, %add3A_429, %eq3A_430 : vector<16xi32>
        %jit3A_432 = arith.constant -3.000000e+38 : f32
        %broadcast_in_dim3A_433 = vector.broadcast %jit3A_432 : f32 to vector<16xf32>
        %select_n3A_434 = arith.select %eq3A_431, %broadcast_in_dim3A_433, %get3A_183 : vector<16xi1>, vector<16xf32>
        %add3A_435 = arith.constant 496 : i32
        %add3A_436 = vector.broadcast %add3A_435 : i32 to vector<16xi32>
        %add3A_437 = arith.addi %iota3A, %add3A_436 : vector<16xi32>
        %eq3A_438 = vector.broadcast %add3A_60 : i32 to vector<16xi32>
        %eq3A_439 = arith.cmpi eq, %add3A_437, %eq3A_438 : vector<16xi32>
        %jit3A_440 = arith.constant -3.000000e+38 : f32
        %broadcast_in_dim3A_441 = vector.broadcast %jit3A_440 : f32 to vector<16xf32>
        %select_n3A_442 = arith.select %eq3A_439, %broadcast_in_dim3A_441, %get3A_187 : vector<16xi1>, vector<16xf32>
        %max3A = arith.maximumf %select_n3A_194, %select_n3A_202 : vector<16xf32>
        %max3A_443 = arith.maximumf %max3A, %select_n3A_210 : vector<16xf32>
        %max3A_444 = arith.maximumf %max3A_443, %select_n3A_218 : vector<16xf32>
        %max3A_445 = arith.maximumf %max3A_444, %select_n3A_226 : vector<16xf32>
        %max3A_446 = arith.maximumf %max3A_445, %select_n3A_234 : vector<16xf32>
        %max3A_447 = arith.maximumf %max3A_446, %select_n3A_242 : vector<16xf32>
        %max3A_448 = arith.maximumf %max3A_447, %select_n3A_250 : vector<16xf32>
        %max3A_449 = arith.maximumf %max3A_448, %select_n3A_258 : vector<16xf32>
        %max3A_450 = arith.maximumf %max3A_449, %select_n3A_266 : vector<16xf32>
        %max3A_451 = arith.maximumf %max3A_450, %select_n3A_274 : vector<16xf32>
        %max3A_452 = arith.maximumf %max3A_451, %select_n3A_282 : vector<16xf32>
        %max3A_453 = arith.maximumf %max3A_452, %select_n3A_290 : vector<16xf32>
        %max3A_454 = arith.maximumf %max3A_453, %select_n3A_298 : vector<16xf32>
        %max3A_455 = arith.maximumf %max3A_454, %select_n3A_306 : vector<16xf32>
        %max3A_456 = arith.maximumf %max3A_455, %select_n3A_314 : vector<16xf32>
        %max3A_457 = arith.maximumf %max3A_456, %select_n3A_322 : vector<16xf32>
        %max3A_458 = arith.maximumf %max3A_457, %select_n3A_330 : vector<16xf32>
        %max3A_459 = arith.maximumf %max3A_458, %select_n3A_338 : vector<16xf32>
        %max3A_460 = arith.maximumf %max3A_459, %select_n3A_346 : vector<16xf32>
        %max3A_461 = arith.maximumf %max3A_460, %select_n3A_354 : vector<16xf32>
        %max3A_462 = arith.maximumf %max3A_461, %select_n3A_362 : vector<16xf32>
        %max3A_463 = arith.maximumf %max3A_462, %select_n3A_370 : vector<16xf32>
        %max3A_464 = arith.maximumf %max3A_463, %select_n3A_378 : vector<16xf32>
        %max3A_465 = arith.maximumf %max3A_464, %select_n3A_386 : vector<16xf32>
        %max3A_466 = arith.maximumf %max3A_465, %select_n3A_394 : vector<16xf32>
        %max3A_467 = arith.maximumf %max3A_466, %select_n3A_402 : vector<16xf32>
        %max3A_468 = arith.maximumf %max3A_467, %select_n3A_410 : vector<16xf32>
        %max3A_469 = arith.maximumf %max3A_468, %select_n3A_418 : vector<16xf32>
        %max3A_470 = arith.maximumf %max3A_469, %select_n3A_426 : vector<16xf32>
        %max3A_471 = arith.maximumf %max3A_470, %select_n3A_434 : vector<16xf32>
        %max3A_472 = arith.maximumf %max3A_471, %select_n3A_442 : vector<16xf32>
        %lt3A_473 = arith.constant 0 : i32
        %lt3A_474 = vector.broadcast %lt3A_473 : i32 to vector<16xi32>
        %lt3A_475 = arith.cmpi slt, %xor3A_34, %lt3A_474 : vector<16xi32>
        %add3A_476 = arith.constant 16 : i32
        %add3A_477 = vector.broadcast %add3A_476 : i32 to vector<16xi32>
        %add3A_478 = arith.addi %xor3A_34, %add3A_477 : vector<16xi32>
        %select_n3A_479 = arith.select %lt3A_475, %add3A_478, %xor3A_34 : vector<16xi1>, vector<16xi32>
        %broadcast_in_dim3A_480 = vector.shape_cast %select_n3A_479 : vector<16xi32> to vector<16x1xi32>
        %gather3A = vector.shape_cast %broadcast_in_dim3A_480 : vector<16x1xi32> to vector<16xi32>
        %gather3A_481 = tpu.dynamic_gather %max3A_472[%gather3A] in [0] : vector<16xf32>, vector<16xi32> -> vector<16xf32>
        %max3A_482 = arith.maximumf %max3A_472, %gather3A_481 : vector<16xf32>
        %lt3A_483 = arith.constant 0 : i32
        %lt3A_484 = vector.broadcast %lt3A_483 : i32 to vector<16xi32>
        %lt3A_485 = arith.cmpi slt, %xor3A_37, %lt3A_484 : vector<16xi32>
        %add3A_486 = arith.constant 16 : i32
        %add3A_487 = vector.broadcast %add3A_486 : i32 to vector<16xi32>
        %add3A_488 = arith.addi %xor3A_37, %add3A_487 : vector<16xi32>
        %select_n3A_489 = arith.select %lt3A_485, %add3A_488, %xor3A_37 : vector<16xi1>, vector<16xi32>
        %broadcast_in_dim3A_490 = vector.shape_cast %select_n3A_489 : vector<16xi32> to vector<16x1xi32>
        %gather3A_491 = vector.shape_cast %broadcast_in_dim3A_490 : vector<16x1xi32> to vector<16xi32>
        %gather3A_492 = tpu.dynamic_gather %max3A_482[%gather3A_491] in [0] : vector<16xf32>, vector<16xi32> -> vector<16xf32>
        %max3A_493 = arith.maximumf %max3A_482, %gather3A_492 : vector<16xf32>
        %lt3A_494 = arith.constant 0 : i32
        %lt3A_495 = vector.broadcast %lt3A_494 : i32 to vector<16xi32>
        %lt3A_496 = arith.cmpi slt, %xor3A_40, %lt3A_495 : vector<16xi32>
        %add3A_497 = arith.constant 16 : i32
        %add3A_498 = vector.broadcast %add3A_497 : i32 to vector<16xi32>
        %add3A_499 = arith.addi %xor3A_40, %add3A_498 : vector<16xi32>
        %select_n3A_500 = arith.select %lt3A_496, %add3A_499, %xor3A_40 : vector<16xi1>, vector<16xi32>
        %broadcast_in_dim3A_501 = vector.shape_cast %select_n3A_500 : vector<16xi32> to vector<16x1xi32>
        %gather3A_502 = vector.shape_cast %broadcast_in_dim3A_501 : vector<16x1xi32> to vector<16xi32>
        %gather3A_503 = tpu.dynamic_gather %max3A_493[%gather3A_502] in [0] : vector<16xf32>, vector<16xi32> -> vector<16xf32>
        %max3A_504 = arith.maximumf %max3A_493, %gather3A_503 : vector<16xf32>
        %lt3A_505 = arith.constant 0 : i32
        %lt3A_506 = vector.broadcast %lt3A_505 : i32 to vector<16xi32>
        %lt3A_507 = arith.cmpi slt, %xor3A_43, %lt3A_506 : vector<16xi32>
        %add3A_508 = arith.constant 16 : i32
        %add3A_509 = vector.broadcast %add3A_508 : i32 to vector<16xi32>
        %add3A_510 = arith.addi %xor3A_43, %add3A_509 : vector<16xi32>
        %select_n3A_511 = arith.select %lt3A_507, %add3A_510, %xor3A_43 : vector<16xi1>, vector<16xi32>
        %broadcast_in_dim3A_512 = vector.shape_cast %select_n3A_511 : vector<16xi32> to vector<16x1xi32>
        %gather3A_513 = vector.shape_cast %broadcast_in_dim3A_512 : vector<16x1xi32> to vector<16xi32>
        %gather3A_514 = tpu.dynamic_gather %max3A_504[%gather3A_513] in [0] : vector<16xf32>, vector<16xi32> -> vector<16xf32>
        %max3A_515 = arith.maximumf %max3A_504, %gather3A_514 : vector<16xf32>
        %eq3A_516 = arith.cmpf oeq, %select_n3A_194, %max3A_515 : vector<16xf32>
        %jit3A_517 = arith.constant -3.000000e+38 : f32
        %broadcast_in_dim3A_518 = vector.broadcast %jit3A_517 : f32 to vector<16xf32>
        %select_n3A_519 = arith.select %eq3A_516, %broadcast_in_dim3A_518, %select_n3A_194 : vector<16xi1>, vector<16xf32>
        %eq3A_520 = arith.cmpf oeq, %select_n3A_202, %max3A_515 : vector<16xf32>
        %jit3A_521 = arith.constant -3.000000e+38 : f32
        %broadcast_in_dim3A_522 = vector.broadcast %jit3A_521 : f32 to vector<16xf32>
        %select_n3A_523 = arith.select %eq3A_520, %broadcast_in_dim3A_522, %select_n3A_202 : vector<16xi1>, vector<16xf32>
        %eq3A_524 = arith.cmpf oeq, %select_n3A_210, %max3A_515 : vector<16xf32>
        %jit3A_525 = arith.constant -3.000000e+38 : f32
        %broadcast_in_dim3A_526 = vector.broadcast %jit3A_525 : f32 to vector<16xf32>
        %select_n3A_527 = arith.select %eq3A_524, %broadcast_in_dim3A_526, %select_n3A_210 : vector<16xi1>, vector<16xf32>
        %eq3A_528 = arith.cmpf oeq, %select_n3A_218, %max3A_515 : vector<16xf32>
        %jit3A_529 = arith.constant -3.000000e+38 : f32
        %broadcast_in_dim3A_530 = vector.broadcast %jit3A_529 : f32 to vector<16xf32>
        %select_n3A_531 = arith.select %eq3A_528, %broadcast_in_dim3A_530, %select_n3A_218 : vector<16xi1>, vector<16xf32>
        %eq3A_532 = arith.cmpf oeq, %select_n3A_226, %max3A_515 : vector<16xf32>
        %jit3A_533 = arith.constant -3.000000e+38 : f32
        %broadcast_in_dim3A_534 = vector.broadcast %jit3A_533 : f32 to vector<16xf32>
        %select_n3A_535 = arith.select %eq3A_532, %broadcast_in_dim3A_534, %select_n3A_226 : vector<16xi1>, vector<16xf32>
        %eq3A_536 = arith.cmpf oeq, %select_n3A_234, %max3A_515 : vector<16xf32>
        %jit3A_537 = arith.constant -3.000000e+38 : f32
        %broadcast_in_dim3A_538 = vector.broadcast %jit3A_537 : f32 to vector<16xf32>
        %select_n3A_539 = arith.select %eq3A_536, %broadcast_in_dim3A_538, %select_n3A_234 : vector<16xi1>, vector<16xf32>
        %eq3A_540 = arith.cmpf oeq, %select_n3A_242, %max3A_515 : vector<16xf32>
        %jit3A_541 = arith.constant -3.000000e+38 : f32
        %broadcast_in_dim3A_542 = vector.broadcast %jit3A_541 : f32 to vector<16xf32>
        %select_n3A_543 = arith.select %eq3A_540, %broadcast_in_dim3A_542, %select_n3A_242 : vector<16xi1>, vector<16xf32>
        %eq3A_544 = arith.cmpf oeq, %select_n3A_250, %max3A_515 : vector<16xf32>
        %jit3A_545 = arith.constant -3.000000e+38 : f32
        %broadcast_in_dim3A_546 = vector.broadcast %jit3A_545 : f32 to vector<16xf32>
        %select_n3A_547 = arith.select %eq3A_544, %broadcast_in_dim3A_546, %select_n3A_250 : vector<16xi1>, vector<16xf32>
        %eq3A_548 = arith.cmpf oeq, %select_n3A_258, %max3A_515 : vector<16xf32>
        %jit3A_549 = arith.constant -3.000000e+38 : f32
        %broadcast_in_dim3A_550 = vector.broadcast %jit3A_549 : f32 to vector<16xf32>
        %select_n3A_551 = arith.select %eq3A_548, %broadcast_in_dim3A_550, %select_n3A_258 : vector<16xi1>, vector<16xf32>
        %eq3A_552 = arith.cmpf oeq, %select_n3A_266, %max3A_515 : vector<16xf32>
        %jit3A_553 = arith.constant -3.000000e+38 : f32
        %broadcast_in_dim3A_554 = vector.broadcast %jit3A_553 : f32 to vector<16xf32>
        %select_n3A_555 = arith.select %eq3A_552, %broadcast_in_dim3A_554, %select_n3A_266 : vector<16xi1>, vector<16xf32>
        %eq3A_556 = arith.cmpf oeq, %select_n3A_274, %max3A_515 : vector<16xf32>
        %jit3A_557 = arith.constant -3.000000e+38 : f32
        %broadcast_in_dim3A_558 = vector.broadcast %jit3A_557 : f32 to vector<16xf32>
        %select_n3A_559 = arith.select %eq3A_556, %broadcast_in_dim3A_558, %select_n3A_274 : vector<16xi1>, vector<16xf32>
        %eq3A_560 = arith.cmpf oeq, %select_n3A_282, %max3A_515 : vector<16xf32>
        %jit3A_561 = arith.constant -3.000000e+38 : f32
        %broadcast_in_dim3A_562 = vector.broadcast %jit3A_561 : f32 to vector<16xf32>
        %select_n3A_563 = arith.select %eq3A_560, %broadcast_in_dim3A_562, %select_n3A_282 : vector<16xi1>, vector<16xf32>
        %eq3A_564 = arith.cmpf oeq, %select_n3A_290, %max3A_515 : vector<16xf32>
        %jit3A_565 = arith.constant -3.000000e+38 : f32
        %broadcast_in_dim3A_566 = vector.broadcast %jit3A_565 : f32 to vector<16xf32>
        %select_n3A_567 = arith.select %eq3A_564, %broadcast_in_dim3A_566, %select_n3A_290 : vector<16xi1>, vector<16xf32>
        %eq3A_568 = arith.cmpf oeq, %select_n3A_298, %max3A_515 : vector<16xf32>
        %jit3A_569 = arith.constant -3.000000e+38 : f32
        %broadcast_in_dim3A_570 = vector.broadcast %jit3A_569 : f32 to vector<16xf32>
        %select_n3A_571 = arith.select %eq3A_568, %broadcast_in_dim3A_570, %select_n3A_298 : vector<16xi1>, vector<16xf32>
        %eq3A_572 = arith.cmpf oeq, %select_n3A_306, %max3A_515 : vector<16xf32>
        %jit3A_573 = arith.constant -3.000000e+38 : f32
        %broadcast_in_dim3A_574 = vector.broadcast %jit3A_573 : f32 to vector<16xf32>
        %select_n3A_575 = arith.select %eq3A_572, %broadcast_in_dim3A_574, %select_n3A_306 : vector<16xi1>, vector<16xf32>
        %eq3A_576 = arith.cmpf oeq, %select_n3A_314, %max3A_515 : vector<16xf32>
        %jit3A_577 = arith.constant -3.000000e+38 : f32
        %broadcast_in_dim3A_578 = vector.broadcast %jit3A_577 : f32 to vector<16xf32>
        %select_n3A_579 = arith.select %eq3A_576, %broadcast_in_dim3A_578, %select_n3A_314 : vector<16xi1>, vector<16xf32>
        %eq3A_580 = arith.cmpf oeq, %select_n3A_322, %max3A_515 : vector<16xf32>
        %jit3A_581 = arith.constant -3.000000e+38 : f32
        %broadcast_in_dim3A_582 = vector.broadcast %jit3A_581 : f32 to vector<16xf32>
        %select_n3A_583 = arith.select %eq3A_580, %broadcast_in_dim3A_582, %select_n3A_322 : vector<16xi1>, vector<16xf32>
        %eq3A_584 = arith.cmpf oeq, %select_n3A_330, %max3A_515 : vector<16xf32>
        %jit3A_585 = arith.constant -3.000000e+38 : f32
        %broadcast_in_dim3A_586 = vector.broadcast %jit3A_585 : f32 to vector<16xf32>
        %select_n3A_587 = arith.select %eq3A_584, %broadcast_in_dim3A_586, %select_n3A_330 : vector<16xi1>, vector<16xf32>
        %eq3A_588 = arith.cmpf oeq, %select_n3A_338, %max3A_515 : vector<16xf32>
        %jit3A_589 = arith.constant -3.000000e+38 : f32
        %broadcast_in_dim3A_590 = vector.broadcast %jit3A_589 : f32 to vector<16xf32>
        %select_n3A_591 = arith.select %eq3A_588, %broadcast_in_dim3A_590, %select_n3A_338 : vector<16xi1>, vector<16xf32>
        %eq3A_592 = arith.cmpf oeq, %select_n3A_346, %max3A_515 : vector<16xf32>
        %jit3A_593 = arith.constant -3.000000e+38 : f32
        %broadcast_in_dim3A_594 = vector.broadcast %jit3A_593 : f32 to vector<16xf32>
        %select_n3A_595 = arith.select %eq3A_592, %broadcast_in_dim3A_594, %select_n3A_346 : vector<16xi1>, vector<16xf32>
        %eq3A_596 = arith.cmpf oeq, %select_n3A_354, %max3A_515 : vector<16xf32>
        %jit3A_597 = arith.constant -3.000000e+38 : f32
        %broadcast_in_dim3A_598 = vector.broadcast %jit3A_597 : f32 to vector<16xf32>
        %select_n3A_599 = arith.select %eq3A_596, %broadcast_in_dim3A_598, %select_n3A_354 : vector<16xi1>, vector<16xf32>
        %eq3A_600 = arith.cmpf oeq, %select_n3A_362, %max3A_515 : vector<16xf32>
        %jit3A_601 = arith.constant -3.000000e+38 : f32
        %broadcast_in_dim3A_602 = vector.broadcast %jit3A_601 : f32 to vector<16xf32>
        %select_n3A_603 = arith.select %eq3A_600, %broadcast_in_dim3A_602, %select_n3A_362 : vector<16xi1>, vector<16xf32>
        %eq3A_604 = arith.cmpf oeq, %select_n3A_370, %max3A_515 : vector<16xf32>
        %jit3A_605 = arith.constant -3.000000e+38 : f32
        %broadcast_in_dim3A_606 = vector.broadcast %jit3A_605 : f32 to vector<16xf32>
        %select_n3A_607 = arith.select %eq3A_604, %broadcast_in_dim3A_606, %select_n3A_370 : vector<16xi1>, vector<16xf32>
        %eq3A_608 = arith.cmpf oeq, %select_n3A_378, %max3A_515 : vector<16xf32>
        %jit3A_609 = arith.constant -3.000000e+38 : f32
        %broadcast_in_dim3A_610 = vector.broadcast %jit3A_609 : f32 to vector<16xf32>
        %select_n3A_611 = arith.select %eq3A_608, %broadcast_in_dim3A_610, %select_n3A_378 : vector<16xi1>, vector<16xf32>
        %eq3A_612 = arith.cmpf oeq, %select_n3A_386, %max3A_515 : vector<16xf32>
        %jit3A_613 = arith.constant -3.000000e+38 : f32
        %broadcast_in_dim3A_614 = vector.broadcast %jit3A_613 : f32 to vector<16xf32>
        %select_n3A_615 = arith.select %eq3A_612, %broadcast_in_dim3A_614, %select_n3A_386 : vector<16xi1>, vector<16xf32>
        %eq3A_616 = arith.cmpf oeq, %select_n3A_394, %max3A_515 : vector<16xf32>
        %jit3A_617 = arith.constant -3.000000e+38 : f32
        %broadcast_in_dim3A_618 = vector.broadcast %jit3A_617 : f32 to vector<16xf32>
        %select_n3A_619 = arith.select %eq3A_616, %broadcast_in_dim3A_618, %select_n3A_394 : vector<16xi1>, vector<16xf32>
        %eq3A_620 = arith.cmpf oeq, %select_n3A_402, %max3A_515 : vector<16xf32>
        %jit3A_621 = arith.constant -3.000000e+38 : f32
        %broadcast_in_dim3A_622 = vector.broadcast %jit3A_621 : f32 to vector<16xf32>
        %select_n3A_623 = arith.select %eq3A_620, %broadcast_in_dim3A_622, %select_n3A_402 : vector<16xi1>, vector<16xf32>
        %eq3A_624 = arith.cmpf oeq, %select_n3A_410, %max3A_515 : vector<16xf32>
        %jit3A_625 = arith.constant -3.000000e+38 : f32
        %broadcast_in_dim3A_626 = vector.broadcast %jit3A_625 : f32 to vector<16xf32>
        %select_n3A_627 = arith.select %eq3A_624, %broadcast_in_dim3A_626, %select_n3A_410 : vector<16xi1>, vector<16xf32>
        %eq3A_628 = arith.cmpf oeq, %select_n3A_418, %max3A_515 : vector<16xf32>
        %jit3A_629 = arith.constant -3.000000e+38 : f32
        %broadcast_in_dim3A_630 = vector.broadcast %jit3A_629 : f32 to vector<16xf32>
        %select_n3A_631 = arith.select %eq3A_628, %broadcast_in_dim3A_630, %select_n3A_418 : vector<16xi1>, vector<16xf32>
        %eq3A_632 = arith.cmpf oeq, %select_n3A_426, %max3A_515 : vector<16xf32>
        %jit3A_633 = arith.constant -3.000000e+38 : f32
        %broadcast_in_dim3A_634 = vector.broadcast %jit3A_633 : f32 to vector<16xf32>
        %select_n3A_635 = arith.select %eq3A_632, %broadcast_in_dim3A_634, %select_n3A_426 : vector<16xi1>, vector<16xf32>
        %eq3A_636 = arith.cmpf oeq, %select_n3A_434, %max3A_515 : vector<16xf32>
        %jit3A_637 = arith.constant -3.000000e+38 : f32
        %broadcast_in_dim3A_638 = vector.broadcast %jit3A_637 : f32 to vector<16xf32>
        %select_n3A_639 = arith.select %eq3A_636, %broadcast_in_dim3A_638, %select_n3A_434 : vector<16xi1>, vector<16xf32>
        %eq3A_640 = arith.cmpf oeq, %select_n3A_442, %max3A_515 : vector<16xf32>
        %jit3A_641 = arith.constant -3.000000e+38 : f32
        %broadcast_in_dim3A_642 = vector.broadcast %jit3A_641 : f32 to vector<16xf32>
        %select_n3A_643 = arith.select %eq3A_640, %broadcast_in_dim3A_642, %select_n3A_442 : vector<16xi1>, vector<16xf32>
        %max3A_644 = arith.maximumf %select_n3A_519, %select_n3A_523 : vector<16xf32>
        %max3A_645 = arith.maximumf %max3A_644, %select_n3A_527 : vector<16xf32>
        %max3A_646 = arith.maximumf %max3A_645, %select_n3A_531 : vector<16xf32>
        %max3A_647 = arith.maximumf %max3A_646, %select_n3A_535 : vector<16xf32>
        %max3A_648 = arith.maximumf %max3A_647, %select_n3A_539 : vector<16xf32>
        %max3A_649 = arith.maximumf %max3A_648, %select_n3A_543 : vector<16xf32>
        %max3A_650 = arith.maximumf %max3A_649, %select_n3A_547 : vector<16xf32>
        %max3A_651 = arith.maximumf %max3A_650, %select_n3A_551 : vector<16xf32>
        %max3A_652 = arith.maximumf %max3A_651, %select_n3A_555 : vector<16xf32>
        %max3A_653 = arith.maximumf %max3A_652, %select_n3A_559 : vector<16xf32>
        %max3A_654 = arith.maximumf %max3A_653, %select_n3A_563 : vector<16xf32>
        %max3A_655 = arith.maximumf %max3A_654, %select_n3A_567 : vector<16xf32>
        %max3A_656 = arith.maximumf %max3A_655, %select_n3A_571 : vector<16xf32>
        %max3A_657 = arith.maximumf %max3A_656, %select_n3A_575 : vector<16xf32>
        %max3A_658 = arith.maximumf %max3A_657, %select_n3A_579 : vector<16xf32>
        %max3A_659 = arith.maximumf %max3A_658, %select_n3A_583 : vector<16xf32>
        %max3A_660 = arith.maximumf %max3A_659, %select_n3A_587 : vector<16xf32>
        %max3A_661 = arith.maximumf %max3A_660, %select_n3A_591 : vector<16xf32>
        %max3A_662 = arith.maximumf %max3A_661, %select_n3A_595 : vector<16xf32>
        %max3A_663 = arith.maximumf %max3A_662, %select_n3A_599 : vector<16xf32>
        %max3A_664 = arith.maximumf %max3A_663, %select_n3A_603 : vector<16xf32>
        %max3A_665 = arith.maximumf %max3A_664, %select_n3A_607 : vector<16xf32>
        %max3A_666 = arith.maximumf %max3A_665, %select_n3A_611 : vector<16xf32>
        %max3A_667 = arith.maximumf %max3A_666, %select_n3A_615 : vector<16xf32>
        %max3A_668 = arith.maximumf %max3A_667, %select_n3A_619 : vector<16xf32>
        %max3A_669 = arith.maximumf %max3A_668, %select_n3A_623 : vector<16xf32>
        %max3A_670 = arith.maximumf %max3A_669, %select_n3A_627 : vector<16xf32>
        %max3A_671 = arith.maximumf %max3A_670, %select_n3A_631 : vector<16xf32>
        %max3A_672 = arith.maximumf %max3A_671, %select_n3A_635 : vector<16xf32>
        %max3A_673 = arith.maximumf %max3A_672, %select_n3A_639 : vector<16xf32>
        %max3A_674 = arith.maximumf %max3A_673, %select_n3A_643 : vector<16xf32>
        %lt3A_675 = arith.constant 0 : i32
        %lt3A_676 = vector.broadcast %lt3A_675 : i32 to vector<16xi32>
        %lt3A_677 = arith.cmpi slt, %xor3A_34, %lt3A_676 : vector<16xi32>
        %add3A_678 = arith.constant 16 : i32
        %add3A_679 = vector.broadcast %add3A_678 : i32 to vector<16xi32>
        %add3A_680 = arith.addi %xor3A_34, %add3A_679 : vector<16xi32>
        %select_n3A_681 = arith.select %lt3A_677, %add3A_680, %xor3A_34 : vector<16xi1>, vector<16xi32>
        %broadcast_in_dim3A_682 = vector.shape_cast %select_n3A_681 : vector<16xi32> to vector<16x1xi32>
        %gather3A_683 = vector.shape_cast %broadcast_in_dim3A_682 : vector<16x1xi32> to vector<16xi32>
        %gather3A_684 = tpu.dynamic_gather %max3A_674[%gather3A_683] in [0] : vector<16xf32>, vector<16xi32> -> vector<16xf32>
        %max3A_685 = arith.maximumf %max3A_674, %gather3A_684 : vector<16xf32>
        %lt3A_686 = arith.constant 0 : i32
        %lt3A_687 = vector.broadcast %lt3A_686 : i32 to vector<16xi32>
        %lt3A_688 = arith.cmpi slt, %xor3A_37, %lt3A_687 : vector<16xi32>
        %add3A_689 = arith.constant 16 : i32
        %add3A_690 = vector.broadcast %add3A_689 : i32 to vector<16xi32>
        %add3A_691 = arith.addi %xor3A_37, %add3A_690 : vector<16xi32>
        %select_n3A_692 = arith.select %lt3A_688, %add3A_691, %xor3A_37 : vector<16xi1>, vector<16xi32>
        %broadcast_in_dim3A_693 = vector.shape_cast %select_n3A_692 : vector<16xi32> to vector<16x1xi32>
        %gather3A_694 = vector.shape_cast %broadcast_in_dim3A_693 : vector<16x1xi32> to vector<16xi32>
        %gather3A_695 = tpu.dynamic_gather %max3A_685[%gather3A_694] in [0] : vector<16xf32>, vector<16xi32> -> vector<16xf32>
        %max3A_696 = arith.maximumf %max3A_685, %gather3A_695 : vector<16xf32>
        %lt3A_697 = arith.constant 0 : i32
        %lt3A_698 = vector.broadcast %lt3A_697 : i32 to vector<16xi32>
        %lt3A_699 = arith.cmpi slt, %xor3A_40, %lt3A_698 : vector<16xi32>
        %add3A_700 = arith.constant 16 : i32
        %add3A_701 = vector.broadcast %add3A_700 : i32 to vector<16xi32>
        %add3A_702 = arith.addi %xor3A_40, %add3A_701 : vector<16xi32>
        %select_n3A_703 = arith.select %lt3A_699, %add3A_702, %xor3A_40 : vector<16xi1>, vector<16xi32>
        %broadcast_in_dim3A_704 = vector.shape_cast %select_n3A_703 : vector<16xi32> to vector<16x1xi32>
        %gather3A_705 = vector.shape_cast %broadcast_in_dim3A_704 : vector<16x1xi32> to vector<16xi32>
        %gather3A_706 = tpu.dynamic_gather %max3A_696[%gather3A_705] in [0] : vector<16xf32>, vector<16xi32> -> vector<16xf32>
        %max3A_707 = arith.maximumf %max3A_696, %gather3A_706 : vector<16xf32>
        %lt3A_708 = arith.constant 0 : i32
        %lt3A_709 = vector.broadcast %lt3A_708 : i32 to vector<16xi32>
        %lt3A_710 = arith.cmpi slt, %xor3A_43, %lt3A_709 : vector<16xi32>
        %add3A_711 = arith.constant 16 : i32
        %add3A_712 = vector.broadcast %add3A_711 : i32 to vector<16xi32>
        %add3A_713 = arith.addi %xor3A_43, %add3A_712 : vector<16xi32>
        %select_n3A_714 = arith.select %lt3A_710, %add3A_713, %xor3A_43 : vector<16xi1>, vector<16xi32>
        %broadcast_in_dim3A_715 = vector.shape_cast %select_n3A_714 : vector<16xi32> to vector<16x1xi32>
        %gather3A_716 = vector.shape_cast %broadcast_in_dim3A_715 : vector<16x1xi32> to vector<16xi32>
        %gather3A_717 = tpu.dynamic_gather %max3A_707[%gather3A_716] in [0] : vector<16xf32>, vector<16xi32> -> vector<16xf32>
        %max3A_718 = arith.maximumf %max3A_707, %gather3A_717 : vector<16xf32>
        %eq3A_719 = arith.cmpf oeq, %select_n3A_519, %max3A_718 : vector<16xf32>
        %jit3A_720 = arith.constant -3.000000e+38 : f32
        %broadcast_in_dim3A_721 = vector.broadcast %jit3A_720 : f32 to vector<16xf32>
        %select_n3A_722 = arith.select %eq3A_719, %broadcast_in_dim3A_721, %select_n3A_519 : vector<16xi1>, vector<16xf32>
        %eq3A_723 = arith.cmpf oeq, %select_n3A_523, %max3A_718 : vector<16xf32>
        %jit3A_724 = arith.constant -3.000000e+38 : f32
        %broadcast_in_dim3A_725 = vector.broadcast %jit3A_724 : f32 to vector<16xf32>
        %select_n3A_726 = arith.select %eq3A_723, %broadcast_in_dim3A_725, %select_n3A_523 : vector<16xi1>, vector<16xf32>
        %eq3A_727 = arith.cmpf oeq, %select_n3A_527, %max3A_718 : vector<16xf32>
        %jit3A_728 = arith.constant -3.000000e+38 : f32
        %broadcast_in_dim3A_729 = vector.broadcast %jit3A_728 : f32 to vector<16xf32>
        %select_n3A_730 = arith.select %eq3A_727, %broadcast_in_dim3A_729, %select_n3A_527 : vector<16xi1>, vector<16xf32>
        %eq3A_731 = arith.cmpf oeq, %select_n3A_531, %max3A_718 : vector<16xf32>
        %jit3A_732 = arith.constant -3.000000e+38 : f32
        %broadcast_in_dim3A_733 = vector.broadcast %jit3A_732 : f32 to vector<16xf32>
        %select_n3A_734 = arith.select %eq3A_731, %broadcast_in_dim3A_733, %select_n3A_531 : vector<16xi1>, vector<16xf32>
        %eq3A_735 = arith.cmpf oeq, %select_n3A_535, %max3A_718 : vector<16xf32>
        %jit3A_736 = arith.constant -3.000000e+38 : f32
        %broadcast_in_dim3A_737 = vector.broadcast %jit3A_736 : f32 to vector<16xf32>
        %select_n3A_738 = arith.select %eq3A_735, %broadcast_in_dim3A_737, %select_n3A_535 : vector<16xi1>, vector<16xf32>
        %eq3A_739 = arith.cmpf oeq, %select_n3A_539, %max3A_718 : vector<16xf32>
        %jit3A_740 = arith.constant -3.000000e+38 : f32
        %broadcast_in_dim3A_741 = vector.broadcast %jit3A_740 : f32 to vector<16xf32>
        %select_n3A_742 = arith.select %eq3A_739, %broadcast_in_dim3A_741, %select_n3A_539 : vector<16xi1>, vector<16xf32>
        %eq3A_743 = arith.cmpf oeq, %select_n3A_543, %max3A_718 : vector<16xf32>
        %jit3A_744 = arith.constant -3.000000e+38 : f32
        %broadcast_in_dim3A_745 = vector.broadcast %jit3A_744 : f32 to vector<16xf32>
        %select_n3A_746 = arith.select %eq3A_743, %broadcast_in_dim3A_745, %select_n3A_543 : vector<16xi1>, vector<16xf32>
        %eq3A_747 = arith.cmpf oeq, %select_n3A_547, %max3A_718 : vector<16xf32>
        %jit3A_748 = arith.constant -3.000000e+38 : f32
        %broadcast_in_dim3A_749 = vector.broadcast %jit3A_748 : f32 to vector<16xf32>
        %select_n3A_750 = arith.select %eq3A_747, %broadcast_in_dim3A_749, %select_n3A_547 : vector<16xi1>, vector<16xf32>
        %eq3A_751 = arith.cmpf oeq, %select_n3A_551, %max3A_718 : vector<16xf32>
        %jit3A_752 = arith.constant -3.000000e+38 : f32
        %broadcast_in_dim3A_753 = vector.broadcast %jit3A_752 : f32 to vector<16xf32>
        %select_n3A_754 = arith.select %eq3A_751, %broadcast_in_dim3A_753, %select_n3A_551 : vector<16xi1>, vector<16xf32>
        %eq3A_755 = arith.cmpf oeq, %select_n3A_555, %max3A_718 : vector<16xf32>
        %jit3A_756 = arith.constant -3.000000e+38 : f32
        %broadcast_in_dim3A_757 = vector.broadcast %jit3A_756 : f32 to vector<16xf32>
        %select_n3A_758 = arith.select %eq3A_755, %broadcast_in_dim3A_757, %select_n3A_555 : vector<16xi1>, vector<16xf32>
        %eq3A_759 = arith.cmpf oeq, %select_n3A_559, %max3A_718 : vector<16xf32>
        %jit3A_760 = arith.constant -3.000000e+38 : f32
        %broadcast_in_dim3A_761 = vector.broadcast %jit3A_760 : f32 to vector<16xf32>
        %select_n3A_762 = arith.select %eq3A_759, %broadcast_in_dim3A_761, %select_n3A_559 : vector<16xi1>, vector<16xf32>
        %eq3A_763 = arith.cmpf oeq, %select_n3A_563, %max3A_718 : vector<16xf32>
        %jit3A_764 = arith.constant -3.000000e+38 : f32
        %broadcast_in_dim3A_765 = vector.broadcast %jit3A_764 : f32 to vector<16xf32>
        %select_n3A_766 = arith.select %eq3A_763, %broadcast_in_dim3A_765, %select_n3A_563 : vector<16xi1>, vector<16xf32>
        %eq3A_767 = arith.cmpf oeq, %select_n3A_567, %max3A_718 : vector<16xf32>
        %jit3A_768 = arith.constant -3.000000e+38 : f32
        %broadcast_in_dim3A_769 = vector.broadcast %jit3A_768 : f32 to vector<16xf32>
        %select_n3A_770 = arith.select %eq3A_767, %broadcast_in_dim3A_769, %select_n3A_567 : vector<16xi1>, vector<16xf32>
        %eq3A_771 = arith.cmpf oeq, %select_n3A_571, %max3A_718 : vector<16xf32>
        %jit3A_772 = arith.constant -3.000000e+38 : f32
        %broadcast_in_dim3A_773 = vector.broadcast %jit3A_772 : f32 to vector<16xf32>
        %select_n3A_774 = arith.select %eq3A_771, %broadcast_in_dim3A_773, %select_n3A_571 : vector<16xi1>, vector<16xf32>
        %eq3A_775 = arith.cmpf oeq, %select_n3A_575, %max3A_718 : vector<16xf32>
        %jit3A_776 = arith.constant -3.000000e+38 : f32
        %broadcast_in_dim3A_777 = vector.broadcast %jit3A_776 : f32 to vector<16xf32>
        %select_n3A_778 = arith.select %eq3A_775, %broadcast_in_dim3A_777, %select_n3A_575 : vector<16xi1>, vector<16xf32>
        %eq3A_779 = arith.cmpf oeq, %select_n3A_579, %max3A_718 : vector<16xf32>
        %jit3A_780 = arith.constant -3.000000e+38 : f32
        %broadcast_in_dim3A_781 = vector.broadcast %jit3A_780 : f32 to vector<16xf32>
        %select_n3A_782 = arith.select %eq3A_779, %broadcast_in_dim3A_781, %select_n3A_579 : vector<16xi1>, vector<16xf32>
        %eq3A_783 = arith.cmpf oeq, %select_n3A_583, %max3A_718 : vector<16xf32>
        %jit3A_784 = arith.constant -3.000000e+38 : f32
        %broadcast_in_dim3A_785 = vector.broadcast %jit3A_784 : f32 to vector<16xf32>
        %select_n3A_786 = arith.select %eq3A_783, %broadcast_in_dim3A_785, %select_n3A_583 : vector<16xi1>, vector<16xf32>
        %eq3A_787 = arith.cmpf oeq, %select_n3A_587, %max3A_718 : vector<16xf32>
        %jit3A_788 = arith.constant -3.000000e+38 : f32
        %broadcast_in_dim3A_789 = vector.broadcast %jit3A_788 : f32 to vector<16xf32>
        %select_n3A_790 = arith.select %eq3A_787, %broadcast_in_dim3A_789, %select_n3A_587 : vector<16xi1>, vector<16xf32>
        %eq3A_791 = arith.cmpf oeq, %select_n3A_591, %max3A_718 : vector<16xf32>
        %jit3A_792 = arith.constant -3.000000e+38 : f32
        %broadcast_in_dim3A_793 = vector.broadcast %jit3A_792 : f32 to vector<16xf32>
        %select_n3A_794 = arith.select %eq3A_791, %broadcast_in_dim3A_793, %select_n3A_591 : vector<16xi1>, vector<16xf32>
        %eq3A_795 = arith.cmpf oeq, %select_n3A_595, %max3A_718 : vector<16xf32>
        %jit3A_796 = arith.constant -3.000000e+38 : f32
        %broadcast_in_dim3A_797 = vector.broadcast %jit3A_796 : f32 to vector<16xf32>
        %select_n3A_798 = arith.select %eq3A_795, %broadcast_in_dim3A_797, %select_n3A_595 : vector<16xi1>, vector<16xf32>
        %eq3A_799 = arith.cmpf oeq, %select_n3A_599, %max3A_718 : vector<16xf32>
        %jit3A_800 = arith.constant -3.000000e+38 : f32
        %broadcast_in_dim3A_801 = vector.broadcast %jit3A_800 : f32 to vector<16xf32>
        %select_n3A_802 = arith.select %eq3A_799, %broadcast_in_dim3A_801, %select_n3A_599 : vector<16xi1>, vector<16xf32>
        %eq3A_803 = arith.cmpf oeq, %select_n3A_603, %max3A_718 : vector<16xf32>
        %jit3A_804 = arith.constant -3.000000e+38 : f32
        %broadcast_in_dim3A_805 = vector.broadcast %jit3A_804 : f32 to vector<16xf32>
        %select_n3A_806 = arith.select %eq3A_803, %broadcast_in_dim3A_805, %select_n3A_603 : vector<16xi1>, vector<16xf32>
        %eq3A_807 = arith.cmpf oeq, %select_n3A_607, %max3A_718 : vector<16xf32>
        %jit3A_808 = arith.constant -3.000000e+38 : f32
        %broadcast_in_dim3A_809 = vector.broadcast %jit3A_808 : f32 to vector<16xf32>
        %select_n3A_810 = arith.select %eq3A_807, %broadcast_in_dim3A_809, %select_n3A_607 : vector<16xi1>, vector<16xf32>
        %eq3A_811 = arith.cmpf oeq, %select_n3A_611, %max3A_718 : vector<16xf32>
        %jit3A_812 = arith.constant -3.000000e+38 : f32
        %broadcast_in_dim3A_813 = vector.broadcast %jit3A_812 : f32 to vector<16xf32>
        %select_n3A_814 = arith.select %eq3A_811, %broadcast_in_dim3A_813, %select_n3A_611 : vector<16xi1>, vector<16xf32>
        %eq3A_815 = arith.cmpf oeq, %select_n3A_615, %max3A_718 : vector<16xf32>
        %jit3A_816 = arith.constant -3.000000e+38 : f32
        %broadcast_in_dim3A_817 = vector.broadcast %jit3A_816 : f32 to vector<16xf32>
        %select_n3A_818 = arith.select %eq3A_815, %broadcast_in_dim3A_817, %select_n3A_615 : vector<16xi1>, vector<16xf32>
        %eq3A_819 = arith.cmpf oeq, %select_n3A_619, %max3A_718 : vector<16xf32>
        %jit3A_820 = arith.constant -3.000000e+38 : f32
        %broadcast_in_dim3A_821 = vector.broadcast %jit3A_820 : f32 to vector<16xf32>
        %select_n3A_822 = arith.select %eq3A_819, %broadcast_in_dim3A_821, %select_n3A_619 : vector<16xi1>, vector<16xf32>
        %eq3A_823 = arith.cmpf oeq, %select_n3A_623, %max3A_718 : vector<16xf32>
        %jit3A_824 = arith.constant -3.000000e+38 : f32
        %broadcast_in_dim3A_825 = vector.broadcast %jit3A_824 : f32 to vector<16xf32>
        %select_n3A_826 = arith.select %eq3A_823, %broadcast_in_dim3A_825, %select_n3A_623 : vector<16xi1>, vector<16xf32>
        %eq3A_827 = arith.cmpf oeq, %select_n3A_627, %max3A_718 : vector<16xf32>
        %jit3A_828 = arith.constant -3.000000e+38 : f32
        %broadcast_in_dim3A_829 = vector.broadcast %jit3A_828 : f32 to vector<16xf32>
        %select_n3A_830 = arith.select %eq3A_827, %broadcast_in_dim3A_829, %select_n3A_627 : vector<16xi1>, vector<16xf32>
        %eq3A_831 = arith.cmpf oeq, %select_n3A_631, %max3A_718 : vector<16xf32>
        %jit3A_832 = arith.constant -3.000000e+38 : f32
        %broadcast_in_dim3A_833 = vector.broadcast %jit3A_832 : f32 to vector<16xf32>
        %select_n3A_834 = arith.select %eq3A_831, %broadcast_in_dim3A_833, %select_n3A_631 : vector<16xi1>, vector<16xf32>
        %eq3A_835 = arith.cmpf oeq, %select_n3A_635, %max3A_718 : vector<16xf32>
        %jit3A_836 = arith.constant -3.000000e+38 : f32
        %broadcast_in_dim3A_837 = vector.broadcast %jit3A_836 : f32 to vector<16xf32>
        %select_n3A_838 = arith.select %eq3A_835, %broadcast_in_dim3A_837, %select_n3A_635 : vector<16xi1>, vector<16xf32>
        %eq3A_839 = arith.cmpf oeq, %select_n3A_639, %max3A_718 : vector<16xf32>
        %jit3A_840 = arith.constant -3.000000e+38 : f32
        %broadcast_in_dim3A_841 = vector.broadcast %jit3A_840 : f32 to vector<16xf32>
        %select_n3A_842 = arith.select %eq3A_839, %broadcast_in_dim3A_841, %select_n3A_639 : vector<16xi1>, vector<16xf32>
        %eq3A_843 = arith.cmpf oeq, %select_n3A_643, %max3A_718 : vector<16xf32>
        %jit3A_844 = arith.constant -3.000000e+38 : f32
        %broadcast_in_dim3A_845 = vector.broadcast %jit3A_844 : f32 to vector<16xf32>
        %select_n3A_846 = arith.select %eq3A_843, %broadcast_in_dim3A_845, %select_n3A_643 : vector<16xi1>, vector<16xf32>
        %max3A_847 = arith.maximumf %select_n3A_722, %select_n3A_726 : vector<16xf32>
        %max3A_848 = arith.maximumf %max3A_847, %select_n3A_730 : vector<16xf32>
        %max3A_849 = arith.maximumf %max3A_848, %select_n3A_734 : vector<16xf32>
        %max3A_850 = arith.maximumf %max3A_849, %select_n3A_738 : vector<16xf32>
        %max3A_851 = arith.maximumf %max3A_850, %select_n3A_742 : vector<16xf32>
        %max3A_852 = arith.maximumf %max3A_851, %select_n3A_746 : vector<16xf32>
        %max3A_853 = arith.maximumf %max3A_852, %select_n3A_750 : vector<16xf32>
        %max3A_854 = arith.maximumf %max3A_853, %select_n3A_754 : vector<16xf32>
        %max3A_855 = arith.maximumf %max3A_854, %select_n3A_758 : vector<16xf32>
        %max3A_856 = arith.maximumf %max3A_855, %select_n3A_762 : vector<16xf32>
        %max3A_857 = arith.maximumf %max3A_856, %select_n3A_766 : vector<16xf32>
        %max3A_858 = arith.maximumf %max3A_857, %select_n3A_770 : vector<16xf32>
        %max3A_859 = arith.maximumf %max3A_858, %select_n3A_774 : vector<16xf32>
        %max3A_860 = arith.maximumf %max3A_859, %select_n3A_778 : vector<16xf32>
        %max3A_861 = arith.maximumf %max3A_860, %select_n3A_782 : vector<16xf32>
        %max3A_862 = arith.maximumf %max3A_861, %select_n3A_786 : vector<16xf32>
        %max3A_863 = arith.maximumf %max3A_862, %select_n3A_790 : vector<16xf32>
        %max3A_864 = arith.maximumf %max3A_863, %select_n3A_794 : vector<16xf32>
        %max3A_865 = arith.maximumf %max3A_864, %select_n3A_798 : vector<16xf32>
        %max3A_866 = arith.maximumf %max3A_865, %select_n3A_802 : vector<16xf32>
        %max3A_867 = arith.maximumf %max3A_866, %select_n3A_806 : vector<16xf32>
        %max3A_868 = arith.maximumf %max3A_867, %select_n3A_810 : vector<16xf32>
        %max3A_869 = arith.maximumf %max3A_868, %select_n3A_814 : vector<16xf32>
        %max3A_870 = arith.maximumf %max3A_869, %select_n3A_818 : vector<16xf32>
        %max3A_871 = arith.maximumf %max3A_870, %select_n3A_822 : vector<16xf32>
        %max3A_872 = arith.maximumf %max3A_871, %select_n3A_826 : vector<16xf32>
        %max3A_873 = arith.maximumf %max3A_872, %select_n3A_830 : vector<16xf32>
        %max3A_874 = arith.maximumf %max3A_873, %select_n3A_834 : vector<16xf32>
        %max3A_875 = arith.maximumf %max3A_874, %select_n3A_838 : vector<16xf32>
        %max3A_876 = arith.maximumf %max3A_875, %select_n3A_842 : vector<16xf32>
        %max3A_877 = arith.maximumf %max3A_876, %select_n3A_846 : vector<16xf32>
        %lt3A_878 = arith.constant 0 : i32
        %lt3A_879 = vector.broadcast %lt3A_878 : i32 to vector<16xi32>
        %lt3A_880 = arith.cmpi slt, %xor3A_34, %lt3A_879 : vector<16xi32>
        %add3A_881 = arith.constant 16 : i32
        %add3A_882 = vector.broadcast %add3A_881 : i32 to vector<16xi32>
        %add3A_883 = arith.addi %xor3A_34, %add3A_882 : vector<16xi32>
        %select_n3A_884 = arith.select %lt3A_880, %add3A_883, %xor3A_34 : vector<16xi1>, vector<16xi32>
        %broadcast_in_dim3A_885 = vector.shape_cast %select_n3A_884 : vector<16xi32> to vector<16x1xi32>
        %gather3A_886 = vector.shape_cast %broadcast_in_dim3A_885 : vector<16x1xi32> to vector<16xi32>
        %gather3A_887 = tpu.dynamic_gather %max3A_877[%gather3A_886] in [0] : vector<16xf32>, vector<16xi32> -> vector<16xf32>
        %max3A_888 = arith.maximumf %max3A_877, %gather3A_887 : vector<16xf32>
        %lt3A_889 = arith.constant 0 : i32
        %lt3A_890 = vector.broadcast %lt3A_889 : i32 to vector<16xi32>
        %lt3A_891 = arith.cmpi slt, %xor3A_37, %lt3A_890 : vector<16xi32>
        %add3A_892 = arith.constant 16 : i32
        %add3A_893 = vector.broadcast %add3A_892 : i32 to vector<16xi32>
        %add3A_894 = arith.addi %xor3A_37, %add3A_893 : vector<16xi32>
        %select_n3A_895 = arith.select %lt3A_891, %add3A_894, %xor3A_37 : vector<16xi1>, vector<16xi32>
        %broadcast_in_dim3A_896 = vector.shape_cast %select_n3A_895 : vector<16xi32> to vector<16x1xi32>
        %gather3A_897 = vector.shape_cast %broadcast_in_dim3A_896 : vector<16x1xi32> to vector<16xi32>
        %gather3A_898 = tpu.dynamic_gather %max3A_888[%gather3A_897] in [0] : vector<16xf32>, vector<16xi32> -> vector<16xf32>
        %max3A_899 = arith.maximumf %max3A_888, %gather3A_898 : vector<16xf32>
        %lt3A_900 = arith.constant 0 : i32
        %lt3A_901 = vector.broadcast %lt3A_900 : i32 to vector<16xi32>
        %lt3A_902 = arith.cmpi slt, %xor3A_40, %lt3A_901 : vector<16xi32>
        %add3A_903 = arith.constant 16 : i32
        %add3A_904 = vector.broadcast %add3A_903 : i32 to vector<16xi32>
        %add3A_905 = arith.addi %xor3A_40, %add3A_904 : vector<16xi32>
        %select_n3A_906 = arith.select %lt3A_902, %add3A_905, %xor3A_40 : vector<16xi1>, vector<16xi32>
        %broadcast_in_dim3A_907 = vector.shape_cast %select_n3A_906 : vector<16xi32> to vector<16x1xi32>
        %gather3A_908 = vector.shape_cast %broadcast_in_dim3A_907 : vector<16x1xi32> to vector<16xi32>
        %gather3A_909 = tpu.dynamic_gather %max3A_899[%gather3A_908] in [0] : vector<16xf32>, vector<16xi32> -> vector<16xf32>
        %max3A_910 = arith.maximumf %max3A_899, %gather3A_909 : vector<16xf32>
        %lt3A_911 = arith.constant 0 : i32
        %lt3A_912 = vector.broadcast %lt3A_911 : i32 to vector<16xi32>
        %lt3A_913 = arith.cmpi slt, %xor3A_43, %lt3A_912 : vector<16xi32>
        %add3A_914 = arith.constant 16 : i32
        %add3A_915 = vector.broadcast %add3A_914 : i32 to vector<16xi32>
        %add3A_916 = arith.addi %xor3A_43, %add3A_915 : vector<16xi32>
        %select_n3A_917 = arith.select %lt3A_913, %add3A_916, %xor3A_43 : vector<16xi1>, vector<16xi32>
        %broadcast_in_dim3A_918 = vector.shape_cast %select_n3A_917 : vector<16xi32> to vector<16x1xi32>
        %gather3A_919 = vector.shape_cast %broadcast_in_dim3A_918 : vector<16x1xi32> to vector<16xi32>
        %gather3A_920 = tpu.dynamic_gather %max3A_910[%gather3A_919] in [0] : vector<16xf32>, vector<16xi32> -> vector<16xf32>
        %max3A_921 = arith.maximumf %max3A_910, %gather3A_920 : vector<16xf32>
        %eq3A_922 = arith.cmpf oeq, %select_n3A_722, %max3A_921 : vector<16xf32>
        %jit3A_923 = arith.constant -3.000000e+38 : f32
        %broadcast_in_dim3A_924 = vector.broadcast %jit3A_923 : f32 to vector<16xf32>
        %select_n3A_925 = arith.select %eq3A_922, %broadcast_in_dim3A_924, %select_n3A_722 : vector<16xi1>, vector<16xf32>
        %eq3A_926 = arith.cmpf oeq, %select_n3A_726, %max3A_921 : vector<16xf32>
        %jit3A_927 = arith.constant -3.000000e+38 : f32
        %broadcast_in_dim3A_928 = vector.broadcast %jit3A_927 : f32 to vector<16xf32>
        %select_n3A_929 = arith.select %eq3A_926, %broadcast_in_dim3A_928, %select_n3A_726 : vector<16xi1>, vector<16xf32>
        %eq3A_930 = arith.cmpf oeq, %select_n3A_730, %max3A_921 : vector<16xf32>
        %jit3A_931 = arith.constant -3.000000e+38 : f32
        %broadcast_in_dim3A_932 = vector.broadcast %jit3A_931 : f32 to vector<16xf32>
        %select_n3A_933 = arith.select %eq3A_930, %broadcast_in_dim3A_932, %select_n3A_730 : vector<16xi1>, vector<16xf32>
        %eq3A_934 = arith.cmpf oeq, %select_n3A_734, %max3A_921 : vector<16xf32>
        %jit3A_935 = arith.constant -3.000000e+38 : f32
        %broadcast_in_dim3A_936 = vector.broadcast %jit3A_935 : f32 to vector<16xf32>
        %select_n3A_937 = arith.select %eq3A_934, %broadcast_in_dim3A_936, %select_n3A_734 : vector<16xi1>, vector<16xf32>
        %eq3A_938 = arith.cmpf oeq, %select_n3A_738, %max3A_921 : vector<16xf32>
        %jit3A_939 = arith.constant -3.000000e+38 : f32
        %broadcast_in_dim3A_940 = vector.broadcast %jit3A_939 : f32 to vector<16xf32>
        %select_n3A_941 = arith.select %eq3A_938, %broadcast_in_dim3A_940, %select_n3A_738 : vector<16xi1>, vector<16xf32>
        %eq3A_942 = arith.cmpf oeq, %select_n3A_742, %max3A_921 : vector<16xf32>
        %jit3A_943 = arith.constant -3.000000e+38 : f32
        %broadcast_in_dim3A_944 = vector.broadcast %jit3A_943 : f32 to vector<16xf32>
        %select_n3A_945 = arith.select %eq3A_942, %broadcast_in_dim3A_944, %select_n3A_742 : vector<16xi1>, vector<16xf32>
        %eq3A_946 = arith.cmpf oeq, %select_n3A_746, %max3A_921 : vector<16xf32>
        %jit3A_947 = arith.constant -3.000000e+38 : f32
        %broadcast_in_dim3A_948 = vector.broadcast %jit3A_947 : f32 to vector<16xf32>
        %select_n3A_949 = arith.select %eq3A_946, %broadcast_in_dim3A_948, %select_n3A_746 : vector<16xi1>, vector<16xf32>
        %eq3A_950 = arith.cmpf oeq, %select_n3A_750, %max3A_921 : vector<16xf32>
        %jit3A_951 = arith.constant -3.000000e+38 : f32
        %broadcast_in_dim3A_952 = vector.broadcast %jit3A_951 : f32 to vector<16xf32>
        %select_n3A_953 = arith.select %eq3A_950, %broadcast_in_dim3A_952, %select_n3A_750 : vector<16xi1>, vector<16xf32>
        %eq3A_954 = arith.cmpf oeq, %select_n3A_754, %max3A_921 : vector<16xf32>
        %jit3A_955 = arith.constant -3.000000e+38 : f32
        %broadcast_in_dim3A_956 = vector.broadcast %jit3A_955 : f32 to vector<16xf32>
        %select_n3A_957 = arith.select %eq3A_954, %broadcast_in_dim3A_956, %select_n3A_754 : vector<16xi1>, vector<16xf32>
        %eq3A_958 = arith.cmpf oeq, %select_n3A_758, %max3A_921 : vector<16xf32>
        %jit3A_959 = arith.constant -3.000000e+38 : f32
        %broadcast_in_dim3A_960 = vector.broadcast %jit3A_959 : f32 to vector<16xf32>
        %select_n3A_961 = arith.select %eq3A_958, %broadcast_in_dim3A_960, %select_n3A_758 : vector<16xi1>, vector<16xf32>
        %eq3A_962 = arith.cmpf oeq, %select_n3A_762, %max3A_921 : vector<16xf32>
        %jit3A_963 = arith.constant -3.000000e+38 : f32
        %broadcast_in_dim3A_964 = vector.broadcast %jit3A_963 : f32 to vector<16xf32>
        %select_n3A_965 = arith.select %eq3A_962, %broadcast_in_dim3A_964, %select_n3A_762 : vector<16xi1>, vector<16xf32>
        %eq3A_966 = arith.cmpf oeq, %select_n3A_766, %max3A_921 : vector<16xf32>
        %jit3A_967 = arith.constant -3.000000e+38 : f32
        %broadcast_in_dim3A_968 = vector.broadcast %jit3A_967 : f32 to vector<16xf32>
        %select_n3A_969 = arith.select %eq3A_966, %broadcast_in_dim3A_968, %select_n3A_766 : vector<16xi1>, vector<16xf32>
        %eq3A_970 = arith.cmpf oeq, %select_n3A_770, %max3A_921 : vector<16xf32>
        %jit3A_971 = arith.constant -3.000000e+38 : f32
        %broadcast_in_dim3A_972 = vector.broadcast %jit3A_971 : f32 to vector<16xf32>
        %select_n3A_973 = arith.select %eq3A_970, %broadcast_in_dim3A_972, %select_n3A_770 : vector<16xi1>, vector<16xf32>
        %eq3A_974 = arith.cmpf oeq, %select_n3A_774, %max3A_921 : vector<16xf32>
        %jit3A_975 = arith.constant -3.000000e+38 : f32
        %broadcast_in_dim3A_976 = vector.broadcast %jit3A_975 : f32 to vector<16xf32>
        %select_n3A_977 = arith.select %eq3A_974, %broadcast_in_dim3A_976, %select_n3A_774 : vector<16xi1>, vector<16xf32>
        %eq3A_978 = arith.cmpf oeq, %select_n3A_778, %max3A_921 : vector<16xf32>
        %jit3A_979 = arith.constant -3.000000e+38 : f32
        %broadcast_in_dim3A_980 = vector.broadcast %jit3A_979 : f32 to vector<16xf32>
        %select_n3A_981 = arith.select %eq3A_978, %broadcast_in_dim3A_980, %select_n3A_778 : vector<16xi1>, vector<16xf32>
        %eq3A_982 = arith.cmpf oeq, %select_n3A_782, %max3A_921 : vector<16xf32>
        %jit3A_983 = arith.constant -3.000000e+38 : f32
        %broadcast_in_dim3A_984 = vector.broadcast %jit3A_983 : f32 to vector<16xf32>
        %select_n3A_985 = arith.select %eq3A_982, %broadcast_in_dim3A_984, %select_n3A_782 : vector<16xi1>, vector<16xf32>
        %eq3A_986 = arith.cmpf oeq, %select_n3A_786, %max3A_921 : vector<16xf32>
        %jit3A_987 = arith.constant -3.000000e+38 : f32
        %broadcast_in_dim3A_988 = vector.broadcast %jit3A_987 : f32 to vector<16xf32>
        %select_n3A_989 = arith.select %eq3A_986, %broadcast_in_dim3A_988, %select_n3A_786 : vector<16xi1>, vector<16xf32>
        %eq3A_990 = arith.cmpf oeq, %select_n3A_790, %max3A_921 : vector<16xf32>
        %jit3A_991 = arith.constant -3.000000e+38 : f32
        %broadcast_in_dim3A_992 = vector.broadcast %jit3A_991 : f32 to vector<16xf32>
        %select_n3A_993 = arith.select %eq3A_990, %broadcast_in_dim3A_992, %select_n3A_790 : vector<16xi1>, vector<16xf32>
        %eq3A_994 = arith.cmpf oeq, %select_n3A_794, %max3A_921 : vector<16xf32>
        %jit3A_995 = arith.constant -3.000000e+38 : f32
        %broadcast_in_dim3A_996 = vector.broadcast %jit3A_995 : f32 to vector<16xf32>
        %select_n3A_997 = arith.select %eq3A_994, %broadcast_in_dim3A_996, %select_n3A_794 : vector<16xi1>, vector<16xf32>
        %eq3A_998 = arith.cmpf oeq, %select_n3A_798, %max3A_921 : vector<16xf32>
        %jit3A_999 = arith.constant -3.000000e+38 : f32
        %broadcast_in_dim3A_1000 = vector.broadcast %jit3A_999 : f32 to vector<16xf32>
        %select_n3A_1001 = arith.select %eq3A_998, %broadcast_in_dim3A_1000, %select_n3A_798 : vector<16xi1>, vector<16xf32>
        %eq3A_1002 = arith.cmpf oeq, %select_n3A_802, %max3A_921 : vector<16xf32>
        %jit3A_1003 = arith.constant -3.000000e+38 : f32
        %broadcast_in_dim3A_1004 = vector.broadcast %jit3A_1003 : f32 to vector<16xf32>
        %select_n3A_1005 = arith.select %eq3A_1002, %broadcast_in_dim3A_1004, %select_n3A_802 : vector<16xi1>, vector<16xf32>
        %eq3A_1006 = arith.cmpf oeq, %select_n3A_806, %max3A_921 : vector<16xf32>
        %jit3A_1007 = arith.constant -3.000000e+38 : f32
        %broadcast_in_dim3A_1008 = vector.broadcast %jit3A_1007 : f32 to vector<16xf32>
        %select_n3A_1009 = arith.select %eq3A_1006, %broadcast_in_dim3A_1008, %select_n3A_806 : vector<16xi1>, vector<16xf32>
        %eq3A_1010 = arith.cmpf oeq, %select_n3A_810, %max3A_921 : vector<16xf32>
        %jit3A_1011 = arith.constant -3.000000e+38 : f32
        %broadcast_in_dim3A_1012 = vector.broadcast %jit3A_1011 : f32 to vector<16xf32>
        %select_n3A_1013 = arith.select %eq3A_1010, %broadcast_in_dim3A_1012, %select_n3A_810 : vector<16xi1>, vector<16xf32>
        %eq3A_1014 = arith.cmpf oeq, %select_n3A_814, %max3A_921 : vector<16xf32>
        %jit3A_1015 = arith.constant -3.000000e+38 : f32
        %broadcast_in_dim3A_1016 = vector.broadcast %jit3A_1015 : f32 to vector<16xf32>
        %select_n3A_1017 = arith.select %eq3A_1014, %broadcast_in_dim3A_1016, %select_n3A_814 : vector<16xi1>, vector<16xf32>
        %eq3A_1018 = arith.cmpf oeq, %select_n3A_818, %max3A_921 : vector<16xf32>
        %jit3A_1019 = arith.constant -3.000000e+38 : f32
        %broadcast_in_dim3A_1020 = vector.broadcast %jit3A_1019 : f32 to vector<16xf32>
        %select_n3A_1021 = arith.select %eq3A_1018, %broadcast_in_dim3A_1020, %select_n3A_818 : vector<16xi1>, vector<16xf32>
        %eq3A_1022 = arith.cmpf oeq, %select_n3A_822, %max3A_921 : vector<16xf32>
        %jit3A_1023 = arith.constant -3.000000e+38 : f32
        %broadcast_in_dim3A_1024 = vector.broadcast %jit3A_1023 : f32 to vector<16xf32>
        %select_n3A_1025 = arith.select %eq3A_1022, %broadcast_in_dim3A_1024, %select_n3A_822 : vector<16xi1>, vector<16xf32>
        %eq3A_1026 = arith.cmpf oeq, %select_n3A_826, %max3A_921 : vector<16xf32>
        %jit3A_1027 = arith.constant -3.000000e+38 : f32
        %broadcast_in_dim3A_1028 = vector.broadcast %jit3A_1027 : f32 to vector<16xf32>
        %select_n3A_1029 = arith.select %eq3A_1026, %broadcast_in_dim3A_1028, %select_n3A_826 : vector<16xi1>, vector<16xf32>
        %eq3A_1030 = arith.cmpf oeq, %select_n3A_830, %max3A_921 : vector<16xf32>
        %jit3A_1031 = arith.constant -3.000000e+38 : f32
        %broadcast_in_dim3A_1032 = vector.broadcast %jit3A_1031 : f32 to vector<16xf32>
        %select_n3A_1033 = arith.select %eq3A_1030, %broadcast_in_dim3A_1032, %select_n3A_830 : vector<16xi1>, vector<16xf32>
        %eq3A_1034 = arith.cmpf oeq, %select_n3A_834, %max3A_921 : vector<16xf32>
        %jit3A_1035 = arith.constant -3.000000e+38 : f32
        %broadcast_in_dim3A_1036 = vector.broadcast %jit3A_1035 : f32 to vector<16xf32>
        %select_n3A_1037 = arith.select %eq3A_1034, %broadcast_in_dim3A_1036, %select_n3A_834 : vector<16xi1>, vector<16xf32>
        %eq3A_1038 = arith.cmpf oeq, %select_n3A_838, %max3A_921 : vector<16xf32>
        %jit3A_1039 = arith.constant -3.000000e+38 : f32
        %broadcast_in_dim3A_1040 = vector.broadcast %jit3A_1039 : f32 to vector<16xf32>
        %select_n3A_1041 = arith.select %eq3A_1038, %broadcast_in_dim3A_1040, %select_n3A_838 : vector<16xi1>, vector<16xf32>
        %eq3A_1042 = arith.cmpf oeq, %select_n3A_842, %max3A_921 : vector<16xf32>
        %jit3A_1043 = arith.constant -3.000000e+38 : f32
        %broadcast_in_dim3A_1044 = vector.broadcast %jit3A_1043 : f32 to vector<16xf32>
        %select_n3A_1045 = arith.select %eq3A_1042, %broadcast_in_dim3A_1044, %select_n3A_842 : vector<16xi1>, vector<16xf32>
        %eq3A_1046 = arith.cmpf oeq, %select_n3A_846, %max3A_921 : vector<16xf32>
        %jit3A_1047 = arith.constant -3.000000e+38 : f32
        %broadcast_in_dim3A_1048 = vector.broadcast %jit3A_1047 : f32 to vector<16xf32>
        %select_n3A_1049 = arith.select %eq3A_1046, %broadcast_in_dim3A_1048, %select_n3A_846 : vector<16xi1>, vector<16xf32>
        %max3A_1050 = arith.maximumf %select_n3A_925, %select_n3A_929 : vector<16xf32>
        %max3A_1051 = arith.maximumf %max3A_1050, %select_n3A_933 : vector<16xf32>
        %max3A_1052 = arith.maximumf %max3A_1051, %select_n3A_937 : vector<16xf32>
        %max3A_1053 = arith.maximumf %max3A_1052, %select_n3A_941 : vector<16xf32>
        %max3A_1054 = arith.maximumf %max3A_1053, %select_n3A_945 : vector<16xf32>
        %max3A_1055 = arith.maximumf %max3A_1054, %select_n3A_949 : vector<16xf32>
        %max3A_1056 = arith.maximumf %max3A_1055, %select_n3A_953 : vector<16xf32>
        %max3A_1057 = arith.maximumf %max3A_1056, %select_n3A_957 : vector<16xf32>
        %max3A_1058 = arith.maximumf %max3A_1057, %select_n3A_961 : vector<16xf32>
        %max3A_1059 = arith.maximumf %max3A_1058, %select_n3A_965 : vector<16xf32>
        %max3A_1060 = arith.maximumf %max3A_1059, %select_n3A_969 : vector<16xf32>
        %max3A_1061 = arith.maximumf %max3A_1060, %select_n3A_973 : vector<16xf32>
        %max3A_1062 = arith.maximumf %max3A_1061, %select_n3A_977 : vector<16xf32>
        %max3A_1063 = arith.maximumf %max3A_1062, %select_n3A_981 : vector<16xf32>
        %max3A_1064 = arith.maximumf %max3A_1063, %select_n3A_985 : vector<16xf32>
        %max3A_1065 = arith.maximumf %max3A_1064, %select_n3A_989 : vector<16xf32>
        %max3A_1066 = arith.maximumf %max3A_1065, %select_n3A_993 : vector<16xf32>
        %max3A_1067 = arith.maximumf %max3A_1066, %select_n3A_997 : vector<16xf32>
        %max3A_1068 = arith.maximumf %max3A_1067, %select_n3A_1001 : vector<16xf32>
        %max3A_1069 = arith.maximumf %max3A_1068, %select_n3A_1005 : vector<16xf32>
        %max3A_1070 = arith.maximumf %max3A_1069, %select_n3A_1009 : vector<16xf32>
        %max3A_1071 = arith.maximumf %max3A_1070, %select_n3A_1013 : vector<16xf32>
        %max3A_1072 = arith.maximumf %max3A_1071, %select_n3A_1017 : vector<16xf32>
        %max3A_1073 = arith.maximumf %max3A_1072, %select_n3A_1021 : vector<16xf32>
        %max3A_1074 = arith.maximumf %max3A_1073, %select_n3A_1025 : vector<16xf32>
        %max3A_1075 = arith.maximumf %max3A_1074, %select_n3A_1029 : vector<16xf32>
        %max3A_1076 = arith.maximumf %max3A_1075, %select_n3A_1033 : vector<16xf32>
        %max3A_1077 = arith.maximumf %max3A_1076, %select_n3A_1037 : vector<16xf32>
        %max3A_1078 = arith.maximumf %max3A_1077, %select_n3A_1041 : vector<16xf32>
        %max3A_1079 = arith.maximumf %max3A_1078, %select_n3A_1045 : vector<16xf32>
        %max3A_1080 = arith.maximumf %max3A_1079, %select_n3A_1049 : vector<16xf32>
        %lt3A_1081 = arith.constant 0 : i32
        %lt3A_1082 = vector.broadcast %lt3A_1081 : i32 to vector<16xi32>
        %lt3A_1083 = arith.cmpi slt, %xor3A_34, %lt3A_1082 : vector<16xi32>
        %add3A_1084 = arith.constant 16 : i32
        %add3A_1085 = vector.broadcast %add3A_1084 : i32 to vector<16xi32>
        %add3A_1086 = arith.addi %xor3A_34, %add3A_1085 : vector<16xi32>
        %select_n3A_1087 = arith.select %lt3A_1083, %add3A_1086, %xor3A_34 : vector<16xi1>, vector<16xi32>
        %broadcast_in_dim3A_1088 = vector.shape_cast %select_n3A_1087 : vector<16xi32> to vector<16x1xi32>
        %gather3A_1089 = vector.shape_cast %broadcast_in_dim3A_1088 : vector<16x1xi32> to vector<16xi32>
        %gather3A_1090 = tpu.dynamic_gather %max3A_1080[%gather3A_1089] in [0] : vector<16xf32>, vector<16xi32> -> vector<16xf32>
        %max3A_1091 = arith.maximumf %max3A_1080, %gather3A_1090 : vector<16xf32>
        %lt3A_1092 = arith.constant 0 : i32
        %lt3A_1093 = vector.broadcast %lt3A_1092 : i32 to vector<16xi32>
        %lt3A_1094 = arith.cmpi slt, %xor3A_37, %lt3A_1093 : vector<16xi32>
        %add3A_1095 = arith.constant 16 : i32
        %add3A_1096 = vector.broadcast %add3A_1095 : i32 to vector<16xi32>
        %add3A_1097 = arith.addi %xor3A_37, %add3A_1096 : vector<16xi32>
        %select_n3A_1098 = arith.select %lt3A_1094, %add3A_1097, %xor3A_37 : vector<16xi1>, vector<16xi32>
        %broadcast_in_dim3A_1099 = vector.shape_cast %select_n3A_1098 : vector<16xi32> to vector<16x1xi32>
        %gather3A_1100 = vector.shape_cast %broadcast_in_dim3A_1099 : vector<16x1xi32> to vector<16xi32>
        %gather3A_1101 = tpu.dynamic_gather %max3A_1091[%gather3A_1100] in [0] : vector<16xf32>, vector<16xi32> -> vector<16xf32>
        %max3A_1102 = arith.maximumf %max3A_1091, %gather3A_1101 : vector<16xf32>
        %lt3A_1103 = arith.constant 0 : i32
        %lt3A_1104 = vector.broadcast %lt3A_1103 : i32 to vector<16xi32>
        %lt3A_1105 = arith.cmpi slt, %xor3A_40, %lt3A_1104 : vector<16xi32>
        %add3A_1106 = arith.constant 16 : i32
        %add3A_1107 = vector.broadcast %add3A_1106 : i32 to vector<16xi32>
        %add3A_1108 = arith.addi %xor3A_40, %add3A_1107 : vector<16xi32>
        %select_n3A_1109 = arith.select %lt3A_1105, %add3A_1108, %xor3A_40 : vector<16xi1>, vector<16xi32>
        %broadcast_in_dim3A_1110 = vector.shape_cast %select_n3A_1109 : vector<16xi32> to vector<16x1xi32>
        %gather3A_1111 = vector.shape_cast %broadcast_in_dim3A_1110 : vector<16x1xi32> to vector<16xi32>
        %gather3A_1112 = tpu.dynamic_gather %max3A_1102[%gather3A_1111] in [0] : vector<16xf32>, vector<16xi32> -> vector<16xf32>
        %max3A_1113 = arith.maximumf %max3A_1102, %gather3A_1112 : vector<16xf32>
        %lt3A_1114 = arith.constant 0 : i32
        %lt3A_1115 = vector.broadcast %lt3A_1114 : i32 to vector<16xi32>
        %lt3A_1116 = arith.cmpi slt, %xor3A_43, %lt3A_1115 : vector<16xi32>
        %add3A_1117 = arith.constant 16 : i32
        %add3A_1118 = vector.broadcast %add3A_1117 : i32 to vector<16xi32>
        %add3A_1119 = arith.addi %xor3A_43, %add3A_1118 : vector<16xi32>
        %select_n3A_1120 = arith.select %lt3A_1116, %add3A_1119, %xor3A_43 : vector<16xi1>, vector<16xi32>
        %broadcast_in_dim3A_1121 = vector.shape_cast %select_n3A_1120 : vector<16xi32> to vector<16x1xi32>
        %gather3A_1122 = vector.shape_cast %broadcast_in_dim3A_1121 : vector<16x1xi32> to vector<16xi32>
        %gather3A_1123 = tpu.dynamic_gather %max3A_1113[%gather3A_1122] in [0] : vector<16xf32>, vector<16xi32> -> vector<16xf32>
        %max3A_1124 = arith.maximumf %max3A_1113, %gather3A_1123 : vector<16xf32>
        %eq3A_1125 = arith.cmpf oeq, %select_n3A_925, %max3A_1124 : vector<16xf32>
        %jit3A_1126 = arith.constant -3.000000e+38 : f32
        %broadcast_in_dim3A_1127 = vector.broadcast %jit3A_1126 : f32 to vector<16xf32>
        %select_n3A_1128 = arith.select %eq3A_1125, %broadcast_in_dim3A_1127, %select_n3A_925 : vector<16xi1>, vector<16xf32>
        %eq3A_1129 = arith.cmpf oeq, %select_n3A_929, %max3A_1124 : vector<16xf32>
        %jit3A_1130 = arith.constant -3.000000e+38 : f32
        %broadcast_in_dim3A_1131 = vector.broadcast %jit3A_1130 : f32 to vector<16xf32>
        %select_n3A_1132 = arith.select %eq3A_1129, %broadcast_in_dim3A_1131, %select_n3A_929 : vector<16xi1>, vector<16xf32>
        %eq3A_1133 = arith.cmpf oeq, %select_n3A_933, %max3A_1124 : vector<16xf32>
        %jit3A_1134 = arith.constant -3.000000e+38 : f32
        %broadcast_in_dim3A_1135 = vector.broadcast %jit3A_1134 : f32 to vector<16xf32>
        %select_n3A_1136 = arith.select %eq3A_1133, %broadcast_in_dim3A_1135, %select_n3A_933 : vector<16xi1>, vector<16xf32>
        %eq3A_1137 = arith.cmpf oeq, %select_n3A_937, %max3A_1124 : vector<16xf32>
        %jit3A_1138 = arith.constant -3.000000e+38 : f32
        %broadcast_in_dim3A_1139 = vector.broadcast %jit3A_1138 : f32 to vector<16xf32>
        %select_n3A_1140 = arith.select %eq3A_1137, %broadcast_in_dim3A_1139, %select_n3A_937 : vector<16xi1>, vector<16xf32>
        %eq3A_1141 = arith.cmpf oeq, %select_n3A_941, %max3A_1124 : vector<16xf32>
        %jit3A_1142 = arith.constant -3.000000e+38 : f32
        %broadcast_in_dim3A_1143 = vector.broadcast %jit3A_1142 : f32 to vector<16xf32>
        %select_n3A_1144 = arith.select %eq3A_1141, %broadcast_in_dim3A_1143, %select_n3A_941 : vector<16xi1>, vector<16xf32>
        %eq3A_1145 = arith.cmpf oeq, %select_n3A_945, %max3A_1124 : vector<16xf32>
        %jit3A_1146 = arith.constant -3.000000e+38 : f32
        %broadcast_in_dim3A_1147 = vector.broadcast %jit3A_1146 : f32 to vector<16xf32>
        %select_n3A_1148 = arith.select %eq3A_1145, %broadcast_in_dim3A_1147, %select_n3A_945 : vector<16xi1>, vector<16xf32>
        %eq3A_1149 = arith.cmpf oeq, %select_n3A_949, %max3A_1124 : vector<16xf32>
        %jit3A_1150 = arith.constant -3.000000e+38 : f32
        %broadcast_in_dim3A_1151 = vector.broadcast %jit3A_1150 : f32 to vector<16xf32>
        %select_n3A_1152 = arith.select %eq3A_1149, %broadcast_in_dim3A_1151, %select_n3A_949 : vector<16xi1>, vector<16xf32>
        %eq3A_1153 = arith.cmpf oeq, %select_n3A_953, %max3A_1124 : vector<16xf32>
        %jit3A_1154 = arith.constant -3.000000e+38 : f32
        %broadcast_in_dim3A_1155 = vector.broadcast %jit3A_1154 : f32 to vector<16xf32>
        %select_n3A_1156 = arith.select %eq3A_1153, %broadcast_in_dim3A_1155, %select_n3A_953 : vector<16xi1>, vector<16xf32>
        %eq3A_1157 = arith.cmpf oeq, %select_n3A_957, %max3A_1124 : vector<16xf32>
        %jit3A_1158 = arith.constant -3.000000e+38 : f32
        %broadcast_in_dim3A_1159 = vector.broadcast %jit3A_1158 : f32 to vector<16xf32>
        %select_n3A_1160 = arith.select %eq3A_1157, %broadcast_in_dim3A_1159, %select_n3A_957 : vector<16xi1>, vector<16xf32>
        %eq3A_1161 = arith.cmpf oeq, %select_n3A_961, %max3A_1124 : vector<16xf32>
        %jit3A_1162 = arith.constant -3.000000e+38 : f32
        %broadcast_in_dim3A_1163 = vector.broadcast %jit3A_1162 : f32 to vector<16xf32>
        %select_n3A_1164 = arith.select %eq3A_1161, %broadcast_in_dim3A_1163, %select_n3A_961 : vector<16xi1>, vector<16xf32>
        %eq3A_1165 = arith.cmpf oeq, %select_n3A_965, %max3A_1124 : vector<16xf32>
        %jit3A_1166 = arith.constant -3.000000e+38 : f32
        %broadcast_in_dim3A_1167 = vector.broadcast %jit3A_1166 : f32 to vector<16xf32>
        %select_n3A_1168 = arith.select %eq3A_1165, %broadcast_in_dim3A_1167, %select_n3A_965 : vector<16xi1>, vector<16xf32>
        %eq3A_1169 = arith.cmpf oeq, %select_n3A_969, %max3A_1124 : vector<16xf32>
        %jit3A_1170 = arith.constant -3.000000e+38 : f32
        %broadcast_in_dim3A_1171 = vector.broadcast %jit3A_1170 : f32 to vector<16xf32>
        %select_n3A_1172 = arith.select %eq3A_1169, %broadcast_in_dim3A_1171, %select_n3A_969 : vector<16xi1>, vector<16xf32>
        %eq3A_1173 = arith.cmpf oeq, %select_n3A_973, %max3A_1124 : vector<16xf32>
        %jit3A_1174 = arith.constant -3.000000e+38 : f32
        %broadcast_in_dim3A_1175 = vector.broadcast %jit3A_1174 : f32 to vector<16xf32>
        %select_n3A_1176 = arith.select %eq3A_1173, %broadcast_in_dim3A_1175, %select_n3A_973 : vector<16xi1>, vector<16xf32>
        %eq3A_1177 = arith.cmpf oeq, %select_n3A_977, %max3A_1124 : vector<16xf32>
        %jit3A_1178 = arith.constant -3.000000e+38 : f32
        %broadcast_in_dim3A_1179 = vector.broadcast %jit3A_1178 : f32 to vector<16xf32>
        %select_n3A_1180 = arith.select %eq3A_1177, %broadcast_in_dim3A_1179, %select_n3A_977 : vector<16xi1>, vector<16xf32>
        %eq3A_1181 = arith.cmpf oeq, %select_n3A_981, %max3A_1124 : vector<16xf32>
        %jit3A_1182 = arith.constant -3.000000e+38 : f32
        %broadcast_in_dim3A_1183 = vector.broadcast %jit3A_1182 : f32 to vector<16xf32>
        %select_n3A_1184 = arith.select %eq3A_1181, %broadcast_in_dim3A_1183, %select_n3A_981 : vector<16xi1>, vector<16xf32>
        %eq3A_1185 = arith.cmpf oeq, %select_n3A_985, %max3A_1124 : vector<16xf32>
        %jit3A_1186 = arith.constant -3.000000e+38 : f32
        %broadcast_in_dim3A_1187 = vector.broadcast %jit3A_1186 : f32 to vector<16xf32>
        %select_n3A_1188 = arith.select %eq3A_1185, %broadcast_in_dim3A_1187, %select_n3A_985 : vector<16xi1>, vector<16xf32>
        %eq3A_1189 = arith.cmpf oeq, %select_n3A_989, %max3A_1124 : vector<16xf32>
        %jit3A_1190 = arith.constant -3.000000e+38 : f32
        %broadcast_in_dim3A_1191 = vector.broadcast %jit3A_1190 : f32 to vector<16xf32>
        %select_n3A_1192 = arith.select %eq3A_1189, %broadcast_in_dim3A_1191, %select_n3A_989 : vector<16xi1>, vector<16xf32>
        %eq3A_1193 = arith.cmpf oeq, %select_n3A_993, %max3A_1124 : vector<16xf32>
        %jit3A_1194 = arith.constant -3.000000e+38 : f32
        %broadcast_in_dim3A_1195 = vector.broadcast %jit3A_1194 : f32 to vector<16xf32>
        %select_n3A_1196 = arith.select %eq3A_1193, %broadcast_in_dim3A_1195, %select_n3A_993 : vector<16xi1>, vector<16xf32>
        %eq3A_1197 = arith.cmpf oeq, %select_n3A_997, %max3A_1124 : vector<16xf32>
        %jit3A_1198 = arith.constant -3.000000e+38 : f32
        %broadcast_in_dim3A_1199 = vector.broadcast %jit3A_1198 : f32 to vector<16xf32>
        %select_n3A_1200 = arith.select %eq3A_1197, %broadcast_in_dim3A_1199, %select_n3A_997 : vector<16xi1>, vector<16xf32>
        %eq3A_1201 = arith.cmpf oeq, %select_n3A_1001, %max3A_1124 : vector<16xf32>
        %jit3A_1202 = arith.constant -3.000000e+38 : f32
        %broadcast_in_dim3A_1203 = vector.broadcast %jit3A_1202 : f32 to vector<16xf32>
        %select_n3A_1204 = arith.select %eq3A_1201, %broadcast_in_dim3A_1203, %select_n3A_1001 : vector<16xi1>, vector<16xf32>
        %eq3A_1205 = arith.cmpf oeq, %select_n3A_1005, %max3A_1124 : vector<16xf32>
        %jit3A_1206 = arith.constant -3.000000e+38 : f32
        %broadcast_in_dim3A_1207 = vector.broadcast %jit3A_1206 : f32 to vector<16xf32>
        %select_n3A_1208 = arith.select %eq3A_1205, %broadcast_in_dim3A_1207, %select_n3A_1005 : vector<16xi1>, vector<16xf32>
        %eq3A_1209 = arith.cmpf oeq, %select_n3A_1009, %max3A_1124 : vector<16xf32>
        %jit3A_1210 = arith.constant -3.000000e+38 : f32
        %broadcast_in_dim3A_1211 = vector.broadcast %jit3A_1210 : f32 to vector<16xf32>
        %select_n3A_1212 = arith.select %eq3A_1209, %broadcast_in_dim3A_1211, %select_n3A_1009 : vector<16xi1>, vector<16xf32>
        %eq3A_1213 = arith.cmpf oeq, %select_n3A_1013, %max3A_1124 : vector<16xf32>
        %jit3A_1214 = arith.constant -3.000000e+38 : f32
        %broadcast_in_dim3A_1215 = vector.broadcast %jit3A_1214 : f32 to vector<16xf32>
        %select_n3A_1216 = arith.select %eq3A_1213, %broadcast_in_dim3A_1215, %select_n3A_1013 : vector<16xi1>, vector<16xf32>
        %eq3A_1217 = arith.cmpf oeq, %select_n3A_1017, %max3A_1124 : vector<16xf32>
        %jit3A_1218 = arith.constant -3.000000e+38 : f32
        %broadcast_in_dim3A_1219 = vector.broadcast %jit3A_1218 : f32 to vector<16xf32>
        %select_n3A_1220 = arith.select %eq3A_1217, %broadcast_in_dim3A_1219, %select_n3A_1017 : vector<16xi1>, vector<16xf32>
        %eq3A_1221 = arith.cmpf oeq, %select_n3A_1021, %max3A_1124 : vector<16xf32>
        %jit3A_1222 = arith.constant -3.000000e+38 : f32
        %broadcast_in_dim3A_1223 = vector.broadcast %jit3A_1222 : f32 to vector<16xf32>
        %select_n3A_1224 = arith.select %eq3A_1221, %broadcast_in_dim3A_1223, %select_n3A_1021 : vector<16xi1>, vector<16xf32>
        %eq3A_1225 = arith.cmpf oeq, %select_n3A_1025, %max3A_1124 : vector<16xf32>
        %jit3A_1226 = arith.constant -3.000000e+38 : f32
        %broadcast_in_dim3A_1227 = vector.broadcast %jit3A_1226 : f32 to vector<16xf32>
        %select_n3A_1228 = arith.select %eq3A_1225, %broadcast_in_dim3A_1227, %select_n3A_1025 : vector<16xi1>, vector<16xf32>
        %eq3A_1229 = arith.cmpf oeq, %select_n3A_1029, %max3A_1124 : vector<16xf32>
        %jit3A_1230 = arith.constant -3.000000e+38 : f32
        %broadcast_in_dim3A_1231 = vector.broadcast %jit3A_1230 : f32 to vector<16xf32>
        %select_n3A_1232 = arith.select %eq3A_1229, %broadcast_in_dim3A_1231, %select_n3A_1029 : vector<16xi1>, vector<16xf32>
        %eq3A_1233 = arith.cmpf oeq, %select_n3A_1033, %max3A_1124 : vector<16xf32>
        %jit3A_1234 = arith.constant -3.000000e+38 : f32
        %broadcast_in_dim3A_1235 = vector.broadcast %jit3A_1234 : f32 to vector<16xf32>
        %select_n3A_1236 = arith.select %eq3A_1233, %broadcast_in_dim3A_1235, %select_n3A_1033 : vector<16xi1>, vector<16xf32>
        %eq3A_1237 = arith.cmpf oeq, %select_n3A_1037, %max3A_1124 : vector<16xf32>
        %jit3A_1238 = arith.constant -3.000000e+38 : f32
        %broadcast_in_dim3A_1239 = vector.broadcast %jit3A_1238 : f32 to vector<16xf32>
        %select_n3A_1240 = arith.select %eq3A_1237, %broadcast_in_dim3A_1239, %select_n3A_1037 : vector<16xi1>, vector<16xf32>
        %eq3A_1241 = arith.cmpf oeq, %select_n3A_1041, %max3A_1124 : vector<16xf32>
        %jit3A_1242 = arith.constant -3.000000e+38 : f32
        %broadcast_in_dim3A_1243 = vector.broadcast %jit3A_1242 : f32 to vector<16xf32>
        %select_n3A_1244 = arith.select %eq3A_1241, %broadcast_in_dim3A_1243, %select_n3A_1041 : vector<16xi1>, vector<16xf32>
        %eq3A_1245 = arith.cmpf oeq, %select_n3A_1045, %max3A_1124 : vector<16xf32>
        %jit3A_1246 = arith.constant -3.000000e+38 : f32
        %broadcast_in_dim3A_1247 = vector.broadcast %jit3A_1246 : f32 to vector<16xf32>
        %select_n3A_1248 = arith.select %eq3A_1245, %broadcast_in_dim3A_1247, %select_n3A_1045 : vector<16xi1>, vector<16xf32>
        %eq3A_1249 = arith.cmpf oeq, %select_n3A_1049, %max3A_1124 : vector<16xf32>
        %jit3A_1250 = arith.constant -3.000000e+38 : f32
        %broadcast_in_dim3A_1251 = vector.broadcast %jit3A_1250 : f32 to vector<16xf32>
        %select_n3A_1252 = arith.select %eq3A_1249, %broadcast_in_dim3A_1251, %select_n3A_1049 : vector<16xi1>, vector<16xf32>
        %max3A_1253 = arith.maximumf %select_n3A_1128, %select_n3A_1132 : vector<16xf32>
        %max3A_1254 = arith.maximumf %max3A_1253, %select_n3A_1136 : vector<16xf32>
        %max3A_1255 = arith.maximumf %max3A_1254, %select_n3A_1140 : vector<16xf32>
        %max3A_1256 = arith.maximumf %max3A_1255, %select_n3A_1144 : vector<16xf32>
        %max3A_1257 = arith.maximumf %max3A_1256, %select_n3A_1148 : vector<16xf32>
        %max3A_1258 = arith.maximumf %max3A_1257, %select_n3A_1152 : vector<16xf32>
        %max3A_1259 = arith.maximumf %max3A_1258, %select_n3A_1156 : vector<16xf32>
        %max3A_1260 = arith.maximumf %max3A_1259, %select_n3A_1160 : vector<16xf32>
        %max3A_1261 = arith.maximumf %max3A_1260, %select_n3A_1164 : vector<16xf32>
        %max3A_1262 = arith.maximumf %max3A_1261, %select_n3A_1168 : vector<16xf32>
        %max3A_1263 = arith.maximumf %max3A_1262, %select_n3A_1172 : vector<16xf32>
        %max3A_1264 = arith.maximumf %max3A_1263, %select_n3A_1176 : vector<16xf32>
        %max3A_1265 = arith.maximumf %max3A_1264, %select_n3A_1180 : vector<16xf32>
        %max3A_1266 = arith.maximumf %max3A_1265, %select_n3A_1184 : vector<16xf32>
        %max3A_1267 = arith.maximumf %max3A_1266, %select_n3A_1188 : vector<16xf32>
        %max3A_1268 = arith.maximumf %max3A_1267, %select_n3A_1192 : vector<16xf32>
        %max3A_1269 = arith.maximumf %max3A_1268, %select_n3A_1196 : vector<16xf32>
        %max3A_1270 = arith.maximumf %max3A_1269, %select_n3A_1200 : vector<16xf32>
        %max3A_1271 = arith.maximumf %max3A_1270, %select_n3A_1204 : vector<16xf32>
        %max3A_1272 = arith.maximumf %max3A_1271, %select_n3A_1208 : vector<16xf32>
        %max3A_1273 = arith.maximumf %max3A_1272, %select_n3A_1212 : vector<16xf32>
        %max3A_1274 = arith.maximumf %max3A_1273, %select_n3A_1216 : vector<16xf32>
        %max3A_1275 = arith.maximumf %max3A_1274, %select_n3A_1220 : vector<16xf32>
        %max3A_1276 = arith.maximumf %max3A_1275, %select_n3A_1224 : vector<16xf32>
        %max3A_1277 = arith.maximumf %max3A_1276, %select_n3A_1228 : vector<16xf32>
        %max3A_1278 = arith.maximumf %max3A_1277, %select_n3A_1232 : vector<16xf32>
        %max3A_1279 = arith.maximumf %max3A_1278, %select_n3A_1236 : vector<16xf32>
        %max3A_1280 = arith.maximumf %max3A_1279, %select_n3A_1240 : vector<16xf32>
        %max3A_1281 = arith.maximumf %max3A_1280, %select_n3A_1244 : vector<16xf32>
        %max3A_1282 = arith.maximumf %max3A_1281, %select_n3A_1248 : vector<16xf32>
        %max3A_1283 = arith.maximumf %max3A_1282, %select_n3A_1252 : vector<16xf32>
        %lt3A_1284 = arith.constant 0 : i32
        %lt3A_1285 = vector.broadcast %lt3A_1284 : i32 to vector<16xi32>
        %lt3A_1286 = arith.cmpi slt, %xor3A_34, %lt3A_1285 : vector<16xi32>
        %add3A_1287 = arith.constant 16 : i32
        %add3A_1288 = vector.broadcast %add3A_1287 : i32 to vector<16xi32>
        %add3A_1289 = arith.addi %xor3A_34, %add3A_1288 : vector<16xi32>
        %select_n3A_1290 = arith.select %lt3A_1286, %add3A_1289, %xor3A_34 : vector<16xi1>, vector<16xi32>
        %broadcast_in_dim3A_1291 = vector.shape_cast %select_n3A_1290 : vector<16xi32> to vector<16x1xi32>
        %gather3A_1292 = vector.shape_cast %broadcast_in_dim3A_1291 : vector<16x1xi32> to vector<16xi32>
        %gather3A_1293 = tpu.dynamic_gather %max3A_1283[%gather3A_1292] in [0] : vector<16xf32>, vector<16xi32> -> vector<16xf32>
        %max3A_1294 = arith.maximumf %max3A_1283, %gather3A_1293 : vector<16xf32>
        %lt3A_1295 = arith.constant 0 : i32
        %lt3A_1296 = vector.broadcast %lt3A_1295 : i32 to vector<16xi32>
        %lt3A_1297 = arith.cmpi slt, %xor3A_37, %lt3A_1296 : vector<16xi32>
        %add3A_1298 = arith.constant 16 : i32
        %add3A_1299 = vector.broadcast %add3A_1298 : i32 to vector<16xi32>
        %add3A_1300 = arith.addi %xor3A_37, %add3A_1299 : vector<16xi32>
        %select_n3A_1301 = arith.select %lt3A_1297, %add3A_1300, %xor3A_37 : vector<16xi1>, vector<16xi32>
        %broadcast_in_dim3A_1302 = vector.shape_cast %select_n3A_1301 : vector<16xi32> to vector<16x1xi32>
        %gather3A_1303 = vector.shape_cast %broadcast_in_dim3A_1302 : vector<16x1xi32> to vector<16xi32>
        %gather3A_1304 = tpu.dynamic_gather %max3A_1294[%gather3A_1303] in [0] : vector<16xf32>, vector<16xi32> -> vector<16xf32>
        %max3A_1305 = arith.maximumf %max3A_1294, %gather3A_1304 : vector<16xf32>
        %lt3A_1306 = arith.constant 0 : i32
        %lt3A_1307 = vector.broadcast %lt3A_1306 : i32 to vector<16xi32>
        %lt3A_1308 = arith.cmpi slt, %xor3A_40, %lt3A_1307 : vector<16xi32>
        %add3A_1309 = arith.constant 16 : i32
        %add3A_1310 = vector.broadcast %add3A_1309 : i32 to vector<16xi32>
        %add3A_1311 = arith.addi %xor3A_40, %add3A_1310 : vector<16xi32>
        %select_n3A_1312 = arith.select %lt3A_1308, %add3A_1311, %xor3A_40 : vector<16xi1>, vector<16xi32>
        %broadcast_in_dim3A_1313 = vector.shape_cast %select_n3A_1312 : vector<16xi32> to vector<16x1xi32>
        %gather3A_1314 = vector.shape_cast %broadcast_in_dim3A_1313 : vector<16x1xi32> to vector<16xi32>
        %gather3A_1315 = tpu.dynamic_gather %max3A_1305[%gather3A_1314] in [0] : vector<16xf32>, vector<16xi32> -> vector<16xf32>
        %max3A_1316 = arith.maximumf %max3A_1305, %gather3A_1315 : vector<16xf32>
        %lt3A_1317 = arith.constant 0 : i32
        %lt3A_1318 = vector.broadcast %lt3A_1317 : i32 to vector<16xi32>
        %lt3A_1319 = arith.cmpi slt, %xor3A_43, %lt3A_1318 : vector<16xi32>
        %add3A_1320 = arith.constant 16 : i32
        %add3A_1321 = vector.broadcast %add3A_1320 : i32 to vector<16xi32>
        %add3A_1322 = arith.addi %xor3A_43, %add3A_1321 : vector<16xi32>
        %select_n3A_1323 = arith.select %lt3A_1319, %add3A_1322, %xor3A_43 : vector<16xi1>, vector<16xi32>
        %broadcast_in_dim3A_1324 = vector.shape_cast %select_n3A_1323 : vector<16xi32> to vector<16x1xi32>
        %gather3A_1325 = vector.shape_cast %broadcast_in_dim3A_1324 : vector<16x1xi32> to vector<16xi32>
        %gather3A_1326 = tpu.dynamic_gather %max3A_1316[%gather3A_1325] in [0] : vector<16xf32>, vector<16xi32> -> vector<16xf32>
        %max3A_1327 = arith.maximumf %max3A_1316, %gather3A_1326 : vector<16xf32>
        %eq3A_1328 = arith.cmpf oeq, %select_n3A_1128, %max3A_1327 : vector<16xf32>
        %jit3A_1329 = arith.constant -3.000000e+38 : f32
        %broadcast_in_dim3A_1330 = vector.broadcast %jit3A_1329 : f32 to vector<16xf32>
        %select_n3A_1331 = arith.select %eq3A_1328, %broadcast_in_dim3A_1330, %select_n3A_1128 : vector<16xi1>, vector<16xf32>
        %eq3A_1332 = arith.cmpf oeq, %select_n3A_1132, %max3A_1327 : vector<16xf32>
        %jit3A_1333 = arith.constant -3.000000e+38 : f32
        %broadcast_in_dim3A_1334 = vector.broadcast %jit3A_1333 : f32 to vector<16xf32>
        %select_n3A_1335 = arith.select %eq3A_1332, %broadcast_in_dim3A_1334, %select_n3A_1132 : vector<16xi1>, vector<16xf32>
        %eq3A_1336 = arith.cmpf oeq, %select_n3A_1136, %max3A_1327 : vector<16xf32>
        %jit3A_1337 = arith.constant -3.000000e+38 : f32
        %broadcast_in_dim3A_1338 = vector.broadcast %jit3A_1337 : f32 to vector<16xf32>
        %select_n3A_1339 = arith.select %eq3A_1336, %broadcast_in_dim3A_1338, %select_n3A_1136 : vector<16xi1>, vector<16xf32>
        %eq3A_1340 = arith.cmpf oeq, %select_n3A_1140, %max3A_1327 : vector<16xf32>
        %jit3A_1341 = arith.constant -3.000000e+38 : f32
        %broadcast_in_dim3A_1342 = vector.broadcast %jit3A_1341 : f32 to vector<16xf32>
        %select_n3A_1343 = arith.select %eq3A_1340, %broadcast_in_dim3A_1342, %select_n3A_1140 : vector<16xi1>, vector<16xf32>
        %eq3A_1344 = arith.cmpf oeq, %select_n3A_1144, %max3A_1327 : vector<16xf32>
        %jit3A_1345 = arith.constant -3.000000e+38 : f32
        %broadcast_in_dim3A_1346 = vector.broadcast %jit3A_1345 : f32 to vector<16xf32>
        %select_n3A_1347 = arith.select %eq3A_1344, %broadcast_in_dim3A_1346, %select_n3A_1144 : vector<16xi1>, vector<16xf32>
        %eq3A_1348 = arith.cmpf oeq, %select_n3A_1148, %max3A_1327 : vector<16xf32>
        %jit3A_1349 = arith.constant -3.000000e+38 : f32
        %broadcast_in_dim3A_1350 = vector.broadcast %jit3A_1349 : f32 to vector<16xf32>
        %select_n3A_1351 = arith.select %eq3A_1348, %broadcast_in_dim3A_1350, %select_n3A_1148 : vector<16xi1>, vector<16xf32>
        %eq3A_1352 = arith.cmpf oeq, %select_n3A_1152, %max3A_1327 : vector<16xf32>
        %jit3A_1353 = arith.constant -3.000000e+38 : f32
        %broadcast_in_dim3A_1354 = vector.broadcast %jit3A_1353 : f32 to vector<16xf32>
        %select_n3A_1355 = arith.select %eq3A_1352, %broadcast_in_dim3A_1354, %select_n3A_1152 : vector<16xi1>, vector<16xf32>
        %eq3A_1356 = arith.cmpf oeq, %select_n3A_1156, %max3A_1327 : vector<16xf32>
        %jit3A_1357 = arith.constant -3.000000e+38 : f32
        %broadcast_in_dim3A_1358 = vector.broadcast %jit3A_1357 : f32 to vector<16xf32>
        %select_n3A_1359 = arith.select %eq3A_1356, %broadcast_in_dim3A_1358, %select_n3A_1156 : vector<16xi1>, vector<16xf32>
        %eq3A_1360 = arith.cmpf oeq, %select_n3A_1160, %max3A_1327 : vector<16xf32>
        %jit3A_1361 = arith.constant -3.000000e+38 : f32
        %broadcast_in_dim3A_1362 = vector.broadcast %jit3A_1361 : f32 to vector<16xf32>
        %select_n3A_1363 = arith.select %eq3A_1360, %broadcast_in_dim3A_1362, %select_n3A_1160 : vector<16xi1>, vector<16xf32>
        %eq3A_1364 = arith.cmpf oeq, %select_n3A_1164, %max3A_1327 : vector<16xf32>
        %jit3A_1365 = arith.constant -3.000000e+38 : f32
        %broadcast_in_dim3A_1366 = vector.broadcast %jit3A_1365 : f32 to vector<16xf32>
        %select_n3A_1367 = arith.select %eq3A_1364, %broadcast_in_dim3A_1366, %select_n3A_1164 : vector<16xi1>, vector<16xf32>
        %eq3A_1368 = arith.cmpf oeq, %select_n3A_1168, %max3A_1327 : vector<16xf32>
        %jit3A_1369 = arith.constant -3.000000e+38 : f32
        %broadcast_in_dim3A_1370 = vector.broadcast %jit3A_1369 : f32 to vector<16xf32>
        %select_n3A_1371 = arith.select %eq3A_1368, %broadcast_in_dim3A_1370, %select_n3A_1168 : vector<16xi1>, vector<16xf32>
        %eq3A_1372 = arith.cmpf oeq, %select_n3A_1172, %max3A_1327 : vector<16xf32>
        %jit3A_1373 = arith.constant -3.000000e+38 : f32
        %broadcast_in_dim3A_1374 = vector.broadcast %jit3A_1373 : f32 to vector<16xf32>
        %select_n3A_1375 = arith.select %eq3A_1372, %broadcast_in_dim3A_1374, %select_n3A_1172 : vector<16xi1>, vector<16xf32>
        %eq3A_1376 = arith.cmpf oeq, %select_n3A_1176, %max3A_1327 : vector<16xf32>
        %jit3A_1377 = arith.constant -3.000000e+38 : f32
        %broadcast_in_dim3A_1378 = vector.broadcast %jit3A_1377 : f32 to vector<16xf32>
        %select_n3A_1379 = arith.select %eq3A_1376, %broadcast_in_dim3A_1378, %select_n3A_1176 : vector<16xi1>, vector<16xf32>
        %eq3A_1380 = arith.cmpf oeq, %select_n3A_1180, %max3A_1327 : vector<16xf32>
        %jit3A_1381 = arith.constant -3.000000e+38 : f32
        %broadcast_in_dim3A_1382 = vector.broadcast %jit3A_1381 : f32 to vector<16xf32>
        %select_n3A_1383 = arith.select %eq3A_1380, %broadcast_in_dim3A_1382, %select_n3A_1180 : vector<16xi1>, vector<16xf32>
        %eq3A_1384 = arith.cmpf oeq, %select_n3A_1184, %max3A_1327 : vector<16xf32>
        %jit3A_1385 = arith.constant -3.000000e+38 : f32
        %broadcast_in_dim3A_1386 = vector.broadcast %jit3A_1385 : f32 to vector<16xf32>
        %select_n3A_1387 = arith.select %eq3A_1384, %broadcast_in_dim3A_1386, %select_n3A_1184 : vector<16xi1>, vector<16xf32>
        %eq3A_1388 = arith.cmpf oeq, %select_n3A_1188, %max3A_1327 : vector<16xf32>
        %jit3A_1389 = arith.constant -3.000000e+38 : f32
        %broadcast_in_dim3A_1390 = vector.broadcast %jit3A_1389 : f32 to vector<16xf32>
        %select_n3A_1391 = arith.select %eq3A_1388, %broadcast_in_dim3A_1390, %select_n3A_1188 : vector<16xi1>, vector<16xf32>
        %eq3A_1392 = arith.cmpf oeq, %select_n3A_1192, %max3A_1327 : vector<16xf32>
        %jit3A_1393 = arith.constant -3.000000e+38 : f32
        %broadcast_in_dim3A_1394 = vector.broadcast %jit3A_1393 : f32 to vector<16xf32>
        %select_n3A_1395 = arith.select %eq3A_1392, %broadcast_in_dim3A_1394, %select_n3A_1192 : vector<16xi1>, vector<16xf32>
        %eq3A_1396 = arith.cmpf oeq, %select_n3A_1196, %max3A_1327 : vector<16xf32>
        %jit3A_1397 = arith.constant -3.000000e+38 : f32
        %broadcast_in_dim3A_1398 = vector.broadcast %jit3A_1397 : f32 to vector<16xf32>
        %select_n3A_1399 = arith.select %eq3A_1396, %broadcast_in_dim3A_1398, %select_n3A_1196 : vector<16xi1>, vector<16xf32>
        %eq3A_1400 = arith.cmpf oeq, %select_n3A_1200, %max3A_1327 : vector<16xf32>
        %jit3A_1401 = arith.constant -3.000000e+38 : f32
        %broadcast_in_dim3A_1402 = vector.broadcast %jit3A_1401 : f32 to vector<16xf32>
        %select_n3A_1403 = arith.select %eq3A_1400, %broadcast_in_dim3A_1402, %select_n3A_1200 : vector<16xi1>, vector<16xf32>
        %eq3A_1404 = arith.cmpf oeq, %select_n3A_1204, %max3A_1327 : vector<16xf32>
        %jit3A_1405 = arith.constant -3.000000e+38 : f32
        %broadcast_in_dim3A_1406 = vector.broadcast %jit3A_1405 : f32 to vector<16xf32>
        %select_n3A_1407 = arith.select %eq3A_1404, %broadcast_in_dim3A_1406, %select_n3A_1204 : vector<16xi1>, vector<16xf32>
        %eq3A_1408 = arith.cmpf oeq, %select_n3A_1208, %max3A_1327 : vector<16xf32>
        %jit3A_1409 = arith.constant -3.000000e+38 : f32
        %broadcast_in_dim3A_1410 = vector.broadcast %jit3A_1409 : f32 to vector<16xf32>
        %select_n3A_1411 = arith.select %eq3A_1408, %broadcast_in_dim3A_1410, %select_n3A_1208 : vector<16xi1>, vector<16xf32>
        %eq3A_1412 = arith.cmpf oeq, %select_n3A_1212, %max3A_1327 : vector<16xf32>
        %jit3A_1413 = arith.constant -3.000000e+38 : f32
        %broadcast_in_dim3A_1414 = vector.broadcast %jit3A_1413 : f32 to vector<16xf32>
        %select_n3A_1415 = arith.select %eq3A_1412, %broadcast_in_dim3A_1414, %select_n3A_1212 : vector<16xi1>, vector<16xf32>
        %eq3A_1416 = arith.cmpf oeq, %select_n3A_1216, %max3A_1327 : vector<16xf32>
        %jit3A_1417 = arith.constant -3.000000e+38 : f32
        %broadcast_in_dim3A_1418 = vector.broadcast %jit3A_1417 : f32 to vector<16xf32>
        %select_n3A_1419 = arith.select %eq3A_1416, %broadcast_in_dim3A_1418, %select_n3A_1216 : vector<16xi1>, vector<16xf32>
        %eq3A_1420 = arith.cmpf oeq, %select_n3A_1220, %max3A_1327 : vector<16xf32>
        %jit3A_1421 = arith.constant -3.000000e+38 : f32
        %broadcast_in_dim3A_1422 = vector.broadcast %jit3A_1421 : f32 to vector<16xf32>
        %select_n3A_1423 = arith.select %eq3A_1420, %broadcast_in_dim3A_1422, %select_n3A_1220 : vector<16xi1>, vector<16xf32>
        %eq3A_1424 = arith.cmpf oeq, %select_n3A_1224, %max3A_1327 : vector<16xf32>
        %jit3A_1425 = arith.constant -3.000000e+38 : f32
        %broadcast_in_dim3A_1426 = vector.broadcast %jit3A_1425 : f32 to vector<16xf32>
        %select_n3A_1427 = arith.select %eq3A_1424, %broadcast_in_dim3A_1426, %select_n3A_1224 : vector<16xi1>, vector<16xf32>
        %eq3A_1428 = arith.cmpf oeq, %select_n3A_1228, %max3A_1327 : vector<16xf32>
        %jit3A_1429 = arith.constant -3.000000e+38 : f32
        %broadcast_in_dim3A_1430 = vector.broadcast %jit3A_1429 : f32 to vector<16xf32>
        %select_n3A_1431 = arith.select %eq3A_1428, %broadcast_in_dim3A_1430, %select_n3A_1228 : vector<16xi1>, vector<16xf32>
        %eq3A_1432 = arith.cmpf oeq, %select_n3A_1232, %max3A_1327 : vector<16xf32>
        %jit3A_1433 = arith.constant -3.000000e+38 : f32
        %broadcast_in_dim3A_1434 = vector.broadcast %jit3A_1433 : f32 to vector<16xf32>
        %select_n3A_1435 = arith.select %eq3A_1432, %broadcast_in_dim3A_1434, %select_n3A_1232 : vector<16xi1>, vector<16xf32>
        %eq3A_1436 = arith.cmpf oeq, %select_n3A_1236, %max3A_1327 : vector<16xf32>
        %jit3A_1437 = arith.constant -3.000000e+38 : f32
        %broadcast_in_dim3A_1438 = vector.broadcast %jit3A_1437 : f32 to vector<16xf32>
        %select_n3A_1439 = arith.select %eq3A_1436, %broadcast_in_dim3A_1438, %select_n3A_1236 : vector<16xi1>, vector<16xf32>
        %eq3A_1440 = arith.cmpf oeq, %select_n3A_1240, %max3A_1327 : vector<16xf32>
        %jit3A_1441 = arith.constant -3.000000e+38 : f32
        %broadcast_in_dim3A_1442 = vector.broadcast %jit3A_1441 : f32 to vector<16xf32>
        %select_n3A_1443 = arith.select %eq3A_1440, %broadcast_in_dim3A_1442, %select_n3A_1240 : vector<16xi1>, vector<16xf32>
        %eq3A_1444 = arith.cmpf oeq, %select_n3A_1244, %max3A_1327 : vector<16xf32>
        %jit3A_1445 = arith.constant -3.000000e+38 : f32
        %broadcast_in_dim3A_1446 = vector.broadcast %jit3A_1445 : f32 to vector<16xf32>
        %select_n3A_1447 = arith.select %eq3A_1444, %broadcast_in_dim3A_1446, %select_n3A_1244 : vector<16xi1>, vector<16xf32>
        %eq3A_1448 = arith.cmpf oeq, %select_n3A_1248, %max3A_1327 : vector<16xf32>
        %jit3A_1449 = arith.constant -3.000000e+38 : f32
        %broadcast_in_dim3A_1450 = vector.broadcast %jit3A_1449 : f32 to vector<16xf32>
        %select_n3A_1451 = arith.select %eq3A_1448, %broadcast_in_dim3A_1450, %select_n3A_1248 : vector<16xi1>, vector<16xf32>
        %eq3A_1452 = arith.cmpf oeq, %select_n3A_1252, %max3A_1327 : vector<16xf32>
        %jit3A_1453 = arith.constant -3.000000e+38 : f32
        %broadcast_in_dim3A_1454 = vector.broadcast %jit3A_1453 : f32 to vector<16xf32>
        %select_n3A_1455 = arith.select %eq3A_1452, %broadcast_in_dim3A_1454, %select_n3A_1252 : vector<16xi1>, vector<16xf32>
        %max3A_1456 = arith.maximumf %select_n3A_1331, %select_n3A_1335 : vector<16xf32>
        %max3A_1457 = arith.maximumf %max3A_1456, %select_n3A_1339 : vector<16xf32>
        %max3A_1458 = arith.maximumf %max3A_1457, %select_n3A_1343 : vector<16xf32>
        %max3A_1459 = arith.maximumf %max3A_1458, %select_n3A_1347 : vector<16xf32>
        %max3A_1460 = arith.maximumf %max3A_1459, %select_n3A_1351 : vector<16xf32>
        %max3A_1461 = arith.maximumf %max3A_1460, %select_n3A_1355 : vector<16xf32>
        %max3A_1462 = arith.maximumf %max3A_1461, %select_n3A_1359 : vector<16xf32>
        %max3A_1463 = arith.maximumf %max3A_1462, %select_n3A_1363 : vector<16xf32>
        %max3A_1464 = arith.maximumf %max3A_1463, %select_n3A_1367 : vector<16xf32>
        %max3A_1465 = arith.maximumf %max3A_1464, %select_n3A_1371 : vector<16xf32>
        %max3A_1466 = arith.maximumf %max3A_1465, %select_n3A_1375 : vector<16xf32>
        %max3A_1467 = arith.maximumf %max3A_1466, %select_n3A_1379 : vector<16xf32>
        %max3A_1468 = arith.maximumf %max3A_1467, %select_n3A_1383 : vector<16xf32>
        %max3A_1469 = arith.maximumf %max3A_1468, %select_n3A_1387 : vector<16xf32>
        %max3A_1470 = arith.maximumf %max3A_1469, %select_n3A_1391 : vector<16xf32>
        %max3A_1471 = arith.maximumf %max3A_1470, %select_n3A_1395 : vector<16xf32>
        %max3A_1472 = arith.maximumf %max3A_1471, %select_n3A_1399 : vector<16xf32>
        %max3A_1473 = arith.maximumf %max3A_1472, %select_n3A_1403 : vector<16xf32>
        %max3A_1474 = arith.maximumf %max3A_1473, %select_n3A_1407 : vector<16xf32>
        %max3A_1475 = arith.maximumf %max3A_1474, %select_n3A_1411 : vector<16xf32>
        %max3A_1476 = arith.maximumf %max3A_1475, %select_n3A_1415 : vector<16xf32>
        %max3A_1477 = arith.maximumf %max3A_1476, %select_n3A_1419 : vector<16xf32>
        %max3A_1478 = arith.maximumf %max3A_1477, %select_n3A_1423 : vector<16xf32>
        %max3A_1479 = arith.maximumf %max3A_1478, %select_n3A_1427 : vector<16xf32>
        %max3A_1480 = arith.maximumf %max3A_1479, %select_n3A_1431 : vector<16xf32>
        %max3A_1481 = arith.maximumf %max3A_1480, %select_n3A_1435 : vector<16xf32>
        %max3A_1482 = arith.maximumf %max3A_1481, %select_n3A_1439 : vector<16xf32>
        %max3A_1483 = arith.maximumf %max3A_1482, %select_n3A_1443 : vector<16xf32>
        %max3A_1484 = arith.maximumf %max3A_1483, %select_n3A_1447 : vector<16xf32>
        %max3A_1485 = arith.maximumf %max3A_1484, %select_n3A_1451 : vector<16xf32>
        %max3A_1486 = arith.maximumf %max3A_1485, %select_n3A_1455 : vector<16xf32>
        %lt3A_1487 = arith.constant 0 : i32
        %lt3A_1488 = vector.broadcast %lt3A_1487 : i32 to vector<16xi32>
        %lt3A_1489 = arith.cmpi slt, %xor3A_34, %lt3A_1488 : vector<16xi32>
        %add3A_1490 = arith.constant 16 : i32
        %add3A_1491 = vector.broadcast %add3A_1490 : i32 to vector<16xi32>
        %add3A_1492 = arith.addi %xor3A_34, %add3A_1491 : vector<16xi32>
        %select_n3A_1493 = arith.select %lt3A_1489, %add3A_1492, %xor3A_34 : vector<16xi1>, vector<16xi32>
        %broadcast_in_dim3A_1494 = vector.shape_cast %select_n3A_1493 : vector<16xi32> to vector<16x1xi32>
        %gather3A_1495 = vector.shape_cast %broadcast_in_dim3A_1494 : vector<16x1xi32> to vector<16xi32>
        %gather3A_1496 = tpu.dynamic_gather %max3A_1486[%gather3A_1495] in [0] : vector<16xf32>, vector<16xi32> -> vector<16xf32>
        %max3A_1497 = arith.maximumf %max3A_1486, %gather3A_1496 : vector<16xf32>
        %lt3A_1498 = arith.constant 0 : i32
        %lt3A_1499 = vector.broadcast %lt3A_1498 : i32 to vector<16xi32>
        %lt3A_1500 = arith.cmpi slt, %xor3A_37, %lt3A_1499 : vector<16xi32>
        %add3A_1501 = arith.constant 16 : i32
        %add3A_1502 = vector.broadcast %add3A_1501 : i32 to vector<16xi32>
        %add3A_1503 = arith.addi %xor3A_37, %add3A_1502 : vector<16xi32>
        %select_n3A_1504 = arith.select %lt3A_1500, %add3A_1503, %xor3A_37 : vector<16xi1>, vector<16xi32>
        %broadcast_in_dim3A_1505 = vector.shape_cast %select_n3A_1504 : vector<16xi32> to vector<16x1xi32>
        %gather3A_1506 = vector.shape_cast %broadcast_in_dim3A_1505 : vector<16x1xi32> to vector<16xi32>
        %gather3A_1507 = tpu.dynamic_gather %max3A_1497[%gather3A_1506] in [0] : vector<16xf32>, vector<16xi32> -> vector<16xf32>
        %max3A_1508 = arith.maximumf %max3A_1497, %gather3A_1507 : vector<16xf32>
        %lt3A_1509 = arith.constant 0 : i32
        %lt3A_1510 = vector.broadcast %lt3A_1509 : i32 to vector<16xi32>
        %lt3A_1511 = arith.cmpi slt, %xor3A_40, %lt3A_1510 : vector<16xi32>
        %add3A_1512 = arith.constant 16 : i32
        %add3A_1513 = vector.broadcast %add3A_1512 : i32 to vector<16xi32>
        %add3A_1514 = arith.addi %xor3A_40, %add3A_1513 : vector<16xi32>
        %select_n3A_1515 = arith.select %lt3A_1511, %add3A_1514, %xor3A_40 : vector<16xi1>, vector<16xi32>
        %broadcast_in_dim3A_1516 = vector.shape_cast %select_n3A_1515 : vector<16xi32> to vector<16x1xi32>
        %gather3A_1517 = vector.shape_cast %broadcast_in_dim3A_1516 : vector<16x1xi32> to vector<16xi32>
        %gather3A_1518 = tpu.dynamic_gather %max3A_1508[%gather3A_1517] in [0] : vector<16xf32>, vector<16xi32> -> vector<16xf32>
        %max3A_1519 = arith.maximumf %max3A_1508, %gather3A_1518 : vector<16xf32>
        %lt3A_1520 = arith.constant 0 : i32
        %lt3A_1521 = vector.broadcast %lt3A_1520 : i32 to vector<16xi32>
        %lt3A_1522 = arith.cmpi slt, %xor3A_43, %lt3A_1521 : vector<16xi32>
        %add3A_1523 = arith.constant 16 : i32
        %add3A_1524 = vector.broadcast %add3A_1523 : i32 to vector<16xi32>
        %add3A_1525 = arith.addi %xor3A_43, %add3A_1524 : vector<16xi32>
        %select_n3A_1526 = arith.select %lt3A_1522, %add3A_1525, %xor3A_43 : vector<16xi1>, vector<16xi32>
        %broadcast_in_dim3A_1527 = vector.shape_cast %select_n3A_1526 : vector<16xi32> to vector<16x1xi32>
        %gather3A_1528 = vector.shape_cast %broadcast_in_dim3A_1527 : vector<16x1xi32> to vector<16xi32>
        %gather3A_1529 = tpu.dynamic_gather %max3A_1519[%gather3A_1528] in [0] : vector<16xf32>, vector<16xi32> -> vector<16xf32>
        %max3A_1530 = arith.maximumf %max3A_1519, %gather3A_1529 : vector<16xf32>
        %eq3A_1531 = arith.cmpf oeq, %select_n3A_1331, %max3A_1530 : vector<16xf32>
        %jit3A_1532 = arith.constant -3.000000e+38 : f32
        %broadcast_in_dim3A_1533 = vector.broadcast %jit3A_1532 : f32 to vector<16xf32>
        %select_n3A_1534 = arith.select %eq3A_1531, %broadcast_in_dim3A_1533, %select_n3A_1331 : vector<16xi1>, vector<16xf32>
        %eq3A_1535 = arith.cmpf oeq, %select_n3A_1335, %max3A_1530 : vector<16xf32>
        %jit3A_1536 = arith.constant -3.000000e+38 : f32
        %broadcast_in_dim3A_1537 = vector.broadcast %jit3A_1536 : f32 to vector<16xf32>
        %select_n3A_1538 = arith.select %eq3A_1535, %broadcast_in_dim3A_1537, %select_n3A_1335 : vector<16xi1>, vector<16xf32>
        %eq3A_1539 = arith.cmpf oeq, %select_n3A_1339, %max3A_1530 : vector<16xf32>
        %jit3A_1540 = arith.constant -3.000000e+38 : f32
        %broadcast_in_dim3A_1541 = vector.broadcast %jit3A_1540 : f32 to vector<16xf32>
        %select_n3A_1542 = arith.select %eq3A_1539, %broadcast_in_dim3A_1541, %select_n3A_1339 : vector<16xi1>, vector<16xf32>
        %eq3A_1543 = arith.cmpf oeq, %select_n3A_1343, %max3A_1530 : vector<16xf32>
        %jit3A_1544 = arith.constant -3.000000e+38 : f32
        %broadcast_in_dim3A_1545 = vector.broadcast %jit3A_1544 : f32 to vector<16xf32>
        %select_n3A_1546 = arith.select %eq3A_1543, %broadcast_in_dim3A_1545, %select_n3A_1343 : vector<16xi1>, vector<16xf32>
        %eq3A_1547 = arith.cmpf oeq, %select_n3A_1347, %max3A_1530 : vector<16xf32>
        %jit3A_1548 = arith.constant -3.000000e+38 : f32
        %broadcast_in_dim3A_1549 = vector.broadcast %jit3A_1548 : f32 to vector<16xf32>
        %select_n3A_1550 = arith.select %eq3A_1547, %broadcast_in_dim3A_1549, %select_n3A_1347 : vector<16xi1>, vector<16xf32>
        %eq3A_1551 = arith.cmpf oeq, %select_n3A_1351, %max3A_1530 : vector<16xf32>
        %jit3A_1552 = arith.constant -3.000000e+38 : f32
        %broadcast_in_dim3A_1553 = vector.broadcast %jit3A_1552 : f32 to vector<16xf32>
        %select_n3A_1554 = arith.select %eq3A_1551, %broadcast_in_dim3A_1553, %select_n3A_1351 : vector<16xi1>, vector<16xf32>
        %eq3A_1555 = arith.cmpf oeq, %select_n3A_1355, %max3A_1530 : vector<16xf32>
        %jit3A_1556 = arith.constant -3.000000e+38 : f32
        %broadcast_in_dim3A_1557 = vector.broadcast %jit3A_1556 : f32 to vector<16xf32>
        %select_n3A_1558 = arith.select %eq3A_1555, %broadcast_in_dim3A_1557, %select_n3A_1355 : vector<16xi1>, vector<16xf32>
        %eq3A_1559 = arith.cmpf oeq, %select_n3A_1359, %max3A_1530 : vector<16xf32>
        %jit3A_1560 = arith.constant -3.000000e+38 : f32
        %broadcast_in_dim3A_1561 = vector.broadcast %jit3A_1560 : f32 to vector<16xf32>
        %select_n3A_1562 = arith.select %eq3A_1559, %broadcast_in_dim3A_1561, %select_n3A_1359 : vector<16xi1>, vector<16xf32>
        %eq3A_1563 = arith.cmpf oeq, %select_n3A_1363, %max3A_1530 : vector<16xf32>
        %jit3A_1564 = arith.constant -3.000000e+38 : f32
        %broadcast_in_dim3A_1565 = vector.broadcast %jit3A_1564 : f32 to vector<16xf32>
        %select_n3A_1566 = arith.select %eq3A_1563, %broadcast_in_dim3A_1565, %select_n3A_1363 : vector<16xi1>, vector<16xf32>
        %eq3A_1567 = arith.cmpf oeq, %select_n3A_1367, %max3A_1530 : vector<16xf32>
        %jit3A_1568 = arith.constant -3.000000e+38 : f32
        %broadcast_in_dim3A_1569 = vector.broadcast %jit3A_1568 : f32 to vector<16xf32>
        %select_n3A_1570 = arith.select %eq3A_1567, %broadcast_in_dim3A_1569, %select_n3A_1367 : vector<16xi1>, vector<16xf32>
        %eq3A_1571 = arith.cmpf oeq, %select_n3A_1371, %max3A_1530 : vector<16xf32>
        %jit3A_1572 = arith.constant -3.000000e+38 : f32
        %broadcast_in_dim3A_1573 = vector.broadcast %jit3A_1572 : f32 to vector<16xf32>
        %select_n3A_1574 = arith.select %eq3A_1571, %broadcast_in_dim3A_1573, %select_n3A_1371 : vector<16xi1>, vector<16xf32>
        %eq3A_1575 = arith.cmpf oeq, %select_n3A_1375, %max3A_1530 : vector<16xf32>
        %jit3A_1576 = arith.constant -3.000000e+38 : f32
        %broadcast_in_dim3A_1577 = vector.broadcast %jit3A_1576 : f32 to vector<16xf32>
        %select_n3A_1578 = arith.select %eq3A_1575, %broadcast_in_dim3A_1577, %select_n3A_1375 : vector<16xi1>, vector<16xf32>
        %eq3A_1579 = arith.cmpf oeq, %select_n3A_1379, %max3A_1530 : vector<16xf32>
        %jit3A_1580 = arith.constant -3.000000e+38 : f32
        %broadcast_in_dim3A_1581 = vector.broadcast %jit3A_1580 : f32 to vector<16xf32>
        %select_n3A_1582 = arith.select %eq3A_1579, %broadcast_in_dim3A_1581, %select_n3A_1379 : vector<16xi1>, vector<16xf32>
        %eq3A_1583 = arith.cmpf oeq, %select_n3A_1383, %max3A_1530 : vector<16xf32>
        %jit3A_1584 = arith.constant -3.000000e+38 : f32
        %broadcast_in_dim3A_1585 = vector.broadcast %jit3A_1584 : f32 to vector<16xf32>
        %select_n3A_1586 = arith.select %eq3A_1583, %broadcast_in_dim3A_1585, %select_n3A_1383 : vector<16xi1>, vector<16xf32>
        %eq3A_1587 = arith.cmpf oeq, %select_n3A_1387, %max3A_1530 : vector<16xf32>
        %jit3A_1588 = arith.constant -3.000000e+38 : f32
        %broadcast_in_dim3A_1589 = vector.broadcast %jit3A_1588 : f32 to vector<16xf32>
        %select_n3A_1590 = arith.select %eq3A_1587, %broadcast_in_dim3A_1589, %select_n3A_1387 : vector<16xi1>, vector<16xf32>
        %eq3A_1591 = arith.cmpf oeq, %select_n3A_1391, %max3A_1530 : vector<16xf32>
        %jit3A_1592 = arith.constant -3.000000e+38 : f32
        %broadcast_in_dim3A_1593 = vector.broadcast %jit3A_1592 : f32 to vector<16xf32>
        %select_n3A_1594 = arith.select %eq3A_1591, %broadcast_in_dim3A_1593, %select_n3A_1391 : vector<16xi1>, vector<16xf32>
        %eq3A_1595 = arith.cmpf oeq, %select_n3A_1395, %max3A_1530 : vector<16xf32>
        %jit3A_1596 = arith.constant -3.000000e+38 : f32
        %broadcast_in_dim3A_1597 = vector.broadcast %jit3A_1596 : f32 to vector<16xf32>
        %select_n3A_1598 = arith.select %eq3A_1595, %broadcast_in_dim3A_1597, %select_n3A_1395 : vector<16xi1>, vector<16xf32>
        %eq3A_1599 = arith.cmpf oeq, %select_n3A_1399, %max3A_1530 : vector<16xf32>
        %jit3A_1600 = arith.constant -3.000000e+38 : f32
        %broadcast_in_dim3A_1601 = vector.broadcast %jit3A_1600 : f32 to vector<16xf32>
        %select_n3A_1602 = arith.select %eq3A_1599, %broadcast_in_dim3A_1601, %select_n3A_1399 : vector<16xi1>, vector<16xf32>
        %eq3A_1603 = arith.cmpf oeq, %select_n3A_1403, %max3A_1530 : vector<16xf32>
        %jit3A_1604 = arith.constant -3.000000e+38 : f32
        %broadcast_in_dim3A_1605 = vector.broadcast %jit3A_1604 : f32 to vector<16xf32>
        %select_n3A_1606 = arith.select %eq3A_1603, %broadcast_in_dim3A_1605, %select_n3A_1403 : vector<16xi1>, vector<16xf32>
        %eq3A_1607 = arith.cmpf oeq, %select_n3A_1407, %max3A_1530 : vector<16xf32>
        %jit3A_1608 = arith.constant -3.000000e+38 : f32
        %broadcast_in_dim3A_1609 = vector.broadcast %jit3A_1608 : f32 to vector<16xf32>
        %select_n3A_1610 = arith.select %eq3A_1607, %broadcast_in_dim3A_1609, %select_n3A_1407 : vector<16xi1>, vector<16xf32>
        %eq3A_1611 = arith.cmpf oeq, %select_n3A_1411, %max3A_1530 : vector<16xf32>
        %jit3A_1612 = arith.constant -3.000000e+38 : f32
        %broadcast_in_dim3A_1613 = vector.broadcast %jit3A_1612 : f32 to vector<16xf32>
        %select_n3A_1614 = arith.select %eq3A_1611, %broadcast_in_dim3A_1613, %select_n3A_1411 : vector<16xi1>, vector<16xf32>
        %eq3A_1615 = arith.cmpf oeq, %select_n3A_1415, %max3A_1530 : vector<16xf32>
        %jit3A_1616 = arith.constant -3.000000e+38 : f32
        %broadcast_in_dim3A_1617 = vector.broadcast %jit3A_1616 : f32 to vector<16xf32>
        %select_n3A_1618 = arith.select %eq3A_1615, %broadcast_in_dim3A_1617, %select_n3A_1415 : vector<16xi1>, vector<16xf32>
        %eq3A_1619 = arith.cmpf oeq, %select_n3A_1419, %max3A_1530 : vector<16xf32>
        %jit3A_1620 = arith.constant -3.000000e+38 : f32
        %broadcast_in_dim3A_1621 = vector.broadcast %jit3A_1620 : f32 to vector<16xf32>
        %select_n3A_1622 = arith.select %eq3A_1619, %broadcast_in_dim3A_1621, %select_n3A_1419 : vector<16xi1>, vector<16xf32>
        %eq3A_1623 = arith.cmpf oeq, %select_n3A_1423, %max3A_1530 : vector<16xf32>
        %jit3A_1624 = arith.constant -3.000000e+38 : f32
        %broadcast_in_dim3A_1625 = vector.broadcast %jit3A_1624 : f32 to vector<16xf32>
        %select_n3A_1626 = arith.select %eq3A_1623, %broadcast_in_dim3A_1625, %select_n3A_1423 : vector<16xi1>, vector<16xf32>
        %eq3A_1627 = arith.cmpf oeq, %select_n3A_1427, %max3A_1530 : vector<16xf32>
        %jit3A_1628 = arith.constant -3.000000e+38 : f32
        %broadcast_in_dim3A_1629 = vector.broadcast %jit3A_1628 : f32 to vector<16xf32>
        %select_n3A_1630 = arith.select %eq3A_1627, %broadcast_in_dim3A_1629, %select_n3A_1427 : vector<16xi1>, vector<16xf32>
        %eq3A_1631 = arith.cmpf oeq, %select_n3A_1431, %max3A_1530 : vector<16xf32>
        %jit3A_1632 = arith.constant -3.000000e+38 : f32
        %broadcast_in_dim3A_1633 = vector.broadcast %jit3A_1632 : f32 to vector<16xf32>
        %select_n3A_1634 = arith.select %eq3A_1631, %broadcast_in_dim3A_1633, %select_n3A_1431 : vector<16xi1>, vector<16xf32>
        %eq3A_1635 = arith.cmpf oeq, %select_n3A_1435, %max3A_1530 : vector<16xf32>
        %jit3A_1636 = arith.constant -3.000000e+38 : f32
        %broadcast_in_dim3A_1637 = vector.broadcast %jit3A_1636 : f32 to vector<16xf32>
        %select_n3A_1638 = arith.select %eq3A_1635, %broadcast_in_dim3A_1637, %select_n3A_1435 : vector<16xi1>, vector<16xf32>
        %eq3A_1639 = arith.cmpf oeq, %select_n3A_1439, %max3A_1530 : vector<16xf32>
        %jit3A_1640 = arith.constant -3.000000e+38 : f32
        %broadcast_in_dim3A_1641 = vector.broadcast %jit3A_1640 : f32 to vector<16xf32>
        %select_n3A_1642 = arith.select %eq3A_1639, %broadcast_in_dim3A_1641, %select_n3A_1439 : vector<16xi1>, vector<16xf32>
        %eq3A_1643 = arith.cmpf oeq, %select_n3A_1443, %max3A_1530 : vector<16xf32>
        %jit3A_1644 = arith.constant -3.000000e+38 : f32
        %broadcast_in_dim3A_1645 = vector.broadcast %jit3A_1644 : f32 to vector<16xf32>
        %select_n3A_1646 = arith.select %eq3A_1643, %broadcast_in_dim3A_1645, %select_n3A_1443 : vector<16xi1>, vector<16xf32>
        %eq3A_1647 = arith.cmpf oeq, %select_n3A_1447, %max3A_1530 : vector<16xf32>
        %jit3A_1648 = arith.constant -3.000000e+38 : f32
        %broadcast_in_dim3A_1649 = vector.broadcast %jit3A_1648 : f32 to vector<16xf32>
        %select_n3A_1650 = arith.select %eq3A_1647, %broadcast_in_dim3A_1649, %select_n3A_1447 : vector<16xi1>, vector<16xf32>
        %eq3A_1651 = arith.cmpf oeq, %select_n3A_1451, %max3A_1530 : vector<16xf32>
        %jit3A_1652 = arith.constant -3.000000e+38 : f32
        %broadcast_in_dim3A_1653 = vector.broadcast %jit3A_1652 : f32 to vector<16xf32>
        %select_n3A_1654 = arith.select %eq3A_1651, %broadcast_in_dim3A_1653, %select_n3A_1451 : vector<16xi1>, vector<16xf32>
        %eq3A_1655 = arith.cmpf oeq, %select_n3A_1455, %max3A_1530 : vector<16xf32>
        %jit3A_1656 = arith.constant -3.000000e+38 : f32
        %broadcast_in_dim3A_1657 = vector.broadcast %jit3A_1656 : f32 to vector<16xf32>
        %select_n3A_1658 = arith.select %eq3A_1655, %broadcast_in_dim3A_1657, %select_n3A_1455 : vector<16xi1>, vector<16xf32>
        %max3A_1659 = arith.maximumf %select_n3A_1534, %select_n3A_1538 : vector<16xf32>
        %max3A_1660 = arith.maximumf %max3A_1659, %select_n3A_1542 : vector<16xf32>
        %max3A_1661 = arith.maximumf %max3A_1660, %select_n3A_1546 : vector<16xf32>
        %max3A_1662 = arith.maximumf %max3A_1661, %select_n3A_1550 : vector<16xf32>
        %max3A_1663 = arith.maximumf %max3A_1662, %select_n3A_1554 : vector<16xf32>
        %max3A_1664 = arith.maximumf %max3A_1663, %select_n3A_1558 : vector<16xf32>
        %max3A_1665 = arith.maximumf %max3A_1664, %select_n3A_1562 : vector<16xf32>
        %max3A_1666 = arith.maximumf %max3A_1665, %select_n3A_1566 : vector<16xf32>
        %max3A_1667 = arith.maximumf %max3A_1666, %select_n3A_1570 : vector<16xf32>
        %max3A_1668 = arith.maximumf %max3A_1667, %select_n3A_1574 : vector<16xf32>
        %max3A_1669 = arith.maximumf %max3A_1668, %select_n3A_1578 : vector<16xf32>
        %max3A_1670 = arith.maximumf %max3A_1669, %select_n3A_1582 : vector<16xf32>
        %max3A_1671 = arith.maximumf %max3A_1670, %select_n3A_1586 : vector<16xf32>
        %max3A_1672 = arith.maximumf %max3A_1671, %select_n3A_1590 : vector<16xf32>
        %max3A_1673 = arith.maximumf %max3A_1672, %select_n3A_1594 : vector<16xf32>
        %max3A_1674 = arith.maximumf %max3A_1673, %select_n3A_1598 : vector<16xf32>
        %max3A_1675 = arith.maximumf %max3A_1674, %select_n3A_1602 : vector<16xf32>
        %max3A_1676 = arith.maximumf %max3A_1675, %select_n3A_1606 : vector<16xf32>
        %max3A_1677 = arith.maximumf %max3A_1676, %select_n3A_1610 : vector<16xf32>
        %max3A_1678 = arith.maximumf %max3A_1677, %select_n3A_1614 : vector<16xf32>
        %max3A_1679 = arith.maximumf %max3A_1678, %select_n3A_1618 : vector<16xf32>
        %max3A_1680 = arith.maximumf %max3A_1679, %select_n3A_1622 : vector<16xf32>
        %max3A_1681 = arith.maximumf %max3A_1680, %select_n3A_1626 : vector<16xf32>
        %max3A_1682 = arith.maximumf %max3A_1681, %select_n3A_1630 : vector<16xf32>
        %max3A_1683 = arith.maximumf %max3A_1682, %select_n3A_1634 : vector<16xf32>
        %max3A_1684 = arith.maximumf %max3A_1683, %select_n3A_1638 : vector<16xf32>
        %max3A_1685 = arith.maximumf %max3A_1684, %select_n3A_1642 : vector<16xf32>
        %max3A_1686 = arith.maximumf %max3A_1685, %select_n3A_1646 : vector<16xf32>
        %max3A_1687 = arith.maximumf %max3A_1686, %select_n3A_1650 : vector<16xf32>
        %max3A_1688 = arith.maximumf %max3A_1687, %select_n3A_1654 : vector<16xf32>
        %max3A_1689 = arith.maximumf %max3A_1688, %select_n3A_1658 : vector<16xf32>
        %lt3A_1690 = arith.constant 0 : i32
        %lt3A_1691 = vector.broadcast %lt3A_1690 : i32 to vector<16xi32>
        %lt3A_1692 = arith.cmpi slt, %xor3A_34, %lt3A_1691 : vector<16xi32>
        %add3A_1693 = arith.constant 16 : i32
        %add3A_1694 = vector.broadcast %add3A_1693 : i32 to vector<16xi32>
        %add3A_1695 = arith.addi %xor3A_34, %add3A_1694 : vector<16xi32>
        %select_n3A_1696 = arith.select %lt3A_1692, %add3A_1695, %xor3A_34 : vector<16xi1>, vector<16xi32>
        %broadcast_in_dim3A_1697 = vector.shape_cast %select_n3A_1696 : vector<16xi32> to vector<16x1xi32>
        %gather3A_1698 = vector.shape_cast %broadcast_in_dim3A_1697 : vector<16x1xi32> to vector<16xi32>
        %gather3A_1699 = tpu.dynamic_gather %max3A_1689[%gather3A_1698] in [0] : vector<16xf32>, vector<16xi32> -> vector<16xf32>
        %max3A_1700 = arith.maximumf %max3A_1689, %gather3A_1699 : vector<16xf32>
        %lt3A_1701 = arith.constant 0 : i32
        %lt3A_1702 = vector.broadcast %lt3A_1701 : i32 to vector<16xi32>
        %lt3A_1703 = arith.cmpi slt, %xor3A_37, %lt3A_1702 : vector<16xi32>
        %add3A_1704 = arith.constant 16 : i32
        %add3A_1705 = vector.broadcast %add3A_1704 : i32 to vector<16xi32>
        %add3A_1706 = arith.addi %xor3A_37, %add3A_1705 : vector<16xi32>
        %select_n3A_1707 = arith.select %lt3A_1703, %add3A_1706, %xor3A_37 : vector<16xi1>, vector<16xi32>
        %broadcast_in_dim3A_1708 = vector.shape_cast %select_n3A_1707 : vector<16xi32> to vector<16x1xi32>
        %gather3A_1709 = vector.shape_cast %broadcast_in_dim3A_1708 : vector<16x1xi32> to vector<16xi32>
        %gather3A_1710 = tpu.dynamic_gather %max3A_1700[%gather3A_1709] in [0] : vector<16xf32>, vector<16xi32> -> vector<16xf32>
        %max3A_1711 = arith.maximumf %max3A_1700, %gather3A_1710 : vector<16xf32>
        %lt3A_1712 = arith.constant 0 : i32
        %lt3A_1713 = vector.broadcast %lt3A_1712 : i32 to vector<16xi32>
        %lt3A_1714 = arith.cmpi slt, %xor3A_40, %lt3A_1713 : vector<16xi32>
        %add3A_1715 = arith.constant 16 : i32
        %add3A_1716 = vector.broadcast %add3A_1715 : i32 to vector<16xi32>
        %add3A_1717 = arith.addi %xor3A_40, %add3A_1716 : vector<16xi32>
        %select_n3A_1718 = arith.select %lt3A_1714, %add3A_1717, %xor3A_40 : vector<16xi1>, vector<16xi32>
        %broadcast_in_dim3A_1719 = vector.shape_cast %select_n3A_1718 : vector<16xi32> to vector<16x1xi32>
        %gather3A_1720 = vector.shape_cast %broadcast_in_dim3A_1719 : vector<16x1xi32> to vector<16xi32>
        %gather3A_1721 = tpu.dynamic_gather %max3A_1711[%gather3A_1720] in [0] : vector<16xf32>, vector<16xi32> -> vector<16xf32>
        %max3A_1722 = arith.maximumf %max3A_1711, %gather3A_1721 : vector<16xf32>
        %lt3A_1723 = arith.constant 0 : i32
        %lt3A_1724 = vector.broadcast %lt3A_1723 : i32 to vector<16xi32>
        %lt3A_1725 = arith.cmpi slt, %xor3A_43, %lt3A_1724 : vector<16xi32>
        %add3A_1726 = arith.constant 16 : i32
        %add3A_1727 = vector.broadcast %add3A_1726 : i32 to vector<16xi32>
        %add3A_1728 = arith.addi %xor3A_43, %add3A_1727 : vector<16xi32>
        %select_n3A_1729 = arith.select %lt3A_1725, %add3A_1728, %xor3A_43 : vector<16xi1>, vector<16xi32>
        %broadcast_in_dim3A_1730 = vector.shape_cast %select_n3A_1729 : vector<16xi32> to vector<16x1xi32>
        %gather3A_1731 = vector.shape_cast %broadcast_in_dim3A_1730 : vector<16x1xi32> to vector<16xi32>
        %gather3A_1732 = tpu.dynamic_gather %max3A_1722[%gather3A_1731] in [0] : vector<16xf32>, vector<16xi32> -> vector<16xf32>
        %max3A_1733 = arith.maximumf %max3A_1722, %gather3A_1732 : vector<16xf32>
        %sub3A_1734 = arith.subf %get3A_63, %max3A_515 : vector<16xf32>
        %min3A = arith.constant 6.000000e+01 : f32
        %min3A_1735 = vector.broadcast %min3A : f32 to vector<16xf32>
        %min3A_1736 = arith.minimumf %sub3A_1734, %min3A_1735 : vector<16xf32>
        %exp3A = math.exp %min3A_1736 : vector<16xf32>
        %sub3A_1737 = arith.subf %get3A_67, %max3A_515 : vector<16xf32>
        %min3A_1738 = arith.constant 6.000000e+01 : f32
        %min3A_1739 = vector.broadcast %min3A_1738 : f32 to vector<16xf32>
        %min3A_1740 = arith.minimumf %sub3A_1737, %min3A_1739 : vector<16xf32>
        %exp3A_1741 = math.exp %min3A_1740 : vector<16xf32>
        %sub3A_1742 = arith.subf %get3A_71, %max3A_515 : vector<16xf32>
        %min3A_1743 = arith.constant 6.000000e+01 : f32
        %min3A_1744 = vector.broadcast %min3A_1743 : f32 to vector<16xf32>
        %min3A_1745 = arith.minimumf %sub3A_1742, %min3A_1744 : vector<16xf32>
        %exp3A_1746 = math.exp %min3A_1745 : vector<16xf32>
        %sub3A_1747 = arith.subf %get3A_75, %max3A_515 : vector<16xf32>
        %min3A_1748 = arith.constant 6.000000e+01 : f32
        %min3A_1749 = vector.broadcast %min3A_1748 : f32 to vector<16xf32>
        %min3A_1750 = arith.minimumf %sub3A_1747, %min3A_1749 : vector<16xf32>
        %exp3A_1751 = math.exp %min3A_1750 : vector<16xf32>
        %sub3A_1752 = arith.subf %get3A_79, %max3A_515 : vector<16xf32>
        %min3A_1753 = arith.constant 6.000000e+01 : f32
        %min3A_1754 = vector.broadcast %min3A_1753 : f32 to vector<16xf32>
        %min3A_1755 = arith.minimumf %sub3A_1752, %min3A_1754 : vector<16xf32>
        %exp3A_1756 = math.exp %min3A_1755 : vector<16xf32>
        %sub3A_1757 = arith.subf %get3A_83, %max3A_515 : vector<16xf32>
        %min3A_1758 = arith.constant 6.000000e+01 : f32
        %min3A_1759 = vector.broadcast %min3A_1758 : f32 to vector<16xf32>
        %min3A_1760 = arith.minimumf %sub3A_1757, %min3A_1759 : vector<16xf32>
        %exp3A_1761 = math.exp %min3A_1760 : vector<16xf32>
        %sub3A_1762 = arith.subf %get3A_87, %max3A_515 : vector<16xf32>
        %min3A_1763 = arith.constant 6.000000e+01 : f32
        %min3A_1764 = vector.broadcast %min3A_1763 : f32 to vector<16xf32>
        %min3A_1765 = arith.minimumf %sub3A_1762, %min3A_1764 : vector<16xf32>
        %exp3A_1766 = math.exp %min3A_1765 : vector<16xf32>
        %sub3A_1767 = arith.subf %get3A_91, %max3A_515 : vector<16xf32>
        %min3A_1768 = arith.constant 6.000000e+01 : f32
        %min3A_1769 = vector.broadcast %min3A_1768 : f32 to vector<16xf32>
        %min3A_1770 = arith.minimumf %sub3A_1767, %min3A_1769 : vector<16xf32>
        %exp3A_1771 = math.exp %min3A_1770 : vector<16xf32>
        %sub3A_1772 = arith.subf %get3A_95, %max3A_515 : vector<16xf32>
        %min3A_1773 = arith.constant 6.000000e+01 : f32
        %min3A_1774 = vector.broadcast %min3A_1773 : f32 to vector<16xf32>
        %min3A_1775 = arith.minimumf %sub3A_1772, %min3A_1774 : vector<16xf32>
        %exp3A_1776 = math.exp %min3A_1775 : vector<16xf32>
        %sub3A_1777 = arith.subf %get3A_99, %max3A_515 : vector<16xf32>
        %min3A_1778 = arith.constant 6.000000e+01 : f32
        %min3A_1779 = vector.broadcast %min3A_1778 : f32 to vector<16xf32>
        %min3A_1780 = arith.minimumf %sub3A_1777, %min3A_1779 : vector<16xf32>
        %exp3A_1781 = math.exp %min3A_1780 : vector<16xf32>
        %sub3A_1782 = arith.subf %get3A_103, %max3A_515 : vector<16xf32>
        %min3A_1783 = arith.constant 6.000000e+01 : f32
        %min3A_1784 = vector.broadcast %min3A_1783 : f32 to vector<16xf32>
        %min3A_1785 = arith.minimumf %sub3A_1782, %min3A_1784 : vector<16xf32>
        %exp3A_1786 = math.exp %min3A_1785 : vector<16xf32>
        %sub3A_1787 = arith.subf %get3A_107, %max3A_515 : vector<16xf32>
        %min3A_1788 = arith.constant 6.000000e+01 : f32
        %min3A_1789 = vector.broadcast %min3A_1788 : f32 to vector<16xf32>
        %min3A_1790 = arith.minimumf %sub3A_1787, %min3A_1789 : vector<16xf32>
        %exp3A_1791 = math.exp %min3A_1790 : vector<16xf32>
        %sub3A_1792 = arith.subf %get3A_111, %max3A_515 : vector<16xf32>
        %min3A_1793 = arith.constant 6.000000e+01 : f32
        %min3A_1794 = vector.broadcast %min3A_1793 : f32 to vector<16xf32>
        %min3A_1795 = arith.minimumf %sub3A_1792, %min3A_1794 : vector<16xf32>
        %exp3A_1796 = math.exp %min3A_1795 : vector<16xf32>
        %sub3A_1797 = arith.subf %get3A_115, %max3A_515 : vector<16xf32>
        %min3A_1798 = arith.constant 6.000000e+01 : f32
        %min3A_1799 = vector.broadcast %min3A_1798 : f32 to vector<16xf32>
        %min3A_1800 = arith.minimumf %sub3A_1797, %min3A_1799 : vector<16xf32>
        %exp3A_1801 = math.exp %min3A_1800 : vector<16xf32>
        %sub3A_1802 = arith.subf %get3A_119, %max3A_515 : vector<16xf32>
        %min3A_1803 = arith.constant 6.000000e+01 : f32
        %min3A_1804 = vector.broadcast %min3A_1803 : f32 to vector<16xf32>
        %min3A_1805 = arith.minimumf %sub3A_1802, %min3A_1804 : vector<16xf32>
        %exp3A_1806 = math.exp %min3A_1805 : vector<16xf32>
        %sub3A_1807 = arith.subf %get3A_123, %max3A_515 : vector<16xf32>
        %min3A_1808 = arith.constant 6.000000e+01 : f32
        %min3A_1809 = vector.broadcast %min3A_1808 : f32 to vector<16xf32>
        %min3A_1810 = arith.minimumf %sub3A_1807, %min3A_1809 : vector<16xf32>
        %exp3A_1811 = math.exp %min3A_1810 : vector<16xf32>
        %sub3A_1812 = arith.subf %get3A_127, %max3A_515 : vector<16xf32>
        %min3A_1813 = arith.constant 6.000000e+01 : f32
        %min3A_1814 = vector.broadcast %min3A_1813 : f32 to vector<16xf32>
        %min3A_1815 = arith.minimumf %sub3A_1812, %min3A_1814 : vector<16xf32>
        %exp3A_1816 = math.exp %min3A_1815 : vector<16xf32>
        %sub3A_1817 = arith.subf %get3A_131, %max3A_515 : vector<16xf32>
        %min3A_1818 = arith.constant 6.000000e+01 : f32
        %min3A_1819 = vector.broadcast %min3A_1818 : f32 to vector<16xf32>
        %min3A_1820 = arith.minimumf %sub3A_1817, %min3A_1819 : vector<16xf32>
        %exp3A_1821 = math.exp %min3A_1820 : vector<16xf32>
        %sub3A_1822 = arith.subf %get3A_135, %max3A_515 : vector<16xf32>
        %min3A_1823 = arith.constant 6.000000e+01 : f32
        %min3A_1824 = vector.broadcast %min3A_1823 : f32 to vector<16xf32>
        %min3A_1825 = arith.minimumf %sub3A_1822, %min3A_1824 : vector<16xf32>
        %exp3A_1826 = math.exp %min3A_1825 : vector<16xf32>
        %sub3A_1827 = arith.subf %get3A_139, %max3A_515 : vector<16xf32>
        %min3A_1828 = arith.constant 6.000000e+01 : f32
        %min3A_1829 = vector.broadcast %min3A_1828 : f32 to vector<16xf32>
        %min3A_1830 = arith.minimumf %sub3A_1827, %min3A_1829 : vector<16xf32>
        %exp3A_1831 = math.exp %min3A_1830 : vector<16xf32>
        %sub3A_1832 = arith.subf %get3A_143, %max3A_515 : vector<16xf32>
        %min3A_1833 = arith.constant 6.000000e+01 : f32
        %min3A_1834 = vector.broadcast %min3A_1833 : f32 to vector<16xf32>
        %min3A_1835 = arith.minimumf %sub3A_1832, %min3A_1834 : vector<16xf32>
        %exp3A_1836 = math.exp %min3A_1835 : vector<16xf32>
        %sub3A_1837 = arith.subf %get3A_147, %max3A_515 : vector<16xf32>
        %min3A_1838 = arith.constant 6.000000e+01 : f32
        %min3A_1839 = vector.broadcast %min3A_1838 : f32 to vector<16xf32>
        %min3A_1840 = arith.minimumf %sub3A_1837, %min3A_1839 : vector<16xf32>
        %exp3A_1841 = math.exp %min3A_1840 : vector<16xf32>
        %sub3A_1842 = arith.subf %get3A_151, %max3A_515 : vector<16xf32>
        %min3A_1843 = arith.constant 6.000000e+01 : f32
        %min3A_1844 = vector.broadcast %min3A_1843 : f32 to vector<16xf32>
        %min3A_1845 = arith.minimumf %sub3A_1842, %min3A_1844 : vector<16xf32>
        %exp3A_1846 = math.exp %min3A_1845 : vector<16xf32>
        %sub3A_1847 = arith.subf %get3A_155, %max3A_515 : vector<16xf32>
        %min3A_1848 = arith.constant 6.000000e+01 : f32
        %min3A_1849 = vector.broadcast %min3A_1848 : f32 to vector<16xf32>
        %min3A_1850 = arith.minimumf %sub3A_1847, %min3A_1849 : vector<16xf32>
        %exp3A_1851 = math.exp %min3A_1850 : vector<16xf32>
        %sub3A_1852 = arith.subf %get3A_159, %max3A_515 : vector<16xf32>
        %min3A_1853 = arith.constant 6.000000e+01 : f32
        %min3A_1854 = vector.broadcast %min3A_1853 : f32 to vector<16xf32>
        %min3A_1855 = arith.minimumf %sub3A_1852, %min3A_1854 : vector<16xf32>
        %exp3A_1856 = math.exp %min3A_1855 : vector<16xf32>
        %sub3A_1857 = arith.subf %get3A_163, %max3A_515 : vector<16xf32>
        %min3A_1858 = arith.constant 6.000000e+01 : f32
        %min3A_1859 = vector.broadcast %min3A_1858 : f32 to vector<16xf32>
        %min3A_1860 = arith.minimumf %sub3A_1857, %min3A_1859 : vector<16xf32>
        %exp3A_1861 = math.exp %min3A_1860 : vector<16xf32>
        %sub3A_1862 = arith.subf %get3A_167, %max3A_515 : vector<16xf32>
        %min3A_1863 = arith.constant 6.000000e+01 : f32
        %min3A_1864 = vector.broadcast %min3A_1863 : f32 to vector<16xf32>
        %min3A_1865 = arith.minimumf %sub3A_1862, %min3A_1864 : vector<16xf32>
        %exp3A_1866 = math.exp %min3A_1865 : vector<16xf32>
        %sub3A_1867 = arith.subf %get3A_171, %max3A_515 : vector<16xf32>
        %min3A_1868 = arith.constant 6.000000e+01 : f32
        %min3A_1869 = vector.broadcast %min3A_1868 : f32 to vector<16xf32>
        %min3A_1870 = arith.minimumf %sub3A_1867, %min3A_1869 : vector<16xf32>
        %exp3A_1871 = math.exp %min3A_1870 : vector<16xf32>
        %sub3A_1872 = arith.subf %get3A_175, %max3A_515 : vector<16xf32>
        %min3A_1873 = arith.constant 6.000000e+01 : f32
        %min3A_1874 = vector.broadcast %min3A_1873 : f32 to vector<16xf32>
        %min3A_1875 = arith.minimumf %sub3A_1872, %min3A_1874 : vector<16xf32>
        %exp3A_1876 = math.exp %min3A_1875 : vector<16xf32>
        %sub3A_1877 = arith.subf %get3A_179, %max3A_515 : vector<16xf32>
        %min3A_1878 = arith.constant 6.000000e+01 : f32
        %min3A_1879 = vector.broadcast %min3A_1878 : f32 to vector<16xf32>
        %min3A_1880 = arith.minimumf %sub3A_1877, %min3A_1879 : vector<16xf32>
        %exp3A_1881 = math.exp %min3A_1880 : vector<16xf32>
        %sub3A_1882 = arith.subf %get3A_183, %max3A_515 : vector<16xf32>
        %min3A_1883 = arith.constant 6.000000e+01 : f32
        %min3A_1884 = vector.broadcast %min3A_1883 : f32 to vector<16xf32>
        %min3A_1885 = arith.minimumf %sub3A_1882, %min3A_1884 : vector<16xf32>
        %exp3A_1886 = math.exp %min3A_1885 : vector<16xf32>
        %sub3A_1887 = arith.subf %get3A_187, %max3A_515 : vector<16xf32>
        %min3A_1888 = arith.constant 6.000000e+01 : f32
        %min3A_1889 = vector.broadcast %min3A_1888 : f32 to vector<16xf32>
        %min3A_1890 = arith.minimumf %sub3A_1887, %min3A_1889 : vector<16xf32>
        %exp3A_1891 = math.exp %min3A_1890 : vector<16xf32>
        %add3A_1892 = arith.addf %exp3A, %exp3A_1741 : vector<16xf32>
        %add3A_1893 = arith.addf %add3A_1892, %exp3A_1746 : vector<16xf32>
        %add3A_1894 = arith.addf %add3A_1893, %exp3A_1751 : vector<16xf32>
        %add3A_1895 = arith.addf %add3A_1894, %exp3A_1756 : vector<16xf32>
        %add3A_1896 = arith.addf %add3A_1895, %exp3A_1761 : vector<16xf32>
        %add3A_1897 = arith.addf %add3A_1896, %exp3A_1766 : vector<16xf32>
        %add3A_1898 = arith.addf %add3A_1897, %exp3A_1771 : vector<16xf32>
        %add3A_1899 = arith.addf %add3A_1898, %exp3A_1776 : vector<16xf32>
        %add3A_1900 = arith.addf %add3A_1899, %exp3A_1781 : vector<16xf32>
        %add3A_1901 = arith.addf %add3A_1900, %exp3A_1786 : vector<16xf32>
        %add3A_1902 = arith.addf %add3A_1901, %exp3A_1791 : vector<16xf32>
        %add3A_1903 = arith.addf %add3A_1902, %exp3A_1796 : vector<16xf32>
        %add3A_1904 = arith.addf %add3A_1903, %exp3A_1801 : vector<16xf32>
        %add3A_1905 = arith.addf %add3A_1904, %exp3A_1806 : vector<16xf32>
        %add3A_1906 = arith.addf %add3A_1905, %exp3A_1811 : vector<16xf32>
        %add3A_1907 = arith.addf %add3A_1906, %exp3A_1816 : vector<16xf32>
        %add3A_1908 = arith.addf %add3A_1907, %exp3A_1821 : vector<16xf32>
        %add3A_1909 = arith.addf %add3A_1908, %exp3A_1826 : vector<16xf32>
        %add3A_1910 = arith.addf %add3A_1909, %exp3A_1831 : vector<16xf32>
        %add3A_1911 = arith.addf %add3A_1910, %exp3A_1836 : vector<16xf32>
        %add3A_1912 = arith.addf %add3A_1911, %exp3A_1841 : vector<16xf32>
        %add3A_1913 = arith.addf %add3A_1912, %exp3A_1846 : vector<16xf32>
        %add3A_1914 = arith.addf %add3A_1913, %exp3A_1851 : vector<16xf32>
        %add3A_1915 = arith.addf %add3A_1914, %exp3A_1856 : vector<16xf32>
        %add3A_1916 = arith.addf %add3A_1915, %exp3A_1861 : vector<16xf32>
        %add3A_1917 = arith.addf %add3A_1916, %exp3A_1866 : vector<16xf32>
        %add3A_1918 = arith.addf %add3A_1917, %exp3A_1871 : vector<16xf32>
        %add3A_1919 = arith.addf %add3A_1918, %exp3A_1876 : vector<16xf32>
        %add3A_1920 = arith.addf %add3A_1919, %exp3A_1881 : vector<16xf32>
        %add3A_1921 = arith.addf %add3A_1920, %exp3A_1886 : vector<16xf32>
        %add3A_1922 = arith.addf %add3A_1921, %exp3A_1891 : vector<16xf32>
        %ge3A = arith.cmpf oge, %select_n3A_194, %max3A_1733 : vector<16xf32>
        %jit3A_1923 = arith.constant 0.000000e+00 : f32
        %broadcast_in_dim3A_1924 = vector.broadcast %jit3A_1923 : f32 to vector<16xf32>
        %select_n3A_1925 = arith.select %ge3A, %exp3A, %broadcast_in_dim3A_1924 : vector<16xi1>, vector<16xf32>
        %ge3A_1926 = arith.cmpf oge, %select_n3A_202, %max3A_1733 : vector<16xf32>
        %jit3A_1927 = arith.constant 0.000000e+00 : f32
        %broadcast_in_dim3A_1928 = vector.broadcast %jit3A_1927 : f32 to vector<16xf32>
        %select_n3A_1929 = arith.select %ge3A_1926, %exp3A_1741, %broadcast_in_dim3A_1928 : vector<16xi1>, vector<16xf32>
        %ge3A_1930 = arith.cmpf oge, %select_n3A_210, %max3A_1733 : vector<16xf32>
        %jit3A_1931 = arith.constant 0.000000e+00 : f32
        %broadcast_in_dim3A_1932 = vector.broadcast %jit3A_1931 : f32 to vector<16xf32>
        %select_n3A_1933 = arith.select %ge3A_1930, %exp3A_1746, %broadcast_in_dim3A_1932 : vector<16xi1>, vector<16xf32>
        %ge3A_1934 = arith.cmpf oge, %select_n3A_218, %max3A_1733 : vector<16xf32>
        %jit3A_1935 = arith.constant 0.000000e+00 : f32
        %broadcast_in_dim3A_1936 = vector.broadcast %jit3A_1935 : f32 to vector<16xf32>
        %select_n3A_1937 = arith.select %ge3A_1934, %exp3A_1751, %broadcast_in_dim3A_1936 : vector<16xi1>, vector<16xf32>
        %ge3A_1938 = arith.cmpf oge, %select_n3A_226, %max3A_1733 : vector<16xf32>
        %jit3A_1939 = arith.constant 0.000000e+00 : f32
        %broadcast_in_dim3A_1940 = vector.broadcast %jit3A_1939 : f32 to vector<16xf32>
        %select_n3A_1941 = arith.select %ge3A_1938, %exp3A_1756, %broadcast_in_dim3A_1940 : vector<16xi1>, vector<16xf32>
        %ge3A_1942 = arith.cmpf oge, %select_n3A_234, %max3A_1733 : vector<16xf32>
        %jit3A_1943 = arith.constant 0.000000e+00 : f32
        %broadcast_in_dim3A_1944 = vector.broadcast %jit3A_1943 : f32 to vector<16xf32>
        %select_n3A_1945 = arith.select %ge3A_1942, %exp3A_1761, %broadcast_in_dim3A_1944 : vector<16xi1>, vector<16xf32>
        %ge3A_1946 = arith.cmpf oge, %select_n3A_242, %max3A_1733 : vector<16xf32>
        %jit3A_1947 = arith.constant 0.000000e+00 : f32
        %broadcast_in_dim3A_1948 = vector.broadcast %jit3A_1947 : f32 to vector<16xf32>
        %select_n3A_1949 = arith.select %ge3A_1946, %exp3A_1766, %broadcast_in_dim3A_1948 : vector<16xi1>, vector<16xf32>
        %ge3A_1950 = arith.cmpf oge, %select_n3A_250, %max3A_1733 : vector<16xf32>
        %jit3A_1951 = arith.constant 0.000000e+00 : f32
        %broadcast_in_dim3A_1952 = vector.broadcast %jit3A_1951 : f32 to vector<16xf32>
        %select_n3A_1953 = arith.select %ge3A_1950, %exp3A_1771, %broadcast_in_dim3A_1952 : vector<16xi1>, vector<16xf32>
        %ge3A_1954 = arith.cmpf oge, %select_n3A_258, %max3A_1733 : vector<16xf32>
        %jit3A_1955 = arith.constant 0.000000e+00 : f32
        %broadcast_in_dim3A_1956 = vector.broadcast %jit3A_1955 : f32 to vector<16xf32>
        %select_n3A_1957 = arith.select %ge3A_1954, %exp3A_1776, %broadcast_in_dim3A_1956 : vector<16xi1>, vector<16xf32>
        %ge3A_1958 = arith.cmpf oge, %select_n3A_266, %max3A_1733 : vector<16xf32>
        %jit3A_1959 = arith.constant 0.000000e+00 : f32
        %broadcast_in_dim3A_1960 = vector.broadcast %jit3A_1959 : f32 to vector<16xf32>
        %select_n3A_1961 = arith.select %ge3A_1958, %exp3A_1781, %broadcast_in_dim3A_1960 : vector<16xi1>, vector<16xf32>
        %ge3A_1962 = arith.cmpf oge, %select_n3A_274, %max3A_1733 : vector<16xf32>
        %jit3A_1963 = arith.constant 0.000000e+00 : f32
        %broadcast_in_dim3A_1964 = vector.broadcast %jit3A_1963 : f32 to vector<16xf32>
        %select_n3A_1965 = arith.select %ge3A_1962, %exp3A_1786, %broadcast_in_dim3A_1964 : vector<16xi1>, vector<16xf32>
        %ge3A_1966 = arith.cmpf oge, %select_n3A_282, %max3A_1733 : vector<16xf32>
        %jit3A_1967 = arith.constant 0.000000e+00 : f32
        %broadcast_in_dim3A_1968 = vector.broadcast %jit3A_1967 : f32 to vector<16xf32>
        %select_n3A_1969 = arith.select %ge3A_1966, %exp3A_1791, %broadcast_in_dim3A_1968 : vector<16xi1>, vector<16xf32>
        %ge3A_1970 = arith.cmpf oge, %select_n3A_290, %max3A_1733 : vector<16xf32>
        %jit3A_1971 = arith.constant 0.000000e+00 : f32
        %broadcast_in_dim3A_1972 = vector.broadcast %jit3A_1971 : f32 to vector<16xf32>
        %select_n3A_1973 = arith.select %ge3A_1970, %exp3A_1796, %broadcast_in_dim3A_1972 : vector<16xi1>, vector<16xf32>
        %ge3A_1974 = arith.cmpf oge, %select_n3A_298, %max3A_1733 : vector<16xf32>
        %jit3A_1975 = arith.constant 0.000000e+00 : f32
        %broadcast_in_dim3A_1976 = vector.broadcast %jit3A_1975 : f32 to vector<16xf32>
        %select_n3A_1977 = arith.select %ge3A_1974, %exp3A_1801, %broadcast_in_dim3A_1976 : vector<16xi1>, vector<16xf32>
        %ge3A_1978 = arith.cmpf oge, %select_n3A_306, %max3A_1733 : vector<16xf32>
        %jit3A_1979 = arith.constant 0.000000e+00 : f32
        %broadcast_in_dim3A_1980 = vector.broadcast %jit3A_1979 : f32 to vector<16xf32>
        %select_n3A_1981 = arith.select %ge3A_1978, %exp3A_1806, %broadcast_in_dim3A_1980 : vector<16xi1>, vector<16xf32>
        %ge3A_1982 = arith.cmpf oge, %select_n3A_314, %max3A_1733 : vector<16xf32>
        %jit3A_1983 = arith.constant 0.000000e+00 : f32
        %broadcast_in_dim3A_1984 = vector.broadcast %jit3A_1983 : f32 to vector<16xf32>
        %select_n3A_1985 = arith.select %ge3A_1982, %exp3A_1811, %broadcast_in_dim3A_1984 : vector<16xi1>, vector<16xf32>
        %ge3A_1986 = arith.cmpf oge, %select_n3A_322, %max3A_1733 : vector<16xf32>
        %jit3A_1987 = arith.constant 0.000000e+00 : f32
        %broadcast_in_dim3A_1988 = vector.broadcast %jit3A_1987 : f32 to vector<16xf32>
        %select_n3A_1989 = arith.select %ge3A_1986, %exp3A_1816, %broadcast_in_dim3A_1988 : vector<16xi1>, vector<16xf32>
        %ge3A_1990 = arith.cmpf oge, %select_n3A_330, %max3A_1733 : vector<16xf32>
        %jit3A_1991 = arith.constant 0.000000e+00 : f32
        %broadcast_in_dim3A_1992 = vector.broadcast %jit3A_1991 : f32 to vector<16xf32>
        %select_n3A_1993 = arith.select %ge3A_1990, %exp3A_1821, %broadcast_in_dim3A_1992 : vector<16xi1>, vector<16xf32>
        %ge3A_1994 = arith.cmpf oge, %select_n3A_338, %max3A_1733 : vector<16xf32>
        %jit3A_1995 = arith.constant 0.000000e+00 : f32
        %broadcast_in_dim3A_1996 = vector.broadcast %jit3A_1995 : f32 to vector<16xf32>
        %select_n3A_1997 = arith.select %ge3A_1994, %exp3A_1826, %broadcast_in_dim3A_1996 : vector<16xi1>, vector<16xf32>
        %ge3A_1998 = arith.cmpf oge, %select_n3A_346, %max3A_1733 : vector<16xf32>
        %jit3A_1999 = arith.constant 0.000000e+00 : f32
        %broadcast_in_dim3A_2000 = vector.broadcast %jit3A_1999 : f32 to vector<16xf32>
        %select_n3A_2001 = arith.select %ge3A_1998, %exp3A_1831, %broadcast_in_dim3A_2000 : vector<16xi1>, vector<16xf32>
        %ge3A_2002 = arith.cmpf oge, %select_n3A_354, %max3A_1733 : vector<16xf32>
        %jit3A_2003 = arith.constant 0.000000e+00 : f32
        %broadcast_in_dim3A_2004 = vector.broadcast %jit3A_2003 : f32 to vector<16xf32>
        %select_n3A_2005 = arith.select %ge3A_2002, %exp3A_1836, %broadcast_in_dim3A_2004 : vector<16xi1>, vector<16xf32>
        %ge3A_2006 = arith.cmpf oge, %select_n3A_362, %max3A_1733 : vector<16xf32>
        %jit3A_2007 = arith.constant 0.000000e+00 : f32
        %broadcast_in_dim3A_2008 = vector.broadcast %jit3A_2007 : f32 to vector<16xf32>
        %select_n3A_2009 = arith.select %ge3A_2006, %exp3A_1841, %broadcast_in_dim3A_2008 : vector<16xi1>, vector<16xf32>
        %ge3A_2010 = arith.cmpf oge, %select_n3A_370, %max3A_1733 : vector<16xf32>
        %jit3A_2011 = arith.constant 0.000000e+00 : f32
        %broadcast_in_dim3A_2012 = vector.broadcast %jit3A_2011 : f32 to vector<16xf32>
        %select_n3A_2013 = arith.select %ge3A_2010, %exp3A_1846, %broadcast_in_dim3A_2012 : vector<16xi1>, vector<16xf32>
        %ge3A_2014 = arith.cmpf oge, %select_n3A_378, %max3A_1733 : vector<16xf32>
        %jit3A_2015 = arith.constant 0.000000e+00 : f32
        %broadcast_in_dim3A_2016 = vector.broadcast %jit3A_2015 : f32 to vector<16xf32>
        %select_n3A_2017 = arith.select %ge3A_2014, %exp3A_1851, %broadcast_in_dim3A_2016 : vector<16xi1>, vector<16xf32>
        %ge3A_2018 = arith.cmpf oge, %select_n3A_386, %max3A_1733 : vector<16xf32>
        %jit3A_2019 = arith.constant 0.000000e+00 : f32
        %broadcast_in_dim3A_2020 = vector.broadcast %jit3A_2019 : f32 to vector<16xf32>
        %select_n3A_2021 = arith.select %ge3A_2018, %exp3A_1856, %broadcast_in_dim3A_2020 : vector<16xi1>, vector<16xf32>
        %ge3A_2022 = arith.cmpf oge, %select_n3A_394, %max3A_1733 : vector<16xf32>
        %jit3A_2023 = arith.constant 0.000000e+00 : f32
        %broadcast_in_dim3A_2024 = vector.broadcast %jit3A_2023 : f32 to vector<16xf32>
        %select_n3A_2025 = arith.select %ge3A_2022, %exp3A_1861, %broadcast_in_dim3A_2024 : vector<16xi1>, vector<16xf32>
        %ge3A_2026 = arith.cmpf oge, %select_n3A_402, %max3A_1733 : vector<16xf32>
        %jit3A_2027 = arith.constant 0.000000e+00 : f32
        %broadcast_in_dim3A_2028 = vector.broadcast %jit3A_2027 : f32 to vector<16xf32>
        %select_n3A_2029 = arith.select %ge3A_2026, %exp3A_1866, %broadcast_in_dim3A_2028 : vector<16xi1>, vector<16xf32>
        %ge3A_2030 = arith.cmpf oge, %select_n3A_410, %max3A_1733 : vector<16xf32>
        %jit3A_2031 = arith.constant 0.000000e+00 : f32
        %broadcast_in_dim3A_2032 = vector.broadcast %jit3A_2031 : f32 to vector<16xf32>
        %select_n3A_2033 = arith.select %ge3A_2030, %exp3A_1871, %broadcast_in_dim3A_2032 : vector<16xi1>, vector<16xf32>
        %ge3A_2034 = arith.cmpf oge, %select_n3A_418, %max3A_1733 : vector<16xf32>
        %jit3A_2035 = arith.constant 0.000000e+00 : f32
        %broadcast_in_dim3A_2036 = vector.broadcast %jit3A_2035 : f32 to vector<16xf32>
        %select_n3A_2037 = arith.select %ge3A_2034, %exp3A_1876, %broadcast_in_dim3A_2036 : vector<16xi1>, vector<16xf32>
        %ge3A_2038 = arith.cmpf oge, %select_n3A_426, %max3A_1733 : vector<16xf32>
        %jit3A_2039 = arith.constant 0.000000e+00 : f32
        %broadcast_in_dim3A_2040 = vector.broadcast %jit3A_2039 : f32 to vector<16xf32>
        %select_n3A_2041 = arith.select %ge3A_2038, %exp3A_1881, %broadcast_in_dim3A_2040 : vector<16xi1>, vector<16xf32>
        %ge3A_2042 = arith.cmpf oge, %select_n3A_434, %max3A_1733 : vector<16xf32>
        %jit3A_2043 = arith.constant 0.000000e+00 : f32
        %broadcast_in_dim3A_2044 = vector.broadcast %jit3A_2043 : f32 to vector<16xf32>
        %select_n3A_2045 = arith.select %ge3A_2042, %exp3A_1886, %broadcast_in_dim3A_2044 : vector<16xi1>, vector<16xf32>
        %ge3A_2046 = arith.cmpf oge, %select_n3A_442, %max3A_1733 : vector<16xf32>
        %jit3A_2047 = arith.constant 0.000000e+00 : f32
        %broadcast_in_dim3A_2048 = vector.broadcast %jit3A_2047 : f32 to vector<16xf32>
        %select_n3A_2049 = arith.select %ge3A_2046, %exp3A_1891, %broadcast_in_dim3A_2048 : vector<16xi1>, vector<16xf32>
        %add3A_2050 = arith.addf %select_n3A_1925, %select_n3A_1929 : vector<16xf32>
        %add3A_2051 = arith.addf %add3A_2050, %select_n3A_1933 : vector<16xf32>
        %add3A_2052 = arith.addf %add3A_2051, %select_n3A_1937 : vector<16xf32>
        %add3A_2053 = arith.addf %add3A_2052, %select_n3A_1941 : vector<16xf32>
        %add3A_2054 = arith.addf %add3A_2053, %select_n3A_1945 : vector<16xf32>
        %add3A_2055 = arith.addf %add3A_2054, %select_n3A_1949 : vector<16xf32>
        %add3A_2056 = arith.addf %add3A_2055, %select_n3A_1953 : vector<16xf32>
        %add3A_2057 = arith.addf %add3A_2056, %select_n3A_1957 : vector<16xf32>
        %add3A_2058 = arith.addf %add3A_2057, %select_n3A_1961 : vector<16xf32>
        %add3A_2059 = arith.addf %add3A_2058, %select_n3A_1965 : vector<16xf32>
        %add3A_2060 = arith.addf %add3A_2059, %select_n3A_1969 : vector<16xf32>
        %add3A_2061 = arith.addf %add3A_2060, %select_n3A_1973 : vector<16xf32>
        %add3A_2062 = arith.addf %add3A_2061, %select_n3A_1977 : vector<16xf32>
        %add3A_2063 = arith.addf %add3A_2062, %select_n3A_1981 : vector<16xf32>
        %add3A_2064 = arith.addf %add3A_2063, %select_n3A_1985 : vector<16xf32>
        %add3A_2065 = arith.addf %add3A_2064, %select_n3A_1989 : vector<16xf32>
        %add3A_2066 = arith.addf %add3A_2065, %select_n3A_1993 : vector<16xf32>
        %add3A_2067 = arith.addf %add3A_2066, %select_n3A_1997 : vector<16xf32>
        %add3A_2068 = arith.addf %add3A_2067, %select_n3A_2001 : vector<16xf32>
        %add3A_2069 = arith.addf %add3A_2068, %select_n3A_2005 : vector<16xf32>
        %add3A_2070 = arith.addf %add3A_2069, %select_n3A_2009 : vector<16xf32>
        %add3A_2071 = arith.addf %add3A_2070, %select_n3A_2013 : vector<16xf32>
        %add3A_2072 = arith.addf %add3A_2071, %select_n3A_2017 : vector<16xf32>
        %add3A_2073 = arith.addf %add3A_2072, %select_n3A_2021 : vector<16xf32>
        %add3A_2074 = arith.addf %add3A_2073, %select_n3A_2025 : vector<16xf32>
        %add3A_2075 = arith.addf %add3A_2074, %select_n3A_2029 : vector<16xf32>
        %add3A_2076 = arith.addf %add3A_2075, %select_n3A_2033 : vector<16xf32>
        %add3A_2077 = arith.addf %add3A_2076, %select_n3A_2037 : vector<16xf32>
        %add3A_2078 = arith.addf %add3A_2077, %select_n3A_2041 : vector<16xf32>
        %add3A_2079 = arith.addf %add3A_2078, %select_n3A_2045 : vector<16xf32>
        %add3A_2080 = arith.addf %add3A_2079, %select_n3A_2049 : vector<16xf32>
        %lt3A_2081 = arith.constant 0 : i32
        %lt3A_2082 = vector.broadcast %lt3A_2081 : i32 to vector<16xi32>
        %lt3A_2083 = arith.cmpi slt, %xor3A_34, %lt3A_2082 : vector<16xi32>
        %add3A_2084 = arith.constant 16 : i32
        %add3A_2085 = vector.broadcast %add3A_2084 : i32 to vector<16xi32>
        %add3A_2086 = arith.addi %xor3A_34, %add3A_2085 : vector<16xi32>
        %select_n3A_2087 = arith.select %lt3A_2083, %add3A_2086, %xor3A_34 : vector<16xi1>, vector<16xi32>
        %broadcast_in_dim3A_2088 = vector.shape_cast %select_n3A_2087 : vector<16xi32> to vector<16x1xi32>
        %gather3A_2089 = vector.shape_cast %broadcast_in_dim3A_2088 : vector<16x1xi32> to vector<16xi32>
        %gather3A_2090 = tpu.dynamic_gather %add3A_1922[%gather3A_2089] in [0] : vector<16xf32>, vector<16xi32> -> vector<16xf32>
        %add3A_2091 = arith.addf %add3A_1922, %gather3A_2090 : vector<16xf32>
        %lt3A_2092 = arith.constant 0 : i32
        %lt3A_2093 = vector.broadcast %lt3A_2092 : i32 to vector<16xi32>
        %lt3A_2094 = arith.cmpi slt, %xor3A_37, %lt3A_2093 : vector<16xi32>
        %add3A_2095 = arith.constant 16 : i32
        %add3A_2096 = vector.broadcast %add3A_2095 : i32 to vector<16xi32>
        %add3A_2097 = arith.addi %xor3A_37, %add3A_2096 : vector<16xi32>
        %select_n3A_2098 = arith.select %lt3A_2094, %add3A_2097, %xor3A_37 : vector<16xi1>, vector<16xi32>
        %broadcast_in_dim3A_2099 = vector.shape_cast %select_n3A_2098 : vector<16xi32> to vector<16x1xi32>
        %gather3A_2100 = vector.shape_cast %broadcast_in_dim3A_2099 : vector<16x1xi32> to vector<16xi32>
        %gather3A_2101 = tpu.dynamic_gather %add3A_2091[%gather3A_2100] in [0] : vector<16xf32>, vector<16xi32> -> vector<16xf32>
        %add3A_2102 = arith.addf %add3A_2091, %gather3A_2101 : vector<16xf32>
        %lt3A_2103 = arith.constant 0 : i32
        %lt3A_2104 = vector.broadcast %lt3A_2103 : i32 to vector<16xi32>
        %lt3A_2105 = arith.cmpi slt, %xor3A_40, %lt3A_2104 : vector<16xi32>
        %add3A_2106 = arith.constant 16 : i32
        %add3A_2107 = vector.broadcast %add3A_2106 : i32 to vector<16xi32>
        %add3A_2108 = arith.addi %xor3A_40, %add3A_2107 : vector<16xi32>
        %select_n3A_2109 = arith.select %lt3A_2105, %add3A_2108, %xor3A_40 : vector<16xi1>, vector<16xi32>
        %broadcast_in_dim3A_2110 = vector.shape_cast %select_n3A_2109 : vector<16xi32> to vector<16x1xi32>
        %gather3A_2111 = vector.shape_cast %broadcast_in_dim3A_2110 : vector<16x1xi32> to vector<16xi32>
        %gather3A_2112 = tpu.dynamic_gather %add3A_2102[%gather3A_2111] in [0] : vector<16xf32>, vector<16xi32> -> vector<16xf32>
        %add3A_2113 = arith.addf %add3A_2102, %gather3A_2112 : vector<16xf32>
        %lt3A_2114 = arith.constant 0 : i32
        %lt3A_2115 = vector.broadcast %lt3A_2114 : i32 to vector<16xi32>
        %lt3A_2116 = arith.cmpi slt, %xor3A_43, %lt3A_2115 : vector<16xi32>
        %add3A_2117 = arith.constant 16 : i32
        %add3A_2118 = vector.broadcast %add3A_2117 : i32 to vector<16xi32>
        %add3A_2119 = arith.addi %xor3A_43, %add3A_2118 : vector<16xi32>
        %select_n3A_2120 = arith.select %lt3A_2116, %add3A_2119, %xor3A_43 : vector<16xi1>, vector<16xi32>
        %broadcast_in_dim3A_2121 = vector.shape_cast %select_n3A_2120 : vector<16xi32> to vector<16x1xi32>
        %gather3A_2122 = vector.shape_cast %broadcast_in_dim3A_2121 : vector<16x1xi32> to vector<16xi32>
        %gather3A_2123 = tpu.dynamic_gather %add3A_2113[%gather3A_2122] in [0] : vector<16xf32>, vector<16xi32> -> vector<16xf32>
        %add3A_2124 = arith.addf %add3A_2113, %gather3A_2123 : vector<16xf32>
        %lt3A_2125 = arith.constant 0 : i32
        %lt3A_2126 = vector.broadcast %lt3A_2125 : i32 to vector<16xi32>
        %lt3A_2127 = arith.cmpi slt, %xor3A_34, %lt3A_2126 : vector<16xi32>
        %add3A_2128 = arith.constant 16 : i32
        %add3A_2129 = vector.broadcast %add3A_2128 : i32 to vector<16xi32>
        %add3A_2130 = arith.addi %xor3A_34, %add3A_2129 : vector<16xi32>
        %select_n3A_2131 = arith.select %lt3A_2127, %add3A_2130, %xor3A_34 : vector<16xi1>, vector<16xi32>
        %broadcast_in_dim3A_2132 = vector.shape_cast %select_n3A_2131 : vector<16xi32> to vector<16x1xi32>
        %gather3A_2133 = vector.shape_cast %broadcast_in_dim3A_2132 : vector<16x1xi32> to vector<16xi32>
        %gather3A_2134 = tpu.dynamic_gather %add3A_2080[%gather3A_2133] in [0] : vector<16xf32>, vector<16xi32> -> vector<16xf32>
        %add3A_2135 = arith.addf %add3A_2080, %gather3A_2134 : vector<16xf32>
        %lt3A_2136 = arith.constant 0 : i32
        %lt3A_2137 = vector.broadcast %lt3A_2136 : i32 to vector<16xi32>
        %lt3A_2138 = arith.cmpi slt, %xor3A_37, %lt3A_2137 : vector<16xi32>
        %add3A_2139 = arith.constant 16 : i32
        %add3A_2140 = vector.broadcast %add3A_2139 : i32 to vector<16xi32>
        %add3A_2141 = arith.addi %xor3A_37, %add3A_2140 : vector<16xi32>
        %select_n3A_2142 = arith.select %lt3A_2138, %add3A_2141, %xor3A_37 : vector<16xi1>, vector<16xi32>
        %broadcast_in_dim3A_2143 = vector.shape_cast %select_n3A_2142 : vector<16xi32> to vector<16x1xi32>
        %gather3A_2144 = vector.shape_cast %broadcast_in_dim3A_2143 : vector<16x1xi32> to vector<16xi32>
        %gather3A_2145 = tpu.dynamic_gather %add3A_2135[%gather3A_2144] in [0] : vector<16xf32>, vector<16xi32> -> vector<16xf32>
        %add3A_2146 = arith.addf %add3A_2135, %gather3A_2145 : vector<16xf32>
        %lt3A_2147 = arith.constant 0 : i32
        %lt3A_2148 = vector.broadcast %lt3A_2147 : i32 to vector<16xi32>
        %lt3A_2149 = arith.cmpi slt, %xor3A_40, %lt3A_2148 : vector<16xi32>
        %add3A_2150 = arith.constant 16 : i32
        %add3A_2151 = vector.broadcast %add3A_2150 : i32 to vector<16xi32>
        %add3A_2152 = arith.addi %xor3A_40, %add3A_2151 : vector<16xi32>
        %select_n3A_2153 = arith.select %lt3A_2149, %add3A_2152, %xor3A_40 : vector<16xi1>, vector<16xi32>
        %broadcast_in_dim3A_2154 = vector.shape_cast %select_n3A_2153 : vector<16xi32> to vector<16x1xi32>
        %gather3A_2155 = vector.shape_cast %broadcast_in_dim3A_2154 : vector<16x1xi32> to vector<16xi32>
        %gather3A_2156 = tpu.dynamic_gather %add3A_2146[%gather3A_2155] in [0] : vector<16xf32>, vector<16xi32> -> vector<16xf32>
        %add3A_2157 = arith.addf %add3A_2146, %gather3A_2156 : vector<16xf32>
        %lt3A_2158 = arith.constant 0 : i32
        %lt3A_2159 = vector.broadcast %lt3A_2158 : i32 to vector<16xi32>
        %lt3A_2160 = arith.cmpi slt, %xor3A_43, %lt3A_2159 : vector<16xi32>
        %add3A_2161 = arith.constant 16 : i32
        %add3A_2162 = vector.broadcast %add3A_2161 : i32 to vector<16xi32>
        %add3A_2163 = arith.addi %xor3A_43, %add3A_2162 : vector<16xi32>
        %select_n3A_2164 = arith.select %lt3A_2160, %add3A_2163, %xor3A_43 : vector<16xi1>, vector<16xi32>
        %broadcast_in_dim3A_2165 = vector.shape_cast %select_n3A_2164 : vector<16xi32> to vector<16x1xi32>
        %gather3A_2166 = vector.shape_cast %broadcast_in_dim3A_2165 : vector<16x1xi32> to vector<16xi32>
        %gather3A_2167 = tpu.dynamic_gather %add3A_2157[%gather3A_2166] in [0] : vector<16xf32>, vector<16xi32> -> vector<16xf32>
        %add3A_2168 = arith.addf %add3A_2157, %gather3A_2167 : vector<16xf32>
        %mul3A_2169 = arith.constant 9.99999993E-9 : f32
        %mul3A_2170 = vector.broadcast %mul3A_2169 : f32 to vector<16xf32>
        %mul3A_2171 = arith.mulf %mul3A_2170, %add3A_2124 : vector<16xf32>
        %add3A_2172 = arith.addf %add3A_2168, %mul3A_2171 : vector<16xf32>
        %div3A_2173 = arith.constant 1.000000e+00 : f32
        %div3A_2174 = vector.broadcast %div3A_2173 : f32 to vector<16xf32>
        %div3A_2175 = arith.divf %div3A_2174, %add3A_2172 : vector<16xf32>
        %add3A_2176 = arith.constant 0 : i32
        %add3A_2177 = vector.broadcast %add3A_2176 : i32 to vector<16xi32>
        %add3A_2178 = arith.addi %iota3A, %add3A_2177 : vector<16xi32>
        %eq3A_2179 = vector.broadcast %add3A_60 : i32 to vector<16xi32>
        %eq3A_2180 = arith.cmpi eq, %add3A_2178, %eq3A_2179 : vector<16xi32>
        %jit3A_2181 = arith.constant 1.000000e+00 : f32
        %jit3A_2182 = arith.constant 0.000000e+00 : f32
        %broadcast_in_dim3A_2183 = vector.broadcast %jit3A_2181 : f32 to vector<16xf32>
        %broadcast_in_dim3A_2184 = vector.broadcast %jit3A_2182 : f32 to vector<16xf32>
        %select_n3A_2185 = arith.select %eq3A_2180, %broadcast_in_dim3A_2183, %broadcast_in_dim3A_2184 : vector<16xi1>, vector<16xf32>
        %swap3A = arith.constant 0 : i32
        %swap3A_2186 = arith.index_cast %scan3A_59 : i32 to index
        %swap3A_2187 = arith.index_cast %swap3A : i32 to index
        %swap3A_2188 = arith.constant 0 : index
        %swap3A_2189 = tpu.vector_load %arg5[%swap3A_2186, %swap3A_2187, %swap3A_2188] {strides = array<i32>} : memref<16x8x512xf32, #tpu.memory_space<vmem>>, vector<1x1x16xf32>,
        %swap3A_2190 = vector.shape_cast %swap3A_2189 : vector<1x1x16xf32> to vector<16xf32>
        %swap3A_2191 = vector.shape_cast %select_n3A_2185 : vector<16xf32> to vector<1x1x16xf32>
        tpu.vector_store %arg5[%swap3A_2186, %swap3A_2187, %swap3A_2188], %swap3A_2191 {strides = array<i32>} : memref<16x8x512xf32, #tpu.memory_space<vmem>>, vector<1x1x16xf32>,
        %add3A_2192 = arith.constant 16 : i32
        %add3A_2193 = vector.broadcast %add3A_2192 : i32 to vector<16xi32>
        %add3A_2194 = arith.addi %iota3A, %add3A_2193 : vector<16xi32>
        %eq3A_2195 = vector.broadcast %add3A_60 : i32 to vector<16xi32>
        %eq3A_2196 = arith.cmpi eq, %add3A_2194, %eq3A_2195 : vector<16xi32>
        %jit3A_2197 = arith.constant 1.000000e+00 : f32
        %jit3A_2198 = arith.constant 0.000000e+00 : f32
        %broadcast_in_dim3A_2199 = vector.broadcast %jit3A_2197 : f32 to vector<16xf32>
        %broadcast_in_dim3A_2200 = vector.broadcast %jit3A_2198 : f32 to vector<16xf32>
        %select_n3A_2201 = arith.select %eq3A_2196, %broadcast_in_dim3A_2199, %broadcast_in_dim3A_2200 : vector<16xi1>, vector<16xf32>
        %swap3A_2202 = arith.constant 0 : i32
        %swap3A_2203 = arith.index_cast %scan3A_59 : i32 to index
        %swap3A_2204 = arith.index_cast %swap3A_2202 : i32 to index
        %swap3A_2205 = arith.constant 16 : index
        %swap3A_2206 = tpu.vector_load %arg5[%swap3A_2203, %swap3A_2204, %swap3A_2205] {strides = array<i32>} : memref<16x8x512xf32, #tpu.memory_space<vmem>>, vector<1x1x16xf32>,
        %swap3A_2207 = vector.shape_cast %swap3A_2206 : vector<1x1x16xf32> to vector<16xf32>
        %swap3A_2208 = vector.shape_cast %select_n3A_2201 : vector<16xf32> to vector<1x1x16xf32>
        tpu.vector_store %arg5[%swap3A_2203, %swap3A_2204, %swap3A_2205], %swap3A_2208 {strides = array<i32>} : memref<16x8x512xf32, #tpu.memory_space<vmem>>, vector<1x1x16xf32>,
        %add3A_2209 = arith.constant 32 : i32
        %add3A_2210 = vector.broadcast %add3A_2209 : i32 to vector<16xi32>
        %add3A_2211 = arith.addi %iota3A, %add3A_2210 : vector<16xi32>
        %eq3A_2212 = vector.broadcast %add3A_60 : i32 to vector<16xi32>
        %eq3A_2213 = arith.cmpi eq, %add3A_2211, %eq3A_2212 : vector<16xi32>
        %jit3A_2214 = arith.constant 1.000000e+00 : f32
        %jit3A_2215 = arith.constant 0.000000e+00 : f32
        %broadcast_in_dim3A_2216 = vector.broadcast %jit3A_2214 : f32 to vector<16xf32>
        %broadcast_in_dim3A_2217 = vector.broadcast %jit3A_2215 : f32 to vector<16xf32>
        %select_n3A_2218 = arith.select %eq3A_2213, %broadcast_in_dim3A_2216, %broadcast_in_dim3A_2217 : vector<16xi1>, vector<16xf32>
        %swap3A_2219 = arith.constant 0 : i32
        %swap3A_2220 = arith.index_cast %scan3A_59 : i32 to index
        %swap3A_2221 = arith.index_cast %swap3A_2219 : i32 to index
        %swap3A_2222 = arith.constant 32 : index
        %swap3A_2223 = tpu.vector_load %arg5[%swap3A_2220, %swap3A_2221, %swap3A_2222] {strides = array<i32>} : memref<16x8x512xf32, #tpu.memory_space<vmem>>, vector<1x1x16xf32>,
        %swap3A_2224 = vector.shape_cast %swap3A_2223 : vector<1x1x16xf32> to vector<16xf32>
        %swap3A_2225 = vector.shape_cast %select_n3A_2218 : vector<16xf32> to vector<1x1x16xf32>
        tpu.vector_store %arg5[%swap3A_2220, %swap3A_2221, %swap3A_2222], %swap3A_2225 {strides = array<i32>} : memref<16x8x512xf32, #tpu.memory_space<vmem>>, vector<1x1x16xf32>,
        %add3A_2226 = arith.constant 48 : i32
        %add3A_2227 = vector.broadcast %add3A_2226 : i32 to vector<16xi32>
        %add3A_2228 = arith.addi %iota3A, %add3A_2227 : vector<16xi32>
        %eq3A_2229 = vector.broadcast %add3A_60 : i32 to vector<16xi32>
        %eq3A_2230 = arith.cmpi eq, %add3A_2228, %eq3A_2229 : vector<16xi32>
        %jit3A_2231 = arith.constant 1.000000e+00 : f32
        %jit3A_2232 = arith.constant 0.000000e+00 : f32
        %broadcast_in_dim3A_2233 = vector.broadcast %jit3A_2231 : f32 to vector<16xf32>
        %broadcast_in_dim3A_2234 = vector.broadcast %jit3A_2232 : f32 to vector<16xf32>
        %select_n3A_2235 = arith.select %eq3A_2230, %broadcast_in_dim3A_2233, %broadcast_in_dim3A_2234 : vector<16xi1>, vector<16xf32>
        %swap3A_2236 = arith.constant 0 : i32
        %swap3A_2237 = arith.index_cast %scan3A_59 : i32 to index
        %swap3A_2238 = arith.index_cast %swap3A_2236 : i32 to index
        %swap3A_2239 = arith.constant 48 : index
        %swap3A_2240 = tpu.vector_load %arg5[%swap3A_2237, %swap3A_2238, %swap3A_2239] {strides = array<i32>} : memref<16x8x512xf32, #tpu.memory_space<vmem>>, vector<1x1x16xf32>,
        %swap3A_2241 = vector.shape_cast %swap3A_2240 : vector<1x1x16xf32> to vector<16xf32>
        %swap3A_2242 = vector.shape_cast %select_n3A_2235 : vector<16xf32> to vector<1x1x16xf32>
        tpu.vector_store %arg5[%swap3A_2237, %swap3A_2238, %swap3A_2239], %swap3A_2242 {strides = array<i32>} : memref<16x8x512xf32, #tpu.memory_space<vmem>>, vector<1x1x16xf32>,
        %add3A_2243 = arith.constant 64 : i32
        %add3A_2244 = vector.broadcast %add3A_2243 : i32 to vector<16xi32>
        %add3A_2245 = arith.addi %iota3A, %add3A_2244 : vector<16xi32>
        %eq3A_2246 = vector.broadcast %add3A_60 : i32 to vector<16xi32>
        %eq3A_2247 = arith.cmpi eq, %add3A_2245, %eq3A_2246 : vector<16xi32>
        %jit3A_2248 = arith.constant 1.000000e+00 : f32
        %jit3A_2249 = arith.constant 0.000000e+00 : f32
        %broadcast_in_dim3A_2250 = vector.broadcast %jit3A_2248 : f32 to vector<16xf32>
        %broadcast_in_dim3A_2251 = vector.broadcast %jit3A_2249 : f32 to vector<16xf32>
        %select_n3A_2252 = arith.select %eq3A_2247, %broadcast_in_dim3A_2250, %broadcast_in_dim3A_2251 : vector<16xi1>, vector<16xf32>
        %swap3A_2253 = arith.constant 0 : i32
        %swap3A_2254 = arith.index_cast %scan3A_59 : i32 to index
        %swap3A_2255 = arith.index_cast %swap3A_2253 : i32 to index
        %swap3A_2256 = arith.constant 64 : index
        %swap3A_2257 = tpu.vector_load %arg5[%swap3A_2254, %swap3A_2255, %swap3A_2256] {strides = array<i32>} : memref<16x8x512xf32, #tpu.memory_space<vmem>>, vector<1x1x16xf32>,
        %swap3A_2258 = vector.shape_cast %swap3A_2257 : vector<1x1x16xf32> to vector<16xf32>
        %swap3A_2259 = vector.shape_cast %select_n3A_2252 : vector<16xf32> to vector<1x1x16xf32>
        tpu.vector_store %arg5[%swap3A_2254, %swap3A_2255, %swap3A_2256], %swap3A_2259 {strides = array<i32>} : memref<16x8x512xf32, #tpu.memory_space<vmem>>, vector<1x1x16xf32>,
        %add3A_2260 = arith.constant 80 : i32
        %add3A_2261 = vector.broadcast %add3A_2260 : i32 to vector<16xi32>
        %add3A_2262 = arith.addi %iota3A, %add3A_2261 : vector<16xi32>
        %eq3A_2263 = vector.broadcast %add3A_60 : i32 to vector<16xi32>
        %eq3A_2264 = arith.cmpi eq, %add3A_2262, %eq3A_2263 : vector<16xi32>
        %jit3A_2265 = arith.constant 1.000000e+00 : f32
        %jit3A_2266 = arith.constant 0.000000e+00 : f32
        %broadcast_in_dim3A_2267 = vector.broadcast %jit3A_2265 : f32 to vector<16xf32>
        %broadcast_in_dim3A_2268 = vector.broadcast %jit3A_2266 : f32 to vector<16xf32>
        %select_n3A_2269 = arith.select %eq3A_2264, %broadcast_in_dim3A_2267, %broadcast_in_dim3A_2268 : vector<16xi1>, vector<16xf32>
        %swap3A_2270 = arith.constant 0 : i32
        %swap3A_2271 = arith.index_cast %scan3A_59 : i32 to index
        %swap3A_2272 = arith.index_cast %swap3A_2270 : i32 to index
        %swap3A_2273 = arith.constant 80 : index
        %swap3A_2274 = tpu.vector_load %arg5[%swap3A_2271, %swap3A_2272, %swap3A_2273] {strides = array<i32>} : memref<16x8x512xf32, #tpu.memory_space<vmem>>, vector<1x1x16xf32>,
        %swap3A_2275 = vector.shape_cast %swap3A_2274 : vector<1x1x16xf32> to vector<16xf32>
        %swap3A_2276 = vector.shape_cast %select_n3A_2269 : vector<16xf32> to vector<1x1x16xf32>
        tpu.vector_store %arg5[%swap3A_2271, %swap3A_2272, %swap3A_2273], %swap3A_2276 {strides = array<i32>} : memref<16x8x512xf32, #tpu.memory_space<vmem>>, vector<1x1x16xf32>,
        %add3A_2277 = arith.constant 96 : i32
        %add3A_2278 = vector.broadcast %add3A_2277 : i32 to vector<16xi32>
        %add3A_2279 = arith.addi %iota3A, %add3A_2278 : vector<16xi32>
        %eq3A_2280 = vector.broadcast %add3A_60 : i32 to vector<16xi32>
        %eq3A_2281 = arith.cmpi eq, %add3A_2279, %eq3A_2280 : vector<16xi32>
        %jit3A_2282 = arith.constant 1.000000e+00 : f32
        %jit3A_2283 = arith.constant 0.000000e+00 : f32
        %broadcast_in_dim3A_2284 = vector.broadcast %jit3A_2282 : f32 to vector<16xf32>
        %broadcast_in_dim3A_2285 = vector.broadcast %jit3A_2283 : f32 to vector<16xf32>
        %select_n3A_2286 = arith.select %eq3A_2281, %broadcast_in_dim3A_2284, %broadcast_in_dim3A_2285 : vector<16xi1>, vector<16xf32>
        %swap3A_2287 = arith.constant 0 : i32
        %swap3A_2288 = arith.index_cast %scan3A_59 : i32 to index
        %swap3A_2289 = arith.index_cast %swap3A_2287 : i32 to index
        %swap3A_2290 = arith.constant 96 : index
        %swap3A_2291 = tpu.vector_load %arg5[%swap3A_2288, %swap3A_2289, %swap3A_2290] {strides = array<i32>} : memref<16x8x512xf32, #tpu.memory_space<vmem>>, vector<1x1x16xf32>,
        %swap3A_2292 = vector.shape_cast %swap3A_2291 : vector<1x1x16xf32> to vector<16xf32>
        %swap3A_2293 = vector.shape_cast %select_n3A_2286 : vector<16xf32> to vector<1x1x16xf32>
        tpu.vector_store %arg5[%swap3A_2288, %swap3A_2289, %swap3A_2290], %swap3A_2293 {strides = array<i32>} : memref<16x8x512xf32, #tpu.memory_space<vmem>>, vector<1x1x16xf32>,
        %add3A_2294 = arith.constant 112 : i32
        %add3A_2295 = vector.broadcast %add3A_2294 : i32 to vector<16xi32>
        %add3A_2296 = arith.addi %iota3A, %add3A_2295 : vector<16xi32>
        %eq3A_2297 = vector.broadcast %add3A_60 : i32 to vector<16xi32>
        %eq3A_2298 = arith.cmpi eq, %add3A_2296, %eq3A_2297 : vector<16xi32>
        %jit3A_2299 = arith.constant 1.000000e+00 : f32
        %jit3A_2300 = arith.constant 0.000000e+00 : f32
        %broadcast_in_dim3A_2301 = vector.broadcast %jit3A_2299 : f32 to vector<16xf32>
        %broadcast_in_dim3A_2302 = vector.broadcast %jit3A_2300 : f32 to vector<16xf32>
        %select_n3A_2303 = arith.select %eq3A_2298, %broadcast_in_dim3A_2301, %broadcast_in_dim3A_2302 : vector<16xi1>, vector<16xf32>
        %swap3A_2304 = arith.constant 0 : i32
        %swap3A_2305 = arith.index_cast %scan3A_59 : i32 to index
        %swap3A_2306 = arith.index_cast %swap3A_2304 : i32 to index
        %swap3A_2307 = arith.constant 112 : index
        %swap3A_2308 = tpu.vector_load %arg5[%swap3A_2305, %swap3A_2306, %swap3A_2307] {strides = array<i32>} : memref<16x8x512xf32, #tpu.memory_space<vmem>>, vector<1x1x16xf32>,
        %swap3A_2309 = vector.shape_cast %swap3A_2308 : vector<1x1x16xf32> to vector<16xf32>
        %swap3A_2310 = vector.shape_cast %select_n3A_2303 : vector<16xf32> to vector<1x1x16xf32>
        tpu.vector_store %arg5[%swap3A_2305, %swap3A_2306, %swap3A_2307], %swap3A_2310 {strides = array<i32>} : memref<16x8x512xf32, #tpu.memory_space<vmem>>, vector<1x1x16xf32>,
        %add3A_2311 = arith.constant 128 : i32
        %add3A_2312 = vector.broadcast %add3A_2311 : i32 to vector<16xi32>
        %add3A_2313 = arith.addi %iota3A, %add3A_2312 : vector<16xi32>
        %eq3A_2314 = vector.broadcast %add3A_60 : i32 to vector<16xi32>
        %eq3A_2315 = arith.cmpi eq, %add3A_2313, %eq3A_2314 : vector<16xi32>
        %jit3A_2316 = arith.constant 1.000000e+00 : f32
        %jit3A_2317 = arith.constant 0.000000e+00 : f32
        %broadcast_in_dim3A_2318 = vector.broadcast %jit3A_2316 : f32 to vector<16xf32>
        %broadcast_in_dim3A_2319 = vector.broadcast %jit3A_2317 : f32 to vector<16xf32>
        %select_n3A_2320 = arith.select %eq3A_2315, %broadcast_in_dim3A_2318, %broadcast_in_dim3A_2319 : vector<16xi1>, vector<16xf32>
        %swap3A_2321 = arith.constant 0 : i32
        %swap3A_2322 = arith.index_cast %scan3A_59 : i32 to index
        %swap3A_2323 = arith.index_cast %swap3A_2321 : i32 to index
        %swap3A_2324 = arith.constant 128 : index
        %swap3A_2325 = tpu.vector_load %arg5[%swap3A_2322, %swap3A_2323, %swap3A_2324] {strides = array<i32>} : memref<16x8x512xf32, #tpu.memory_space<vmem>>, vector<1x1x16xf32>,
        %swap3A_2326 = vector.shape_cast %swap3A_2325 : vector<1x1x16xf32> to vector<16xf32>
        %swap3A_2327 = vector.shape_cast %select_n3A_2320 : vector<16xf32> to vector<1x1x16xf32>
        tpu.vector_store %arg5[%swap3A_2322, %swap3A_2323, %swap3A_2324], %swap3A_2327 {strides = array<i32>} : memref<16x8x512xf32, #tpu.memory_space<vmem>>, vector<1x1x16xf32>,
        %add3A_2328 = arith.constant 144 : i32
        %add3A_2329 = vector.broadcast %add3A_2328 : i32 to vector<16xi32>
        %add3A_2330 = arith.addi %iota3A, %add3A_2329 : vector<16xi32>
        %eq3A_2331 = vector.broadcast %add3A_60 : i32 to vector<16xi32>
        %eq3A_2332 = arith.cmpi eq, %add3A_2330, %eq3A_2331 : vector<16xi32>
        %jit3A_2333 = arith.constant 1.000000e+00 : f32
        %jit3A_2334 = arith.constant 0.000000e+00 : f32
        %broadcast_in_dim3A_2335 = vector.broadcast %jit3A_2333 : f32 to vector<16xf32>
        %broadcast_in_dim3A_2336 = vector.broadcast %jit3A_2334 : f32 to vector<16xf32>
        %select_n3A_2337 = arith.select %eq3A_2332, %broadcast_in_dim3A_2335, %broadcast_in_dim3A_2336 : vector<16xi1>, vector<16xf32>
        %swap3A_2338 = arith.constant 0 : i32
        %swap3A_2339 = arith.index_cast %scan3A_59 : i32 to index
        %swap3A_2340 = arith.index_cast %swap3A_2338 : i32 to index
        %swap3A_2341 = arith.constant 144 : index
        %swap3A_2342 = tpu.vector_load %arg5[%swap3A_2339, %swap3A_2340, %swap3A_2341] {strides = array<i32>} : memref<16x8x512xf32, #tpu.memory_space<vmem>>, vector<1x1x16xf32>,
        %swap3A_2343 = vector.shape_cast %swap3A_2342 : vector<1x1x16xf32> to vector<16xf32>
        %swap3A_2344 = vector.shape_cast %select_n3A_2337 : vector<16xf32> to vector<1x1x16xf32>
        tpu.vector_store %arg5[%swap3A_2339, %swap3A_2340, %swap3A_2341], %swap3A_2344 {strides = array<i32>} : memref<16x8x512xf32, #tpu.memory_space<vmem>>, vector<1x1x16xf32>,
        %add3A_2345 = arith.constant 160 : i32
        %add3A_2346 = vector.broadcast %add3A_2345 : i32 to vector<16xi32>
        %add3A_2347 = arith.addi %iota3A, %add3A_2346 : vector<16xi32>
        %eq3A_2348 = vector.broadcast %add3A_60 : i32 to vector<16xi32>
        %eq3A_2349 = arith.cmpi eq, %add3A_2347, %eq3A_2348 : vector<16xi32>
        %jit3A_2350 = arith.constant 1.000000e+00 : f32
        %jit3A_2351 = arith.constant 0.000000e+00 : f32
        %broadcast_in_dim3A_2352 = vector.broadcast %jit3A_2350 : f32 to vector<16xf32>
        %broadcast_in_dim3A_2353 = vector.broadcast %jit3A_2351 : f32 to vector<16xf32>
        %select_n3A_2354 = arith.select %eq3A_2349, %broadcast_in_dim3A_2352, %broadcast_in_dim3A_2353 : vector<16xi1>, vector<16xf32>
        %swap3A_2355 = arith.constant 0 : i32
        %swap3A_2356 = arith.index_cast %scan3A_59 : i32 to index
        %swap3A_2357 = arith.index_cast %swap3A_2355 : i32 to index
        %swap3A_2358 = arith.constant 160 : index
        %swap3A_2359 = tpu.vector_load %arg5[%swap3A_2356, %swap3A_2357, %swap3A_2358] {strides = array<i32>} : memref<16x8x512xf32, #tpu.memory_space<vmem>>, vector<1x1x16xf32>,
        %swap3A_2360 = vector.shape_cast %swap3A_2359 : vector<1x1x16xf32> to vector<16xf32>
        %swap3A_2361 = vector.shape_cast %select_n3A_2354 : vector<16xf32> to vector<1x1x16xf32>
        tpu.vector_store %arg5[%swap3A_2356, %swap3A_2357, %swap3A_2358], %swap3A_2361 {strides = array<i32>} : memref<16x8x512xf32, #tpu.memory_space<vmem>>, vector<1x1x16xf32>,
        %add3A_2362 = arith.constant 176 : i32
        %add3A_2363 = vector.broadcast %add3A_2362 : i32 to vector<16xi32>
        %add3A_2364 = arith.addi %iota3A, %add3A_2363 : vector<16xi32>
        %eq3A_2365 = vector.broadcast %add3A_60 : i32 to vector<16xi32>
        %eq3A_2366 = arith.cmpi eq, %add3A_2364, %eq3A_2365 : vector<16xi32>
        %jit3A_2367 = arith.constant 1.000000e+00 : f32
        %jit3A_2368 = arith.constant 0.000000e+00 : f32
        %broadcast_in_dim3A_2369 = vector.broadcast %jit3A_2367 : f32 to vector<16xf32>
        %broadcast_in_dim3A_2370 = vector.broadcast %jit3A_2368 : f32 to vector<16xf32>
        %select_n3A_2371 = arith.select %eq3A_2366, %broadcast_in_dim3A_2369, %broadcast_in_dim3A_2370 : vector<16xi1>, vector<16xf32>
        %swap3A_2372 = arith.constant 0 : i32
        %swap3A_2373 = arith.index_cast %scan3A_59 : i32 to index
        %swap3A_2374 = arith.index_cast %swap3A_2372 : i32 to index
        %swap3A_2375 = arith.constant 176 : index
        %swap3A_2376 = tpu.vector_load %arg5[%swap3A_2373, %swap3A_2374, %swap3A_2375] {strides = array<i32>} : memref<16x8x512xf32, #tpu.memory_space<vmem>>, vector<1x1x16xf32>,
        %swap3A_2377 = vector.shape_cast %swap3A_2376 : vector<1x1x16xf32> to vector<16xf32>
        %swap3A_2378 = vector.shape_cast %select_n3A_2371 : vector<16xf32> to vector<1x1x16xf32>
        tpu.vector_store %arg5[%swap3A_2373, %swap3A_2374, %swap3A_2375], %swap3A_2378 {strides = array<i32>} : memref<16x8x512xf32, #tpu.memory_space<vmem>>, vector<1x1x16xf32>,
        %add3A_2379 = arith.constant 192 : i32
        %add3A_2380 = vector.broadcast %add3A_2379 : i32 to vector<16xi32>
        %add3A_2381 = arith.addi %iota3A, %add3A_2380 : vector<16xi32>
        %eq3A_2382 = vector.broadcast %add3A_60 : i32 to vector<16xi32>
        %eq3A_2383 = arith.cmpi eq, %add3A_2381, %eq3A_2382 : vector<16xi32>
        %jit3A_2384 = arith.constant 1.000000e+00 : f32
        %jit3A_2385 = arith.constant 0.000000e+00 : f32
        %broadcast_in_dim3A_2386 = vector.broadcast %jit3A_2384 : f32 to vector<16xf32>
        %broadcast_in_dim3A_2387 = vector.broadcast %jit3A_2385 : f32 to vector<16xf32>
        %select_n3A_2388 = arith.select %eq3A_2383, %broadcast_in_dim3A_2386, %broadcast_in_dim3A_2387 : vector<16xi1>, vector<16xf32>
        %swap3A_2389 = arith.constant 0 : i32
        %swap3A_2390 = arith.index_cast %scan3A_59 : i32 to index
        %swap3A_2391 = arith.index_cast %swap3A_2389 : i32 to index
        %swap3A_2392 = arith.constant 192 : index
        %swap3A_2393 = tpu.vector_load %arg5[%swap3A_2390, %swap3A_2391, %swap3A_2392] {strides = array<i32>} : memref<16x8x512xf32, #tpu.memory_space<vmem>>, vector<1x1x16xf32>,
        %swap3A_2394 = vector.shape_cast %swap3A_2393 : vector<1x1x16xf32> to vector<16xf32>
        %swap3A_2395 = vector.shape_cast %select_n3A_2388 : vector<16xf32> to vector<1x1x16xf32>
        tpu.vector_store %arg5[%swap3A_2390, %swap3A_2391, %swap3A_2392], %swap3A_2395 {strides = array<i32>} : memref<16x8x512xf32, #tpu.memory_space<vmem>>, vector<1x1x16xf32>,
        %add3A_2396 = arith.constant 208 : i32
        %add3A_2397 = vector.broadcast %add3A_2396 : i32 to vector<16xi32>
        %add3A_2398 = arith.addi %iota3A, %add3A_2397 : vector<16xi32>
        %eq3A_2399 = vector.broadcast %add3A_60 : i32 to vector<16xi32>
        %eq3A_2400 = arith.cmpi eq, %add3A_2398, %eq3A_2399 : vector<16xi32>
        %jit3A_2401 = arith.constant 1.000000e+00 : f32
        %jit3A_2402 = arith.constant 0.000000e+00 : f32
        %broadcast_in_dim3A_2403 = vector.broadcast %jit3A_2401 : f32 to vector<16xf32>
        %broadcast_in_dim3A_2404 = vector.broadcast %jit3A_2402 : f32 to vector<16xf32>
        %select_n3A_2405 = arith.select %eq3A_2400, %broadcast_in_dim3A_2403, %broadcast_in_dim3A_2404 : vector<16xi1>, vector<16xf32>
        %swap3A_2406 = arith.constant 0 : i32
        %swap3A_2407 = arith.index_cast %scan3A_59 : i32 to index
        %swap3A_2408 = arith.index_cast %swap3A_2406 : i32 to index
        %swap3A_2409 = arith.constant 208 : index
        %swap3A_2410 = tpu.vector_load %arg5[%swap3A_2407, %swap3A_2408, %swap3A_2409] {strides = array<i32>} : memref<16x8x512xf32, #tpu.memory_space<vmem>>, vector<1x1x16xf32>,
        %swap3A_2411 = vector.shape_cast %swap3A_2410 : vector<1x1x16xf32> to vector<16xf32>
        %swap3A_2412 = vector.shape_cast %select_n3A_2405 : vector<16xf32> to vector<1x1x16xf32>
        tpu.vector_store %arg5[%swap3A_2407, %swap3A_2408, %swap3A_2409], %swap3A_2412 {strides = array<i32>} : memref<16x8x512xf32, #tpu.memory_space<vmem>>, vector<1x1x16xf32>,
        %add3A_2413 = arith.constant 224 : i32
        %add3A_2414 = vector.broadcast %add3A_2413 : i32 to vector<16xi32>
        %add3A_2415 = arith.addi %iota3A, %add3A_2414 : vector<16xi32>
        %eq3A_2416 = vector.broadcast %add3A_60 : i32 to vector<16xi32>
        %eq3A_2417 = arith.cmpi eq, %add3A_2415, %eq3A_2416 : vector<16xi32>
        %jit3A_2418 = arith.constant 1.000000e+00 : f32
        %jit3A_2419 = arith.constant 0.000000e+00 : f32
        %broadcast_in_dim3A_2420 = vector.broadcast %jit3A_2418 : f32 to vector<16xf32>
        %broadcast_in_dim3A_2421 = vector.broadcast %jit3A_2419 : f32 to vector<16xf32>
        %select_n3A_2422 = arith.select %eq3A_2417, %broadcast_in_dim3A_2420, %broadcast_in_dim3A_2421 : vector<16xi1>, vector<16xf32>
        %swap3A_2423 = arith.constant 0 : i32
        %swap3A_2424 = arith.index_cast %scan3A_59 : i32 to index
        %swap3A_2425 = arith.index_cast %swap3A_2423 : i32 to index
        %swap3A_2426 = arith.constant 224 : index
        %swap3A_2427 = tpu.vector_load %arg5[%swap3A_2424, %swap3A_2425, %swap3A_2426] {strides = array<i32>} : memref<16x8x512xf32, #tpu.memory_space<vmem>>, vector<1x1x16xf32>,
        %swap3A_2428 = vector.shape_cast %swap3A_2427 : vector<1x1x16xf32> to vector<16xf32>
        %swap3A_2429 = vector.shape_cast %select_n3A_2422 : vector<16xf32> to vector<1x1x16xf32>
        tpu.vector_store %arg5[%swap3A_2424, %swap3A_2425, %swap3A_2426], %swap3A_2429 {strides = array<i32>} : memref<16x8x512xf32, #tpu.memory_space<vmem>>, vector<1x1x16xf32>,
        %add3A_2430 = arith.constant 240 : i32
        %add3A_2431 = vector.broadcast %add3A_2430 : i32 to vector<16xi32>
        %add3A_2432 = arith.addi %iota3A, %add3A_2431 : vector<16xi32>
        %eq3A_2433 = vector.broadcast %add3A_60 : i32 to vector<16xi32>
        %eq3A_2434 = arith.cmpi eq, %add3A_2432, %eq3A_2433 : vector<16xi32>
        %jit3A_2435 = arith.constant 1.000000e+00 : f32
        %jit3A_2436 = arith.constant 0.000000e+00 : f32
        %broadcast_in_dim3A_2437 = vector.broadcast %jit3A_2435 : f32 to vector<16xf32>
        %broadcast_in_dim3A_2438 = vector.broadcast %jit3A_2436 : f32 to vector<16xf32>
        %select_n3A_2439 = arith.select %eq3A_2434, %broadcast_in_dim3A_2437, %broadcast_in_dim3A_2438 : vector<16xi1>, vector<16xf32>
        %swap3A_2440 = arith.constant 0 : i32
        %swap3A_2441 = arith.index_cast %scan3A_59 : i32 to index
        %swap3A_2442 = arith.index_cast %swap3A_2440 : i32 to index
        %swap3A_2443 = arith.constant 240 : index
        %swap3A_2444 = tpu.vector_load %arg5[%swap3A_2441, %swap3A_2442, %swap3A_2443] {strides = array<i32>} : memref<16x8x512xf32, #tpu.memory_space<vmem>>, vector<1x1x16xf32>,
        %swap3A_2445 = vector.shape_cast %swap3A_2444 : vector<1x1x16xf32> to vector<16xf32>
        %swap3A_2446 = vector.shape_cast %select_n3A_2439 : vector<16xf32> to vector<1x1x16xf32>
        tpu.vector_store %arg5[%swap3A_2441, %swap3A_2442, %swap3A_2443], %swap3A_2446 {strides = array<i32>} : memref<16x8x512xf32, #tpu.memory_space<vmem>>, vector<1x1x16xf32>,
        %add3A_2447 = arith.constant 256 : i32
        %add3A_2448 = vector.broadcast %add3A_2447 : i32 to vector<16xi32>
        %add3A_2449 = arith.addi %iota3A, %add3A_2448 : vector<16xi32>
        %eq3A_2450 = vector.broadcast %add3A_60 : i32 to vector<16xi32>
        %eq3A_2451 = arith.cmpi eq, %add3A_2449, %eq3A_2450 : vector<16xi32>
        %jit3A_2452 = arith.constant 1.000000e+00 : f32
        %jit3A_2453 = arith.constant 0.000000e+00 : f32
        %broadcast_in_dim3A_2454 = vector.broadcast %jit3A_2452 : f32 to vector<16xf32>
        %broadcast_in_dim3A_2455 = vector.broadcast %jit3A_2453 : f32 to vector<16xf32>
        %select_n3A_2456 = arith.select %eq3A_2451, %broadcast_in_dim3A_2454, %broadcast_in_dim3A_2455 : vector<16xi1>, vector<16xf32>
        %swap3A_2457 = arith.constant 0 : i32
        %swap3A_2458 = arith.index_cast %scan3A_59 : i32 to index
        %swap3A_2459 = arith.index_cast %swap3A_2457 : i32 to index
        %swap3A_2460 = arith.constant 256 : index
        %swap3A_2461 = tpu.vector_load %arg5[%swap3A_2458, %swap3A_2459, %swap3A_2460] {strides = array<i32>} : memref<16x8x512xf32, #tpu.memory_space<vmem>>, vector<1x1x16xf32>,
        %swap3A_2462 = vector.shape_cast %swap3A_2461 : vector<1x1x16xf32> to vector<16xf32>
        %swap3A_2463 = vector.shape_cast %select_n3A_2456 : vector<16xf32> to vector<1x1x16xf32>
        tpu.vector_store %arg5[%swap3A_2458, %swap3A_2459, %swap3A_2460], %swap3A_2463 {strides = array<i32>} : memref<16x8x512xf32, #tpu.memory_space<vmem>>, vector<1x1x16xf32>,
        %add3A_2464 = arith.constant 272 : i32
        %add3A_2465 = vector.broadcast %add3A_2464 : i32 to vector<16xi32>
        %add3A_2466 = arith.addi %iota3A, %add3A_2465 : vector<16xi32>
        %eq3A_2467 = vector.broadcast %add3A_60 : i32 to vector<16xi32>
        %eq3A_2468 = arith.cmpi eq, %add3A_2466, %eq3A_2467 : vector<16xi32>
        %jit3A_2469 = arith.constant 1.000000e+00 : f32
        %jit3A_2470 = arith.constant 0.000000e+00 : f32
        %broadcast_in_dim3A_2471 = vector.broadcast %jit3A_2469 : f32 to vector<16xf32>
        %broadcast_in_dim3A_2472 = vector.broadcast %jit3A_2470 : f32 to vector<16xf32>
        %select_n3A_2473 = arith.select %eq3A_2468, %broadcast_in_dim3A_2471, %broadcast_in_dim3A_2472 : vector<16xi1>, vector<16xf32>
        %swap3A_2474 = arith.constant 0 : i32
        %swap3A_2475 = arith.index_cast %scan3A_59 : i32 to index
        %swap3A_2476 = arith.index_cast %swap3A_2474 : i32 to index
        %swap3A_2477 = arith.constant 272 : index
        %swap3A_2478 = tpu.vector_load %arg5[%swap3A_2475, %swap3A_2476, %swap3A_2477] {strides = array<i32>} : memref<16x8x512xf32, #tpu.memory_space<vmem>>, vector<1x1x16xf32>,
        %swap3A_2479 = vector.shape_cast %swap3A_2478 : vector<1x1x16xf32> to vector<16xf32>
        %swap3A_2480 = vector.shape_cast %select_n3A_2473 : vector<16xf32> to vector<1x1x16xf32>
        tpu.vector_store %arg5[%swap3A_2475, %swap3A_2476, %swap3A_2477], %swap3A_2480 {strides = array<i32>} : memref<16x8x512xf32, #tpu.memory_space<vmem>>, vector<1x1x16xf32>,
        %add3A_2481 = arith.constant 288 : i32
        %add3A_2482 = vector.broadcast %add3A_2481 : i32 to vector<16xi32>
        %add3A_2483 = arith.addi %iota3A, %add3A_2482 : vector<16xi32>
        %eq3A_2484 = vector.broadcast %add3A_60 : i32 to vector<16xi32>
        %eq3A_2485 = arith.cmpi eq, %add3A_2483, %eq3A_2484 : vector<16xi32>
        %jit3A_2486 = arith.constant 1.000000e+00 : f32
        %jit3A_2487 = arith.constant 0.000000e+00 : f32
        %broadcast_in_dim3A_2488 = vector.broadcast %jit3A_2486 : f32 to vector<16xf32>
        %broadcast_in_dim3A_2489 = vector.broadcast %jit3A_2487 : f32 to vector<16xf32>
        %select_n3A_2490 = arith.select %eq3A_2485, %broadcast_in_dim3A_2488, %broadcast_in_dim3A_2489 : vector<16xi1>, vector<16xf32>
        %swap3A_2491 = arith.constant 0 : i32
        %swap3A_2492 = arith.index_cast %scan3A_59 : i32 to index
        %swap3A_2493 = arith.index_cast %swap3A_2491 : i32 to index
        %swap3A_2494 = arith.constant 288 : index
        %swap3A_2495 = tpu.vector_load %arg5[%swap3A_2492, %swap3A_2493, %swap3A_2494] {strides = array<i32>} : memref<16x8x512xf32, #tpu.memory_space<vmem>>, vector<1x1x16xf32>,
        %swap3A_2496 = vector.shape_cast %swap3A_2495 : vector<1x1x16xf32> to vector<16xf32>
        %swap3A_2497 = vector.shape_cast %select_n3A_2490 : vector<16xf32> to vector<1x1x16xf32>
        tpu.vector_store %arg5[%swap3A_2492, %swap3A_2493, %swap3A_2494], %swap3A_2497 {strides = array<i32>} : memref<16x8x512xf32, #tpu.memory_space<vmem>>, vector<1x1x16xf32>,
        %add3A_2498 = arith.constant 304 : i32
        %add3A_2499 = vector.broadcast %add3A_2498 : i32 to vector<16xi32>
        %add3A_2500 = arith.addi %iota3A, %add3A_2499 : vector<16xi32>
        %eq3A_2501 = vector.broadcast %add3A_60 : i32 to vector<16xi32>
        %eq3A_2502 = arith.cmpi eq, %add3A_2500, %eq3A_2501 : vector<16xi32>
        %jit3A_2503 = arith.constant 1.000000e+00 : f32
        %jit3A_2504 = arith.constant 0.000000e+00 : f32
        %broadcast_in_dim3A_2505 = vector.broadcast %jit3A_2503 : f32 to vector<16xf32>
        %broadcast_in_dim3A_2506 = vector.broadcast %jit3A_2504 : f32 to vector<16xf32>
        %select_n3A_2507 = arith.select %eq3A_2502, %broadcast_in_dim3A_2505, %broadcast_in_dim3A_2506 : vector<16xi1>, vector<16xf32>
        %swap3A_2508 = arith.constant 0 : i32
        %swap3A_2509 = arith.index_cast %scan3A_59 : i32 to index
        %swap3A_2510 = arith.index_cast %swap3A_2508 : i32 to index
        %swap3A_2511 = arith.constant 304 : index
        %swap3A_2512 = tpu.vector_load %arg5[%swap3A_2509, %swap3A_2510, %swap3A_2511] {strides = array<i32>} : memref<16x8x512xf32, #tpu.memory_space<vmem>>, vector<1x1x16xf32>,
        %swap3A_2513 = vector.shape_cast %swap3A_2512 : vector<1x1x16xf32> to vector<16xf32>
        %swap3A_2514 = vector.shape_cast %select_n3A_2507 : vector<16xf32> to vector<1x1x16xf32>
        tpu.vector_store %arg5[%swap3A_2509, %swap3A_2510, %swap3A_2511], %swap3A_2514 {strides = array<i32>} : memref<16x8x512xf32, #tpu.memory_space<vmem>>, vector<1x1x16xf32>,
        %add3A_2515 = arith.constant 320 : i32
        %add3A_2516 = vector.broadcast %add3A_2515 : i32 to vector<16xi32>
        %add3A_2517 = arith.addi %iota3A, %add3A_2516 : vector<16xi32>
        %eq3A_2518 = vector.broadcast %add3A_60 : i32 to vector<16xi32>
        %eq3A_2519 = arith.cmpi eq, %add3A_2517, %eq3A_2518 : vector<16xi32>
        %jit3A_2520 = arith.constant 1.000000e+00 : f32
        %jit3A_2521 = arith.constant 0.000000e+00 : f32
        %broadcast_in_dim3A_2522 = vector.broadcast %jit3A_2520 : f32 to vector<16xf32>
        %broadcast_in_dim3A_2523 = vector.broadcast %jit3A_2521 : f32 to vector<16xf32>
        %select_n3A_2524 = arith.select %eq3A_2519, %broadcast_in_dim3A_2522, %broadcast_in_dim3A_2523 : vector<16xi1>, vector<16xf32>
        %swap3A_2525 = arith.constant 0 : i32
        %swap3A_2526 = arith.index_cast %scan3A_59 : i32 to index
        %swap3A_2527 = arith.index_cast %swap3A_2525 : i32 to index
        %swap3A_2528 = arith.constant 320 : index
        %swap3A_2529 = tpu.vector_load %arg5[%swap3A_2526, %swap3A_2527, %swap3A_2528] {strides = array<i32>} : memref<16x8x512xf32, #tpu.memory_space<vmem>>, vector<1x1x16xf32>,
        %swap3A_2530 = vector.shape_cast %swap3A_2529 : vector<1x1x16xf32> to vector<16xf32>
        %swap3A_2531 = vector.shape_cast %select_n3A_2524 : vector<16xf32> to vector<1x1x16xf32>
        tpu.vector_store %arg5[%swap3A_2526, %swap3A_2527, %swap3A_2528], %swap3A_2531 {strides = array<i32>} : memref<16x8x512xf32, #tpu.memory_space<vmem>>, vector<1x1x16xf32>,
        %add3A_2532 = arith.constant 336 : i32
        %add3A_2533 = vector.broadcast %add3A_2532 : i32 to vector<16xi32>
        %add3A_2534 = arith.addi %iota3A, %add3A_2533 : vector<16xi32>
        %eq3A_2535 = vector.broadcast %add3A_60 : i32 to vector<16xi32>
        %eq3A_2536 = arith.cmpi eq, %add3A_2534, %eq3A_2535 : vector<16xi32>
        %jit3A_2537 = arith.constant 1.000000e+00 : f32
        %jit3A_2538 = arith.constant 0.000000e+00 : f32
        %broadcast_in_dim3A_2539 = vector.broadcast %jit3A_2537 : f32 to vector<16xf32>
        %broadcast_in_dim3A_2540 = vector.broadcast %jit3A_2538 : f32 to vector<16xf32>
        %select_n3A_2541 = arith.select %eq3A_2536, %broadcast_in_dim3A_2539, %broadcast_in_dim3A_2540 : vector<16xi1>, vector<16xf32>
        %swap3A_2542 = arith.constant 0 : i32
        %swap3A_2543 = arith.index_cast %scan3A_59 : i32 to index
        %swap3A_2544 = arith.index_cast %swap3A_2542 : i32 to index
        %swap3A_2545 = arith.constant 336 : index
        %swap3A_2546 = tpu.vector_load %arg5[%swap3A_2543, %swap3A_2544, %swap3A_2545] {strides = array<i32>} : memref<16x8x512xf32, #tpu.memory_space<vmem>>, vector<1x1x16xf32>,
        %swap3A_2547 = vector.shape_cast %swap3A_2546 : vector<1x1x16xf32> to vector<16xf32>
        %swap3A_2548 = vector.shape_cast %select_n3A_2541 : vector<16xf32> to vector<1x1x16xf32>
        tpu.vector_store %arg5[%swap3A_2543, %swap3A_2544, %swap3A_2545], %swap3A_2548 {strides = array<i32>} : memref<16x8x512xf32, #tpu.memory_space<vmem>>, vector<1x1x16xf32>,
        %add3A_2549 = arith.constant 352 : i32
        %add3A_2550 = vector.broadcast %add3A_2549 : i32 to vector<16xi32>
        %add3A_2551 = arith.addi %iota3A, %add3A_2550 : vector<16xi32>
        %eq3A_2552 = vector.broadcast %add3A_60 : i32 to vector<16xi32>
        %eq3A_2553 = arith.cmpi eq, %add3A_2551, %eq3A_2552 : vector<16xi32>
        %jit3A_2554 = arith.constant 1.000000e+00 : f32
        %jit3A_2555 = arith.constant 0.000000e+00 : f32
        %broadcast_in_dim3A_2556 = vector.broadcast %jit3A_2554 : f32 to vector<16xf32>
        %broadcast_in_dim3A_2557 = vector.broadcast %jit3A_2555 : f32 to vector<16xf32>
        %select_n3A_2558 = arith.select %eq3A_2553, %broadcast_in_dim3A_2556, %broadcast_in_dim3A_2557 : vector<16xi1>, vector<16xf32>
        %swap3A_2559 = arith.constant 0 : i32
        %swap3A_2560 = arith.index_cast %scan3A_59 : i32 to index
        %swap3A_2561 = arith.index_cast %swap3A_2559 : i32 to index
        %swap3A_2562 = arith.constant 352 : index
        %swap3A_2563 = tpu.vector_load %arg5[%swap3A_2560, %swap3A_2561, %swap3A_2562] {strides = array<i32>} : memref<16x8x512xf32, #tpu.memory_space<vmem>>, vector<1x1x16xf32>,
        %swap3A_2564 = vector.shape_cast %swap3A_2563 : vector<1x1x16xf32> to vector<16xf32>
        %swap3A_2565 = vector.shape_cast %select_n3A_2558 : vector<16xf32> to vector<1x1x16xf32>
        tpu.vector_store %arg5[%swap3A_2560, %swap3A_2561, %swap3A_2562], %swap3A_2565 {strides = array<i32>} : memref<16x8x512xf32, #tpu.memory_space<vmem>>, vector<1x1x16xf32>,
        %add3A_2566 = arith.constant 368 : i32
        %add3A_2567 = vector.broadcast %add3A_2566 : i32 to vector<16xi32>
        %add3A_2568 = arith.addi %iota3A, %add3A_2567 : vector<16xi32>
        %eq3A_2569 = vector.broadcast %add3A_60 : i32 to vector<16xi32>
        %eq3A_2570 = arith.cmpi eq, %add3A_2568, %eq3A_2569 : vector<16xi32>
        %jit3A_2571 = arith.constant 1.000000e+00 : f32
        %jit3A_2572 = arith.constant 0.000000e+00 : f32
        %broadcast_in_dim3A_2573 = vector.broadcast %jit3A_2571 : f32 to vector<16xf32>
        %broadcast_in_dim3A_2574 = vector.broadcast %jit3A_2572 : f32 to vector<16xf32>
        %select_n3A_2575 = arith.select %eq3A_2570, %broadcast_in_dim3A_2573, %broadcast_in_dim3A_2574 : vector<16xi1>, vector<16xf32>
        %swap3A_2576 = arith.constant 0 : i32
        %swap3A_2577 = arith.index_cast %scan3A_59 : i32 to index
        %swap3A_2578 = arith.index_cast %swap3A_2576 : i32 to index
        %swap3A_2579 = arith.constant 368 : index
        %swap3A_2580 = tpu.vector_load %arg5[%swap3A_2577, %swap3A_2578, %swap3A_2579] {strides = array<i32>} : memref<16x8x512xf32, #tpu.memory_space<vmem>>, vector<1x1x16xf32>,
        %swap3A_2581 = vector.shape_cast %swap3A_2580 : vector<1x1x16xf32> to vector<16xf32>
        %swap3A_2582 = vector.shape_cast %select_n3A_2575 : vector<16xf32> to vector<1x1x16xf32>
        tpu.vector_store %arg5[%swap3A_2577, %swap3A_2578, %swap3A_2579], %swap3A_2582 {strides = array<i32>} : memref<16x8x512xf32, #tpu.memory_space<vmem>>, vector<1x1x16xf32>,
        %add3A_2583 = arith.constant 384 : i32
        %add3A_2584 = vector.broadcast %add3A_2583 : i32 to vector<16xi32>
        %add3A_2585 = arith.addi %iota3A, %add3A_2584 : vector<16xi32>
        %eq3A_2586 = vector.broadcast %add3A_60 : i32 to vector<16xi32>
        %eq3A_2587 = arith.cmpi eq, %add3A_2585, %eq3A_2586 : vector<16xi32>
        %jit3A_2588 = arith.constant 1.000000e+00 : f32
        %jit3A_2589 = arith.constant 0.000000e+00 : f32
        %broadcast_in_dim3A_2590 = vector.broadcast %jit3A_2588 : f32 to vector<16xf32>
        %broadcast_in_dim3A_2591 = vector.broadcast %jit3A_2589 : f32 to vector<16xf32>
        %select_n3A_2592 = arith.select %eq3A_2587, %broadcast_in_dim3A_2590, %broadcast_in_dim3A_2591 : vector<16xi1>, vector<16xf32>
        %swap3A_2593 = arith.constant 0 : i32
        %swap3A_2594 = arith.index_cast %scan3A_59 : i32 to index
        %swap3A_2595 = arith.index_cast %swap3A_2593 : i32 to index
        %swap3A_2596 = arith.constant 384 : index
        %swap3A_2597 = tpu.vector_load %arg5[%swap3A_2594, %swap3A_2595, %swap3A_2596] {strides = array<i32>} : memref<16x8x512xf32, #tpu.memory_space<vmem>>, vector<1x1x16xf32>,
        %swap3A_2598 = vector.shape_cast %swap3A_2597 : vector<1x1x16xf32> to vector<16xf32>
        %swap3A_2599 = vector.shape_cast %select_n3A_2592 : vector<16xf32> to vector<1x1x16xf32>
        tpu.vector_store %arg5[%swap3A_2594, %swap3A_2595, %swap3A_2596], %swap3A_2599 {strides = array<i32>} : memref<16x8x512xf32, #tpu.memory_space<vmem>>, vector<1x1x16xf32>,
        %add3A_2600 = arith.constant 400 : i32
        %add3A_2601 = vector.broadcast %add3A_2600 : i32 to vector<16xi32>
        %add3A_2602 = arith.addi %iota3A, %add3A_2601 : vector<16xi32>
        %eq3A_2603 = vector.broadcast %add3A_60 : i32 to vector<16xi32>
        %eq3A_2604 = arith.cmpi eq, %add3A_2602, %eq3A_2603 : vector<16xi32>
        %jit3A_2605 = arith.constant 1.000000e+00 : f32
        %jit3A_2606 = arith.constant 0.000000e+00 : f32
        %broadcast_in_dim3A_2607 = vector.broadcast %jit3A_2605 : f32 to vector<16xf32>
        %broadcast_in_dim3A_2608 = vector.broadcast %jit3A_2606 : f32 to vector<16xf32>
        %select_n3A_2609 = arith.select %eq3A_2604, %broadcast_in_dim3A_2607, %broadcast_in_dim3A_2608 : vector<16xi1>, vector<16xf32>
        %swap3A_2610 = arith.constant 0 : i32
        %swap3A_2611 = arith.index_cast %scan3A_59 : i32 to index
        %swap3A_2612 = arith.index_cast %swap3A_2610 : i32 to index
        %swap3A_2613 = arith.constant 400 : index
        %swap3A_2614 = tpu.vector_load %arg5[%swap3A_2611, %swap3A_2612, %swap3A_2613] {strides = array<i32>} : memref<16x8x512xf32, #tpu.memory_space<vmem>>, vector<1x1x16xf32>,
        %swap3A_2615 = vector.shape_cast %swap3A_2614 : vector<1x1x16xf32> to vector<16xf32>
        %swap3A_2616 = vector.shape_cast %select_n3A_2609 : vector<16xf32> to vector<1x1x16xf32>
        tpu.vector_store %arg5[%swap3A_2611, %swap3A_2612, %swap3A_2613], %swap3A_2616 {strides = array<i32>} : memref<16x8x512xf32, #tpu.memory_space<vmem>>, vector<1x1x16xf32>,
        %add3A_2617 = arith.constant 416 : i32
        %add3A_2618 = vector.broadcast %add3A_2617 : i32 to vector<16xi32>
        %add3A_2619 = arith.addi %iota3A, %add3A_2618 : vector<16xi32>
        %eq3A_2620 = vector.broadcast %add3A_60 : i32 to vector<16xi32>
        %eq3A_2621 = arith.cmpi eq, %add3A_2619, %eq3A_2620 : vector<16xi32>
        %jit3A_2622 = arith.constant 1.000000e+00 : f32
        %jit3A_2623 = arith.constant 0.000000e+00 : f32
        %broadcast_in_dim3A_2624 = vector.broadcast %jit3A_2622 : f32 to vector<16xf32>
        %broadcast_in_dim3A_2625 = vector.broadcast %jit3A_2623 : f32 to vector<16xf32>
        %select_n3A_2626 = arith.select %eq3A_2621, %broadcast_in_dim3A_2624, %broadcast_in_dim3A_2625 : vector<16xi1>, vector<16xf32>
        %swap3A_2627 = arith.constant 0 : i32
        %swap3A_2628 = arith.index_cast %scan3A_59 : i32 to index
        %swap3A_2629 = arith.index_cast %swap3A_2627 : i32 to index
        %swap3A_2630 = arith.constant 416 : index
        %swap3A_2631 = tpu.vector_load %arg5[%swap3A_2628, %swap3A_2629, %swap3A_2630] {strides = array<i32>} : memref<16x8x512xf32, #tpu.memory_space<vmem>>, vector<1x1x16xf32>,
        %swap3A_2632 = vector.shape_cast %swap3A_2631 : vector<1x1x16xf32> to vector<16xf32>
        %swap3A_2633 = vector.shape_cast %select_n3A_2626 : vector<16xf32> to vector<1x1x16xf32>
        tpu.vector_store %arg5[%swap3A_2628, %swap3A_2629, %swap3A_2630], %swap3A_2633 {strides = array<i32>} : memref<16x8x512xf32, #tpu.memory_space<vmem>>, vector<1x1x16xf32>,
        %add3A_2634 = arith.constant 432 : i32
        %add3A_2635 = vector.broadcast %add3A_2634 : i32 to vector<16xi32>
        %add3A_2636 = arith.addi %iota3A, %add3A_2635 : vector<16xi32>
        %eq3A_2637 = vector.broadcast %add3A_60 : i32 to vector<16xi32>
        %eq3A_2638 = arith.cmpi eq, %add3A_2636, %eq3A_2637 : vector<16xi32>
        %jit3A_2639 = arith.constant 1.000000e+00 : f32
        %jit3A_2640 = arith.constant 0.000000e+00 : f32
        %broadcast_in_dim3A_2641 = vector.broadcast %jit3A_2639 : f32 to vector<16xf32>
        %broadcast_in_dim3A_2642 = vector.broadcast %jit3A_2640 : f32 to vector<16xf32>
        %select_n3A_2643 = arith.select %eq3A_2638, %broadcast_in_dim3A_2641, %broadcast_in_dim3A_2642 : vector<16xi1>, vector<16xf32>
        %swap3A_2644 = arith.constant 0 : i32
        %swap3A_2645 = arith.index_cast %scan3A_59 : i32 to index
        %swap3A_2646 = arith.index_cast %swap3A_2644 : i32 to index
        %swap3A_2647 = arith.constant 432 : index
        %swap3A_2648 = tpu.vector_load %arg5[%swap3A_2645, %swap3A_2646, %swap3A_2647] {strides = array<i32>} : memref<16x8x512xf32, #tpu.memory_space<vmem>>, vector<1x1x16xf32>,
        %swap3A_2649 = vector.shape_cast %swap3A_2648 : vector<1x1x16xf32> to vector<16xf32>
        %swap3A_2650 = vector.shape_cast %select_n3A_2643 : vector<16xf32> to vector<1x1x16xf32>
        tpu.vector_store %arg5[%swap3A_2645, %swap3A_2646, %swap3A_2647], %swap3A_2650 {strides = array<i32>} : memref<16x8x512xf32, #tpu.memory_space<vmem>>, vector<1x1x16xf32>,
        %add3A_2651 = arith.constant 448 : i32
        %add3A_2652 = vector.broadcast %add3A_2651 : i32 to vector<16xi32>
        %add3A_2653 = arith.addi %iota3A, %add3A_2652 : vector<16xi32>
        %eq3A_2654 = vector.broadcast %add3A_60 : i32 to vector<16xi32>
        %eq3A_2655 = arith.cmpi eq, %add3A_2653, %eq3A_2654 : vector<16xi32>
        %jit3A_2656 = arith.constant 1.000000e+00 : f32
        %jit3A_2657 = arith.constant 0.000000e+00 : f32
        %broadcast_in_dim3A_2658 = vector.broadcast %jit3A_2656 : f32 to vector<16xf32>
        %broadcast_in_dim3A_2659 = vector.broadcast %jit3A_2657 : f32 to vector<16xf32>
        %select_n3A_2660 = arith.select %eq3A_2655, %broadcast_in_dim3A_2658, %broadcast_in_dim3A_2659 : vector<16xi1>, vector<16xf32>
        %swap3A_2661 = arith.constant 0 : i32
        %swap3A_2662 = arith.index_cast %scan3A_59 : i32 to index
        %swap3A_2663 = arith.index_cast %swap3A_2661 : i32 to index
        %swap3A_2664 = arith.constant 448 : index
        %swap3A_2665 = tpu.vector_load %arg5[%swap3A_2662, %swap3A_2663, %swap3A_2664] {strides = array<i32>} : memref<16x8x512xf32, #tpu.memory_space<vmem>>, vector<1x1x16xf32>,
        %swap3A_2666 = vector.shape_cast %swap3A_2665 : vector<1x1x16xf32> to vector<16xf32>
        %swap3A_2667 = vector.shape_cast %select_n3A_2660 : vector<16xf32> to vector<1x1x16xf32>
        tpu.vector_store %arg5[%swap3A_2662, %swap3A_2663, %swap3A_2664], %swap3A_2667 {strides = array<i32>} : memref<16x8x512xf32, #tpu.memory_space<vmem>>, vector<1x1x16xf32>,
        %add3A_2668 = arith.constant 464 : i32
        %add3A_2669 = vector.broadcast %add3A_2668 : i32 to vector<16xi32>
        %add3A_2670 = arith.addi %iota3A, %add3A_2669 : vector<16xi32>
        %eq3A_2671 = vector.broadcast %add3A_60 : i32 to vector<16xi32>
        %eq3A_2672 = arith.cmpi eq, %add3A_2670, %eq3A_2671 : vector<16xi32>
        %jit3A_2673 = arith.constant 1.000000e+00 : f32
        %jit3A_2674 = arith.constant 0.000000e+00 : f32
        %broadcast_in_dim3A_2675 = vector.broadcast %jit3A_2673 : f32 to vector<16xf32>
        %broadcast_in_dim3A_2676 = vector.broadcast %jit3A_2674 : f32 to vector<16xf32>
        %select_n3A_2677 = arith.select %eq3A_2672, %broadcast_in_dim3A_2675, %broadcast_in_dim3A_2676 : vector<16xi1>, vector<16xf32>
        %swap3A_2678 = arith.constant 0 : i32
        %swap3A_2679 = arith.index_cast %scan3A_59 : i32 to index
        %swap3A_2680 = arith.index_cast %swap3A_2678 : i32 to index
        %swap3A_2681 = arith.constant 464 : index
        %swap3A_2682 = tpu.vector_load %arg5[%swap3A_2679, %swap3A_2680, %swap3A_2681] {strides = array<i32>} : memref<16x8x512xf32, #tpu.memory_space<vmem>>, vector<1x1x16xf32>,
        %swap3A_2683 = vector.shape_cast %swap3A_2682 : vector<1x1x16xf32> to vector<16xf32>
        %swap3A_2684 = vector.shape_cast %select_n3A_2677 : vector<16xf32> to vector<1x1x16xf32>
        tpu.vector_store %arg5[%swap3A_2679, %swap3A_2680, %swap3A_2681], %swap3A_2684 {strides = array<i32>} : memref<16x8x512xf32, #tpu.memory_space<vmem>>, vector<1x1x16xf32>,
        %add3A_2685 = arith.constant 480 : i32
        %add3A_2686 = vector.broadcast %add3A_2685 : i32 to vector<16xi32>
        %add3A_2687 = arith.addi %iota3A, %add3A_2686 : vector<16xi32>
        %eq3A_2688 = vector.broadcast %add3A_60 : i32 to vector<16xi32>
        %eq3A_2689 = arith.cmpi eq, %add3A_2687, %eq3A_2688 : vector<16xi32>
        %jit3A_2690 = arith.constant 1.000000e+00 : f32
        %jit3A_2691 = arith.constant 0.000000e+00 : f32
        %broadcast_in_dim3A_2692 = vector.broadcast %jit3A_2690 : f32 to vector<16xf32>
        %broadcast_in_dim3A_2693 = vector.broadcast %jit3A_2691 : f32 to vector<16xf32>
        %select_n3A_2694 = arith.select %eq3A_2689, %broadcast_in_dim3A_2692, %broadcast_in_dim3A_2693 : vector<16xi1>, vector<16xf32>
        %swap3A_2695 = arith.constant 0 : i32
        %swap3A_2696 = arith.index_cast %scan3A_59 : i32 to index
        %swap3A_2697 = arith.index_cast %swap3A_2695 : i32 to index
        %swap3A_2698 = arith.constant 480 : index
        %swap3A_2699 = tpu.vector_load %arg5[%swap3A_2696, %swap3A_2697, %swap3A_2698] {strides = array<i32>} : memref<16x8x512xf32, #tpu.memory_space<vmem>>, vector<1x1x16xf32>,
        %swap3A_2700 = vector.shape_cast %swap3A_2699 : vector<1x1x16xf32> to vector<16xf32>
        %swap3A_2701 = vector.shape_cast %select_n3A_2694 : vector<16xf32> to vector<1x1x16xf32>
        tpu.vector_store %arg5[%swap3A_2696, %swap3A_2697, %swap3A_2698], %swap3A_2701 {strides = array<i32>} : memref<16x8x512xf32, #tpu.memory_space<vmem>>, vector<1x1x16xf32>,
        %add3A_2702 = arith.constant 496 : i32
        %add3A_2703 = vector.broadcast %add3A_2702 : i32 to vector<16xi32>
        %add3A_2704 = arith.addi %iota3A, %add3A_2703 : vector<16xi32>
        %eq3A_2705 = vector.broadcast %add3A_60 : i32 to vector<16xi32>
        %eq3A_2706 = arith.cmpi eq, %add3A_2704, %eq3A_2705 : vector<16xi32>
        %jit3A_2707 = arith.constant 1.000000e+00 : f32
        %jit3A_2708 = arith.constant 0.000000e+00 : f32
        %broadcast_in_dim3A_2709 = vector.broadcast %jit3A_2707 : f32 to vector<16xf32>
        %broadcast_in_dim3A_2710 = vector.broadcast %jit3A_2708 : f32 to vector<16xf32>
        %select_n3A_2711 = arith.select %eq3A_2706, %broadcast_in_dim3A_2709, %broadcast_in_dim3A_2710 : vector<16xi1>, vector<16xf32>
        %swap3A_2712 = arith.constant 0 : i32
        %swap3A_2713 = arith.index_cast %scan3A_59 : i32 to index
        %swap3A_2714 = arith.index_cast %swap3A_2712 : i32 to index
        %swap3A_2715 = arith.constant 496 : index
        %swap3A_2716 = tpu.vector_load %arg5[%swap3A_2713, %swap3A_2714, %swap3A_2715] {strides = array<i32>} : memref<16x8x512xf32, #tpu.memory_space<vmem>>, vector<1x1x16xf32>,
        %swap3A_2717 = vector.shape_cast %swap3A_2716 : vector<1x1x16xf32> to vector<16xf32>
        %swap3A_2718 = vector.shape_cast %select_n3A_2711 : vector<16xf32> to vector<1x1x16xf32>
        tpu.vector_store %arg5[%swap3A_2713, %swap3A_2714, %swap3A_2715], %swap3A_2718 {strides = array<i32>} : memref<16x8x512xf32, #tpu.memory_space<vmem>>, vector<1x1x16xf32>,
        %mul3A_2719 = arith.mulf %select_n3A_1925, %div3A_2175 : vector<16xf32>
        %swap3A_2720 = arith.constant 1 : i32
        %swap3A_2721 = arith.index_cast %scan3A_59 : i32 to index
        %swap3A_2722 = arith.index_cast %swap3A_2720 : i32 to index
        %swap3A_2723 = arith.constant 0 : index
        %swap3A_2724 = tpu.vector_load %arg5[%swap3A_2721, %swap3A_2722, %swap3A_2723] {strides = array<i32>} : memref<16x8x512xf32, #tpu.memory_space<vmem>>, vector<1x1x16xf32>,
        %swap3A_2725 = vector.shape_cast %swap3A_2724 : vector<1x1x16xf32> to vector<16xf32>
        %swap3A_2726 = vector.shape_cast %mul3A_2719 : vector<16xf32> to vector<1x1x16xf32>
        tpu.vector_store %arg5[%swap3A_2721, %swap3A_2722, %swap3A_2723], %swap3A_2726 {strides = array<i32>} : memref<16x8x512xf32, #tpu.memory_space<vmem>>, vector<1x1x16xf32>,
        %swap3A_2727 = arith.constant 2 : i32
        %swap3A_2728 = arith.index_cast %scan3A_59 : i32 to index
        %swap3A_2729 = arith.index_cast %swap3A_2727 : i32 to index
        %swap3A_2730 = arith.constant 0 : index
        %swap3A_2731 = tpu.vector_load %arg5[%swap3A_2728, %swap3A_2729, %swap3A_2730] {strides = array<i32>} : memref<16x8x512xf32, #tpu.memory_space<vmem>>, vector<1x1x16xf32>,
        %swap3A_2732 = vector.shape_cast %swap3A_2731 : vector<1x1x16xf32> to vector<16xf32>
        %swap3A_2733 = vector.shape_cast %mul3A_2719 : vector<16xf32> to vector<1x1x16xf32>
        tpu.vector_store %arg5[%swap3A_2728, %swap3A_2729, %swap3A_2730], %swap3A_2733 {strides = array<i32>} : memref<16x8x512xf32, #tpu.memory_space<vmem>>, vector<1x1x16xf32>,
        %swap3A_2734 = arith.constant 3 : i32
        %swap3A_2735 = arith.index_cast %scan3A_59 : i32 to index
        %swap3A_2736 = arith.index_cast %swap3A_2734 : i32 to index
        %swap3A_2737 = arith.constant 0 : index
        %swap3A_2738 = tpu.vector_load %arg5[%swap3A_2735, %swap3A_2736, %swap3A_2737] {strides = array<i32>} : memref<16x8x512xf32, #tpu.memory_space<vmem>>, vector<1x1x16xf32>,
        %swap3A_2739 = vector.shape_cast %swap3A_2738 : vector<1x1x16xf32> to vector<16xf32>
        %swap3A_2740 = vector.shape_cast %mul3A_2719 : vector<16xf32> to vector<1x1x16xf32>
        tpu.vector_store %arg5[%swap3A_2735, %swap3A_2736, %swap3A_2737], %swap3A_2740 {strides = array<i32>} : memref<16x8x512xf32, #tpu.memory_space<vmem>>, vector<1x1x16xf32>,
        %swap3A_2741 = arith.constant 4 : i32
        %swap3A_2742 = arith.index_cast %scan3A_59 : i32 to index
        %swap3A_2743 = arith.index_cast %swap3A_2741 : i32 to index
        %swap3A_2744 = arith.constant 0 : index
        %swap3A_2745 = tpu.vector_load %arg5[%swap3A_2742, %swap3A_2743, %swap3A_2744] {strides = array<i32>} : memref<16x8x512xf32, #tpu.memory_space<vmem>>, vector<1x1x16xf32>,
        %swap3A_2746 = vector.shape_cast %swap3A_2745 : vector<1x1x16xf32> to vector<16xf32>
        %swap3A_2747 = vector.shape_cast %mul3A_2719 : vector<16xf32> to vector<1x1x16xf32>
        tpu.vector_store %arg5[%swap3A_2742, %swap3A_2743, %swap3A_2744], %swap3A_2747 {strides = array<i32>} : memref<16x8x512xf32, #tpu.memory_space<vmem>>, vector<1x1x16xf32>,
        %swap3A_2748 = arith.constant 5 : i32
        %swap3A_2749 = arith.index_cast %scan3A_59 : i32 to index
        %swap3A_2750 = arith.index_cast %swap3A_2748 : i32 to index
        %swap3A_2751 = arith.constant 0 : index
        %swap3A_2752 = tpu.vector_load %arg5[%swap3A_2749, %swap3A_2750, %swap3A_2751] {strides = array<i32>} : memref<16x8x512xf32, #tpu.memory_space<vmem>>, vector<1x1x16xf32>,
        %swap3A_2753 = vector.shape_cast %swap3A_2752 : vector<1x1x16xf32> to vector<16xf32>
        %swap3A_2754 = vector.shape_cast %mul3A_2719 : vector<16xf32> to vector<1x1x16xf32>
        tpu.vector_store %arg5[%swap3A_2749, %swap3A_2750, %swap3A_2751], %swap3A_2754 {strides = array<i32>} : memref<16x8x512xf32, #tpu.memory_space<vmem>>, vector<1x1x16xf32>,
        %swap3A_2755 = arith.constant 6 : i32
        %swap3A_2756 = arith.index_cast %scan3A_59 : i32 to index
        %swap3A_2757 = arith.index_cast %swap3A_2755 : i32 to index
        %swap3A_2758 = arith.constant 0 : index
        %swap3A_2759 = tpu.vector_load %arg5[%swap3A_2756, %swap3A_2757, %swap3A_2758] {strides = array<i32>} : memref<16x8x512xf32, #tpu.memory_space<vmem>>, vector<1x1x16xf32>,
        %swap3A_2760 = vector.shape_cast %swap3A_2759 : vector<1x1x16xf32> to vector<16xf32>
        %swap3A_2761 = vector.shape_cast %mul3A_2719 : vector<16xf32> to vector<1x1x16xf32>
        tpu.vector_store %arg5[%swap3A_2756, %swap3A_2757, %swap3A_2758], %swap3A_2761 {strides = array<i32>} : memref<16x8x512xf32, #tpu.memory_space<vmem>>, vector<1x1x16xf32>,
        %swap3A_2762 = arith.constant 7 : i32
        %swap3A_2763 = arith.index_cast %scan3A_59 : i32 to index
        %swap3A_2764 = arith.index_cast %swap3A_2762 : i32 to index
        %swap3A_2765 = arith.constant 0 : index
        %swap3A_2766 = tpu.vector_load %arg5[%swap3A_2763, %swap3A_2764, %swap3A_2765] {strides = array<i32>} : memref<16x8x512xf32, #tpu.memory_space<vmem>>, vector<1x1x16xf32>,
        %swap3A_2767 = vector.shape_cast %swap3A_2766 : vector<1x1x16xf32> to vector<16xf32>
        %swap3A_2768 = vector.shape_cast %mul3A_2719 : vector<16xf32> to vector<1x1x16xf32>
        tpu.vector_store %arg5[%swap3A_2763, %swap3A_2764, %swap3A_2765], %swap3A_2768 {strides = array<i32>} : memref<16x8x512xf32, #tpu.memory_space<vmem>>, vector<1x1x16xf32>,
        %mul3A_2769 = arith.mulf %select_n3A_1929, %div3A_2175 : vector<16xf32>
        %swap3A_2770 = arith.constant 1 : i32
        %swap3A_2771 = arith.index_cast %scan3A_59 : i32 to index
        %swap3A_2772 = arith.index_cast %swap3A_2770 : i32 to index
        %swap3A_2773 = arith.constant 16 : index
        %swap3A_2774 = tpu.vector_load %arg5[%swap3A_2771, %swap3A_2772, %swap3A_2773] {strides = array<i32>} : memref<16x8x512xf32, #tpu.memory_space<vmem>>, vector<1x1x16xf32>,
        %swap3A_2775 = vector.shape_cast %swap3A_2774 : vector<1x1x16xf32> to vector<16xf32>
        %swap3A_2776 = vector.shape_cast %mul3A_2769 : vector<16xf32> to vector<1x1x16xf32>
        tpu.vector_store %arg5[%swap3A_2771, %swap3A_2772, %swap3A_2773], %swap3A_2776 {strides = array<i32>} : memref<16x8x512xf32, #tpu.memory_space<vmem>>, vector<1x1x16xf32>,
        %swap3A_2777 = arith.constant 2 : i32
        %swap3A_2778 = arith.index_cast %scan3A_59 : i32 to index
        %swap3A_2779 = arith.index_cast %swap3A_2777 : i32 to index
        %swap3A_2780 = arith.constant 16 : index
        %swap3A_2781 = tpu.vector_load %arg5[%swap3A_2778, %swap3A_2779, %swap3A_2780] {strides = array<i32>} : memref<16x8x512xf32, #tpu.memory_space<vmem>>, vector<1x1x16xf32>,
        %swap3A_2782 = vector.shape_cast %swap3A_2781 : vector<1x1x16xf32> to vector<16xf32>
        %swap3A_2783 = vector.shape_cast %mul3A_2769 : vector<16xf32> to vector<1x1x16xf32>
        tpu.vector_store %arg5[%swap3A_2778, %swap3A_2779, %swap3A_2780], %swap3A_2783 {strides = array<i32>} : memref<16x8x512xf32, #tpu.memory_space<vmem>>, vector<1x1x16xf32>,
        %swap3A_2784 = arith.constant 3 : i32
        %swap3A_2785 = arith.index_cast %scan3A_59 : i32 to index
        %swap3A_2786 = arith.index_cast %swap3A_2784 : i32 to index
        %swap3A_2787 = arith.constant 16 : index
        %swap3A_2788 = tpu.vector_load %arg5[%swap3A_2785, %swap3A_2786, %swap3A_2787] {strides = array<i32>} : memref<16x8x512xf32, #tpu.memory_space<vmem>>, vector<1x1x16xf32>,
        %swap3A_2789 = vector.shape_cast %swap3A_2788 : vector<1x1x16xf32> to vector<16xf32>
        %swap3A_2790 = vector.shape_cast %mul3A_2769 : vector<16xf32> to vector<1x1x16xf32>
        tpu.vector_store %arg5[%swap3A_2785, %swap3A_2786, %swap3A_2787], %swap3A_2790 {strides = array<i32>} : memref<16x8x512xf32, #tpu.memory_space<vmem>>, vector<1x1x16xf32>,
        %swap3A_2791 = arith.constant 4 : i32
        %swap3A_2792 = arith.index_cast %scan3A_59 : i32 to index
        %swap3A_2793 = arith.index_cast %swap3A_2791 : i32 to index
        %swap3A_2794 = arith.constant 16 : index
        %swap3A_2795 = tpu.vector_load %arg5[%swap3A_2792, %swap3A_2793, %swap3A_2794] {strides = array<i32>} : memref<16x8x512xf32, #tpu.memory_space<vmem>>, vector<1x1x16xf32>,
        %swap3A_2796 = vector.shape_cast %swap3A_2795 : vector<1x1x16xf32> to vector<16xf32>
        %swap3A_2797 = vector.shape_cast %mul3A_2769 : vector<16xf32> to vector<1x1x16xf32>
        tpu.vector_store %arg5[%swap3A_2792, %swap3A_2793, %swap3A_2794], %swap3A_2797 {strides = array<i32>} : memref<16x8x512xf32, #tpu.memory_space<vmem>>, vector<1x1x16xf32>,
        %swap3A_2798 = arith.constant 5 : i32
        %swap3A_2799 = arith.index_cast %scan3A_59 : i32 to index
        %swap3A_2800 = arith.index_cast %swap3A_2798 : i32 to index
        %swap3A_2801 = arith.constant 16 : index
        %swap3A_2802 = tpu.vector_load %arg5[%swap3A_2799, %swap3A_2800, %swap3A_2801] {strides = array<i32>} : memref<16x8x512xf32, #tpu.memory_space<vmem>>, vector<1x1x16xf32>,
        %swap3A_2803 = vector.shape_cast %swap3A_2802 : vector<1x1x16xf32> to vector<16xf32>
        %swap3A_2804 = vector.shape_cast %mul3A_2769 : vector<16xf32> to vector<1x1x16xf32>
        tpu.vector_store %arg5[%swap3A_2799, %swap3A_2800, %swap3A_2801], %swap3A_2804 {strides = array<i32>} : memref<16x8x512xf32, #tpu.memory_space<vmem>>, vector<1x1x16xf32>,
        %swap3A_2805 = arith.constant 6 : i32
        %swap3A_2806 = arith.index_cast %scan3A_59 : i32 to index
        %swap3A_2807 = arith.index_cast %swap3A_2805 : i32 to index
        %swap3A_2808 = arith.constant 16 : index
        %swap3A_2809 = tpu.vector_load %arg5[%swap3A_2806, %swap3A_2807, %swap3A_2808] {strides = array<i32>} : memref<16x8x512xf32, #tpu.memory_space<vmem>>, vector<1x1x16xf32>,
        %swap3A_2810 = vector.shape_cast %swap3A_2809 : vector<1x1x16xf32> to vector<16xf32>
        %swap3A_2811 = vector.shape_cast %mul3A_2769 : vector<16xf32> to vector<1x1x16xf32>
        tpu.vector_store %arg5[%swap3A_2806, %swap3A_2807, %swap3A_2808], %swap3A_2811 {strides = array<i32>} : memref<16x8x512xf32, #tpu.memory_space<vmem>>, vector<1x1x16xf32>,
        %swap3A_2812 = arith.constant 7 : i32
        %swap3A_2813 = arith.index_cast %scan3A_59 : i32 to index
        %swap3A_2814 = arith.index_cast %swap3A_2812 : i32 to index
        %swap3A_2815 = arith.constant 16 : index
        %swap3A_2816 = tpu.vector_load %arg5[%swap3A_2813, %swap3A_2814, %swap3A_2815] {strides = array<i32>} : memref<16x8x512xf32, #tpu.memory_space<vmem>>, vector<1x1x16xf32>,
        %swap3A_2817 = vector.shape_cast %swap3A_2816 : vector<1x1x16xf32> to vector<16xf32>
        %swap3A_2818 = vector.shape_cast %mul3A_2769 : vector<16xf32> to vector<1x1x16xf32>
        tpu.vector_store %arg5[%swap3A_2813, %swap3A_2814, %swap3A_2815], %swap3A_2818 {strides = array<i32>} : memref<16x8x512xf32, #tpu.memory_space<vmem>>, vector<1x1x16xf32>,
        %mul3A_2819 = arith.mulf %select_n3A_1933, %div3A_2175 : vector<16xf32>
        %swap3A_2820 = arith.constant 1 : i32
        %swap3A_2821 = arith.index_cast %scan3A_59 : i32 to index
        %swap3A_2822 = arith.index_cast %swap3A_2820 : i32 to index
        %swap3A_2823 = arith.constant 32 : index
        %swap3A_2824 = tpu.vector_load %arg5[%swap3A_2821, %swap3A_2822, %swap3A_2823] {strides = array<i32>} : memref<16x8x512xf32, #tpu.memory_space<vmem>>, vector<1x1x16xf32>,
        %swap3A_2825 = vector.shape_cast %swap3A_2824 : vector<1x1x16xf32> to vector<16xf32>
        %swap3A_2826 = vector.shape_cast %mul3A_2819 : vector<16xf32> to vector<1x1x16xf32>
        tpu.vector_store %arg5[%swap3A_2821, %swap3A_2822, %swap3A_2823], %swap3A_2826 {strides = array<i32>} : memref<16x8x512xf32, #tpu.memory_space<vmem>>, vector<1x1x16xf32>,
        %swap3A_2827 = arith.constant 2 : i32
        %swap3A_2828 = arith.index_cast %scan3A_59 : i32 to index
        %swap3A_2829 = arith.index_cast %swap3A_2827 : i32 to index
        %swap3A_2830 = arith.constant 32 : index
        %swap3A_2831 = tpu.vector_load %arg5[%swap3A_2828, %swap3A_2829, %swap3A_2830] {strides = array<i32>} : memref<16x8x512xf32, #tpu.memory_space<vmem>>, vector<1x1x16xf32>,
        %swap3A_2832 = vector.shape_cast %swap3A_2831 : vector<1x1x16xf32> to vector<16xf32>
        %swap3A_2833 = vector.shape_cast %mul3A_2819 : vector<16xf32> to vector<1x1x16xf32>
        tpu.vector_store %arg5[%swap3A_2828, %swap3A_2829, %swap3A_2830], %swap3A_2833 {strides = array<i32>} : memref<16x8x512xf32, #tpu.memory_space<vmem>>, vector<1x1x16xf32>,
        %swap3A_2834 = arith.constant 3 : i32
        %swap3A_2835 = arith.index_cast %scan3A_59 : i32 to index
        %swap3A_2836 = arith.index_cast %swap3A_2834 : i32 to index
        %swap3A_2837 = arith.constant 32 : index
        %swap3A_2838 = tpu.vector_load %arg5[%swap3A_2835, %swap3A_2836, %swap3A_2837] {strides = array<i32>} : memref<16x8x512xf32, #tpu.memory_space<vmem>>, vector<1x1x16xf32>,
        %swap3A_2839 = vector.shape_cast %swap3A_2838 : vector<1x1x16xf32> to vector<16xf32>
        %swap3A_2840 = vector.shape_cast %mul3A_2819 : vector<16xf32> to vector<1x1x16xf32>
        tpu.vector_store %arg5[%swap3A_2835, %swap3A_2836, %swap3A_2837], %swap3A_2840 {strides = array<i32>} : memref<16x8x512xf32, #tpu.memory_space<vmem>>, vector<1x1x16xf32>,
        %swap3A_2841 = arith.constant 4 : i32
        %swap3A_2842 = arith.index_cast %scan3A_59 : i32 to index
        %swap3A_2843 = arith.index_cast %swap3A_2841 : i32 to index
        %swap3A_2844 = arith.constant 32 : index
        %swap3A_2845 = tpu.vector_load %arg5[%swap3A_2842, %swap3A_2843, %swap3A_2844] {strides = array<i32>} : memref<16x8x512xf32, #tpu.memory_space<vmem>>, vector<1x1x16xf32>,
        %swap3A_2846 = vector.shape_cast %swap3A_2845 : vector<1x1x16xf32> to vector<16xf32>
        %swap3A_2847 = vector.shape_cast %mul3A_2819 : vector<16xf32> to vector<1x1x16xf32>
        tpu.vector_store %arg5[%swap3A_2842, %swap3A_2843, %swap3A_2844], %swap3A_2847 {strides = array<i32>} : memref<16x8x512xf32, #tpu.memory_space<vmem>>, vector<1x1x16xf32>,
        %swap3A_2848 = arith.constant 5 : i32
        %swap3A_2849 = arith.index_cast %scan3A_59 : i32 to index
        %swap3A_2850 = arith.index_cast %swap3A_2848 : i32 to index
        %swap3A_2851 = arith.constant 32 : index
        %swap3A_2852 = tpu.vector_load %arg5[%swap3A_2849, %swap3A_2850, %swap3A_2851] {strides = array<i32>} : memref<16x8x512xf32, #tpu.memory_space<vmem>>, vector<1x1x16xf32>,
        %swap3A_2853 = vector.shape_cast %swap3A_2852 : vector<1x1x16xf32> to vector<16xf32>
        %swap3A_2854 = vector.shape_cast %mul3A_2819 : vector<16xf32> to vector<1x1x16xf32>
        tpu.vector_store %arg5[%swap3A_2849, %swap3A_2850, %swap3A_2851], %swap3A_2854 {strides = array<i32>} : memref<16x8x512xf32, #tpu.memory_space<vmem>>, vector<1x1x16xf32>,
        %swap3A_2855 = arith.constant 6 : i32
        %swap3A_2856 = arith.index_cast %scan3A_59 : i32 to index
        %swap3A_2857 = arith.index_cast %swap3A_2855 : i32 to index
        %swap3A_2858 = arith.constant 32 : index
        %swap3A_2859 = tpu.vector_load %arg5[%swap3A_2856, %swap3A_2857, %swap3A_2858] {strides = array<i32>} : memref<16x8x512xf32, #tpu.memory_space<vmem>>, vector<1x1x16xf32>,
        %swap3A_2860 = vector.shape_cast %swap3A_2859 : vector<1x1x16xf32> to vector<16xf32>
        %swap3A_2861 = vector.shape_cast %mul3A_2819 : vector<16xf32> to vector<1x1x16xf32>
        tpu.vector_store %arg5[%swap3A_2856, %swap3A_2857, %swap3A_2858], %swap3A_2861 {strides = array<i32>} : memref<16x8x512xf32, #tpu.memory_space<vmem>>, vector<1x1x16xf32>,
        %swap3A_2862 = arith.constant 7 : i32
        %swap3A_2863 = arith.index_cast %scan3A_59 : i32 to index
        %swap3A_2864 = arith.index_cast %swap3A_2862 : i32 to index
        %swap3A_2865 = arith.constant 32 : index
        %swap3A_2866 = tpu.vector_load %arg5[%swap3A_2863, %swap3A_2864, %swap3A_2865] {strides = array<i32>} : memref<16x8x512xf32, #tpu.memory_space<vmem>>, vector<1x1x16xf32>,
        %swap3A_2867 = vector.shape_cast %swap3A_2866 : vector<1x1x16xf32> to vector<16xf32>
        %swap3A_2868 = vector.shape_cast %mul3A_2819 : vector<16xf32> to vector<1x1x16xf32>
        tpu.vector_store %arg5[%swap3A_2863, %swap3A_2864, %swap3A_2865], %swap3A_2868 {strides = array<i32>} : memref<16x8x512xf32, #tpu.memory_space<vmem>>, vector<1x1x16xf32>,
        %mul3A_2869 = arith.mulf %select_n3A_1937, %div3A_2175 : vector<16xf32>
        %swap3A_2870 = arith.constant 1 : i32
        %swap3A_2871 = arith.index_cast %scan3A_59 : i32 to index
        %swap3A_2872 = arith.index_cast %swap3A_2870 : i32 to index
        %swap3A_2873 = arith.constant 48 : index
        %swap3A_2874 = tpu.vector_load %arg5[%swap3A_2871, %swap3A_2872, %swap3A_2873] {strides = array<i32>} : memref<16x8x512xf32, #tpu.memory_space<vmem>>, vector<1x1x16xf32>,
        %swap3A_2875 = vector.shape_cast %swap3A_2874 : vector<1x1x16xf32> to vector<16xf32>
        %swap3A_2876 = vector.shape_cast %mul3A_2869 : vector<16xf32> to vector<1x1x16xf32>
        tpu.vector_store %arg5[%swap3A_2871, %swap3A_2872, %swap3A_2873], %swap3A_2876 {strides = array<i32>} : memref<16x8x512xf32, #tpu.memory_space<vmem>>, vector<1x1x16xf32>,
        %swap3A_2877 = arith.constant 2 : i32
        %swap3A_2878 = arith.index_cast %scan3A_59 : i32 to index
        %swap3A_2879 = arith.index_cast %swap3A_2877 : i32 to index
        %swap3A_2880 = arith.constant 48 : index
        %swap3A_2881 = tpu.vector_load %arg5[%swap3A_2878, %swap3A_2879, %swap3A_2880] {strides = array<i32>} : memref<16x8x512xf32, #tpu.memory_space<vmem>>, vector<1x1x16xf32>,
        %swap3A_2882 = vector.shape_cast %swap3A_2881 : vector<1x1x16xf32> to vector<16xf32>
        %swap3A_2883 = vector.shape_cast %mul3A_2869 : vector<16xf32> to vector<1x1x16xf32>
        tpu.vector_store %arg5[%swap3A_2878, %swap3A_2879, %swap3A_2880], %swap3A_2883 {strides = array<i32>} : memref<16x8x512xf32, #tpu.memory_space<vmem>>, vector<1x1x16xf32>,
        %swap3A_2884 = arith.constant 3 : i32
        %swap3A_2885 = arith.index_cast %scan3A_59 : i32 to index
        %swap3A_2886 = arith.index_cast %swap3A_2884 : i32 to index
        %swap3A_2887 = arith.constant 48 : index
        %swap3A_2888 = tpu.vector_load %arg5[%swap3A_2885, %swap3A_2886, %swap3A_2887] {strides = array<i32>} : memref<16x8x512xf32, #tpu.memory_space<vmem>>, vector<1x1x16xf32>,
        %swap3A_2889 = vector.shape_cast %swap3A_2888 : vector<1x1x16xf32> to vector<16xf32>
        %swap3A_2890 = vector.shape_cast %mul3A_2869 : vector<16xf32> to vector<1x1x16xf32>
        tpu.vector_store %arg5[%swap3A_2885, %swap3A_2886, %swap3A_2887], %swap3A_2890 {strides = array<i32>} : memref<16x8x512xf32, #tpu.memory_space<vmem>>, vector<1x1x16xf32>,
        %swap3A_2891 = arith.constant 4 : i32
        %swap3A_2892 = arith.index_cast %scan3A_59 : i32 to index
        %swap3A_2893 = arith.index_cast %swap3A_2891 : i32 to index
        %swap3A_2894 = arith.constant 48 : index
        %swap3A_2895 = tpu.vector_load %arg5[%swap3A_2892, %swap3A_2893, %swap3A_2894] {strides = array<i32>} : memref<16x8x512xf32, #tpu.memory_space<vmem>>, vector<1x1x16xf32>,
        %swap3A_2896 = vector.shape_cast %swap3A_2895 : vector<1x1x16xf32> to vector<16xf32>
        %swap3A_2897 = vector.shape_cast %mul3A_2869 : vector<16xf32> to vector<1x1x16xf32>
        tpu.vector_store %arg5[%swap3A_2892, %swap3A_2893, %swap3A_2894], %swap3A_2897 {strides = array<i32>} : memref<16x8x512xf32, #tpu.memory_space<vmem>>, vector<1x1x16xf32>,
        %swap3A_2898 = arith.constant 5 : i32
        %swap3A_2899 = arith.index_cast %scan3A_59 : i32 to index
        %swap3A_2900 = arith.index_cast %swap3A_2898 : i32 to index
        %swap3A_2901 = arith.constant 48 : index
        %swap3A_2902 = tpu.vector_load %arg5[%swap3A_2899, %swap3A_2900, %swap3A_2901] {strides = array<i32>} : memref<16x8x512xf32, #tpu.memory_space<vmem>>, vector<1x1x16xf32>,
        %swap3A_2903 = vector.shape_cast %swap3A_2902 : vector<1x1x16xf32> to vector<16xf32>
        %swap3A_2904 = vector.shape_cast %mul3A_2869 : vector<16xf32> to vector<1x1x16xf32>
        tpu.vector_store %arg5[%swap3A_2899, %swap3A_2900, %swap3A_2901], %swap3A_2904 {strides = array<i32>} : memref<16x8x512xf32, #tpu.memory_space<vmem>>, vector<1x1x16xf32>,
        %swap3A_2905 = arith.constant 6 : i32
        %swap3A_2906 = arith.index_cast %scan3A_59 : i32 to index
        %swap3A_2907 = arith.index_cast %swap3A_2905 : i32 to index
        %swap3A_2908 = arith.constant 48 : index
        %swap3A_2909 = tpu.vector_load %arg5[%swap3A_2906, %swap3A_2907, %swap3A_2908] {strides = array<i32>} : memref<16x8x512xf32, #tpu.memory_space<vmem>>, vector<1x1x16xf32>,
        %swap3A_2910 = vector.shape_cast %swap3A_2909 : vector<1x1x16xf32> to vector<16xf32>
        %swap3A_2911 = vector.shape_cast %mul3A_2869 : vector<16xf32> to vector<1x1x16xf32>
        tpu.vector_store %arg5[%swap3A_2906, %swap3A_2907, %swap3A_2908], %swap3A_2911 {strides = array<i32>} : memref<16x8x512xf32, #tpu.memory_space<vmem>>, vector<1x1x16xf32>,
        %swap3A_2912 = arith.constant 7 : i32
        %swap3A_2913 = arith.index_cast %scan3A_59 : i32 to index
        %swap3A_2914 = arith.index_cast %swap3A_2912 : i32 to index
        %swap3A_2915 = arith.constant 48 : index
        %swap3A_2916 = tpu.vector_load %arg5[%swap3A_2913, %swap3A_2914, %swap3A_2915] {strides = array<i32>} : memref<16x8x512xf32, #tpu.memory_space<vmem>>, vector<1x1x16xf32>,
        %swap3A_2917 = vector.shape_cast %swap3A_2916 : vector<1x1x16xf32> to vector<16xf32>
        %swap3A_2918 = vector.shape_cast %mul3A_2869 : vector<16xf32> to vector<1x1x16xf32>
        tpu.vector_store %arg5[%swap3A_2913, %swap3A_2914, %swap3A_2915], %swap3A_2918 {strides = array<i32>} : memref<16x8x512xf32, #tpu.memory_space<vmem>>, vector<1x1x16xf32>,
        %mul3A_2919 = arith.mulf %select_n3A_1941, %div3A_2175 : vector<16xf32>
        %swap3A_2920 = arith.constant 1 : i32
        %swap3A_2921 = arith.index_cast %scan3A_59 : i32 to index
        %swap3A_2922 = arith.index_cast %swap3A_2920 : i32 to index
        %swap3A_2923 = arith.constant 64 : index
        %swap3A_2924 = tpu.vector_load %arg5[%swap3A_2921, %swap3A_2922, %swap3A_2923] {strides = array<i32>} : memref<16x8x512xf32, #tpu.memory_space<vmem>>, vector<1x1x16xf32>,
        %swap3A_2925 = vector.shape_cast %swap3A_2924 : vector<1x1x16xf32> to vector<16xf32>
        %swap3A_2926 = vector.shape_cast %mul3A_2919 : vector<16xf32> to vector<1x1x16xf32>
        tpu.vector_store %arg5[%swap3A_2921, %swap3A_2922, %swap3A_2923], %swap3A_2926 {strides = array<i32>} : memref<16x8x512xf32, #tpu.memory_space<vmem>>, vector<1x1x16xf32>,
        %swap3A_2927 = arith.constant 2 : i32
        %swap3A_2928 = arith.index_cast %scan3A_59 : i32 to index
        %swap3A_2929 = arith.index_cast %swap3A_2927 : i32 to index
        %swap3A_2930 = arith.constant 64 : index
        %swap3A_2931 = tpu.vector_load %arg5[%swap3A_2928, %swap3A_2929, %swap3A_2930] {strides = array<i32>} : memref<16x8x512xf32, #tpu.memory_space<vmem>>, vector<1x1x16xf32>,
        %swap3A_2932 = vector.shape_cast %swap3A_2931 : vector<1x1x16xf32> to vector<16xf32>
        %swap3A_2933 = vector.shape_cast %mul3A_2919 : vector<16xf32> to vector<1x1x16xf32>
        tpu.vector_store %arg5[%swap3A_2928, %swap3A_2929, %swap3A_2930], %swap3A_2933 {strides = array<i32>} : memref<16x8x512xf32, #tpu.memory_space<vmem>>, vector<1x1x16xf32>,
        %swap3A_2934 = arith.constant 3 : i32
        %swap3A_2935 = arith.index_cast %scan3A_59 : i32 to index
        %swap3A_2936 = arith.index_cast %swap3A_2934 : i32 to index
        %swap3A_2937 = arith.constant 64 : index
        %swap3A_2938 = tpu.vector_load %arg5[%swap3A_2935, %swap3A_2936, %swap3A_2937] {strides = array<i32>} : memref<16x8x512xf32, #tpu.memory_space<vmem>>, vector<1x1x16xf32>,
        %swap3A_2939 = vector.shape_cast %swap3A_2938 : vector<1x1x16xf32> to vector<16xf32>
        %swap3A_2940 = vector.shape_cast %mul3A_2919 : vector<16xf32> to vector<1x1x16xf32>
        tpu.vector_store %arg5[%swap3A_2935, %swap3A_2936, %swap3A_2937], %swap3A_2940 {strides = array<i32>} : memref<16x8x512xf32, #tpu.memory_space<vmem>>, vector<1x1x16xf32>,
        %swap3A_2941 = arith.constant 4 : i32
        %swap3A_2942 = arith.index_cast %scan3A_59 : i32 to index
        %swap3A_2943 = arith.index_cast %swap3A_2941 : i32 to index
        %swap3A_2944 = arith.constant 64 : index
        %swap3A_2945 = tpu.vector_load %arg5[%swap3A_2942, %swap3A_2943, %swap3A_2944] {strides = array<i32>} : memref<16x8x512xf32, #tpu.memory_space<vmem>>, vector<1x1x16xf32>,
        %swap3A_2946 = vector.shape_cast %swap3A_2945 : vector<1x1x16xf32> to vector<16xf32>
        %swap3A_2947 = vector.shape_cast %mul3A_2919 : vector<16xf32> to vector<1x1x16xf32>
        tpu.vector_store %arg5[%swap3A_2942, %swap3A_2943, %swap3A_2944], %swap3A_2947 {strides = array<i32>} : memref<16x8x512xf32, #tpu.memory_space<vmem>>, vector<1x1x16xf32>,
        %swap3A_2948 = arith.constant 5 : i32
        %swap3A_2949 = arith.index_cast %scan3A_59 : i32 to index
        %swap3A_2950 = arith.index_cast %swap3A_2948 : i32 to index
        %swap3A_2951 = arith.constant 64 : index
        %swap3A_2952 = tpu.vector_load %arg5[%swap3A_2949, %swap3A_2950, %swap3A_2951] {strides = array<i32>} : memref<16x8x512xf32, #tpu.memory_space<vmem>>, vector<1x1x16xf32>,
        %swap3A_2953 = vector.shape_cast %swap3A_2952 : vector<1x1x16xf32> to vector<16xf32>
        %swap3A_2954 = vector.shape_cast %mul3A_2919 : vector<16xf32> to vector<1x1x16xf32>
        tpu.vector_store %arg5[%swap3A_2949, %swap3A_2950, %swap3A_2951], %swap3A_2954 {strides = array<i32>} : memref<16x8x512xf32, #tpu.memory_space<vmem>>, vector<1x1x16xf32>,
        %swap3A_2955 = arith.constant 6 : i32
        %swap3A_2956 = arith.index_cast %scan3A_59 : i32 to index
        %swap3A_2957 = arith.index_cast %swap3A_2955 : i32 to index
        %swap3A_2958 = arith.constant 64 : index
        %swap3A_2959 = tpu.vector_load %arg5[%swap3A_2956, %swap3A_2957, %swap3A_2958] {strides = array<i32>} : memref<16x8x512xf32, #tpu.memory_space<vmem>>, vector<1x1x16xf32>,
        %swap3A_2960 = vector.shape_cast %swap3A_2959 : vector<1x1x16xf32> to vector<16xf32>
        %swap3A_2961 = vector.shape_cast %mul3A_2919 : vector<16xf32> to vector<1x1x16xf32>
        tpu.vector_store %arg5[%swap3A_2956, %swap3A_2957, %swap3A_2958], %swap3A_2961 {strides = array<i32>} : memref<16x8x512xf32, #tpu.memory_space<vmem>>, vector<1x1x16xf32>,
        %swap3A_2962 = arith.constant 7 : i32
        %swap3A_2963 = arith.index_cast %scan3A_59 : i32 to index
        %swap3A_2964 = arith.index_cast %swap3A_2962 : i32 to index
        %swap3A_2965 = arith.constant 64 : index
        %swap3A_2966 = tpu.vector_load %arg5[%swap3A_2963, %swap3A_2964, %swap3A_2965] {strides = array<i32>} : memref<16x8x512xf32, #tpu.memory_space<vmem>>, vector<1x1x16xf32>,
        %swap3A_2967 = vector.shape_cast %swap3A_2966 : vector<1x1x16xf32> to vector<16xf32>
        %swap3A_2968 = vector.shape_cast %mul3A_2919 : vector<16xf32> to vector<1x1x16xf32>
        tpu.vector_store %arg5[%swap3A_2963, %swap3A_2964, %swap3A_2965], %swap3A_2968 {strides = array<i32>} : memref<16x8x512xf32, #tpu.memory_space<vmem>>, vector<1x1x16xf32>,
        %mul3A_2969 = arith.mulf %select_n3A_1945, %div3A_2175 : vector<16xf32>
        %swap3A_2970 = arith.constant 1 : i32
        %swap3A_2971 = arith.index_cast %scan3A_59 : i32 to index
        %swap3A_2972 = arith.index_cast %swap3A_2970 : i32 to index
        %swap3A_2973 = arith.constant 80 : index
        %swap3A_2974 = tpu.vector_load %arg5[%swap3A_2971, %swap3A_2972, %swap3A_2973] {strides = array<i32>} : memref<16x8x512xf32, #tpu.memory_space<vmem>>, vector<1x1x16xf32>,
        %swap3A_2975 = vector.shape_cast %swap3A_2974 : vector<1x1x16xf32> to vector<16xf32>
        %swap3A_2976 = vector.shape_cast %mul3A_2969 : vector<16xf32> to vector<1x1x16xf32>
        tpu.vector_store %arg5[%swap3A_2971, %swap3A_2972, %swap3A_2973], %swap3A_2976 {strides = array<i32>} : memref<16x8x512xf32, #tpu.memory_space<vmem>>, vector<1x1x16xf32>,
        %swap3A_2977 = arith.constant 2 : i32
        %swap3A_2978 = arith.index_cast %scan3A_59 : i32 to index
        %swap3A_2979 = arith.index_cast %swap3A_2977 : i32 to index
        %swap3A_2980 = arith.constant 80 : index
        %swap3A_2981 = tpu.vector_load %arg5[%swap3A_2978, %swap3A_2979, %swap3A_2980] {strides = array<i32>} : memref<16x8x512xf32, #tpu.memory_space<vmem>>, vector<1x1x16xf32>,
        %swap3A_2982 = vector.shape_cast %swap3A_2981 : vector<1x1x16xf32> to vector<16xf32>
        %swap3A_2983 = vector.shape_cast %mul3A_2969 : vector<16xf32> to vector<1x1x16xf32>
        tpu.vector_store %arg5[%swap3A_2978, %swap3A_2979, %swap3A_2980], %swap3A_2983 {strides = array<i32>} : memref<16x8x512xf32, #tpu.memory_space<vmem>>, vector<1x1x16xf32>,
        %swap3A_2984 = arith.constant 3 : i32
        %swap3A_2985 = arith.index_cast %scan3A_59 : i32 to index
        %swap3A_2986 = arith.index_cast %swap3A_2984 : i32 to index
        %swap3A_2987 = arith.constant 80 : index
        %swap3A_2988 = tpu.vector_load %arg5[%swap3A_2985, %swap3A_2986, %swap3A_2987] {strides = array<i32>} : memref<16x8x512xf32, #tpu.memory_space<vmem>>, vector<1x1x16xf32>,
        %swap3A_2989 = vector.shape_cast %swap3A_2988 : vector<1x1x16xf32> to vector<16xf32>
        %swap3A_2990 = vector.shape_cast %mul3A_2969 : vector<16xf32> to vector<1x1x16xf32>
        tpu.vector_store %arg5[%swap3A_2985, %swap3A_2986, %swap3A_2987], %swap3A_2990 {strides = array<i32>} : memref<16x8x512xf32, #tpu.memory_space<vmem>>, vector<1x1x16xf32>,
        %swap3A_2991 = arith.constant 4 : i32
        %swap3A_2992 = arith.index_cast %scan3A_59 : i32 to index
        %swap3A_2993 = arith.index_cast %swap3A_2991 : i32 to index
        %swap3A_2994 = arith.constant 80 : index
        %swap3A_2995 = tpu.vector_load %arg5[%swap3A_2992, %swap3A_2993, %swap3A_2994] {strides = array<i32>} : memref<16x8x512xf32, #tpu.memory_space<vmem>>, vector<1x1x16xf32>,
        %swap3A_2996 = vector.shape_cast %swap3A_2995 : vector<1x1x16xf32> to vector<16xf32>
        %swap3A_2997 = vector.shape_cast %mul3A_2969 : vector<16xf32> to vector<1x1x16xf32>
        tpu.vector_store %arg5[%swap3A_2992, %swap3A_2993, %swap3A_2994], %swap3A_2997 {strides = array<i32>} : memref<16x8x512xf32, #tpu.memory_space<vmem>>, vector<1x1x16xf32>,
        %swap3A_2998 = arith.constant 5 : i32
        %swap3A_2999 = arith.index_cast %scan3A_59 : i32 to index
        %swap3A_3000 = arith.index_cast %swap3A_2998 : i32 to index
        %swap3A_3001 = arith.constant 80 : index
        %swap3A_3002 = tpu.vector_load %arg5[%swap3A_2999, %swap3A_3000, %swap3A_3001] {strides = array<i32>} : memref<16x8x512xf32, #tpu.memory_space<vmem>>, vector<1x1x16xf32>,
        %swap3A_3003 = vector.shape_cast %swap3A_3002 : vector<1x1x16xf32> to vector<16xf32>
        %swap3A_3004 = vector.shape_cast %mul3A_2969 : vector<16xf32> to vector<1x1x16xf32>
        tpu.vector_store %arg5[%swap3A_2999, %swap3A_3000, %swap3A_3001], %swap3A_3004 {strides = array<i32>} : memref<16x8x512xf32, #tpu.memory_space<vmem>>, vector<1x1x16xf32>,
        %swap3A_3005 = arith.constant 6 : i32
        %swap3A_3006 = arith.index_cast %scan3A_59 : i32 to index
        %swap3A_3007 = arith.index_cast %swap3A_3005 : i32 to index
        %swap3A_3008 = arith.constant 80 : index
        %swap3A_3009 = tpu.vector_load %arg5[%swap3A_3006, %swap3A_3007, %swap3A_3008] {strides = array<i32>} : memref<16x8x512xf32, #tpu.memory_space<vmem>>, vector<1x1x16xf32>,
        %swap3A_3010 = vector.shape_cast %swap3A_3009 : vector<1x1x16xf32> to vector<16xf32>
        %swap3A_3011 = vector.shape_cast %mul3A_2969 : vector<16xf32> to vector<1x1x16xf32>
        tpu.vector_store %arg5[%swap3A_3006, %swap3A_3007, %swap3A_3008], %swap3A_3011 {strides = array<i32>} : memref<16x8x512xf32, #tpu.memory_space<vmem>>, vector<1x1x16xf32>,
        %swap3A_3012 = arith.constant 7 : i32
        %swap3A_3013 = arith.index_cast %scan3A_59 : i32 to index
        %swap3A_3014 = arith.index_cast %swap3A_3012 : i32 to index
        %swap3A_3015 = arith.constant 80 : index
        %swap3A_3016 = tpu.vector_load %arg5[%swap3A_3013, %swap3A_3014, %swap3A_3015] {strides = array<i32>} : memref<16x8x512xf32, #tpu.memory_space<vmem>>, vector<1x1x16xf32>,
        %swap3A_3017 = vector.shape_cast %swap3A_3016 : vector<1x1x16xf32> to vector<16xf32>
        %swap3A_3018 = vector.shape_cast %mul3A_2969 : vector<16xf32> to vector<1x1x16xf32>
        tpu.vector_store %arg5[%swap3A_3013, %swap3A_3014, %swap3A_3015], %swap3A_3018 {strides = array<i32>} : memref<16x8x512xf32, #tpu.memory_space<vmem>>, vector<1x1x16xf32>,
        %mul3A_3019 = arith.mulf %select_n3A_1949, %div3A_2175 : vector<16xf32>
        %swap3A_3020 = arith.constant 1 : i32
        %swap3A_3021 = arith.index_cast %scan3A_59 : i32 to index
        %swap3A_3022 = arith.index_cast %swap3A_3020 : i32 to index
        %swap3A_3023 = arith.constant 96 : index
        %swap3A_3024 = tpu.vector_load %arg5[%swap3A_3021, %swap3A_3022, %swap3A_3023] {strides = array<i32>} : memref<16x8x512xf32, #tpu.memory_space<vmem>>, vector<1x1x16xf32>,
        %swap3A_3025 = vector.shape_cast %swap3A_3024 : vector<1x1x16xf32> to vector<16xf32>
        %swap3A_3026 = vector.shape_cast %mul3A_3019 : vector<16xf32> to vector<1x1x16xf32>
        tpu.vector_store %arg5[%swap3A_3021, %swap3A_3022, %swap3A_3023], %swap3A_3026 {strides = array<i32>} : memref<16x8x512xf32, #tpu.memory_space<vmem>>, vector<1x1x16xf32>,
        %swap3A_3027 = arith.constant 2 : i32
        %swap3A_3028 = arith.index_cast %scan3A_59 : i32 to index
        %swap3A_3029 = arith.index_cast %swap3A_3027 : i32 to index
        %swap3A_3030 = arith.constant 96 : index
        %swap3A_3031 = tpu.vector_load %arg5[%swap3A_3028, %swap3A_3029, %swap3A_3030] {strides = array<i32>} : memref<16x8x512xf32, #tpu.memory_space<vmem>>, vector<1x1x16xf32>,
        %swap3A_3032 = vector.shape_cast %swap3A_3031 : vector<1x1x16xf32> to vector<16xf32>
        %swap3A_3033 = vector.shape_cast %mul3A_3019 : vector<16xf32> to vector<1x1x16xf32>
        tpu.vector_store %arg5[%swap3A_3028, %swap3A_3029, %swap3A_3030], %swap3A_3033 {strides = array<i32>} : memref<16x8x512xf32, #tpu.memory_space<vmem>>, vector<1x1x16xf32>,
        %swap3A_3034 = arith.constant 3 : i32
        %swap3A_3035 = arith.index_cast %scan3A_59 : i32 to index
        %swap3A_3036 = arith.index_cast %swap3A_3034 : i32 to index
        %swap3A_3037 = arith.constant 96 : index
        %swap3A_3038 = tpu.vector_load %arg5[%swap3A_3035, %swap3A_3036, %swap3A_3037] {strides = array<i32>} : memref<16x8x512xf32, #tpu.memory_space<vmem>>, vector<1x1x16xf32>,
        %swap3A_3039 = vector.shape_cast %swap3A_3038 : vector<1x1x16xf32> to vector<16xf32>
        %swap3A_3040 = vector.shape_cast %mul3A_3019 : vector<16xf32> to vector<1x1x16xf32>
        tpu.vector_store %arg5[%swap3A_3035, %swap3A_3036, %swap3A_3037], %swap3A_3040 {strides = array<i32>} : memref<16x8x512xf32, #tpu.memory_space<vmem>>, vector<1x1x16xf32>,
        %swap3A_3041 = arith.constant 4 : i32
        %swap3A_3042 = arith.index_cast %scan3A_59 : i32 to index
        %swap3A_3043 = arith.index_cast %swap3A_3041 : i32 to index
        %swap3A_3044 = arith.constant 96 : index
        %swap3A_3045 = tpu.vector_load %arg5[%swap3A_3042, %swap3A_3043, %swap3A_3044] {strides = array<i32>} : memref<16x8x512xf32, #tpu.memory_space<vmem>>, vector<1x1x16xf32>,
        %swap3A_3046 = vector.shape_cast %swap3A_3045 : vector<1x1x16xf32> to vector<16xf32>
        %swap3A_3047 = vector.shape_cast %mul3A_3019 : vector<16xf32> to vector<1x1x16xf32>
        tpu.vector_store %arg5[%swap3A_3042, %swap3A_3043, %swap3A_3044], %swap3A_3047 {strides = array<i32>} : memref<16x8x512xf32, #tpu.memory_space<vmem>>, vector<1x1x16xf32>,
        %swap3A_3048 = arith.constant 5 : i32
        %swap3A_3049 = arith.index_cast %scan3A_59 : i32 to index
        %swap3A_3050 = arith.index_cast %swap3A_3048 : i32 to index
        %swap3A_3051 = arith.constant 96 : index
        %swap3A_3052 = tpu.vector_load %arg5[%swap3A_3049, %swap3A_3050, %swap3A_3051] {strides = array<i32>} : memref<16x8x512xf32, #tpu.memory_space<vmem>>, vector<1x1x16xf32>,
        %swap3A_3053 = vector.shape_cast %swap3A_3052 : vector<1x1x16xf32> to vector<16xf32>
        %swap3A_3054 = vector.shape_cast %mul3A_3019 : vector<16xf32> to vector<1x1x16xf32>
        tpu.vector_store %arg5[%swap3A_3049, %swap3A_3050, %swap3A_3051], %swap3A_3054 {strides = array<i32>} : memref<16x8x512xf32, #tpu.memory_space<vmem>>, vector<1x1x16xf32>,
        %swap3A_3055 = arith.constant 6 : i32
        %swap3A_3056 = arith.index_cast %scan3A_59 : i32 to index
        %swap3A_3057 = arith.index_cast %swap3A_3055 : i32 to index
        %swap3A_3058 = arith.constant 96 : index
        %swap3A_3059 = tpu.vector_load %arg5[%swap3A_3056, %swap3A_3057, %swap3A_3058] {strides = array<i32>} : memref<16x8x512xf32, #tpu.memory_space<vmem>>, vector<1x1x16xf32>,
        %swap3A_3060 = vector.shape_cast %swap3A_3059 : vector<1x1x16xf32> to vector<16xf32>
        %swap3A_3061 = vector.shape_cast %mul3A_3019 : vector<16xf32> to vector<1x1x16xf32>
        tpu.vector_store %arg5[%swap3A_3056, %swap3A_3057, %swap3A_3058], %swap3A_3061 {strides = array<i32>} : memref<16x8x512xf32, #tpu.memory_space<vmem>>, vector<1x1x16xf32>,
        %swap3A_3062 = arith.constant 7 : i32
        %swap3A_3063 = arith.index_cast %scan3A_59 : i32 to index
        %swap3A_3064 = arith.index_cast %swap3A_3062 : i32 to index
        %swap3A_3065 = arith.constant 96 : index
        %swap3A_3066 = tpu.vector_load %arg5[%swap3A_3063, %swap3A_3064, %swap3A_3065] {strides = array<i32>} : memref<16x8x512xf32, #tpu.memory_space<vmem>>, vector<1x1x16xf32>,
        %swap3A_3067 = vector.shape_cast %swap3A_3066 : vector<1x1x16xf32> to vector<16xf32>
        %swap3A_3068 = vector.shape_cast %mul3A_3019 : vector<16xf32> to vector<1x1x16xf32>
        tpu.vector_store %arg5[%swap3A_3063, %swap3A_3064, %swap3A_3065], %swap3A_3068 {strides = array<i32>} : memref<16x8x512xf32, #tpu.memory_space<vmem>>, vector<1x1x16xf32>,
        %mul3A_3069 = arith.mulf %select_n3A_1953, %div3A_2175 : vector<16xf32>
        %swap3A_3070 = arith.constant 1 : i32
        %swap3A_3071 = arith.index_cast %scan3A_59 : i32 to index
        %swap3A_3072 = arith.index_cast %swap3A_3070 : i32 to index
        %swap3A_3073 = arith.constant 112 : index
        %swap3A_3074 = tpu.vector_load %arg5[%swap3A_3071, %swap3A_3072, %swap3A_3073] {strides = array<i32>} : memref<16x8x512xf32, #tpu.memory_space<vmem>>, vector<1x1x16xf32>,
        %swap3A_3075 = vector.shape_cast %swap3A_3074 : vector<1x1x16xf32> to vector<16xf32>
        %swap3A_3076 = vector.shape_cast %mul3A_3069 : vector<16xf32> to vector<1x1x16xf32>
        tpu.vector_store %arg5[%swap3A_3071, %swap3A_3072, %swap3A_3073], %swap3A_3076 {strides = array<i32>} : memref<16x8x512xf32, #tpu.memory_space<vmem>>, vector<1x1x16xf32>,
        %swap3A_3077 = arith.constant 2 : i32
        %swap3A_3078 = arith.index_cast %scan3A_59 : i32 to index
        %swap3A_3079 = arith.index_cast %swap3A_3077 : i32 to index
        %swap3A_3080 = arith.constant 112 : index
        %swap3A_3081 = tpu.vector_load %arg5[%swap3A_3078, %swap3A_3079, %swap3A_3080] {strides = array<i32>} : memref<16x8x512xf32, #tpu.memory_space<vmem>>, vector<1x1x16xf32>,
        %swap3A_3082 = vector.shape_cast %swap3A_3081 : vector<1x1x16xf32> to vector<16xf32>
        %swap3A_3083 = vector.shape_cast %mul3A_3069 : vector<16xf32> to vector<1x1x16xf32>
        tpu.vector_store %arg5[%swap3A_3078, %swap3A_3079, %swap3A_3080], %swap3A_3083 {strides = array<i32>} : memref<16x8x512xf32, #tpu.memory_space<vmem>>, vector<1x1x16xf32>,
        %swap3A_3084 = arith.constant 3 : i32
        %swap3A_3085 = arith.index_cast %scan3A_59 : i32 to index
        %swap3A_3086 = arith.index_cast %swap3A_3084 : i32 to index
        %swap3A_3087 = arith.constant 112 : index
        %swap3A_3088 = tpu.vector_load %arg5[%swap3A_3085, %swap3A_3086, %swap3A_3087] {strides = array<i32>} : memref<16x8x512xf32, #tpu.memory_space<vmem>>, vector<1x1x16xf32>,
        %swap3A_3089 = vector.shape_cast %swap3A_3088 : vector<1x1x16xf32> to vector<16xf32>
        %swap3A_3090 = vector.shape_cast %mul3A_3069 : vector<16xf32> to vector<1x1x16xf32>
        tpu.vector_store %arg5[%swap3A_3085, %swap3A_3086, %swap3A_3087], %swap3A_3090 {strides = array<i32>} : memref<16x8x512xf32, #tpu.memory_space<vmem>>, vector<1x1x16xf32>,
        %swap3A_3091 = arith.constant 4 : i32
        %swap3A_3092 = arith.index_cast %scan3A_59 : i32 to index
        %swap3A_3093 = arith.index_cast %swap3A_3091 : i32 to index
        %swap3A_3094 = arith.constant 112 : index
        %swap3A_3095 = tpu.vector_load %arg5[%swap3A_3092, %swap3A_3093, %swap3A_3094] {strides = array<i32>} : memref<16x8x512xf32, #tpu.memory_space<vmem>>, vector<1x1x16xf32>,
        %swap3A_3096 = vector.shape_cast %swap3A_3095 : vector<1x1x16xf32> to vector<16xf32>
        %swap3A_3097 = vector.shape_cast %mul3A_3069 : vector<16xf32> to vector<1x1x16xf32>
        tpu.vector_store %arg5[%swap3A_3092, %swap3A_3093, %swap3A_3094], %swap3A_3097 {strides = array<i32>} : memref<16x8x512xf32, #tpu.memory_space<vmem>>, vector<1x1x16xf32>,
        %swap3A_3098 = arith.constant 5 : i32
        %swap3A_3099 = arith.index_cast %scan3A_59 : i32 to index
        %swap3A_3100 = arith.index_cast %swap3A_3098 : i32 to index
        %swap3A_3101 = arith.constant 112 : index
        %swap3A_3102 = tpu.vector_load %arg5[%swap3A_3099, %swap3A_3100, %swap3A_3101] {strides = array<i32>} : memref<16x8x512xf32, #tpu.memory_space<vmem>>, vector<1x1x16xf32>,
        %swap3A_3103 = vector.shape_cast %swap3A_3102 : vector<1x1x16xf32> to vector<16xf32>
        %swap3A_3104 = vector.shape_cast %mul3A_3069 : vector<16xf32> to vector<1x1x16xf32>
        tpu.vector_store %arg5[%swap3A_3099, %swap3A_3100, %swap3A_3101], %swap3A_3104 {strides = array<i32>} : memref<16x8x512xf32, #tpu.memory_space<vmem>>, vector<1x1x16xf32>,
        %swap3A_3105 = arith.constant 6 : i32
        %swap3A_3106 = arith.index_cast %scan3A_59 : i32 to index
        %swap3A_3107 = arith.index_cast %swap3A_3105 : i32 to index
        %swap3A_3108 = arith.constant 112 : index
        %swap3A_3109 = tpu.vector_load %arg5[%swap3A_3106, %swap3A_3107, %swap3A_3108] {strides = array<i32>} : memref<16x8x512xf32, #tpu.memory_space<vmem>>, vector<1x1x16xf32>,
        %swap3A_3110 = vector.shape_cast %swap3A_3109 : vector<1x1x16xf32> to vector<16xf32>
        %swap3A_3111 = vector.shape_cast %mul3A_3069 : vector<16xf32> to vector<1x1x16xf32>
        tpu.vector_store %arg5[%swap3A_3106, %swap3A_3107, %swap3A_3108], %swap3A_3111 {strides = array<i32>} : memref<16x8x512xf32, #tpu.memory_space<vmem>>, vector<1x1x16xf32>,
        %swap3A_3112 = arith.constant 7 : i32
        %swap3A_3113 = arith.index_cast %scan3A_59 : i32 to index
        %swap3A_3114 = arith.index_cast %swap3A_3112 : i32 to index
        %swap3A_3115 = arith.constant 112 : index
        %swap3A_3116 = tpu.vector_load %arg5[%swap3A_3113, %swap3A_3114, %swap3A_3115] {strides = array<i32>} : memref<16x8x512xf32, #tpu.memory_space<vmem>>, vector<1x1x16xf32>,
        %swap3A_3117 = vector.shape_cast %swap3A_3116 : vector<1x1x16xf32> to vector<16xf32>
        %swap3A_3118 = vector.shape_cast %mul3A_3069 : vector<16xf32> to vector<1x1x16xf32>
        tpu.vector_store %arg5[%swap3A_3113, %swap3A_3114, %swap3A_3115], %swap3A_3118 {strides = array<i32>} : memref<16x8x512xf32, #tpu.memory_space<vmem>>, vector<1x1x16xf32>,
        %mul3A_3119 = arith.mulf %select_n3A_1957, %div3A_2175 : vector<16xf32>
        %swap3A_3120 = arith.constant 1 : i32
        %swap3A_3121 = arith.index_cast %scan3A_59 : i32 to index
        %swap3A_3122 = arith.index_cast %swap3A_3120 : i32 to index
        %swap3A_3123 = arith.constant 128 : index
        %swap3A_3124 = tpu.vector_load %arg5[%swap3A_3121, %swap3A_3122, %swap3A_3123] {strides = array<i32>} : memref<16x8x512xf32, #tpu.memory_space<vmem>>, vector<1x1x16xf32>,
        %swap3A_3125 = vector.shape_cast %swap3A_3124 : vector<1x1x16xf32> to vector<16xf32>
        %swap3A_3126 = vector.shape_cast %mul3A_3119 : vector<16xf32> to vector<1x1x16xf32>
        tpu.vector_store %arg5[%swap3A_3121, %swap3A_3122, %swap3A_3123], %swap3A_3126 {strides = array<i32>} : memref<16x8x512xf32, #tpu.memory_space<vmem>>, vector<1x1x16xf32>,
        %swap3A_3127 = arith.constant 2 : i32
        %swap3A_3128 = arith.index_cast %scan3A_59 : i32 to index
        %swap3A_3129 = arith.index_cast %swap3A_3127 : i32 to index
        %swap3A_3130 = arith.constant 128 : index
        %swap3A_3131 = tpu.vector_load %arg5[%swap3A_3128, %swap3A_3129, %swap3A_3130] {strides = array<i32>} : memref<16x8x512xf32, #tpu.memory_space<vmem>>, vector<1x1x16xf32>,
        %swap3A_3132 = vector.shape_cast %swap3A_3131 : vector<1x1x16xf32> to vector<16xf32>
        %swap3A_3133 = vector.shape_cast %mul3A_3119 : vector<16xf32> to vector<1x1x16xf32>
        tpu.vector_store %arg5[%swap3A_3128, %swap3A_3129, %swap3A_3130], %swap3A_3133 {strides = array<i32>} : memref<16x8x512xf32, #tpu.memory_space<vmem>>, vector<1x1x16xf32>,
        %swap3A_3134 = arith.constant 3 : i32
        %swap3A_3135 = arith.index_cast %scan3A_59 : i32 to index
        %swap3A_3136 = arith.index_cast %swap3A_3134 : i32 to index
        %swap3A_3137 = arith.constant 128 : index
        %swap3A_3138 = tpu.vector_load %arg5[%swap3A_3135, %swap3A_3136, %swap3A_3137] {strides = array<i32>} : memref<16x8x512xf32, #tpu.memory_space<vmem>>, vector<1x1x16xf32>,
        %swap3A_3139 = vector.shape_cast %swap3A_3138 : vector<1x1x16xf32> to vector<16xf32>
        %swap3A_3140 = vector.shape_cast %mul3A_3119 : vector<16xf32> to vector<1x1x16xf32>
        tpu.vector_store %arg5[%swap3A_3135, %swap3A_3136, %swap3A_3137], %swap3A_3140 {strides = array<i32>} : memref<16x8x512xf32, #tpu.memory_space<vmem>>, vector<1x1x16xf32>,
        %swap3A_3141 = arith.constant 4 : i32
        %swap3A_3142 = arith.index_cast %scan3A_59 : i32 to index
        %swap3A_3143 = arith.index_cast %swap3A_3141 : i32 to index
        %swap3A_3144 = arith.constant 128 : index
        %swap3A_3145 = tpu.vector_load %arg5[%swap3A_3142, %swap3A_3143, %swap3A_3144] {strides = array<i32>} : memref<16x8x512xf32, #tpu.memory_space<vmem>>, vector<1x1x16xf32>,
        %swap3A_3146 = vector.shape_cast %swap3A_3145 : vector<1x1x16xf32> to vector<16xf32>
        %swap3A_3147 = vector.shape_cast %mul3A_3119 : vector<16xf32> to vector<1x1x16xf32>
        tpu.vector_store %arg5[%swap3A_3142, %swap3A_3143, %swap3A_3144], %swap3A_3147 {strides = array<i32>} : memref<16x8x512xf32, #tpu.memory_space<vmem>>, vector<1x1x16xf32>,
        %swap3A_3148 = arith.constant 5 : i32
        %swap3A_3149 = arith.index_cast %scan3A_59 : i32 to index
        %swap3A_3150 = arith.index_cast %swap3A_3148 : i32 to index
        %swap3A_3151 = arith.constant 128 : index
        %swap3A_3152 = tpu.vector_load %arg5[%swap3A_3149, %swap3A_3150, %swap3A_3151] {strides = array<i32>} : memref<16x8x512xf32, #tpu.memory_space<vmem>>, vector<1x1x16xf32>,
        %swap3A_3153 = vector.shape_cast %swap3A_3152 : vector<1x1x16xf32> to vector<16xf32>
        %swap3A_3154 = vector.shape_cast %mul3A_3119 : vector<16xf32> to vector<1x1x16xf32>
        tpu.vector_store %arg5[%swap3A_3149, %swap3A_3150, %swap3A_3151], %swap3A_3154 {strides = array<i32>} : memref<16x8x512xf32, #tpu.memory_space<vmem>>, vector<1x1x16xf32>,
        %swap3A_3155 = arith.constant 6 : i32
        %swap3A_3156 = arith.index_cast %scan3A_59 : i32 to index
        %swap3A_3157 = arith.index_cast %swap3A_3155 : i32 to index
        %swap3A_3158 = arith.constant 128 : index
        %swap3A_3159 = tpu.vector_load %arg5[%swap3A_3156, %swap3A_3157, %swap3A_3158] {strides = array<i32>} : memref<16x8x512xf32, #tpu.memory_space<vmem>>, vector<1x1x16xf32>,
        %swap3A_3160 = vector.shape_cast %swap3A_3159 : vector<1x1x16xf32> to vector<16xf32>
        %swap3A_3161 = vector.shape_cast %mul3A_3119 : vector<16xf32> to vector<1x1x16xf32>
        tpu.vector_store %arg5[%swap3A_3156, %swap3A_3157, %swap3A_3158], %swap3A_3161 {strides = array<i32>} : memref<16x8x512xf32, #tpu.memory_space<vmem>>, vector<1x1x16xf32>,
        %swap3A_3162 = arith.constant 7 : i32
        %swap3A_3163 = arith.index_cast %scan3A_59 : i32 to index
        %swap3A_3164 = arith.index_cast %swap3A_3162 : i32 to index
        %swap3A_3165 = arith.constant 128 : index
        %swap3A_3166 = tpu.vector_load %arg5[%swap3A_3163, %swap3A_3164, %swap3A_3165] {strides = array<i32>} : memref<16x8x512xf32, #tpu.memory_space<vmem>>, vector<1x1x16xf32>,
        %swap3A_3167 = vector.shape_cast %swap3A_3166 : vector<1x1x16xf32> to vector<16xf32>
        %swap3A_3168 = vector.shape_cast %mul3A_3119 : vector<16xf32> to vector<1x1x16xf32>
        tpu.vector_store %arg5[%swap3A_3163, %swap3A_3164, %swap3A_3165], %swap3A_3168 {strides = array<i32>} : memref<16x8x512xf32, #tpu.memory_space<vmem>>, vector<1x1x16xf32>,
        %mul3A_3169 = arith.mulf %select_n3A_1961, %div3A_2175 : vector<16xf32>
        %swap3A_3170 = arith.constant 1 : i32
        %swap3A_3171 = arith.index_cast %scan3A_59 : i32 to index
        %swap3A_3172 = arith.index_cast %swap3A_3170 : i32 to index
        %swap3A_3173 = arith.constant 144 : index
        %swap3A_3174 = tpu.vector_load %arg5[%swap3A_3171, %swap3A_3172, %swap3A_3173] {strides = array<i32>} : memref<16x8x512xf32, #tpu.memory_space<vmem>>, vector<1x1x16xf32>,
        %swap3A_3175 = vector.shape_cast %swap3A_3174 : vector<1x1x16xf32> to vector<16xf32>
        %swap3A_3176 = vector.shape_cast %mul3A_3169 : vector<16xf32> to vector<1x1x16xf32>
        tpu.vector_store %arg5[%swap3A_3171, %swap3A_3172, %swap3A_3173], %swap3A_3176 {strides = array<i32>} : memref<16x8x512xf32, #tpu.memory_space<vmem>>, vector<1x1x16xf32>,
        %swap3A_3177 = arith.constant 2 : i32
        %swap3A_3178 = arith.index_cast %scan3A_59 : i32 to index
        %swap3A_3179 = arith.index_cast %swap3A_3177 : i32 to index
        %swap3A_3180 = arith.constant 144 : index
        %swap3A_3181 = tpu.vector_load %arg5[%swap3A_3178, %swap3A_3179, %swap3A_3180] {strides = array<i32>} : memref<16x8x512xf32, #tpu.memory_space<vmem>>, vector<1x1x16xf32>,
        %swap3A_3182 = vector.shape_cast %swap3A_3181 : vector<1x1x16xf32> to vector<16xf32>
        %swap3A_3183 = vector.shape_cast %mul3A_3169 : vector<16xf32> to vector<1x1x16xf32>
        tpu.vector_store %arg5[%swap3A_3178, %swap3A_3179, %swap3A_3180], %swap3A_3183 {strides = array<i32>} : memref<16x8x512xf32, #tpu.memory_space<vmem>>, vector<1x1x16xf32>,
        %swap3A_3184 = arith.constant 3 : i32
        %swap3A_3185 = arith.index_cast %scan3A_59 : i32 to index
        %swap3A_3186 = arith.index_cast %swap3A_3184 : i32 to index
        %swap3A_3187 = arith.constant 144 : index
        %swap3A_3188 = tpu.vector_load %arg5[%swap3A_3185, %swap3A_3186, %swap3A_3187] {strides = array<i32>} : memref<16x8x512xf32, #tpu.memory_space<vmem>>, vector<1x1x16xf32>,
        %swap3A_3189 = vector.shape_cast %swap3A_3188 : vector<1x1x16xf32> to vector<16xf32>
        %swap3A_3190 = vector.shape_cast %mul3A_3169 : vector<16xf32> to vector<1x1x16xf32>
        tpu.vector_store %arg5[%swap3A_3185, %swap3A_3186, %swap3A_3187], %swap3A_3190 {strides = array<i32>} : memref<16x8x512xf32, #tpu.memory_space<vmem>>, vector<1x1x16xf32>,
        %swap3A_3191 = arith.constant 4 : i32
        %swap3A_3192 = arith.index_cast %scan3A_59 : i32 to index
        %swap3A_3193 = arith.index_cast %swap3A_3191 : i32 to index
        %swap3A_3194 = arith.constant 144 : index
        %swap3A_3195 = tpu.vector_load %arg5[%swap3A_3192, %swap3A_3193, %swap3A_3194] {strides = array<i32>} : memref<16x8x512xf32, #tpu.memory_space<vmem>>, vector<1x1x16xf32>,
        %swap3A_3196 = vector.shape_cast %swap3A_3195 : vector<1x1x16xf32> to vector<16xf32>
        %swap3A_3197 = vector.shape_cast %mul3A_3169 : vector<16xf32> to vector<1x1x16xf32>
        tpu.vector_store %arg5[%swap3A_3192, %swap3A_3193, %swap3A_3194], %swap3A_3197 {strides = array<i32>} : memref<16x8x512xf32, #tpu.memory_space<vmem>>, vector<1x1x16xf32>,
        %swap3A_3198 = arith.constant 5 : i32
        %swap3A_3199 = arith.index_cast %scan3A_59 : i32 to index
        %swap3A_3200 = arith.index_cast %swap3A_3198 : i32 to index
        %swap3A_3201 = arith.constant 144 : index
        %swap3A_3202 = tpu.vector_load %arg5[%swap3A_3199, %swap3A_3200, %swap3A_3201] {strides = array<i32>} : memref<16x8x512xf32, #tpu.memory_space<vmem>>, vector<1x1x16xf32>,
        %swap3A_3203 = vector.shape_cast %swap3A_3202 : vector<1x1x16xf32> to vector<16xf32>
        %swap3A_3204 = vector.shape_cast %mul3A_3169 : vector<16xf32> to vector<1x1x16xf32>
        tpu.vector_store %arg5[%swap3A_3199, %swap3A_3200, %swap3A_3201], %swap3A_3204 {strides = array<i32>} : memref<16x8x512xf32, #tpu.memory_space<vmem>>, vector<1x1x16xf32>,
        %swap3A_3205 = arith.constant 6 : i32
        %swap3A_3206 = arith.index_cast %scan3A_59 : i32 to index
        %swap3A_3207 = arith.index_cast %swap3A_3205 : i32 to index
        %swap3A_3208 = arith.constant 144 : index
        %swap3A_3209 = tpu.vector_load %arg5[%swap3A_3206, %swap3A_3207, %swap3A_3208] {strides = array<i32>} : memref<16x8x512xf32, #tpu.memory_space<vmem>>, vector<1x1x16xf32>,
        %swap3A_3210 = vector.shape_cast %swap3A_3209 : vector<1x1x16xf32> to vector<16xf32>
        %swap3A_3211 = vector.shape_cast %mul3A_3169 : vector<16xf32> to vector<1x1x16xf32>
        tpu.vector_store %arg5[%swap3A_3206, %swap3A_3207, %swap3A_3208], %swap3A_3211 {strides = array<i32>} : memref<16x8x512xf32, #tpu.memory_space<vmem>>, vector<1x1x16xf32>,
        %swap3A_3212 = arith.constant 7 : i32
        %swap3A_3213 = arith.index_cast %scan3A_59 : i32 to index
        %swap3A_3214 = arith.index_cast %swap3A_3212 : i32 to index
        %swap3A_3215 = arith.constant 144 : index
        %swap3A_3216 = tpu.vector_load %arg5[%swap3A_3213, %swap3A_3214, %swap3A_3215] {strides = array<i32>} : memref<16x8x512xf32, #tpu.memory_space<vmem>>, vector<1x1x16xf32>,
        %swap3A_3217 = vector.shape_cast %swap3A_3216 : vector<1x1x16xf32> to vector<16xf32>
        %swap3A_3218 = vector.shape_cast %mul3A_3169 : vector<16xf32> to vector<1x1x16xf32>
        tpu.vector_store %arg5[%swap3A_3213, %swap3A_3214, %swap3A_3215], %swap3A_3218 {strides = array<i32>} : memref<16x8x512xf32, #tpu.memory_space<vmem>>, vector<1x1x16xf32>,
        %mul3A_3219 = arith.mulf %select_n3A_1965, %div3A_2175 : vector<16xf32>
        %swap3A_3220 = arith.constant 1 : i32
        %swap3A_3221 = arith.index_cast %scan3A_59 : i32 to index
        %swap3A_3222 = arith.index_cast %swap3A_3220 : i32 to index
        %swap3A_3223 = arith.constant 160 : index
        %swap3A_3224 = tpu.vector_load %arg5[%swap3A_3221, %swap3A_3222, %swap3A_3223] {strides = array<i32>} : memref<16x8x512xf32, #tpu.memory_space<vmem>>, vector<1x1x16xf32>,
        %swap3A_3225 = vector.shape_cast %swap3A_3224 : vector<1x1x16xf32> to vector<16xf32>
        %swap3A_3226 = vector.shape_cast %mul3A_3219 : vector<16xf32> to vector<1x1x16xf32>
        tpu.vector_store %arg5[%swap3A_3221, %swap3A_3222, %swap3A_3223], %swap3A_3226 {strides = array<i32>} : memref<16x8x512xf32, #tpu.memory_space<vmem>>, vector<1x1x16xf32>,
        %swap3A_3227 = arith.constant 2 : i32
        %swap3A_3228 = arith.index_cast %scan3A_59 : i32 to index
        %swap3A_3229 = arith.index_cast %swap3A_3227 : i32 to index
        %swap3A_3230 = arith.constant 160 : index
        %swap3A_3231 = tpu.vector_load %arg5[%swap3A_3228, %swap3A_3229, %swap3A_3230] {strides = array<i32>} : memref<16x8x512xf32, #tpu.memory_space<vmem>>, vector<1x1x16xf32>,
        %swap3A_3232 = vector.shape_cast %swap3A_3231 : vector<1x1x16xf32> to vector<16xf32>
        %swap3A_3233 = vector.shape_cast %mul3A_3219 : vector<16xf32> to vector<1x1x16xf32>
        tpu.vector_store %arg5[%swap3A_3228, %swap3A_3229, %swap3A_3230], %swap3A_3233 {strides = array<i32>} : memref<16x8x512xf32, #tpu.memory_space<vmem>>, vector<1x1x16xf32>,
        %swap3A_3234 = arith.constant 3 : i32
        %swap3A_3235 = arith.index_cast %scan3A_59 : i32 to index
        %swap3A_3236 = arith.index_cast %swap3A_3234 : i32 to index
        %swap3A_3237 = arith.constant 160 : index
        %swap3A_3238 = tpu.vector_load %arg5[%swap3A_3235, %swap3A_3236, %swap3A_3237] {strides = array<i32>} : memref<16x8x512xf32, #tpu.memory_space<vmem>>, vector<1x1x16xf32>,
        %swap3A_3239 = vector.shape_cast %swap3A_3238 : vector<1x1x16xf32> to vector<16xf32>
        %swap3A_3240 = vector.shape_cast %mul3A_3219 : vector<16xf32> to vector<1x1x16xf32>
        tpu.vector_store %arg5[%swap3A_3235, %swap3A_3236, %swap3A_3237], %swap3A_3240 {strides = array<i32>} : memref<16x8x512xf32, #tpu.memory_space<vmem>>, vector<1x1x16xf32>,
        %swap3A_3241 = arith.constant 4 : i32
        %swap3A_3242 = arith.index_cast %scan3A_59 : i32 to index
        %swap3A_3243 = arith.index_cast %swap3A_3241 : i32 to index
        %swap3A_3244 = arith.constant 160 : index
        %swap3A_3245 = tpu.vector_load %arg5[%swap3A_3242, %swap3A_3243, %swap3A_3244] {strides = array<i32>} : memref<16x8x512xf32, #tpu.memory_space<vmem>>, vector<1x1x16xf32>,
        %swap3A_3246 = vector.shape_cast %swap3A_3245 : vector<1x1x16xf32> to vector<16xf32>
        %swap3A_3247 = vector.shape_cast %mul3A_3219 : vector<16xf32> to vector<1x1x16xf32>
        tpu.vector_store %arg5[%swap3A_3242, %swap3A_3243, %swap3A_3244], %swap3A_3247 {strides = array<i32>} : memref<16x8x512xf32, #tpu.memory_space<vmem>>, vector<1x1x16xf32>,
        %swap3A_3248 = arith.constant 5 : i32
        %swap3A_3249 = arith.index_cast %scan3A_59 : i32 to index
        %swap3A_3250 = arith.index_cast %swap3A_3248 : i32 to index
        %swap3A_3251 = arith.constant 160 : index
        %swap3A_3252 = tpu.vector_load %arg5[%swap3A_3249, %swap3A_3250, %swap3A_3251] {strides = array<i32>} : memref<16x8x512xf32, #tpu.memory_space<vmem>>, vector<1x1x16xf32>,
        %swap3A_3253 = vector.shape_cast %swap3A_3252 : vector<1x1x16xf32> to vector<16xf32>
        %swap3A_3254 = vector.shape_cast %mul3A_3219 : vector<16xf32> to vector<1x1x16xf32>
        tpu.vector_store %arg5[%swap3A_3249, %swap3A_3250, %swap3A_3251], %swap3A_3254 {strides = array<i32>} : memref<16x8x512xf32, #tpu.memory_space<vmem>>, vector<1x1x16xf32>,
        %swap3A_3255 = arith.constant 6 : i32
        %swap3A_3256 = arith.index_cast %scan3A_59 : i32 to index
        %swap3A_3257 = arith.index_cast %swap3A_3255 : i32 to index
        %swap3A_3258 = arith.constant 160 : index
        %swap3A_3259 = tpu.vector_load %arg5[%swap3A_3256, %swap3A_3257, %swap3A_3258] {strides = array<i32>} : memref<16x8x512xf32, #tpu.memory_space<vmem>>, vector<1x1x16xf32>,
        %swap3A_3260 = vector.shape_cast %swap3A_3259 : vector<1x1x16xf32> to vector<16xf32>
        %swap3A_3261 = vector.shape_cast %mul3A_3219 : vector<16xf32> to vector<1x1x16xf32>
        tpu.vector_store %arg5[%swap3A_3256, %swap3A_3257, %swap3A_3258], %swap3A_3261 {strides = array<i32>} : memref<16x8x512xf32, #tpu.memory_space<vmem>>, vector<1x1x16xf32>,
        %swap3A_3262 = arith.constant 7 : i32
        %swap3A_3263 = arith.index_cast %scan3A_59 : i32 to index
        %swap3A_3264 = arith.index_cast %swap3A_3262 : i32 to index
        %swap3A_3265 = arith.constant 160 : index
        %swap3A_3266 = tpu.vector_load %arg5[%swap3A_3263, %swap3A_3264, %swap3A_3265] {strides = array<i32>} : memref<16x8x512xf32, #tpu.memory_space<vmem>>, vector<1x1x16xf32>,
        %swap3A_3267 = vector.shape_cast %swap3A_3266 : vector<1x1x16xf32> to vector<16xf32>
        %swap3A_3268 = vector.shape_cast %mul3A_3219 : vector<16xf32> to vector<1x1x16xf32>
        tpu.vector_store %arg5[%swap3A_3263, %swap3A_3264, %swap3A_3265], %swap3A_3268 {strides = array<i32>} : memref<16x8x512xf32, #tpu.memory_space<vmem>>, vector<1x1x16xf32>,
        %mul3A_3269 = arith.mulf %select_n3A_1969, %div3A_2175 : vector<16xf32>
        %swap3A_3270 = arith.constant 1 : i32
        %swap3A_3271 = arith.index_cast %scan3A_59 : i32 to index
        %swap3A_3272 = arith.index_cast %swap3A_3270 : i32 to index
        %swap3A_3273 = arith.constant 176 : index
        %swap3A_3274 = tpu.vector_load %arg5[%swap3A_3271, %swap3A_3272, %swap3A_3273] {strides = array<i32>} : memref<16x8x512xf32, #tpu.memory_space<vmem>>, vector<1x1x16xf32>,
        %swap3A_3275 = vector.shape_cast %swap3A_3274 : vector<1x1x16xf32> to vector<16xf32>
        %swap3A_3276 = vector.shape_cast %mul3A_3269 : vector<16xf32> to vector<1x1x16xf32>
        tpu.vector_store %arg5[%swap3A_3271, %swap3A_3272, %swap3A_3273], %swap3A_3276 {strides = array<i32>} : memref<16x8x512xf32, #tpu.memory_space<vmem>>, vector<1x1x16xf32>,
        %swap3A_3277 = arith.constant 2 : i32
        %swap3A_3278 = arith.index_cast %scan3A_59 : i32 to index
        %swap3A_3279 = arith.index_cast %swap3A_3277 : i32 to index
        %swap3A_3280 = arith.constant 176 : index
        %swap3A_3281 = tpu.vector_load %arg5[%swap3A_3278, %swap3A_3279, %swap3A_3280] {strides = array<i32>} : memref<16x8x512xf32, #tpu.memory_space<vmem>>, vector<1x1x16xf32>,
        %swap3A_3282 = vector.shape_cast %swap3A_3281 : vector<1x1x16xf32> to vector<16xf32>
        %swap3A_3283 = vector.shape_cast %mul3A_3269 : vector<16xf32> to vector<1x1x16xf32>
        tpu.vector_store %arg5[%swap3A_3278, %swap3A_3279, %swap3A_3280], %swap3A_3283 {strides = array<i32>} : memref<16x8x512xf32, #tpu.memory_space<vmem>>, vector<1x1x16xf32>,
        %swap3A_3284 = arith.constant 3 : i32
        %swap3A_3285 = arith.index_cast %scan3A_59 : i32 to index
        %swap3A_3286 = arith.index_cast %swap3A_3284 : i32 to index
        %swap3A_3287 = arith.constant 176 : index
        %swap3A_3288 = tpu.vector_load %arg5[%swap3A_3285, %swap3A_3286, %swap3A_3287] {strides = array<i32>} : memref<16x8x512xf32, #tpu.memory_space<vmem>>, vector<1x1x16xf32>,
        %swap3A_3289 = vector.shape_cast %swap3A_3288 : vector<1x1x16xf32> to vector<16xf32>
        %swap3A_3290 = vector.shape_cast %mul3A_3269 : vector<16xf32> to vector<1x1x16xf32>
        tpu.vector_store %arg5[%swap3A_3285, %swap3A_3286, %swap3A_3287], %swap3A_3290 {strides = array<i32>} : memref<16x8x512xf32, #tpu.memory_space<vmem>>, vector<1x1x16xf32>,
        %swap3A_3291 = arith.constant 4 : i32
        %swap3A_3292 = arith.index_cast %scan3A_59 : i32 to index
        %swap3A_3293 = arith.index_cast %swap3A_3291 : i32 to index
        %swap3A_3294 = arith.constant 176 : index
        %swap3A_3295 = tpu.vector_load %arg5[%swap3A_3292, %swap3A_3293, %swap3A_3294] {strides = array<i32>} : memref<16x8x512xf32, #tpu.memory_space<vmem>>, vector<1x1x16xf32>,
        %swap3A_3296 = vector.shape_cast %swap3A_3295 : vector<1x1x16xf32> to vector<16xf32>
        %swap3A_3297 = vector.shape_cast %mul3A_3269 : vector<16xf32> to vector<1x1x16xf32>
        tpu.vector_store %arg5[%swap3A_3292, %swap3A_3293, %swap3A_3294], %swap3A_3297 {strides = array<i32>} : memref<16x8x512xf32, #tpu.memory_space<vmem>>, vector<1x1x16xf32>,
        %swap3A_3298 = arith.constant 5 : i32
        %swap3A_3299 = arith.index_cast %scan3A_59 : i32 to index
        %swap3A_3300 = arith.index_cast %swap3A_3298 : i32 to index
        %swap3A_3301 = arith.constant 176 : index
        %swap3A_3302 = tpu.vector_load %arg5[%swap3A_3299, %swap3A_3300, %swap3A_3301] {strides = array<i32>} : memref<16x8x512xf32, #tpu.memory_space<vmem>>, vector<1x1x16xf32>,
        %swap3A_3303 = vector.shape_cast %swap3A_3302 : vector<1x1x16xf32> to vector<16xf32>
        %swap3A_3304 = vector.shape_cast %mul3A_3269 : vector<16xf32> to vector<1x1x16xf32>
        tpu.vector_store %arg5[%swap3A_3299, %swap3A_3300, %swap3A_3301], %swap3A_3304 {strides = array<i32>} : memref<16x8x512xf32, #tpu.memory_space<vmem>>, vector<1x1x16xf32>,
        %swap3A_3305 = arith.constant 6 : i32
        %swap3A_3306 = arith.index_cast %scan3A_59 : i32 to index
        %swap3A_3307 = arith.index_cast %swap3A_3305 : i32 to index
        %swap3A_3308 = arith.constant 176 : index
        %swap3A_3309 = tpu.vector_load %arg5[%swap3A_3306, %swap3A_3307, %swap3A_3308] {strides = array<i32>} : memref<16x8x512xf32, #tpu.memory_space<vmem>>, vector<1x1x16xf32>,
        %swap3A_3310 = vector.shape_cast %swap3A_3309 : vector<1x1x16xf32> to vector<16xf32>
        %swap3A_3311 = vector.shape_cast %mul3A_3269 : vector<16xf32> to vector<1x1x16xf32>
        tpu.vector_store %arg5[%swap3A_3306, %swap3A_3307, %swap3A_3308], %swap3A_3311 {strides = array<i32>} : memref<16x8x512xf32, #tpu.memory_space<vmem>>, vector<1x1x16xf32>,
        %swap3A_3312 = arith.constant 7 : i32
        %swap3A_3313 = arith.index_cast %scan3A_59 : i32 to index
        %swap3A_3314 = arith.index_cast %swap3A_3312 : i32 to index
        %swap3A_3315 = arith.constant 176 : index
        %swap3A_3316 = tpu.vector_load %arg5[%swap3A_3313, %swap3A_3314, %swap3A_3315] {strides = array<i32>} : memref<16x8x512xf32, #tpu.memory_space<vmem>>, vector<1x1x16xf32>,
        %swap3A_3317 = vector.shape_cast %swap3A_3316 : vector<1x1x16xf32> to vector<16xf32>
        %swap3A_3318 = vector.shape_cast %mul3A_3269 : vector<16xf32> to vector<1x1x16xf32>
        tpu.vector_store %arg5[%swap3A_3313, %swap3A_3314, %swap3A_3315], %swap3A_3318 {strides = array<i32>} : memref<16x8x512xf32, #tpu.memory_space<vmem>>, vector<1x1x16xf32>,
        %mul3A_3319 = arith.mulf %select_n3A_1973, %div3A_2175 : vector<16xf32>
        %swap3A_3320 = arith.constant 1 : i32
        %swap3A_3321 = arith.index_cast %scan3A_59 : i32 to index
        %swap3A_3322 = arith.index_cast %swap3A_3320 : i32 to index
        %swap3A_3323 = arith.constant 192 : index
        %swap3A_3324 = tpu.vector_load %arg5[%swap3A_3321, %swap3A_3322, %swap3A_3323] {strides = array<i32>} : memref<16x8x512xf32, #tpu.memory_space<vmem>>, vector<1x1x16xf32>,
        %swap3A_3325 = vector.shape_cast %swap3A_3324 : vector<1x1x16xf32> to vector<16xf32>
        %swap3A_3326 = vector.shape_cast %mul3A_3319 : vector<16xf32> to vector<1x1x16xf32>
        tpu.vector_store %arg5[%swap3A_3321, %swap3A_3322, %swap3A_3323], %swap3A_3326 {strides = array<i32>} : memref<16x8x512xf32, #tpu.memory_space<vmem>>, vector<1x1x16xf32>,
        %swap3A_3327 = arith.constant 2 : i32
        %swap3A_3328 = arith.index_cast %scan3A_59 : i32 to index
        %swap3A_3329 = arith.index_cast %swap3A_3327 : i32 to index
        %swap3A_3330 = arith.constant 192 : index
        %swap3A_3331 = tpu.vector_load %arg5[%swap3A_3328, %swap3A_3329, %swap3A_3330] {strides = array<i32>} : memref<16x8x512xf32, #tpu.memory_space<vmem>>, vector<1x1x16xf32>,
        %swap3A_3332 = vector.shape_cast %swap3A_3331 : vector<1x1x16xf32> to vector<16xf32>
        %swap3A_3333 = vector.shape_cast %mul3A_3319 : vector<16xf32> to vector<1x1x16xf32>
        tpu.vector_store %arg5[%swap3A_3328, %swap3A_3329, %swap3A_3330], %swap3A_3333 {strides = array<i32>} : memref<16x8x512xf32, #tpu.memory_space<vmem>>, vector<1x1x16xf32>,
        %swap3A_3334 = arith.constant 3 : i32
        %swap3A_3335 = arith.index_cast %scan3A_59 : i32 to index
        %swap3A_3336 = arith.index_cast %swap3A_3334 : i32 to index
        %swap3A_3337 = arith.constant 192 : index
        %swap3A_3338 = tpu.vector_load %arg5[%swap3A_3335, %swap3A_3336, %swap3A_3337] {strides = array<i32>} : memref<16x8x512xf32, #tpu.memory_space<vmem>>, vector<1x1x16xf32>,
        %swap3A_3339 = vector.shape_cast %swap3A_3338 : vector<1x1x16xf32> to vector<16xf32>
        %swap3A_3340 = vector.shape_cast %mul3A_3319 : vector<16xf32> to vector<1x1x16xf32>
        tpu.vector_store %arg5[%swap3A_3335, %swap3A_3336, %swap3A_3337], %swap3A_3340 {strides = array<i32>} : memref<16x8x512xf32, #tpu.memory_space<vmem>>, vector<1x1x16xf32>,
        %swap3A_3341 = arith.constant 4 : i32
        %swap3A_3342 = arith.index_cast %scan3A_59 : i32 to index
        %swap3A_3343 = arith.index_cast %swap3A_3341 : i32 to index
        %swap3A_3344 = arith.constant 192 : index
        %swap3A_3345 = tpu.vector_load %arg5[%swap3A_3342, %swap3A_3343, %swap3A_3344] {strides = array<i32>} : memref<16x8x512xf32, #tpu.memory_space<vmem>>, vector<1x1x16xf32>,
        %swap3A_3346 = vector.shape_cast %swap3A_3345 : vector<1x1x16xf32> to vector<16xf32>
        %swap3A_3347 = vector.shape_cast %mul3A_3319 : vector<16xf32> to vector<1x1x16xf32>
        tpu.vector_store %arg5[%swap3A_3342, %swap3A_3343, %swap3A_3344], %swap3A_3347 {strides = array<i32>} : memref<16x8x512xf32, #tpu.memory_space<vmem>>, vector<1x1x16xf32>,
        %swap3A_3348 = arith.constant 5 : i32
        %swap3A_3349 = arith.index_cast %scan3A_59 : i32 to index
        %swap3A_3350 = arith.index_cast %swap3A_3348 : i32 to index
        %swap3A_3351 = arith.constant 192 : index
        %swap3A_3352 = tpu.vector_load %arg5[%swap3A_3349, %swap3A_3350, %swap3A_3351] {strides = array<i32>} : memref<16x8x512xf32, #tpu.memory_space<vmem>>, vector<1x1x16xf32>,
        %swap3A_3353 = vector.shape_cast %swap3A_3352 : vector<1x1x16xf32> to vector<16xf32>
        %swap3A_3354 = vector.shape_cast %mul3A_3319 : vector<16xf32> to vector<1x1x16xf32>
        tpu.vector_store %arg5[%swap3A_3349, %swap3A_3350, %swap3A_3351], %swap3A_3354 {strides = array<i32>} : memref<16x8x512xf32, #tpu.memory_space<vmem>>, vector<1x1x16xf32>,
        %swap3A_3355 = arith.constant 6 : i32
        %swap3A_3356 = arith.index_cast %scan3A_59 : i32 to index
        %swap3A_3357 = arith.index_cast %swap3A_3355 : i32 to index
        %swap3A_3358 = arith.constant 192 : index
        %swap3A_3359 = tpu.vector_load %arg5[%swap3A_3356, %swap3A_3357, %swap3A_3358] {strides = array<i32>} : memref<16x8x512xf32, #tpu.memory_space<vmem>>, vector<1x1x16xf32>,
        %swap3A_3360 = vector.shape_cast %swap3A_3359 : vector<1x1x16xf32> to vector<16xf32>
        %swap3A_3361 = vector.shape_cast %mul3A_3319 : vector<16xf32> to vector<1x1x16xf32>
        tpu.vector_store %arg5[%swap3A_3356, %swap3A_3357, %swap3A_3358], %swap3A_3361 {strides = array<i32>} : memref<16x8x512xf32, #tpu.memory_space<vmem>>, vector<1x1x16xf32>,
        %swap3A_3362 = arith.constant 7 : i32
        %swap3A_3363 = arith.index_cast %scan3A_59 : i32 to index
        %swap3A_3364 = arith.index_cast %swap3A_3362 : i32 to index
        %swap3A_3365 = arith.constant 192 : index
        %swap3A_3366 = tpu.vector_load %arg5[%swap3A_3363, %swap3A_3364, %swap3A_3365] {strides = array<i32>} : memref<16x8x512xf32, #tpu.memory_space<vmem>>, vector<1x1x16xf32>,
        %swap3A_3367 = vector.shape_cast %swap3A_3366 : vector<1x1x16xf32> to vector<16xf32>
        %swap3A_3368 = vector.shape_cast %mul3A_3319 : vector<16xf32> to vector<1x1x16xf32>
        tpu.vector_store %arg5[%swap3A_3363, %swap3A_3364, %swap3A_3365], %swap3A_3368 {strides = array<i32>} : memref<16x8x512xf32, #tpu.memory_space<vmem>>, vector<1x1x16xf32>,
        %mul3A_3369 = arith.mulf %select_n3A_1977, %div3A_2175 : vector<16xf32>
        %swap3A_3370 = arith.constant 1 : i32
        %swap3A_3371 = arith.index_cast %scan3A_59 : i32 to index
        %swap3A_3372 = arith.index_cast %swap3A_3370 : i32 to index
        %swap3A_3373 = arith.constant 208 : index
        %swap3A_3374 = tpu.vector_load %arg5[%swap3A_3371, %swap3A_3372, %swap3A_3373] {strides = array<i32>} : memref<16x8x512xf32, #tpu.memory_space<vmem>>, vector<1x1x16xf32>,
        %swap3A_3375 = vector.shape_cast %swap3A_3374 : vector<1x1x16xf32> to vector<16xf32>
        %swap3A_3376 = vector.shape_cast %mul3A_3369 : vector<16xf32> to vector<1x1x16xf32>
        tpu.vector_store %arg5[%swap3A_3371, %swap3A_3372, %swap3A_3373], %swap3A_3376 {strides = array<i32>} : memref<16x8x512xf32, #tpu.memory_space<vmem>>, vector<1x1x16xf32>,
        %swap3A_3377 = arith.constant 2 : i32
        %swap3A_3378 = arith.index_cast %scan3A_59 : i32 to index
        %swap3A_3379 = arith.index_cast %swap3A_3377 : i32 to index
        %swap3A_3380 = arith.constant 208 : index
        %swap3A_3381 = tpu.vector_load %arg5[%swap3A_3378, %swap3A_3379, %swap3A_3380] {strides = array<i32>} : memref<16x8x512xf32, #tpu.memory_space<vmem>>, vector<1x1x16xf32>,
        %swap3A_3382 = vector.shape_cast %swap3A_3381 : vector<1x1x16xf32> to vector<16xf32>
        %swap3A_3383 = vector.shape_cast %mul3A_3369 : vector<16xf32> to vector<1x1x16xf32>
        tpu.vector_store %arg5[%swap3A_3378, %swap3A_3379, %swap3A_3380], %swap3A_3383 {strides = array<i32>} : memref<16x8x512xf32, #tpu.memory_space<vmem>>, vector<1x1x16xf32>,
        %swap3A_3384 = arith.constant 3 : i32
        %swap3A_3385 = arith.index_cast %scan3A_59 : i32 to index
        %swap3A_3386 = arith.index_cast %swap3A_3384 : i32 to index
        %swap3A_3387 = arith.constant 208 : index
        %swap3A_3388 = tpu.vector_load %arg5[%swap3A_3385, %swap3A_3386, %swap3A_3387] {strides = array<i32>} : memref<16x8x512xf32, #tpu.memory_space<vmem>>, vector<1x1x16xf32>,
        %swap3A_3389 = vector.shape_cast %swap3A_3388 : vector<1x1x16xf32> to vector<16xf32>
        %swap3A_3390 = vector.shape_cast %mul3A_3369 : vector<16xf32> to vector<1x1x16xf32>
        tpu.vector_store %arg5[%swap3A_3385, %swap3A_3386, %swap3A_3387], %swap3A_3390 {strides = array<i32>} : memref<16x8x512xf32, #tpu.memory_space<vmem>>, vector<1x1x16xf32>,
        %swap3A_3391 = arith.constant 4 : i32
        %swap3A_3392 = arith.index_cast %scan3A_59 : i32 to index
        %swap3A_3393 = arith.index_cast %swap3A_3391 : i32 to index
        %swap3A_3394 = arith.constant 208 : index
        %swap3A_3395 = tpu.vector_load %arg5[%swap3A_3392, %swap3A_3393, %swap3A_3394] {strides = array<i32>} : memref<16x8x512xf32, #tpu.memory_space<vmem>>, vector<1x1x16xf32>,
        %swap3A_3396 = vector.shape_cast %swap3A_3395 : vector<1x1x16xf32> to vector<16xf32>
        %swap3A_3397 = vector.shape_cast %mul3A_3369 : vector<16xf32> to vector<1x1x16xf32>
        tpu.vector_store %arg5[%swap3A_3392, %swap3A_3393, %swap3A_3394], %swap3A_3397 {strides = array<i32>} : memref<16x8x512xf32, #tpu.memory_space<vmem>>, vector<1x1x16xf32>,
        %swap3A_3398 = arith.constant 5 : i32
        %swap3A_3399 = arith.index_cast %scan3A_59 : i32 to index
        %swap3A_3400 = arith.index_cast %swap3A_3398 : i32 to index
        %swap3A_3401 = arith.constant 208 : index
        %swap3A_3402 = tpu.vector_load %arg5[%swap3A_3399, %swap3A_3400, %swap3A_3401] {strides = array<i32>} : memref<16x8x512xf32, #tpu.memory_space<vmem>>, vector<1x1x16xf32>,
        %swap3A_3403 = vector.shape_cast %swap3A_3402 : vector<1x1x16xf32> to vector<16xf32>
        %swap3A_3404 = vector.shape_cast %mul3A_3369 : vector<16xf32> to vector<1x1x16xf32>
        tpu.vector_store %arg5[%swap3A_3399, %swap3A_3400, %swap3A_3401], %swap3A_3404 {strides = array<i32>} : memref<16x8x512xf32, #tpu.memory_space<vmem>>, vector<1x1x16xf32>,
        %swap3A_3405 = arith.constant 6 : i32
        %swap3A_3406 = arith.index_cast %scan3A_59 : i32 to index
        %swap3A_3407 = arith.index_cast %swap3A_3405 : i32 to index
        %swap3A_3408 = arith.constant 208 : index
        %swap3A_3409 = tpu.vector_load %arg5[%swap3A_3406, %swap3A_3407, %swap3A_3408] {strides = array<i32>} : memref<16x8x512xf32, #tpu.memory_space<vmem>>, vector<1x1x16xf32>,
        %swap3A_3410 = vector.shape_cast %swap3A_3409 : vector<1x1x16xf32> to vector<16xf32>
        %swap3A_3411 = vector.shape_cast %mul3A_3369 : vector<16xf32> to vector<1x1x16xf32>
        tpu.vector_store %arg5[%swap3A_3406, %swap3A_3407, %swap3A_3408], %swap3A_3411 {strides = array<i32>} : memref<16x8x512xf32, #tpu.memory_space<vmem>>, vector<1x1x16xf32>,
        %swap3A_3412 = arith.constant 7 : i32
        %swap3A_3413 = arith.index_cast %scan3A_59 : i32 to index
        %swap3A_3414 = arith.index_cast %swap3A_3412 : i32 to index
        %swap3A_3415 = arith.constant 208 : index
        %swap3A_3416 = tpu.vector_load %arg5[%swap3A_3413, %swap3A_3414, %swap3A_3415] {strides = array<i32>} : memref<16x8x512xf32, #tpu.memory_space<vmem>>, vector<1x1x16xf32>,
        %swap3A_3417 = vector.shape_cast %swap3A_3416 : vector<1x1x16xf32> to vector<16xf32>
        %swap3A_3418 = vector.shape_cast %mul3A_3369 : vector<16xf32> to vector<1x1x16xf32>
        tpu.vector_store %arg5[%swap3A_3413, %swap3A_3414, %swap3A_3415], %swap3A_3418 {strides = array<i32>} : memref<16x8x512xf32, #tpu.memory_space<vmem>>, vector<1x1x16xf32>,
        %mul3A_3419 = arith.mulf %select_n3A_1981, %div3A_2175 : vector<16xf32>
        %swap3A_3420 = arith.constant 1 : i32
        %swap3A_3421 = arith.index_cast %scan3A_59 : i32 to index
        %swap3A_3422 = arith.index_cast %swap3A_3420 : i32 to index
        %swap3A_3423 = arith.constant 224 : index
        %swap3A_3424 = tpu.vector_load %arg5[%swap3A_3421, %swap3A_3422, %swap3A_3423] {strides = array<i32>} : memref<16x8x512xf32, #tpu.memory_space<vmem>>, vector<1x1x16xf32>,
        %swap3A_3425 = vector.shape_cast %swap3A_3424 : vector<1x1x16xf32> to vector<16xf32>
        %swap3A_3426 = vector.shape_cast %mul3A_3419 : vector<16xf32> to vector<1x1x16xf32>
        tpu.vector_store %arg5[%swap3A_3421, %swap3A_3422, %swap3A_3423], %swap3A_3426 {strides = array<i32>} : memref<16x8x512xf32, #tpu.memory_space<vmem>>, vector<1x1x16xf32>,
        %swap3A_3427 = arith.constant 2 : i32
        %swap3A_3428 = arith.index_cast %scan3A_59 : i32 to index
        %swap3A_3429 = arith.index_cast %swap3A_3427 : i32 to index
        %swap3A_3430 = arith.constant 224 : index
        %swap3A_3431 = tpu.vector_load %arg5[%swap3A_3428, %swap3A_3429, %swap3A_3430] {strides = array<i32>} : memref<16x8x512xf32, #tpu.memory_space<vmem>>, vector<1x1x16xf32>,
        %swap3A_3432 = vector.shape_cast %swap3A_3431 : vector<1x1x16xf32> to vector<16xf32>
        %swap3A_3433 = vector.shape_cast %mul3A_3419 : vector<16xf32> to vector<1x1x16xf32>
        tpu.vector_store %arg5[%swap3A_3428, %swap3A_3429, %swap3A_3430], %swap3A_3433 {strides = array<i32>} : memref<16x8x512xf32, #tpu.memory_space<vmem>>, vector<1x1x16xf32>,
        %swap3A_3434 = arith.constant 3 : i32
        %swap3A_3435 = arith.index_cast %scan3A_59 : i32 to index
        %swap3A_3436 = arith.index_cast %swap3A_3434 : i32 to index
        %swap3A_3437 = arith.constant 224 : index
        %swap3A_3438 = tpu.vector_load %arg5[%swap3A_3435, %swap3A_3436, %swap3A_3437] {strides = array<i32>} : memref<16x8x512xf32, #tpu.memory_space<vmem>>, vector<1x1x16xf32>,
        %swap3A_3439 = vector.shape_cast %swap3A_3438 : vector<1x1x16xf32> to vector<16xf32>
        %swap3A_3440 = vector.shape_cast %mul3A_3419 : vector<16xf32> to vector<1x1x16xf32>
        tpu.vector_store %arg5[%swap3A_3435, %swap3A_3436, %swap3A_3437], %swap3A_3440 {strides = array<i32>} : memref<16x8x512xf32, #tpu.memory_space<vmem>>, vector<1x1x16xf32>,
        %swap3A_3441 = arith.constant 4 : i32
        %swap3A_3442 = arith.index_cast %scan3A_59 : i32 to index
        %swap3A_3443 = arith.index_cast %swap3A_3441 : i32 to index
        %swap3A_3444 = arith.constant 224 : index
        %swap3A_3445 = tpu.vector_load %arg5[%swap3A_3442, %swap3A_3443, %swap3A_3444] {strides = array<i32>} : memref<16x8x512xf32, #tpu.memory_space<vmem>>, vector<1x1x16xf32>,
        %swap3A_3446 = vector.shape_cast %swap3A_3445 : vector<1x1x16xf32> to vector<16xf32>
        %swap3A_3447 = vector.shape_cast %mul3A_3419 : vector<16xf32> to vector<1x1x16xf32>
        tpu.vector_store %arg5[%swap3A_3442, %swap3A_3443, %swap3A_3444], %swap3A_3447 {strides = array<i32>} : memref<16x8x512xf32, #tpu.memory_space<vmem>>, vector<1x1x16xf32>,
        %swap3A_3448 = arith.constant 5 : i32
        %swap3A_3449 = arith.index_cast %scan3A_59 : i32 to index
        %swap3A_3450 = arith.index_cast %swap3A_3448 : i32 to index
        %swap3A_3451 = arith.constant 224 : index
        %swap3A_3452 = tpu.vector_load %arg5[%swap3A_3449, %swap3A_3450, %swap3A_3451] {strides = array<i32>} : memref<16x8x512xf32, #tpu.memory_space<vmem>>, vector<1x1x16xf32>,
        %swap3A_3453 = vector.shape_cast %swap3A_3452 : vector<1x1x16xf32> to vector<16xf32>
        %swap3A_3454 = vector.shape_cast %mul3A_3419 : vector<16xf32> to vector<1x1x16xf32>
        tpu.vector_store %arg5[%swap3A_3449, %swap3A_3450, %swap3A_3451], %swap3A_3454 {strides = array<i32>} : memref<16x8x512xf32, #tpu.memory_space<vmem>>, vector<1x1x16xf32>,
        %swap3A_3455 = arith.constant 6 : i32
        %swap3A_3456 = arith.index_cast %scan3A_59 : i32 to index
        %swap3A_3457 = arith.index_cast %swap3A_3455 : i32 to index
        %swap3A_3458 = arith.constant 224 : index
        %swap3A_3459 = tpu.vector_load %arg5[%swap3A_3456, %swap3A_3457, %swap3A_3458] {strides = array<i32>} : memref<16x8x512xf32, #tpu.memory_space<vmem>>, vector<1x1x16xf32>,
        %swap3A_3460 = vector.shape_cast %swap3A_3459 : vector<1x1x16xf32> to vector<16xf32>
        %swap3A_3461 = vector.shape_cast %mul3A_3419 : vector<16xf32> to vector<1x1x16xf32>
        tpu.vector_store %arg5[%swap3A_3456, %swap3A_3457, %swap3A_3458], %swap3A_3461 {strides = array<i32>} : memref<16x8x512xf32, #tpu.memory_space<vmem>>, vector<1x1x16xf32>,
        %swap3A_3462 = arith.constant 7 : i32
        %swap3A_3463 = arith.index_cast %scan3A_59 : i32 to index
        %swap3A_3464 = arith.index_cast %swap3A_3462 : i32 to index
        %swap3A_3465 = arith.constant 224 : index
        %swap3A_3466 = tpu.vector_load %arg5[%swap3A_3463, %swap3A_3464, %swap3A_3465] {strides = array<i32>} : memref<16x8x512xf32, #tpu.memory_space<vmem>>, vector<1x1x16xf32>,
        %swap3A_3467 = vector.shape_cast %swap3A_3466 : vector<1x1x16xf32> to vector<16xf32>
        %swap3A_3468 = vector.shape_cast %mul3A_3419 : vector<16xf32> to vector<1x1x16xf32>
        tpu.vector_store %arg5[%swap3A_3463, %swap3A_3464, %swap3A_3465], %swap3A_3468 {strides = array<i32>} : memref<16x8x512xf32, #tpu.memory_space<vmem>>, vector<1x1x16xf32>,
        %mul3A_3469 = arith.mulf %select_n3A_1985, %div3A_2175 : vector<16xf32>
        %swap3A_3470 = arith.constant 1 : i32
        %swap3A_3471 = arith.index_cast %scan3A_59 : i32 to index
        %swap3A_3472 = arith.index_cast %swap3A_3470 : i32 to index
        %swap3A_3473 = arith.constant 240 : index
        %swap3A_3474 = tpu.vector_load %arg5[%swap3A_3471, %swap3A_3472, %swap3A_3473] {strides = array<i32>} : memref<16x8x512xf32, #tpu.memory_space<vmem>>, vector<1x1x16xf32>,
        %swap3A_3475 = vector.shape_cast %swap3A_3474 : vector<1x1x16xf32> to vector<16xf32>
        %swap3A_3476 = vector.shape_cast %mul3A_3469 : vector<16xf32> to vector<1x1x16xf32>
        tpu.vector_store %arg5[%swap3A_3471, %swap3A_3472, %swap3A_3473], %swap3A_3476 {strides = array<i32>} : memref<16x8x512xf32, #tpu.memory_space<vmem>>, vector<1x1x16xf32>,
        %swap3A_3477 = arith.constant 2 : i32
        %swap3A_3478 = arith.index_cast %scan3A_59 : i32 to index
        %swap3A_3479 = arith.index_cast %swap3A_3477 : i32 to index
        %swap3A_3480 = arith.constant 240 : index
        %swap3A_3481 = tpu.vector_load %arg5[%swap3A_3478, %swap3A_3479, %swap3A_3480] {strides = array<i32>} : memref<16x8x512xf32, #tpu.memory_space<vmem>>, vector<1x1x16xf32>,
        %swap3A_3482 = vector.shape_cast %swap3A_3481 : vector<1x1x16xf32> to vector<16xf32>
        %swap3A_3483 = vector.shape_cast %mul3A_3469 : vector<16xf32> to vector<1x1x16xf32>
        tpu.vector_store %arg5[%swap3A_3478, %swap3A_3479, %swap3A_3480], %swap3A_3483 {strides = array<i32>} : memref<16x8x512xf32, #tpu.memory_space<vmem>>, vector<1x1x16xf32>,
        %swap3A_3484 = arith.constant 3 : i32
        %swap3A_3485 = arith.index_cast %scan3A_59 : i32 to index
        %swap3A_3486 = arith.index_cast %swap3A_3484 : i32 to index
        %swap3A_3487 = arith.constant 240 : index
        %swap3A_3488 = tpu.vector_load %arg5[%swap3A_3485, %swap3A_3486, %swap3A_3487] {strides = array<i32>} : memref<16x8x512xf32, #tpu.memory_space<vmem>>, vector<1x1x16xf32>,
        %swap3A_3489 = vector.shape_cast %swap3A_3488 : vector<1x1x16xf32> to vector<16xf32>
        %swap3A_3490 = vector.shape_cast %mul3A_3469 : vector<16xf32> to vector<1x1x16xf32>
        tpu.vector_store %arg5[%swap3A_3485, %swap3A_3486, %swap3A_3487], %swap3A_3490 {strides = array<i32>} : memref<16x8x512xf32, #tpu.memory_space<vmem>>, vector<1x1x16xf32>,
        %swap3A_3491 = arith.constant 4 : i32
        %swap3A_3492 = arith.index_cast %scan3A_59 : i32 to index
        %swap3A_3493 = arith.index_cast %swap3A_3491 : i32 to index
        %swap3A_3494 = arith.constant 240 : index
        %swap3A_3495 = tpu.vector_load %arg5[%swap3A_3492, %swap3A_3493, %swap3A_3494] {strides = array<i32>} : memref<16x8x512xf32, #tpu.memory_space<vmem>>, vector<1x1x16xf32>,
        %swap3A_3496 = vector.shape_cast %swap3A_3495 : vector<1x1x16xf32> to vector<16xf32>
        %swap3A_3497 = vector.shape_cast %mul3A_3469 : vector<16xf32> to vector<1x1x16xf32>
        tpu.vector_store %arg5[%swap3A_3492, %swap3A_3493, %swap3A_3494], %swap3A_3497 {strides = array<i32>} : memref<16x8x512xf32, #tpu.memory_space<vmem>>, vector<1x1x16xf32>,
        %swap3A_3498 = arith.constant 5 : i32
        %swap3A_3499 = arith.index_cast %scan3A_59 : i32 to index
        %swap3A_3500 = arith.index_cast %swap3A_3498 : i32 to index
        %swap3A_3501 = arith.constant 240 : index
        %swap3A_3502 = tpu.vector_load %arg5[%swap3A_3499, %swap3A_3500, %swap3A_3501] {strides = array<i32>} : memref<16x8x512xf32, #tpu.memory_space<vmem>>, vector<1x1x16xf32>,
        %swap3A_3503 = vector.shape_cast %swap3A_3502 : vector<1x1x16xf32> to vector<16xf32>
        %swap3A_3504 = vector.shape_cast %mul3A_3469 : vector<16xf32> to vector<1x1x16xf32>
        tpu.vector_store %arg5[%swap3A_3499, %swap3A_3500, %swap3A_3501], %swap3A_3504 {strides = array<i32>} : memref<16x8x512xf32, #tpu.memory_space<vmem>>, vector<1x1x16xf32>,
        %swap3A_3505 = arith.constant 6 : i32
        %swap3A_3506 = arith.index_cast %scan3A_59 : i32 to index
        %swap3A_3507 = arith.index_cast %swap3A_3505 : i32 to index
        %swap3A_3508 = arith.constant 240 : index
        %swap3A_3509 = tpu.vector_load %arg5[%swap3A_3506, %swap3A_3507, %swap3A_3508] {strides = array<i32>} : memref<16x8x512xf32, #tpu.memory_space<vmem>>, vector<1x1x16xf32>,
        %swap3A_3510 = vector.shape_cast %swap3A_3509 : vector<1x1x16xf32> to vector<16xf32>
        %swap3A_3511 = vector.shape_cast %mul3A_3469 : vector<16xf32> to vector<1x1x16xf32>
        tpu.vector_store %arg5[%swap3A_3506, %swap3A_3507, %swap3A_3508], %swap3A_3511 {strides = array<i32>} : memref<16x8x512xf32, #tpu.memory_space<vmem>>, vector<1x1x16xf32>,
        %swap3A_3512 = arith.constant 7 : i32
        %swap3A_3513 = arith.index_cast %scan3A_59 : i32 to index
        %swap3A_3514 = arith.index_cast %swap3A_3512 : i32 to index
        %swap3A_3515 = arith.constant 240 : index
        %swap3A_3516 = tpu.vector_load %arg5[%swap3A_3513, %swap3A_3514, %swap3A_3515] {strides = array<i32>} : memref<16x8x512xf32, #tpu.memory_space<vmem>>, vector<1x1x16xf32>,
        %swap3A_3517 = vector.shape_cast %swap3A_3516 : vector<1x1x16xf32> to vector<16xf32>
        %swap3A_3518 = vector.shape_cast %mul3A_3469 : vector<16xf32> to vector<1x1x16xf32>
        tpu.vector_store %arg5[%swap3A_3513, %swap3A_3514, %swap3A_3515], %swap3A_3518 {strides = array<i32>} : memref<16x8x512xf32, #tpu.memory_space<vmem>>, vector<1x1x16xf32>,
        %mul3A_3519 = arith.mulf %select_n3A_1989, %div3A_2175 : vector<16xf32>
        %swap3A_3520 = arith.constant 1 : i32
        %swap3A_3521 = arith.index_cast %scan3A_59 : i32 to index
        %swap3A_3522 = arith.index_cast %swap3A_3520 : i32 to index
        %swap3A_3523 = arith.constant 256 : index
        %swap3A_3524 = tpu.vector_load %arg5[%swap3A_3521, %swap3A_3522, %swap3A_3523] {strides = array<i32>} : memref<16x8x512xf32, #tpu.memory_space<vmem>>, vector<1x1x16xf32>,
        %swap3A_3525 = vector.shape_cast %swap3A_3524 : vector<1x1x16xf32> to vector<16xf32>
        %swap3A_3526 = vector.shape_cast %mul3A_3519 : vector<16xf32> to vector<1x1x16xf32>
        tpu.vector_store %arg5[%swap3A_3521, %swap3A_3522, %swap3A_3523], %swap3A_3526 {strides = array<i32>} : memref<16x8x512xf32, #tpu.memory_space<vmem>>, vector<1x1x16xf32>,
        %swap3A_3527 = arith.constant 2 : i32
        %swap3A_3528 = arith.index_cast %scan3A_59 : i32 to index
        %swap3A_3529 = arith.index_cast %swap3A_3527 : i32 to index
        %swap3A_3530 = arith.constant 256 : index
        %swap3A_3531 = tpu.vector_load %arg5[%swap3A_3528, %swap3A_3529, %swap3A_3530] {strides = array<i32>} : memref<16x8x512xf32, #tpu.memory_space<vmem>>, vector<1x1x16xf32>,
        %swap3A_3532 = vector.shape_cast %swap3A_3531 : vector<1x1x16xf32> to vector<16xf32>
        %swap3A_3533 = vector.shape_cast %mul3A_3519 : vector<16xf32> to vector<1x1x16xf32>
        tpu.vector_store %arg5[%swap3A_3528, %swap3A_3529, %swap3A_3530], %swap3A_3533 {strides = array<i32>} : memref<16x8x512xf32, #tpu.memory_space<vmem>>, vector<1x1x16xf32>,
        %swap3A_3534 = arith.constant 3 : i32
        %swap3A_3535 = arith.index_cast %scan3A_59 : i32 to index
        %swap3A_3536 = arith.index_cast %swap3A_3534 : i32 to index
        %swap3A_3537 = arith.constant 256 : index
        %swap3A_3538 = tpu.vector_load %arg5[%swap3A_3535, %swap3A_3536, %swap3A_3537] {strides = array<i32>} : memref<16x8x512xf32, #tpu.memory_space<vmem>>, vector<1x1x16xf32>,
        %swap3A_3539 = vector.shape_cast %swap3A_3538 : vector<1x1x16xf32> to vector<16xf32>
        %swap3A_3540 = vector.shape_cast %mul3A_3519 : vector<16xf32> to vector<1x1x16xf32>
        tpu.vector_store %arg5[%swap3A_3535, %swap3A_3536, %swap3A_3537], %swap3A_3540 {strides = array<i32>} : memref<16x8x512xf32, #tpu.memory_space<vmem>>, vector<1x1x16xf32>,
        %swap3A_3541 = arith.constant 4 : i32
        %swap3A_3542 = arith.index_cast %scan3A_59 : i32 to index
        %swap3A_3543 = arith.index_cast %swap3A_3541 : i32 to index
        %swap3A_3544 = arith.constant 256 : index
        %swap3A_3545 = tpu.vector_load %arg5[%swap3A_3542, %swap3A_3543, %swap3A_3544] {strides = array<i32>} : memref<16x8x512xf32, #tpu.memory_space<vmem>>, vector<1x1x16xf32>,
        %swap3A_3546 = vector.shape_cast %swap3A_3545 : vector<1x1x16xf32> to vector<16xf32>
        %swap3A_3547 = vector.shape_cast %mul3A_3519 : vector<16xf32> to vector<1x1x16xf32>
        tpu.vector_store %arg5[%swap3A_3542, %swap3A_3543, %swap3A_3544], %swap3A_3547 {strides = array<i32>} : memref<16x8x512xf32, #tpu.memory_space<vmem>>, vector<1x1x16xf32>,
        %swap3A_3548 = arith.constant 5 : i32
        %swap3A_3549 = arith.index_cast %scan3A_59 : i32 to index
        %swap3A_3550 = arith.index_cast %swap3A_3548 : i32 to index
        %swap3A_3551 = arith.constant 256 : index
        %swap3A_3552 = tpu.vector_load %arg5[%swap3A_3549, %swap3A_3550, %swap3A_3551] {strides = array<i32>} : memref<16x8x512xf32, #tpu.memory_space<vmem>>, vector<1x1x16xf32>,
        %swap3A_3553 = vector.shape_cast %swap3A_3552 : vector<1x1x16xf32> to vector<16xf32>
        %swap3A_3554 = vector.shape_cast %mul3A_3519 : vector<16xf32> to vector<1x1x16xf32>
        tpu.vector_store %arg5[%swap3A_3549, %swap3A_3550, %swap3A_3551], %swap3A_3554 {strides = array<i32>} : memref<16x8x512xf32, #tpu.memory_space<vmem>>, vector<1x1x16xf32>,
        %swap3A_3555 = arith.constant 6 : i32
        %swap3A_3556 = arith.index_cast %scan3A_59 : i32 to index
        %swap3A_3557 = arith.index_cast %swap3A_3555 : i32 to index
        %swap3A_3558 = arith.constant 256 : index
        %swap3A_3559 = tpu.vector_load %arg5[%swap3A_3556, %swap3A_3557, %swap3A_3558] {strides = array<i32>} : memref<16x8x512xf32, #tpu.memory_space<vmem>>, vector<1x1x16xf32>,
        %swap3A_3560 = vector.shape_cast %swap3A_3559 : vector<1x1x16xf32> to vector<16xf32>
        %swap3A_3561 = vector.shape_cast %mul3A_3519 : vector<16xf32> to vector<1x1x16xf32>
        tpu.vector_store %arg5[%swap3A_3556, %swap3A_3557, %swap3A_3558], %swap3A_3561 {strides = array<i32>} : memref<16x8x512xf32, #tpu.memory_space<vmem>>, vector<1x1x16xf32>,
        %swap3A_3562 = arith.constant 7 : i32
        %swap3A_3563 = arith.index_cast %scan3A_59 : i32 to index
        %swap3A_3564 = arith.index_cast %swap3A_3562 : i32 to index
        %swap3A_3565 = arith.constant 256 : index
        %swap3A_3566 = tpu.vector_load %arg5[%swap3A_3563, %swap3A_3564, %swap3A_3565] {strides = array<i32>} : memref<16x8x512xf32, #tpu.memory_space<vmem>>, vector<1x1x16xf32>,
        %swap3A_3567 = vector.shape_cast %swap3A_3566 : vector<1x1x16xf32> to vector<16xf32>
        %swap3A_3568 = vector.shape_cast %mul3A_3519 : vector<16xf32> to vector<1x1x16xf32>
        tpu.vector_store %arg5[%swap3A_3563, %swap3A_3564, %swap3A_3565], %swap3A_3568 {strides = array<i32>} : memref<16x8x512xf32, #tpu.memory_space<vmem>>, vector<1x1x16xf32>,
        %mul3A_3569 = arith.mulf %select_n3A_1993, %div3A_2175 : vector<16xf32>
        %swap3A_3570 = arith.constant 1 : i32
        %swap3A_3571 = arith.index_cast %scan3A_59 : i32 to index
        %swap3A_3572 = arith.index_cast %swap3A_3570 : i32 to index
        %swap3A_3573 = arith.constant 272 : index
        %swap3A_3574 = tpu.vector_load %arg5[%swap3A_3571, %swap3A_3572, %swap3A_3573] {strides = array<i32>} : memref<16x8x512xf32, #tpu.memory_space<vmem>>, vector<1x1x16xf32>,
        %swap3A_3575 = vector.shape_cast %swap3A_3574 : vector<1x1x16xf32> to vector<16xf32>
        %swap3A_3576 = vector.shape_cast %mul3A_3569 : vector<16xf32> to vector<1x1x16xf32>
        tpu.vector_store %arg5[%swap3A_3571, %swap3A_3572, %swap3A_3573], %swap3A_3576 {strides = array<i32>} : memref<16x8x512xf32, #tpu.memory_space<vmem>>, vector<1x1x16xf32>,
        %swap3A_3577 = arith.constant 2 : i32
        %swap3A_3578 = arith.index_cast %scan3A_59 : i32 to index
        %swap3A_3579 = arith.index_cast %swap3A_3577 : i32 to index
        %swap3A_3580 = arith.constant 272 : index
        %swap3A_3581 = tpu.vector_load %arg5[%swap3A_3578, %swap3A_3579, %swap3A_3580] {strides = array<i32>} : memref<16x8x512xf32, #tpu.memory_space<vmem>>, vector<1x1x16xf32>,
        %swap3A_3582 = vector.shape_cast %swap3A_3581 : vector<1x1x16xf32> to vector<16xf32>
        %swap3A_3583 = vector.shape_cast %mul3A_3569 : vector<16xf32> to vector<1x1x16xf32>
        tpu.vector_store %arg5[%swap3A_3578, %swap3A_3579, %swap3A_3580], %swap3A_3583 {strides = array<i32>} : memref<16x8x512xf32, #tpu.memory_space<vmem>>, vector<1x1x16xf32>,
        %swap3A_3584 = arith.constant 3 : i32
        %swap3A_3585 = arith.index_cast %scan3A_59 : i32 to index
        %swap3A_3586 = arith.index_cast %swap3A_3584 : i32 to index
        %swap3A_3587 = arith.constant 272 : index
        %swap3A_3588 = tpu.vector_load %arg5[%swap3A_3585, %swap3A_3586, %swap3A_3587] {strides = array<i32>} : memref<16x8x512xf32, #tpu.memory_space<vmem>>, vector<1x1x16xf32>,
        %swap3A_3589 = vector.shape_cast %swap3A_3588 : vector<1x1x16xf32> to vector<16xf32>
        %swap3A_3590 = vector.shape_cast %mul3A_3569 : vector<16xf32> to vector<1x1x16xf32>
        tpu.vector_store %arg5[%swap3A_3585, %swap3A_3586, %swap3A_3587], %swap3A_3590 {strides = array<i32>} : memref<16x8x512xf32, #tpu.memory_space<vmem>>, vector<1x1x16xf32>,
        %swap3A_3591 = arith.constant 4 : i32
        %swap3A_3592 = arith.index_cast %scan3A_59 : i32 to index
        %swap3A_3593 = arith.index_cast %swap3A_3591 : i32 to index
        %swap3A_3594 = arith.constant 272 : index
        %swap3A_3595 = tpu.vector_load %arg5[%swap3A_3592, %swap3A_3593, %swap3A_3594] {strides = array<i32>} : memref<16x8x512xf32, #tpu.memory_space<vmem>>, vector<1x1x16xf32>,
        %swap3A_3596 = vector.shape_cast %swap3A_3595 : vector<1x1x16xf32> to vector<16xf32>
        %swap3A_3597 = vector.shape_cast %mul3A_3569 : vector<16xf32> to vector<1x1x16xf32>
        tpu.vector_store %arg5[%swap3A_3592, %swap3A_3593, %swap3A_3594], %swap3A_3597 {strides = array<i32>} : memref<16x8x512xf32, #tpu.memory_space<vmem>>, vector<1x1x16xf32>,
        %swap3A_3598 = arith.constant 5 : i32
        %swap3A_3599 = arith.index_cast %scan3A_59 : i32 to index
        %swap3A_3600 = arith.index_cast %swap3A_3598 : i32 to index
        %swap3A_3601 = arith.constant 272 : index
        %swap3A_3602 = tpu.vector_load %arg5[%swap3A_3599, %swap3A_3600, %swap3A_3601] {strides = array<i32>} : memref<16x8x512xf32, #tpu.memory_space<vmem>>, vector<1x1x16xf32>,
        %swap3A_3603 = vector.shape_cast %swap3A_3602 : vector<1x1x16xf32> to vector<16xf32>
        %swap3A_3604 = vector.shape_cast %mul3A_3569 : vector<16xf32> to vector<1x1x16xf32>
        tpu.vector_store %arg5[%swap3A_3599, %swap3A_3600, %swap3A_3601], %swap3A_3604 {strides = array<i32>} : memref<16x8x512xf32, #tpu.memory_space<vmem>>, vector<1x1x16xf32>,
        %swap3A_3605 = arith.constant 6 : i32
        %swap3A_3606 = arith.index_cast %scan3A_59 : i32 to index
        %swap3A_3607 = arith.index_cast %swap3A_3605 : i32 to index
        %swap3A_3608 = arith.constant 272 : index
        %swap3A_3609 = tpu.vector_load %arg5[%swap3A_3606, %swap3A_3607, %swap3A_3608] {strides = array<i32>} : memref<16x8x512xf32, #tpu.memory_space<vmem>>, vector<1x1x16xf32>,
        %swap3A_3610 = vector.shape_cast %swap3A_3609 : vector<1x1x16xf32> to vector<16xf32>
        %swap3A_3611 = vector.shape_cast %mul3A_3569 : vector<16xf32> to vector<1x1x16xf32>
        tpu.vector_store %arg5[%swap3A_3606, %swap3A_3607, %swap3A_3608], %swap3A_3611 {strides = array<i32>} : memref<16x8x512xf32, #tpu.memory_space<vmem>>, vector<1x1x16xf32>,
        %swap3A_3612 = arith.constant 7 : i32
        %swap3A_3613 = arith.index_cast %scan3A_59 : i32 to index
        %swap3A_3614 = arith.index_cast %swap3A_3612 : i32 to index
        %swap3A_3615 = arith.constant 272 : index
        %swap3A_3616 = tpu.vector_load %arg5[%swap3A_3613, %swap3A_3614, %swap3A_3615] {strides = array<i32>} : memref<16x8x512xf32, #tpu.memory_space<vmem>>, vector<1x1x16xf32>,
        %swap3A_3617 = vector.shape_cast %swap3A_3616 : vector<1x1x16xf32> to vector<16xf32>
        %swap3A_3618 = vector.shape_cast %mul3A_3569 : vector<16xf32> to vector<1x1x16xf32>
        tpu.vector_store %arg5[%swap3A_3613, %swap3A_3614, %swap3A_3615], %swap3A_3618 {strides = array<i32>} : memref<16x8x512xf32, #tpu.memory_space<vmem>>, vector<1x1x16xf32>,
        %mul3A_3619 = arith.mulf %select_n3A_1997, %div3A_2175 : vector<16xf32>
        %swap3A_3620 = arith.constant 1 : i32
        %swap3A_3621 = arith.index_cast %scan3A_59 : i32 to index
        %swap3A_3622 = arith.index_cast %swap3A_3620 : i32 to index
        %swap3A_3623 = arith.constant 288 : index
        %swap3A_3624 = tpu.vector_load %arg5[%swap3A_3621, %swap3A_3622, %swap3A_3623] {strides = array<i32>} : memref<16x8x512xf32, #tpu.memory_space<vmem>>, vector<1x1x16xf32>,
        %swap3A_3625 = vector.shape_cast %swap3A_3624 : vector<1x1x16xf32> to vector<16xf32>
        %swap3A_3626 = vector.shape_cast %mul3A_3619 : vector<16xf32> to vector<1x1x16xf32>
        tpu.vector_store %arg5[%swap3A_3621, %swap3A_3622, %swap3A_3623], %swap3A_3626 {strides = array<i32>} : memref<16x8x512xf32, #tpu.memory_space<vmem>>, vector<1x1x16xf32>,
        %swap3A_3627 = arith.constant 2 : i32
        %swap3A_3628 = arith.index_cast %scan3A_59 : i32 to index
        %swap3A_3629 = arith.index_cast %swap3A_3627 : i32 to index
        %swap3A_3630 = arith.constant 288 : index
        %swap3A_3631 = tpu.vector_load %arg5[%swap3A_3628, %swap3A_3629, %swap3A_3630] {strides = array<i32>} : memref<16x8x512xf32, #tpu.memory_space<vmem>>, vector<1x1x16xf32>,
        %swap3A_3632 = vector.shape_cast %swap3A_3631 : vector<1x1x16xf32> to vector<16xf32>
        %swap3A_3633 = vector.shape_cast %mul3A_3619 : vector<16xf32> to vector<1x1x16xf32>
        tpu.vector_store %arg5[%swap3A_3628, %swap3A_3629, %swap3A_3630], %swap3A_3633 {strides = array<i32>} : memref<16x8x512xf32, #tpu.memory_space<vmem>>, vector<1x1x16xf32>,
        %swap3A_3634 = arith.constant 3 : i32
        %swap3A_3635 = arith.index_cast %scan3A_59 : i32 to index
        %swap3A_3636 = arith.index_cast %swap3A_3634 : i32 to index
        %swap3A_3637 = arith.constant 288 : index
        %swap3A_3638 = tpu.vector_load %arg5[%swap3A_3635, %swap3A_3636, %swap3A_3637] {strides = array<i32>} : memref<16x8x512xf32, #tpu.memory_space<vmem>>, vector<1x1x16xf32>,
        %swap3A_3639 = vector.shape_cast %swap3A_3638 : vector<1x1x16xf32> to vector<16xf32>
        %swap3A_3640 = vector.shape_cast %mul3A_3619 : vector<16xf32> to vector<1x1x16xf32>
        tpu.vector_store %arg5[%swap3A_3635, %swap3A_3636, %swap3A_3637], %swap3A_3640 {strides = array<i32>} : memref<16x8x512xf32, #tpu.memory_space<vmem>>, vector<1x1x16xf32>,
        %swap3A_3641 = arith.constant 4 : i32
        %swap3A_3642 = arith.index_cast %scan3A_59 : i32 to index
        %swap3A_3643 = arith.index_cast %swap3A_3641 : i32 to index
        %swap3A_3644 = arith.constant 288 : index
        %swap3A_3645 = tpu.vector_load %arg5[%swap3A_3642, %swap3A_3643, %swap3A_3644] {strides = array<i32>} : memref<16x8x512xf32, #tpu.memory_space<vmem>>, vector<1x1x16xf32>,
        %swap3A_3646 = vector.shape_cast %swap3A_3645 : vector<1x1x16xf32> to vector<16xf32>
        %swap3A_3647 = vector.shape_cast %mul3A_3619 : vector<16xf32> to vector<1x1x16xf32>
        tpu.vector_store %arg5[%swap3A_3642, %swap3A_3643, %swap3A_3644], %swap3A_3647 {strides = array<i32>} : memref<16x8x512xf32, #tpu.memory_space<vmem>>, vector<1x1x16xf32>,
        %swap3A_3648 = arith.constant 5 : i32
        %swap3A_3649 = arith.index_cast %scan3A_59 : i32 to index
        %swap3A_3650 = arith.index_cast %swap3A_3648 : i32 to index
        %swap3A_3651 = arith.constant 288 : index
        %swap3A_3652 = tpu.vector_load %arg5[%swap3A_3649, %swap3A_3650, %swap3A_3651] {strides = array<i32>} : memref<16x8x512xf32, #tpu.memory_space<vmem>>, vector<1x1x16xf32>,
        %swap3A_3653 = vector.shape_cast %swap3A_3652 : vector<1x1x16xf32> to vector<16xf32>
        %swap3A_3654 = vector.shape_cast %mul3A_3619 : vector<16xf32> to vector<1x1x16xf32>
        tpu.vector_store %arg5[%swap3A_3649, %swap3A_3650, %swap3A_3651], %swap3A_3654 {strides = array<i32>} : memref<16x8x512xf32, #tpu.memory_space<vmem>>, vector<1x1x16xf32>,
        %swap3A_3655 = arith.constant 6 : i32
        %swap3A_3656 = arith.index_cast %scan3A_59 : i32 to index
        %swap3A_3657 = arith.index_cast %swap3A_3655 : i32 to index
        %swap3A_3658 = arith.constant 288 : index
        %swap3A_3659 = tpu.vector_load %arg5[%swap3A_3656, %swap3A_3657, %swap3A_3658] {strides = array<i32>} : memref<16x8x512xf32, #tpu.memory_space<vmem>>, vector<1x1x16xf32>,
        %swap3A_3660 = vector.shape_cast %swap3A_3659 : vector<1x1x16xf32> to vector<16xf32>
        %swap3A_3661 = vector.shape_cast %mul3A_3619 : vector<16xf32> to vector<1x1x16xf32>
        tpu.vector_store %arg5[%swap3A_3656, %swap3A_3657, %swap3A_3658], %swap3A_3661 {strides = array<i32>} : memref<16x8x512xf32, #tpu.memory_space<vmem>>, vector<1x1x16xf32>,
        %swap3A_3662 = arith.constant 7 : i32
        %swap3A_3663 = arith.index_cast %scan3A_59 : i32 to index
        %swap3A_3664 = arith.index_cast %swap3A_3662 : i32 to index
        %swap3A_3665 = arith.constant 288 : index
        %swap3A_3666 = tpu.vector_load %arg5[%swap3A_3663, %swap3A_3664, %swap3A_3665] {strides = array<i32>} : memref<16x8x512xf32, #tpu.memory_space<vmem>>, vector<1x1x16xf32>,
        %swap3A_3667 = vector.shape_cast %swap3A_3666 : vector<1x1x16xf32> to vector<16xf32>
        %swap3A_3668 = vector.shape_cast %mul3A_3619 : vector<16xf32> to vector<1x1x16xf32>
        tpu.vector_store %arg5[%swap3A_3663, %swap3A_3664, %swap3A_3665], %swap3A_3668 {strides = array<i32>} : memref<16x8x512xf32, #tpu.memory_space<vmem>>, vector<1x1x16xf32>,
        %mul3A_3669 = arith.mulf %select_n3A_2001, %div3A_2175 : vector<16xf32>
        %swap3A_3670 = arith.constant 1 : i32
        %swap3A_3671 = arith.index_cast %scan3A_59 : i32 to index
        %swap3A_3672 = arith.index_cast %swap3A_3670 : i32 to index
        %swap3A_3673 = arith.constant 304 : index
        %swap3A_3674 = tpu.vector_load %arg5[%swap3A_3671, %swap3A_3672, %swap3A_3673] {strides = array<i32>} : memref<16x8x512xf32, #tpu.memory_space<vmem>>, vector<1x1x16xf32>,
        %swap3A_3675 = vector.shape_cast %swap3A_3674 : vector<1x1x16xf32> to vector<16xf32>
        %swap3A_3676 = vector.shape_cast %mul3A_3669 : vector<16xf32> to vector<1x1x16xf32>
        tpu.vector_store %arg5[%swap3A_3671, %swap3A_3672, %swap3A_3673], %swap3A_3676 {strides = array<i32>} : memref<16x8x512xf32, #tpu.memory_space<vmem>>, vector<1x1x16xf32>,
        %swap3A_3677 = arith.constant 2 : i32
        %swap3A_3678 = arith.index_cast %scan3A_59 : i32 to index
        %swap3A_3679 = arith.index_cast %swap3A_3677 : i32 to index
        %swap3A_3680 = arith.constant 304 : index
        %swap3A_3681 = tpu.vector_load %arg5[%swap3A_3678, %swap3A_3679, %swap3A_3680] {strides = array<i32>} : memref<16x8x512xf32, #tpu.memory_space<vmem>>, vector<1x1x16xf32>,
        %swap3A_3682 = vector.shape_cast %swap3A_3681 : vector<1x1x16xf32> to vector<16xf32>
        %swap3A_3683 = vector.shape_cast %mul3A_3669 : vector<16xf32> to vector<1x1x16xf32>
        tpu.vector_store %arg5[%swap3A_3678, %swap3A_3679, %swap3A_3680], %swap3A_3683 {strides = array<i32>} : memref<16x8x512xf32, #tpu.memory_space<vmem>>, vector<1x1x16xf32>,
        %swap3A_3684 = arith.constant 3 : i32
        %swap3A_3685 = arith.index_cast %scan3A_59 : i32 to index
        %swap3A_3686 = arith.index_cast %swap3A_3684 : i32 to index
        %swap3A_3687 = arith.constant 304 : index
        %swap3A_3688 = tpu.vector_load %arg5[%swap3A_3685, %swap3A_3686, %swap3A_3687] {strides = array<i32>} : memref<16x8x512xf32, #tpu.memory_space<vmem>>, vector<1x1x16xf32>,
        %swap3A_3689 = vector.shape_cast %swap3A_3688 : vector<1x1x16xf32> to vector<16xf32>
        %swap3A_3690 = vector.shape_cast %mul3A_3669 : vector<16xf32> to vector<1x1x16xf32>
        tpu.vector_store %arg5[%swap3A_3685, %swap3A_3686, %swap3A_3687], %swap3A_3690 {strides = array<i32>} : memref<16x8x512xf32, #tpu.memory_space<vmem>>, vector<1x1x16xf32>,
        %swap3A_3691 = arith.constant 4 : i32
        %swap3A_3692 = arith.index_cast %scan3A_59 : i32 to index
        %swap3A_3693 = arith.index_cast %swap3A_3691 : i32 to index
        %swap3A_3694 = arith.constant 304 : index
        %swap3A_3695 = tpu.vector_load %arg5[%swap3A_3692, %swap3A_3693, %swap3A_3694] {strides = array<i32>} : memref<16x8x512xf32, #tpu.memory_space<vmem>>, vector<1x1x16xf32>,
        %swap3A_3696 = vector.shape_cast %swap3A_3695 : vector<1x1x16xf32> to vector<16xf32>
        %swap3A_3697 = vector.shape_cast %mul3A_3669 : vector<16xf32> to vector<1x1x16xf32>
        tpu.vector_store %arg5[%swap3A_3692, %swap3A_3693, %swap3A_3694], %swap3A_3697 {strides = array<i32>} : memref<16x8x512xf32, #tpu.memory_space<vmem>>, vector<1x1x16xf32>,
        %swap3A_3698 = arith.constant 5 : i32
        %swap3A_3699 = arith.index_cast %scan3A_59 : i32 to index
        %swap3A_3700 = arith.index_cast %swap3A_3698 : i32 to index
        %swap3A_3701 = arith.constant 304 : index
        %swap3A_3702 = tpu.vector_load %arg5[%swap3A_3699, %swap3A_3700, %swap3A_3701] {strides = array<i32>} : memref<16x8x512xf32, #tpu.memory_space<vmem>>, vector<1x1x16xf32>,
        %swap3A_3703 = vector.shape_cast %swap3A_3702 : vector<1x1x16xf32> to vector<16xf32>
        %swap3A_3704 = vector.shape_cast %mul3A_3669 : vector<16xf32> to vector<1x1x16xf32>
        tpu.vector_store %arg5[%swap3A_3699, %swap3A_3700, %swap3A_3701], %swap3A_3704 {strides = array<i32>} : memref<16x8x512xf32, #tpu.memory_space<vmem>>, vector<1x1x16xf32>,
        %swap3A_3705 = arith.constant 6 : i32
        %swap3A_3706 = arith.index_cast %scan3A_59 : i32 to index
        %swap3A_3707 = arith.index_cast %swap3A_3705 : i32 to index
        %swap3A_3708 = arith.constant 304 : index
        %swap3A_3709 = tpu.vector_load %arg5[%swap3A_3706, %swap3A_3707, %swap3A_3708] {strides = array<i32>} : memref<16x8x512xf32, #tpu.memory_space<vmem>>, vector<1x1x16xf32>,
        %swap3A_3710 = vector.shape_cast %swap3A_3709 : vector<1x1x16xf32> to vector<16xf32>
        %swap3A_3711 = vector.shape_cast %mul3A_3669 : vector<16xf32> to vector<1x1x16xf32>
        tpu.vector_store %arg5[%swap3A_3706, %swap3A_3707, %swap3A_3708], %swap3A_3711 {strides = array<i32>} : memref<16x8x512xf32, #tpu.memory_space<vmem>>, vector<1x1x16xf32>,
        %swap3A_3712 = arith.constant 7 : i32
        %swap3A_3713 = arith.index_cast %scan3A_59 : i32 to index
        %swap3A_3714 = arith.index_cast %swap3A_3712 : i32 to index
        %swap3A_3715 = arith.constant 304 : index
        %swap3A_3716 = tpu.vector_load %arg5[%swap3A_3713, %swap3A_3714, %swap3A_3715] {strides = array<i32>} : memref<16x8x512xf32, #tpu.memory_space<vmem>>, vector<1x1x16xf32>,
        %swap3A_3717 = vector.shape_cast %swap3A_3716 : vector<1x1x16xf32> to vector<16xf32>
        %swap3A_3718 = vector.shape_cast %mul3A_3669 : vector<16xf32> to vector<1x1x16xf32>
        tpu.vector_store %arg5[%swap3A_3713, %swap3A_3714, %swap3A_3715], %swap3A_3718 {strides = array<i32>} : memref<16x8x512xf32, #tpu.memory_space<vmem>>, vector<1x1x16xf32>,
        %mul3A_3719 = arith.mulf %select_n3A_2005, %div3A_2175 : vector<16xf32>
        %swap3A_3720 = arith.constant 1 : i32
        %swap3A_3721 = arith.index_cast %scan3A_59 : i32 to index
        %swap3A_3722 = arith.index_cast %swap3A_3720 : i32 to index
        %swap3A_3723 = arith.constant 320 : index
        %swap3A_3724 = tpu.vector_load %arg5[%swap3A_3721, %swap3A_3722, %swap3A_3723] {strides = array<i32>} : memref<16x8x512xf32, #tpu.memory_space<vmem>>, vector<1x1x16xf32>,
        %swap3A_3725 = vector.shape_cast %swap3A_3724 : vector<1x1x16xf32> to vector<16xf32>
        %swap3A_3726 = vector.shape_cast %mul3A_3719 : vector<16xf32> to vector<1x1x16xf32>
        tpu.vector_store %arg5[%swap3A_3721, %swap3A_3722, %swap3A_3723], %swap3A_3726 {strides = array<i32>} : memref<16x8x512xf32, #tpu.memory_space<vmem>>, vector<1x1x16xf32>,
        %swap3A_3727 = arith.constant 2 : i32
        %swap3A_3728 = arith.index_cast %scan3A_59 : i32 to index
        %swap3A_3729 = arith.index_cast %swap3A_3727 : i32 to index
        %swap3A_3730 = arith.constant 320 : index
        %swap3A_3731 = tpu.vector_load %arg5[%swap3A_3728, %swap3A_3729, %swap3A_3730] {strides = array<i32>} : memref<16x8x512xf32, #tpu.memory_space<vmem>>, vector<1x1x16xf32>,
        %swap3A_3732 = vector.shape_cast %swap3A_3731 : vector<1x1x16xf32> to vector<16xf32>
        %swap3A_3733 = vector.shape_cast %mul3A_3719 : vector<16xf32> to vector<1x1x16xf32>
        tpu.vector_store %arg5[%swap3A_3728, %swap3A_3729, %swap3A_3730], %swap3A_3733 {strides = array<i32>} : memref<16x8x512xf32, #tpu.memory_space<vmem>>, vector<1x1x16xf32>,
        %swap3A_3734 = arith.constant 3 : i32
        %swap3A_3735 = arith.index_cast %scan3A_59 : i32 to index
        %swap3A_3736 = arith.index_cast %swap3A_3734 : i32 to index
        %swap3A_3737 = arith.constant 320 : index
        %swap3A_3738 = tpu.vector_load %arg5[%swap3A_3735, %swap3A_3736, %swap3A_3737] {strides = array<i32>} : memref<16x8x512xf32, #tpu.memory_space<vmem>>, vector<1x1x16xf32>,
        %swap3A_3739 = vector.shape_cast %swap3A_3738 : vector<1x1x16xf32> to vector<16xf32>
        %swap3A_3740 = vector.shape_cast %mul3A_3719 : vector<16xf32> to vector<1x1x16xf32>
        tpu.vector_store %arg5[%swap3A_3735, %swap3A_3736, %swap3A_3737], %swap3A_3740 {strides = array<i32>} : memref<16x8x512xf32, #tpu.memory_space<vmem>>, vector<1x1x16xf32>,
        %swap3A_3741 = arith.constant 4 : i32
        %swap3A_3742 = arith.index_cast %scan3A_59 : i32 to index
        %swap3A_3743 = arith.index_cast %swap3A_3741 : i32 to index
        %swap3A_3744 = arith.constant 320 : index
        %swap3A_3745 = tpu.vector_load %arg5[%swap3A_3742, %swap3A_3743, %swap3A_3744] {strides = array<i32>} : memref<16x8x512xf32, #tpu.memory_space<vmem>>, vector<1x1x16xf32>,
        %swap3A_3746 = vector.shape_cast %swap3A_3745 : vector<1x1x16xf32> to vector<16xf32>
        %swap3A_3747 = vector.shape_cast %mul3A_3719 : vector<16xf32> to vector<1x1x16xf32>
        tpu.vector_store %arg5[%swap3A_3742, %swap3A_3743, %swap3A_3744], %swap3A_3747 {strides = array<i32>} : memref<16x8x512xf32, #tpu.memory_space<vmem>>, vector<1x1x16xf32>,
        %swap3A_3748 = arith.constant 5 : i32
        %swap3A_3749 = arith.index_cast %scan3A_59 : i32 to index
        %swap3A_3750 = arith.index_cast %swap3A_3748 : i32 to index
        %swap3A_3751 = arith.constant 320 : index
        %swap3A_3752 = tpu.vector_load %arg5[%swap3A_3749, %swap3A_3750, %swap3A_3751] {strides = array<i32>} : memref<16x8x512xf32, #tpu.memory_space<vmem>>, vector<1x1x16xf32>,
        %swap3A_3753 = vector.shape_cast %swap3A_3752 : vector<1x1x16xf32> to vector<16xf32>
        %swap3A_3754 = vector.shape_cast %mul3A_3719 : vector<16xf32> to vector<1x1x16xf32>
        tpu.vector_store %arg5[%swap3A_3749, %swap3A_3750, %swap3A_3751], %swap3A_3754 {strides = array<i32>} : memref<16x8x512xf32, #tpu.memory_space<vmem>>, vector<1x1x16xf32>,
        %swap3A_3755 = arith.constant 6 : i32
        %swap3A_3756 = arith.index_cast %scan3A_59 : i32 to index
        %swap3A_3757 = arith.index_cast %swap3A_3755 : i32 to index
        %swap3A_3758 = arith.constant 320 : index
        %swap3A_3759 = tpu.vector_load %arg5[%swap3A_3756, %swap3A_3757, %swap3A_3758] {strides = array<i32>} : memref<16x8x512xf32, #tpu.memory_space<vmem>>, vector<1x1x16xf32>,
        %swap3A_3760 = vector.shape_cast %swap3A_3759 : vector<1x1x16xf32> to vector<16xf32>
        %swap3A_3761 = vector.shape_cast %mul3A_3719 : vector<16xf32> to vector<1x1x16xf32>
        tpu.vector_store %arg5[%swap3A_3756, %swap3A_3757, %swap3A_3758], %swap3A_3761 {strides = array<i32>} : memref<16x8x512xf32, #tpu.memory_space<vmem>>, vector<1x1x16xf32>,
        %swap3A_3762 = arith.constant 7 : i32
        %swap3A_3763 = arith.index_cast %scan3A_59 : i32 to index
        %swap3A_3764 = arith.index_cast %swap3A_3762 : i32 to index
        %swap3A_3765 = arith.constant 320 : index
        %swap3A_3766 = tpu.vector_load %arg5[%swap3A_3763, %swap3A_3764, %swap3A_3765] {strides = array<i32>} : memref<16x8x512xf32, #tpu.memory_space<vmem>>, vector<1x1x16xf32>,
        %swap3A_3767 = vector.shape_cast %swap3A_3766 : vector<1x1x16xf32> to vector<16xf32>
        %swap3A_3768 = vector.shape_cast %mul3A_3719 : vector<16xf32> to vector<1x1x16xf32>
        tpu.vector_store %arg5[%swap3A_3763, %swap3A_3764, %swap3A_3765], %swap3A_3768 {strides = array<i32>} : memref<16x8x512xf32, #tpu.memory_space<vmem>>, vector<1x1x16xf32>,
        %mul3A_3769 = arith.mulf %select_n3A_2009, %div3A_2175 : vector<16xf32>
        %swap3A_3770 = arith.constant 1 : i32
        %swap3A_3771 = arith.index_cast %scan3A_59 : i32 to index
        %swap3A_3772 = arith.index_cast %swap3A_3770 : i32 to index
        %swap3A_3773 = arith.constant 336 : index
        %swap3A_3774 = tpu.vector_load %arg5[%swap3A_3771, %swap3A_3772, %swap3A_3773] {strides = array<i32>} : memref<16x8x512xf32, #tpu.memory_space<vmem>>, vector<1x1x16xf32>,
        %swap3A_3775 = vector.shape_cast %swap3A_3774 : vector<1x1x16xf32> to vector<16xf32>
        %swap3A_3776 = vector.shape_cast %mul3A_3769 : vector<16xf32> to vector<1x1x16xf32>
        tpu.vector_store %arg5[%swap3A_3771, %swap3A_3772, %swap3A_3773], %swap3A_3776 {strides = array<i32>} : memref<16x8x512xf32, #tpu.memory_space<vmem>>, vector<1x1x16xf32>,
        %swap3A_3777 = arith.constant 2 : i32
        %swap3A_3778 = arith.index_cast %scan3A_59 : i32 to index
        %swap3A_3779 = arith.index_cast %swap3A_3777 : i32 to index
        %swap3A_3780 = arith.constant 336 : index
        %swap3A_3781 = tpu.vector_load %arg5[%swap3A_3778, %swap3A_3779, %swap3A_3780] {strides = array<i32>} : memref<16x8x512xf32, #tpu.memory_space<vmem>>, vector<1x1x16xf32>,
        %swap3A_3782 = vector.shape_cast %swap3A_3781 : vector<1x1x16xf32> to vector<16xf32>
        %swap3A_3783 = vector.shape_cast %mul3A_3769 : vector<16xf32> to vector<1x1x16xf32>
        tpu.vector_store %arg5[%swap3A_3778, %swap3A_3779, %swap3A_3780], %swap3A_3783 {strides = array<i32>} : memref<16x8x512xf32, #tpu.memory_space<vmem>>, vector<1x1x16xf32>,
        %swap3A_3784 = arith.constant 3 : i32
        %swap3A_3785 = arith.index_cast %scan3A_59 : i32 to index
        %swap3A_3786 = arith.index_cast %swap3A_3784 : i32 to index
        %swap3A_3787 = arith.constant 336 : index
        %swap3A_3788 = tpu.vector_load %arg5[%swap3A_3785, %swap3A_3786, %swap3A_3787] {strides = array<i32>} : memref<16x8x512xf32, #tpu.memory_space<vmem>>, vector<1x1x16xf32>,
        %swap3A_3789 = vector.shape_cast %swap3A_3788 : vector<1x1x16xf32> to vector<16xf32>
        %swap3A_3790 = vector.shape_cast %mul3A_3769 : vector<16xf32> to vector<1x1x16xf32>
        tpu.vector_store %arg5[%swap3A_3785, %swap3A_3786, %swap3A_3787], %swap3A_3790 {strides = array<i32>} : memref<16x8x512xf32, #tpu.memory_space<vmem>>, vector<1x1x16xf32>,
        %swap3A_3791 = arith.constant 4 : i32
        %swap3A_3792 = arith.index_cast %scan3A_59 : i32 to index
        %swap3A_3793 = arith.index_cast %swap3A_3791 : i32 to index
        %swap3A_3794 = arith.constant 336 : index
        %swap3A_3795 = tpu.vector_load %arg5[%swap3A_3792, %swap3A_3793, %swap3A_3794] {strides = array<i32>} : memref<16x8x512xf32, #tpu.memory_space<vmem>>, vector<1x1x16xf32>,
        %swap3A_3796 = vector.shape_cast %swap3A_3795 : vector<1x1x16xf32> to vector<16xf32>
        %swap3A_3797 = vector.shape_cast %mul3A_3769 : vector<16xf32> to vector<1x1x16xf32>
        tpu.vector_store %arg5[%swap3A_3792, %swap3A_3793, %swap3A_3794], %swap3A_3797 {strides = array<i32>} : memref<16x8x512xf32, #tpu.memory_space<vmem>>, vector<1x1x16xf32>,
        %swap3A_3798 = arith.constant 5 : i32
        %swap3A_3799 = arith.index_cast %scan3A_59 : i32 to index
        %swap3A_3800 = arith.index_cast %swap3A_3798 : i32 to index
        %swap3A_3801 = arith.constant 336 : index
        %swap3A_3802 = tpu.vector_load %arg5[%swap3A_3799, %swap3A_3800, %swap3A_3801] {strides = array<i32>} : memref<16x8x512xf32, #tpu.memory_space<vmem>>, vector<1x1x16xf32>,
        %swap3A_3803 = vector.shape_cast %swap3A_3802 : vector<1x1x16xf32> to vector<16xf32>
        %swap3A_3804 = vector.shape_cast %mul3A_3769 : vector<16xf32> to vector<1x1x16xf32>
        tpu.vector_store %arg5[%swap3A_3799, %swap3A_3800, %swap3A_3801], %swap3A_3804 {strides = array<i32>} : memref<16x8x512xf32, #tpu.memory_space<vmem>>, vector<1x1x16xf32>,
        %swap3A_3805 = arith.constant 6 : i32
        %swap3A_3806 = arith.index_cast %scan3A_59 : i32 to index
        %swap3A_3807 = arith.index_cast %swap3A_3805 : i32 to index
        %swap3A_3808 = arith.constant 336 : index
        %swap3A_3809 = tpu.vector_load %arg5[%swap3A_3806, %swap3A_3807, %swap3A_3808] {strides = array<i32>} : memref<16x8x512xf32, #tpu.memory_space<vmem>>, vector<1x1x16xf32>,
        %swap3A_3810 = vector.shape_cast %swap3A_3809 : vector<1x1x16xf32> to vector<16xf32>
        %swap3A_3811 = vector.shape_cast %mul3A_3769 : vector<16xf32> to vector<1x1x16xf32>
        tpu.vector_store %arg5[%swap3A_3806, %swap3A_3807, %swap3A_3808], %swap3A_3811 {strides = array<i32>} : memref<16x8x512xf32, #tpu.memory_space<vmem>>, vector<1x1x16xf32>,
        %swap3A_3812 = arith.constant 7 : i32
        %swap3A_3813 = arith.index_cast %scan3A_59 : i32 to index
        %swap3A_3814 = arith.index_cast %swap3A_3812 : i32 to index
        %swap3A_3815 = arith.constant 336 : index
        %swap3A_3816 = tpu.vector_load %arg5[%swap3A_3813, %swap3A_3814, %swap3A_3815] {strides = array<i32>} : memref<16x8x512xf32, #tpu.memory_space<vmem>>, vector<1x1x16xf32>,
        %swap3A_3817 = vector.shape_cast %swap3A_3816 : vector<1x1x16xf32> to vector<16xf32>
        %swap3A_3818 = vector.shape_cast %mul3A_3769 : vector<16xf32> to vector<1x1x16xf32>
        tpu.vector_store %arg5[%swap3A_3813, %swap3A_3814, %swap3A_3815], %swap3A_3818 {strides = array<i32>} : memref<16x8x512xf32, #tpu.memory_space<vmem>>, vector<1x1x16xf32>,
        %mul3A_3819 = arith.mulf %select_n3A_2013, %div3A_2175 : vector<16xf32>
        %swap3A_3820 = arith.constant 1 : i32
        %swap3A_3821 = arith.index_cast %scan3A_59 : i32 to index
        %swap3A_3822 = arith.index_cast %swap3A_3820 : i32 to index
        %swap3A_3823 = arith.constant 352 : index
        %swap3A_3824 = tpu.vector_load %arg5[%swap3A_3821, %swap3A_3822, %swap3A_3823] {strides = array<i32>} : memref<16x8x512xf32, #tpu.memory_space<vmem>>, vector<1x1x16xf32>,
        %swap3A_3825 = vector.shape_cast %swap3A_3824 : vector<1x1x16xf32> to vector<16xf32>
        %swap3A_3826 = vector.shape_cast %mul3A_3819 : vector<16xf32> to vector<1x1x16xf32>
        tpu.vector_store %arg5[%swap3A_3821, %swap3A_3822, %swap3A_3823], %swap3A_3826 {strides = array<i32>} : memref<16x8x512xf32, #tpu.memory_space<vmem>>, vector<1x1x16xf32>,
        %swap3A_3827 = arith.constant 2 : i32
        %swap3A_3828 = arith.index_cast %scan3A_59 : i32 to index
        %swap3A_3829 = arith.index_cast %swap3A_3827 : i32 to index
        %swap3A_3830 = arith.constant 352 : index
        %swap3A_3831 = tpu.vector_load %arg5[%swap3A_3828, %swap3A_3829, %swap3A_3830] {strides = array<i32>} : memref<16x8x512xf32, #tpu.memory_space<vmem>>, vector<1x1x16xf32>,
        %swap3A_3832 = vector.shape_cast %swap3A_3831 : vector<1x1x16xf32> to vector<16xf32>
        %swap3A_3833 = vector.shape_cast %mul3A_3819 : vector<16xf32> to vector<1x1x16xf32>
        tpu.vector_store %arg5[%swap3A_3828, %swap3A_3829, %swap3A_3830], %swap3A_3833 {strides = array<i32>} : memref<16x8x512xf32, #tpu.memory_space<vmem>>, vector<1x1x16xf32>,
        %swap3A_3834 = arith.constant 3 : i32
        %swap3A_3835 = arith.index_cast %scan3A_59 : i32 to index
        %swap3A_3836 = arith.index_cast %swap3A_3834 : i32 to index
        %swap3A_3837 = arith.constant 352 : index
        %swap3A_3838 = tpu.vector_load %arg5[%swap3A_3835, %swap3A_3836, %swap3A_3837] {strides = array<i32>} : memref<16x8x512xf32, #tpu.memory_space<vmem>>, vector<1x1x16xf32>,
        %swap3A_3839 = vector.shape_cast %swap3A_3838 : vector<1x1x16xf32> to vector<16xf32>
        %swap3A_3840 = vector.shape_cast %mul3A_3819 : vector<16xf32> to vector<1x1x16xf32>
        tpu.vector_store %arg5[%swap3A_3835, %swap3A_3836, %swap3A_3837], %swap3A_3840 {strides = array<i32>} : memref<16x8x512xf32, #tpu.memory_space<vmem>>, vector<1x1x16xf32>,
        %swap3A_3841 = arith.constant 4 : i32
        %swap3A_3842 = arith.index_cast %scan3A_59 : i32 to index
        %swap3A_3843 = arith.index_cast %swap3A_3841 : i32 to index
        %swap3A_3844 = arith.constant 352 : index
        %swap3A_3845 = tpu.vector_load %arg5[%swap3A_3842, %swap3A_3843, %swap3A_3844] {strides = array<i32>} : memref<16x8x512xf32, #tpu.memory_space<vmem>>, vector<1x1x16xf32>,
        %swap3A_3846 = vector.shape_cast %swap3A_3845 : vector<1x1x16xf32> to vector<16xf32>
        %swap3A_3847 = vector.shape_cast %mul3A_3819 : vector<16xf32> to vector<1x1x16xf32>
        tpu.vector_store %arg5[%swap3A_3842, %swap3A_3843, %swap3A_3844], %swap3A_3847 {strides = array<i32>} : memref<16x8x512xf32, #tpu.memory_space<vmem>>, vector<1x1x16xf32>,
        %swap3A_3848 = arith.constant 5 : i32
        %swap3A_3849 = arith.index_cast %scan3A_59 : i32 to index
        %swap3A_3850 = arith.index_cast %swap3A_3848 : i32 to index
        %swap3A_3851 = arith.constant 352 : index
        %swap3A_3852 = tpu.vector_load %arg5[%swap3A_3849, %swap3A_3850, %swap3A_3851] {strides = array<i32>} : memref<16x8x512xf32, #tpu.memory_space<vmem>>, vector<1x1x16xf32>,
        %swap3A_3853 = vector.shape_cast %swap3A_3852 : vector<1x1x16xf32> to vector<16xf32>
        %swap3A_3854 = vector.shape_cast %mul3A_3819 : vector<16xf32> to vector<1x1x16xf32>
        tpu.vector_store %arg5[%swap3A_3849, %swap3A_3850, %swap3A_3851], %swap3A_3854 {strides = array<i32>} : memref<16x8x512xf32, #tpu.memory_space<vmem>>, vector<1x1x16xf32>,
        %swap3A_3855 = arith.constant 6 : i32
        %swap3A_3856 = arith.index_cast %scan3A_59 : i32 to index
        %swap3A_3857 = arith.index_cast %swap3A_3855 : i32 to index
        %swap3A_3858 = arith.constant 352 : index
        %swap3A_3859 = tpu.vector_load %arg5[%swap3A_3856, %swap3A_3857, %swap3A_3858] {strides = array<i32>} : memref<16x8x512xf32, #tpu.memory_space<vmem>>, vector<1x1x16xf32>,
        %swap3A_3860 = vector.shape_cast %swap3A_3859 : vector<1x1x16xf32> to vector<16xf32>
        %swap3A_3861 = vector.shape_cast %mul3A_3819 : vector<16xf32> to vector<1x1x16xf32>
        tpu.vector_store %arg5[%swap3A_3856, %swap3A_3857, %swap3A_3858], %swap3A_3861 {strides = array<i32>} : memref<16x8x512xf32, #tpu.memory_space<vmem>>, vector<1x1x16xf32>,
        %swap3A_3862 = arith.constant 7 : i32
        %swap3A_3863 = arith.index_cast %scan3A_59 : i32 to index
        %swap3A_3864 = arith.index_cast %swap3A_3862 : i32 to index
        %swap3A_3865 = arith.constant 352 : index
        %swap3A_3866 = tpu.vector_load %arg5[%swap3A_3863, %swap3A_3864, %swap3A_3865] {strides = array<i32>} : memref<16x8x512xf32, #tpu.memory_space<vmem>>, vector<1x1x16xf32>,
        %swap3A_3867 = vector.shape_cast %swap3A_3866 : vector<1x1x16xf32> to vector<16xf32>
        %swap3A_3868 = vector.shape_cast %mul3A_3819 : vector<16xf32> to vector<1x1x16xf32>
        tpu.vector_store %arg5[%swap3A_3863, %swap3A_3864, %swap3A_3865], %swap3A_3868 {strides = array<i32>} : memref<16x8x512xf32, #tpu.memory_space<vmem>>, vector<1x1x16xf32>,
        %mul3A_3869 = arith.mulf %select_n3A_2017, %div3A_2175 : vector<16xf32>
        %swap3A_3870 = arith.constant 1 : i32
        %swap3A_3871 = arith.index_cast %scan3A_59 : i32 to index
        %swap3A_3872 = arith.index_cast %swap3A_3870 : i32 to index
        %swap3A_3873 = arith.constant 368 : index
        %swap3A_3874 = tpu.vector_load %arg5[%swap3A_3871, %swap3A_3872, %swap3A_3873] {strides = array<i32>} : memref<16x8x512xf32, #tpu.memory_space<vmem>>, vector<1x1x16xf32>,
        %swap3A_3875 = vector.shape_cast %swap3A_3874 : vector<1x1x16xf32> to vector<16xf32>
        %swap3A_3876 = vector.shape_cast %mul3A_3869 : vector<16xf32> to vector<1x1x16xf32>
        tpu.vector_store %arg5[%swap3A_3871, %swap3A_3872, %swap3A_3873], %swap3A_3876 {strides = array<i32>} : memref<16x8x512xf32, #tpu.memory_space<vmem>>, vector<1x1x16xf32>,
        %swap3A_3877 = arith.constant 2 : i32
        %swap3A_3878 = arith.index_cast %scan3A_59 : i32 to index
        %swap3A_3879 = arith.index_cast %swap3A_3877 : i32 to index
        %swap3A_3880 = arith.constant 368 : index
        %swap3A_3881 = tpu.vector_load %arg5[%swap3A_3878, %swap3A_3879, %swap3A_3880] {strides = array<i32>} : memref<16x8x512xf32, #tpu.memory_space<vmem>>, vector<1x1x16xf32>,
        %swap3A_3882 = vector.shape_cast %swap3A_3881 : vector<1x1x16xf32> to vector<16xf32>
        %swap3A_3883 = vector.shape_cast %mul3A_3869 : vector<16xf32> to vector<1x1x16xf32>
        tpu.vector_store %arg5[%swap3A_3878, %swap3A_3879, %swap3A_3880], %swap3A_3883 {strides = array<i32>} : memref<16x8x512xf32, #tpu.memory_space<vmem>>, vector<1x1x16xf32>,
        %swap3A_3884 = arith.constant 3 : i32
        %swap3A_3885 = arith.index_cast %scan3A_59 : i32 to index
        %swap3A_3886 = arith.index_cast %swap3A_3884 : i32 to index
        %swap3A_3887 = arith.constant 368 : index
        %swap3A_3888 = tpu.vector_load %arg5[%swap3A_3885, %swap3A_3886, %swap3A_3887] {strides = array<i32>} : memref<16x8x512xf32, #tpu.memory_space<vmem>>, vector<1x1x16xf32>,
        %swap3A_3889 = vector.shape_cast %swap3A_3888 : vector<1x1x16xf32> to vector<16xf32>
        %swap3A_3890 = vector.shape_cast %mul3A_3869 : vector<16xf32> to vector<1x1x16xf32>
        tpu.vector_store %arg5[%swap3A_3885, %swap3A_3886, %swap3A_3887], %swap3A_3890 {strides = array<i32>} : memref<16x8x512xf32, #tpu.memory_space<vmem>>, vector<1x1x16xf32>,
        %swap3A_3891 = arith.constant 4 : i32
        %swap3A_3892 = arith.index_cast %scan3A_59 : i32 to index
        %swap3A_3893 = arith.index_cast %swap3A_3891 : i32 to index
        %swap3A_3894 = arith.constant 368 : index
        %swap3A_3895 = tpu.vector_load %arg5[%swap3A_3892, %swap3A_3893, %swap3A_3894] {strides = array<i32>} : memref<16x8x512xf32, #tpu.memory_space<vmem>>, vector<1x1x16xf32>,
        %swap3A_3896 = vector.shape_cast %swap3A_3895 : vector<1x1x16xf32> to vector<16xf32>
        %swap3A_3897 = vector.shape_cast %mul3A_3869 : vector<16xf32> to vector<1x1x16xf32>
        tpu.vector_store %arg5[%swap3A_3892, %swap3A_3893, %swap3A_3894], %swap3A_3897 {strides = array<i32>} : memref<16x8x512xf32, #tpu.memory_space<vmem>>, vector<1x1x16xf32>,
        %swap3A_3898 = arith.constant 5 : i32
        %swap3A_3899 = arith.index_cast %scan3A_59 : i32 to index
        %swap3A_3900 = arith.index_cast %swap3A_3898 : i32 to index
        %swap3A_3901 = arith.constant 368 : index
        %swap3A_3902 = tpu.vector_load %arg5[%swap3A_3899, %swap3A_3900, %swap3A_3901] {strides = array<i32>} : memref<16x8x512xf32, #tpu.memory_space<vmem>>, vector<1x1x16xf32>,
        %swap3A_3903 = vector.shape_cast %swap3A_3902 : vector<1x1x16xf32> to vector<16xf32>
        %swap3A_3904 = vector.shape_cast %mul3A_3869 : vector<16xf32> to vector<1x1x16xf32>
        tpu.vector_store %arg5[%swap3A_3899, %swap3A_3900, %swap3A_3901], %swap3A_3904 {strides = array<i32>} : memref<16x8x512xf32, #tpu.memory_space<vmem>>, vector<1x1x16xf32>,
        %swap3A_3905 = arith.constant 6 : i32
        %swap3A_3906 = arith.index_cast %scan3A_59 : i32 to index
        %swap3A_3907 = arith.index_cast %swap3A_3905 : i32 to index
        %swap3A_3908 = arith.constant 368 : index
        %swap3A_3909 = tpu.vector_load %arg5[%swap3A_3906, %swap3A_3907, %swap3A_3908] {strides = array<i32>} : memref<16x8x512xf32, #tpu.memory_space<vmem>>, vector<1x1x16xf32>,
        %swap3A_3910 = vector.shape_cast %swap3A_3909 : vector<1x1x16xf32> to vector<16xf32>
        %swap3A_3911 = vector.shape_cast %mul3A_3869 : vector<16xf32> to vector<1x1x16xf32>
        tpu.vector_store %arg5[%swap3A_3906, %swap3A_3907, %swap3A_3908], %swap3A_3911 {strides = array<i32>} : memref<16x8x512xf32, #tpu.memory_space<vmem>>, vector<1x1x16xf32>,
        %swap3A_3912 = arith.constant 7 : i32
        %swap3A_3913 = arith.index_cast %scan3A_59 : i32 to index
        %swap3A_3914 = arith.index_cast %swap3A_3912 : i32 to index
        %swap3A_3915 = arith.constant 368 : index
        %swap3A_3916 = tpu.vector_load %arg5[%swap3A_3913, %swap3A_3914, %swap3A_3915] {strides = array<i32>} : memref<16x8x512xf32, #tpu.memory_space<vmem>>, vector<1x1x16xf32>,
        %swap3A_3917 = vector.shape_cast %swap3A_3916 : vector<1x1x16xf32> to vector<16xf32>
        %swap3A_3918 = vector.shape_cast %mul3A_3869 : vector<16xf32> to vector<1x1x16xf32>
        tpu.vector_store %arg5[%swap3A_3913, %swap3A_3914, %swap3A_3915], %swap3A_3918 {strides = array<i32>} : memref<16x8x512xf32, #tpu.memory_space<vmem>>, vector<1x1x16xf32>,
        %mul3A_3919 = arith.mulf %select_n3A_2021, %div3A_2175 : vector<16xf32>
        %swap3A_3920 = arith.constant 1 : i32
        %swap3A_3921 = arith.index_cast %scan3A_59 : i32 to index
        %swap3A_3922 = arith.index_cast %swap3A_3920 : i32 to index
        %swap3A_3923 = arith.constant 384 : index
        %swap3A_3924 = tpu.vector_load %arg5[%swap3A_3921, %swap3A_3922, %swap3A_3923] {strides = array<i32>} : memref<16x8x512xf32, #tpu.memory_space<vmem>>, vector<1x1x16xf32>,
        %swap3A_3925 = vector.shape_cast %swap3A_3924 : vector<1x1x16xf32> to vector<16xf32>
        %swap3A_3926 = vector.shape_cast %mul3A_3919 : vector<16xf32> to vector<1x1x16xf32>
        tpu.vector_store %arg5[%swap3A_3921, %swap3A_3922, %swap3A_3923], %swap3A_3926 {strides = array<i32>} : memref<16x8x512xf32, #tpu.memory_space<vmem>>, vector<1x1x16xf32>,
        %swap3A_3927 = arith.constant 2 : i32
        %swap3A_3928 = arith.index_cast %scan3A_59 : i32 to index
        %swap3A_3929 = arith.index_cast %swap3A_3927 : i32 to index
        %swap3A_3930 = arith.constant 384 : index
        %swap3A_3931 = tpu.vector_load %arg5[%swap3A_3928, %swap3A_3929, %swap3A_3930] {strides = array<i32>} : memref<16x8x512xf32, #tpu.memory_space<vmem>>, vector<1x1x16xf32>,
        %swap3A_3932 = vector.shape_cast %swap3A_3931 : vector<1x1x16xf32> to vector<16xf32>
        %swap3A_3933 = vector.shape_cast %mul3A_3919 : vector<16xf32> to vector<1x1x16xf32>
        tpu.vector_store %arg5[%swap3A_3928, %swap3A_3929, %swap3A_3930], %swap3A_3933 {strides = array<i32>} : memref<16x8x512xf32, #tpu.memory_space<vmem>>, vector<1x1x16xf32>,
        %swap3A_3934 = arith.constant 3 : i32
        %swap3A_3935 = arith.index_cast %scan3A_59 : i32 to index
        %swap3A_3936 = arith.index_cast %swap3A_3934 : i32 to index
        %swap3A_3937 = arith.constant 384 : index
        %swap3A_3938 = tpu.vector_load %arg5[%swap3A_3935, %swap3A_3936, %swap3A_3937] {strides = array<i32>} : memref<16x8x512xf32, #tpu.memory_space<vmem>>, vector<1x1x16xf32>,
        %swap3A_3939 = vector.shape_cast %swap3A_3938 : vector<1x1x16xf32> to vector<16xf32>
        %swap3A_3940 = vector.shape_cast %mul3A_3919 : vector<16xf32> to vector<1x1x16xf32>
        tpu.vector_store %arg5[%swap3A_3935, %swap3A_3936, %swap3A_3937], %swap3A_3940 {strides = array<i32>} : memref<16x8x512xf32, #tpu.memory_space<vmem>>, vector<1x1x16xf32>,
        %swap3A_3941 = arith.constant 4 : i32
        %swap3A_3942 = arith.index_cast %scan3A_59 : i32 to index
        %swap3A_3943 = arith.index_cast %swap3A_3941 : i32 to index
        %swap3A_3944 = arith.constant 384 : index
        %swap3A_3945 = tpu.vector_load %arg5[%swap3A_3942, %swap3A_3943, %swap3A_3944] {strides = array<i32>} : memref<16x8x512xf32, #tpu.memory_space<vmem>>, vector<1x1x16xf32>,
        %swap3A_3946 = vector.shape_cast %swap3A_3945 : vector<1x1x16xf32> to vector<16xf32>
        %swap3A_3947 = vector.shape_cast %mul3A_3919 : vector<16xf32> to vector<1x1x16xf32>
        tpu.vector_store %arg5[%swap3A_3942, %swap3A_3943, %swap3A_3944], %swap3A_3947 {strides = array<i32>} : memref<16x8x512xf32, #tpu.memory_space<vmem>>, vector<1x1x16xf32>,
        %swap3A_3948 = arith.constant 5 : i32
        %swap3A_3949 = arith.index_cast %scan3A_59 : i32 to index
        %swap3A_3950 = arith.index_cast %swap3A_3948 : i32 to index
        %swap3A_3951 = arith.constant 384 : index
        %swap3A_3952 = tpu.vector_load %arg5[%swap3A_3949, %swap3A_3950, %swap3A_3951] {strides = array<i32>} : memref<16x8x512xf32, #tpu.memory_space<vmem>>, vector<1x1x16xf32>,
        %swap3A_3953 = vector.shape_cast %swap3A_3952 : vector<1x1x16xf32> to vector<16xf32>
        %swap3A_3954 = vector.shape_cast %mul3A_3919 : vector<16xf32> to vector<1x1x16xf32>
        tpu.vector_store %arg5[%swap3A_3949, %swap3A_3950, %swap3A_3951], %swap3A_3954 {strides = array<i32>} : memref<16x8x512xf32, #tpu.memory_space<vmem>>, vector<1x1x16xf32>,
        %swap3A_3955 = arith.constant 6 : i32
        %swap3A_3956 = arith.index_cast %scan3A_59 : i32 to index
        %swap3A_3957 = arith.index_cast %swap3A_3955 : i32 to index
        %swap3A_3958 = arith.constant 384 : index
        %swap3A_3959 = tpu.vector_load %arg5[%swap3A_3956, %swap3A_3957, %swap3A_3958] {strides = array<i32>} : memref<16x8x512xf32, #tpu.memory_space<vmem>>, vector<1x1x16xf32>,
        %swap3A_3960 = vector.shape_cast %swap3A_3959 : vector<1x1x16xf32> to vector<16xf32>
        %swap3A_3961 = vector.shape_cast %mul3A_3919 : vector<16xf32> to vector<1x1x16xf32>
        tpu.vector_store %arg5[%swap3A_3956, %swap3A_3957, %swap3A_3958], %swap3A_3961 {strides = array<i32>} : memref<16x8x512xf32, #tpu.memory_space<vmem>>, vector<1x1x16xf32>,
        %swap3A_3962 = arith.constant 7 : i32
        %swap3A_3963 = arith.index_cast %scan3A_59 : i32 to index
        %swap3A_3964 = arith.index_cast %swap3A_3962 : i32 to index
        %swap3A_3965 = arith.constant 384 : index
        %swap3A_3966 = tpu.vector_load %arg5[%swap3A_3963, %swap3A_3964, %swap3A_3965] {strides = array<i32>} : memref<16x8x512xf32, #tpu.memory_space<vmem>>, vector<1x1x16xf32>,
        %swap3A_3967 = vector.shape_cast %swap3A_3966 : vector<1x1x16xf32> to vector<16xf32>
        %swap3A_3968 = vector.shape_cast %mul3A_3919 : vector<16xf32> to vector<1x1x16xf32>
        tpu.vector_store %arg5[%swap3A_3963, %swap3A_3964, %swap3A_3965], %swap3A_3968 {strides = array<i32>} : memref<16x8x512xf32, #tpu.memory_space<vmem>>, vector<1x1x16xf32>,
        %mul3A_3969 = arith.mulf %select_n3A_2025, %div3A_2175 : vector<16xf32>
        %swap3A_3970 = arith.constant 1 : i32
        %swap3A_3971 = arith.index_cast %scan3A_59 : i32 to index
        %swap3A_3972 = arith.index_cast %swap3A_3970 : i32 to index
        %swap3A_3973 = arith.constant 400 : index
        %swap3A_3974 = tpu.vector_load %arg5[%swap3A_3971, %swap3A_3972, %swap3A_3973] {strides = array<i32>} : memref<16x8x512xf32, #tpu.memory_space<vmem>>, vector<1x1x16xf32>,
        %swap3A_3975 = vector.shape_cast %swap3A_3974 : vector<1x1x16xf32> to vector<16xf32>
        %swap3A_3976 = vector.shape_cast %mul3A_3969 : vector<16xf32> to vector<1x1x16xf32>
        tpu.vector_store %arg5[%swap3A_3971, %swap3A_3972, %swap3A_3973], %swap3A_3976 {strides = array<i32>} : memref<16x8x512xf32, #tpu.memory_space<vmem>>, vector<1x1x16xf32>,
        %swap3A_3977 = arith.constant 2 : i32
        %swap3A_3978 = arith.index_cast %scan3A_59 : i32 to index
        %swap3A_3979 = arith.index_cast %swap3A_3977 : i32 to index
        %swap3A_3980 = arith.constant 400 : index
        %swap3A_3981 = tpu.vector_load %arg5[%swap3A_3978, %swap3A_3979, %swap3A_3980] {strides = array<i32>} : memref<16x8x512xf32, #tpu.memory_space<vmem>>, vector<1x1x16xf32>,
        %swap3A_3982 = vector.shape_cast %swap3A_3981 : vector<1x1x16xf32> to vector<16xf32>
        %swap3A_3983 = vector.shape_cast %mul3A_3969 : vector<16xf32> to vector<1x1x16xf32>
        tpu.vector_store %arg5[%swap3A_3978, %swap3A_3979, %swap3A_3980], %swap3A_3983 {strides = array<i32>} : memref<16x8x512xf32, #tpu.memory_space<vmem>>, vector<1x1x16xf32>,
        %swap3A_3984 = arith.constant 3 : i32
        %swap3A_3985 = arith.index_cast %scan3A_59 : i32 to index
        %swap3A_3986 = arith.index_cast %swap3A_3984 : i32 to index
        %swap3A_3987 = arith.constant 400 : index
        %swap3A_3988 = tpu.vector_load %arg5[%swap3A_3985, %swap3A_3986, %swap3A_3987] {strides = array<i32>} : memref<16x8x512xf32, #tpu.memory_space<vmem>>, vector<1x1x16xf32>,
        %swap3A_3989 = vector.shape_cast %swap3A_3988 : vector<1x1x16xf32> to vector<16xf32>
        %swap3A_3990 = vector.shape_cast %mul3A_3969 : vector<16xf32> to vector<1x1x16xf32>
        tpu.vector_store %arg5[%swap3A_3985, %swap3A_3986, %swap3A_3987], %swap3A_3990 {strides = array<i32>} : memref<16x8x512xf32, #tpu.memory_space<vmem>>, vector<1x1x16xf32>,
        %swap3A_3991 = arith.constant 4 : i32
        %swap3A_3992 = arith.index_cast %scan3A_59 : i32 to index
        %swap3A_3993 = arith.index_cast %swap3A_3991 : i32 to index
        %swap3A_3994 = arith.constant 400 : index
        %swap3A_3995 = tpu.vector_load %arg5[%swap3A_3992, %swap3A_3993, %swap3A_3994] {strides = array<i32>} : memref<16x8x512xf32, #tpu.memory_space<vmem>>, vector<1x1x16xf32>,
        %swap3A_3996 = vector.shape_cast %swap3A_3995 : vector<1x1x16xf32> to vector<16xf32>
        %swap3A_3997 = vector.shape_cast %mul3A_3969 : vector<16xf32> to vector<1x1x16xf32>
        tpu.vector_store %arg5[%swap3A_3992, %swap3A_3993, %swap3A_3994], %swap3A_3997 {strides = array<i32>} : memref<16x8x512xf32, #tpu.memory_space<vmem>>, vector<1x1x16xf32>,
        %swap3A_3998 = arith.constant 5 : i32
        %swap3A_3999 = arith.index_cast %scan3A_59 : i32 to index
        %swap3A_4000 = arith.index_cast %swap3A_3998 : i32 to index
        %swap3A_4001 = arith.constant 400 : index
        %swap3A_4002 = tpu.vector_load %arg5[%swap3A_3999, %swap3A_4000, %swap3A_4001] {strides = array<i32>} : memref<16x8x512xf32, #tpu.memory_space<vmem>>, vector<1x1x16xf32>,
        %swap3A_4003 = vector.shape_cast %swap3A_4002 : vector<1x1x16xf32> to vector<16xf32>
        %swap3A_4004 = vector.shape_cast %mul3A_3969 : vector<16xf32> to vector<1x1x16xf32>
        tpu.vector_store %arg5[%swap3A_3999, %swap3A_4000, %swap3A_4001], %swap3A_4004 {strides = array<i32>} : memref<16x8x512xf32, #tpu.memory_space<vmem>>, vector<1x1x16xf32>,
        %swap3A_4005 = arith.constant 6 : i32
        %swap3A_4006 = arith.index_cast %scan3A_59 : i32 to index
        %swap3A_4007 = arith.index_cast %swap3A_4005 : i32 to index
        %swap3A_4008 = arith.constant 400 : index
        %swap3A_4009 = tpu.vector_load %arg5[%swap3A_4006, %swap3A_4007, %swap3A_4008] {strides = array<i32>} : memref<16x8x512xf32, #tpu.memory_space<vmem>>, vector<1x1x16xf32>,
        %swap3A_4010 = vector.shape_cast %swap3A_4009 : vector<1x1x16xf32> to vector<16xf32>
        %swap3A_4011 = vector.shape_cast %mul3A_3969 : vector<16xf32> to vector<1x1x16xf32>
        tpu.vector_store %arg5[%swap3A_4006, %swap3A_4007, %swap3A_4008], %swap3A_4011 {strides = array<i32>} : memref<16x8x512xf32, #tpu.memory_space<vmem>>, vector<1x1x16xf32>,
        %swap3A_4012 = arith.constant 7 : i32
        %swap3A_4013 = arith.index_cast %scan3A_59 : i32 to index
        %swap3A_4014 = arith.index_cast %swap3A_4012 : i32 to index
        %swap3A_4015 = arith.constant 400 : index
        %swap3A_4016 = tpu.vector_load %arg5[%swap3A_4013, %swap3A_4014, %swap3A_4015] {strides = array<i32>} : memref<16x8x512xf32, #tpu.memory_space<vmem>>, vector<1x1x16xf32>,
        %swap3A_4017 = vector.shape_cast %swap3A_4016 : vector<1x1x16xf32> to vector<16xf32>
        %swap3A_4018 = vector.shape_cast %mul3A_3969 : vector<16xf32> to vector<1x1x16xf32>
        tpu.vector_store %arg5[%swap3A_4013, %swap3A_4014, %swap3A_4015], %swap3A_4018 {strides = array<i32>} : memref<16x8x512xf32, #tpu.memory_space<vmem>>, vector<1x1x16xf32>,
        %mul3A_4019 = arith.mulf %select_n3A_2029, %div3A_2175 : vector<16xf32>
        %swap3A_4020 = arith.constant 1 : i32
        %swap3A_4021 = arith.index_cast %scan3A_59 : i32 to index
        %swap3A_4022 = arith.index_cast %swap3A_4020 : i32 to index
        %swap3A_4023 = arith.constant 416 : index
        %swap3A_4024 = tpu.vector_load %arg5[%swap3A_4021, %swap3A_4022, %swap3A_4023] {strides = array<i32>} : memref<16x8x512xf32, #tpu.memory_space<vmem>>, vector<1x1x16xf32>,
        %swap3A_4025 = vector.shape_cast %swap3A_4024 : vector<1x1x16xf32> to vector<16xf32>
        %swap3A_4026 = vector.shape_cast %mul3A_4019 : vector<16xf32> to vector<1x1x16xf32>
        tpu.vector_store %arg5[%swap3A_4021, %swap3A_4022, %swap3A_4023], %swap3A_4026 {strides = array<i32>} : memref<16x8x512xf32, #tpu.memory_space<vmem>>, vector<1x1x16xf32>,
        %swap3A_4027 = arith.constant 2 : i32
        %swap3A_4028 = arith.index_cast %scan3A_59 : i32 to index
        %swap3A_4029 = arith.index_cast %swap3A_4027 : i32 to index
        %swap3A_4030 = arith.constant 416 : index
        %swap3A_4031 = tpu.vector_load %arg5[%swap3A_4028, %swap3A_4029, %swap3A_4030] {strides = array<i32>} : memref<16x8x512xf32, #tpu.memory_space<vmem>>, vector<1x1x16xf32>,
        %swap3A_4032 = vector.shape_cast %swap3A_4031 : vector<1x1x16xf32> to vector<16xf32>
        %swap3A_4033 = vector.shape_cast %mul3A_4019 : vector<16xf32> to vector<1x1x16xf32>
        tpu.vector_store %arg5[%swap3A_4028, %swap3A_4029, %swap3A_4030], %swap3A_4033 {strides = array<i32>} : memref<16x8x512xf32, #tpu.memory_space<vmem>>, vector<1x1x16xf32>,
        %swap3A_4034 = arith.constant 3 : i32
        %swap3A_4035 = arith.index_cast %scan3A_59 : i32 to index
        %swap3A_4036 = arith.index_cast %swap3A_4034 : i32 to index
        %swap3A_4037 = arith.constant 416 : index
        %swap3A_4038 = tpu.vector_load %arg5[%swap3A_4035, %swap3A_4036, %swap3A_4037] {strides = array<i32>} : memref<16x8x512xf32, #tpu.memory_space<vmem>>, vector<1x1x16xf32>,
        %swap3A_4039 = vector.shape_cast %swap3A_4038 : vector<1x1x16xf32> to vector<16xf32>
        %swap3A_4040 = vector.shape_cast %mul3A_4019 : vector<16xf32> to vector<1x1x16xf32>
        tpu.vector_store %arg5[%swap3A_4035, %swap3A_4036, %swap3A_4037], %swap3A_4040 {strides = array<i32>} : memref<16x8x512xf32, #tpu.memory_space<vmem>>, vector<1x1x16xf32>,
        %swap3A_4041 = arith.constant 4 : i32
        %swap3A_4042 = arith.index_cast %scan3A_59 : i32 to index
        %swap3A_4043 = arith.index_cast %swap3A_4041 : i32 to index
        %swap3A_4044 = arith.constant 416 : index
        %swap3A_4045 = tpu.vector_load %arg5[%swap3A_4042, %swap3A_4043, %swap3A_4044] {strides = array<i32>} : memref<16x8x512xf32, #tpu.memory_space<vmem>>, vector<1x1x16xf32>,
        %swap3A_4046 = vector.shape_cast %swap3A_4045 : vector<1x1x16xf32> to vector<16xf32>
        %swap3A_4047 = vector.shape_cast %mul3A_4019 : vector<16xf32> to vector<1x1x16xf32>
        tpu.vector_store %arg5[%swap3A_4042, %swap3A_4043, %swap3A_4044], %swap3A_4047 {strides = array<i32>} : memref<16x8x512xf32, #tpu.memory_space<vmem>>, vector<1x1x16xf32>,
        %swap3A_4048 = arith.constant 5 : i32
        %swap3A_4049 = arith.index_cast %scan3A_59 : i32 to index
        %swap3A_4050 = arith.index_cast %swap3A_4048 : i32 to index
        %swap3A_4051 = arith.constant 416 : index
        %swap3A_4052 = tpu.vector_load %arg5[%swap3A_4049, %swap3A_4050, %swap3A_4051] {strides = array<i32>} : memref<16x8x512xf32, #tpu.memory_space<vmem>>, vector<1x1x16xf32>,
        %swap3A_4053 = vector.shape_cast %swap3A_4052 : vector<1x1x16xf32> to vector<16xf32>
        %swap3A_4054 = vector.shape_cast %mul3A_4019 : vector<16xf32> to vector<1x1x16xf32>
        tpu.vector_store %arg5[%swap3A_4049, %swap3A_4050, %swap3A_4051], %swap3A_4054 {strides = array<i32>} : memref<16x8x512xf32, #tpu.memory_space<vmem>>, vector<1x1x16xf32>,
        %swap3A_4055 = arith.constant 6 : i32
        %swap3A_4056 = arith.index_cast %scan3A_59 : i32 to index
        %swap3A_4057 = arith.index_cast %swap3A_4055 : i32 to index
        %swap3A_4058 = arith.constant 416 : index
        %swap3A_4059 = tpu.vector_load %arg5[%swap3A_4056, %swap3A_4057, %swap3A_4058] {strides = array<i32>} : memref<16x8x512xf32, #tpu.memory_space<vmem>>, vector<1x1x16xf32>,
        %swap3A_4060 = vector.shape_cast %swap3A_4059 : vector<1x1x16xf32> to vector<16xf32>
        %swap3A_4061 = vector.shape_cast %mul3A_4019 : vector<16xf32> to vector<1x1x16xf32>
        tpu.vector_store %arg5[%swap3A_4056, %swap3A_4057, %swap3A_4058], %swap3A_4061 {strides = array<i32>} : memref<16x8x512xf32, #tpu.memory_space<vmem>>, vector<1x1x16xf32>,
        %swap3A_4062 = arith.constant 7 : i32
        %swap3A_4063 = arith.index_cast %scan3A_59 : i32 to index
        %swap3A_4064 = arith.index_cast %swap3A_4062 : i32 to index
        %swap3A_4065 = arith.constant 416 : index
        %swap3A_4066 = tpu.vector_load %arg5[%swap3A_4063, %swap3A_4064, %swap3A_4065] {strides = array<i32>} : memref<16x8x512xf32, #tpu.memory_space<vmem>>, vector<1x1x16xf32>,
        %swap3A_4067 = vector.shape_cast %swap3A_4066 : vector<1x1x16xf32> to vector<16xf32>
        %swap3A_4068 = vector.shape_cast %mul3A_4019 : vector<16xf32> to vector<1x1x16xf32>
        tpu.vector_store %arg5[%swap3A_4063, %swap3A_4064, %swap3A_4065], %swap3A_4068 {strides = array<i32>} : memref<16x8x512xf32, #tpu.memory_space<vmem>>, vector<1x1x16xf32>,
        %mul3A_4069 = arith.mulf %select_n3A_2033, %div3A_2175 : vector<16xf32>
        %swap3A_4070 = arith.constant 1 : i32
        %swap3A_4071 = arith.index_cast %scan3A_59 : i32 to index
        %swap3A_4072 = arith.index_cast %swap3A_4070 : i32 to index
        %swap3A_4073 = arith.constant 432 : index
        %swap3A_4074 = tpu.vector_load %arg5[%swap3A_4071, %swap3A_4072, %swap3A_4073] {strides = array<i32>} : memref<16x8x512xf32, #tpu.memory_space<vmem>>, vector<1x1x16xf32>,
        %swap3A_4075 = vector.shape_cast %swap3A_4074 : vector<1x1x16xf32> to vector<16xf32>
        %swap3A_4076 = vector.shape_cast %mul3A_4069 : vector<16xf32> to vector<1x1x16xf32>
        tpu.vector_store %arg5[%swap3A_4071, %swap3A_4072, %swap3A_4073], %swap3A_4076 {strides = array<i32>} : memref<16x8x512xf32, #tpu.memory_space<vmem>>, vector<1x1x16xf32>,
        %swap3A_4077 = arith.constant 2 : i32
        %swap3A_4078 = arith.index_cast %scan3A_59 : i32 to index
        %swap3A_4079 = arith.index_cast %swap3A_4077 : i32 to index
        %swap3A_4080 = arith.constant 432 : index
        %swap3A_4081 = tpu.vector_load %arg5[%swap3A_4078, %swap3A_4079, %swap3A_4080] {strides = array<i32>} : memref<16x8x512xf32, #tpu.memory_space<vmem>>, vector<1x1x16xf32>,
        %swap3A_4082 = vector.shape_cast %swap3A_4081 : vector<1x1x16xf32> to vector<16xf32>
        %swap3A_4083 = vector.shape_cast %mul3A_4069 : vector<16xf32> to vector<1x1x16xf32>
        tpu.vector_store %arg5[%swap3A_4078, %swap3A_4079, %swap3A_4080], %swap3A_4083 {strides = array<i32>} : memref<16x8x512xf32, #tpu.memory_space<vmem>>, vector<1x1x16xf32>,
        %swap3A_4084 = arith.constant 3 : i32
        %swap3A_4085 = arith.index_cast %scan3A_59 : i32 to index
        %swap3A_4086 = arith.index_cast %swap3A_4084 : i32 to index
        %swap3A_4087 = arith.constant 432 : index
        %swap3A_4088 = tpu.vector_load %arg5[%swap3A_4085, %swap3A_4086, %swap3A_4087] {strides = array<i32>} : memref<16x8x512xf32, #tpu.memory_space<vmem>>, vector<1x1x16xf32>,
        %swap3A_4089 = vector.shape_cast %swap3A_4088 : vector<1x1x16xf32> to vector<16xf32>
        %swap3A_4090 = vector.shape_cast %mul3A_4069 : vector<16xf32> to vector<1x1x16xf32>
        tpu.vector_store %arg5[%swap3A_4085, %swap3A_4086, %swap3A_4087], %swap3A_4090 {strides = array<i32>} : memref<16x8x512xf32, #tpu.memory_space<vmem>>, vector<1x1x16xf32>,
        %swap3A_4091 = arith.constant 4 : i32
        %swap3A_4092 = arith.index_cast %scan3A_59 : i32 to index
        %swap3A_4093 = arith.index_cast %swap3A_4091 : i32 to index
        %swap3A_4094 = arith.constant 432 : index
        %swap3A_4095 = tpu.vector_load %arg5[%swap3A_4092, %swap3A_4093, %swap3A_4094] {strides = array<i32>} : memref<16x8x512xf32, #tpu.memory_space<vmem>>, vector<1x1x16xf32>,
        %swap3A_4096 = vector.shape_cast %swap3A_4095 : vector<1x1x16xf32> to vector<16xf32>
        %swap3A_4097 = vector.shape_cast %mul3A_4069 : vector<16xf32> to vector<1x1x16xf32>
        tpu.vector_store %arg5[%swap3A_4092, %swap3A_4093, %swap3A_4094], %swap3A_4097 {strides = array<i32>} : memref<16x8x512xf32, #tpu.memory_space<vmem>>, vector<1x1x16xf32>,
        %swap3A_4098 = arith.constant 5 : i32
        %swap3A_4099 = arith.index_cast %scan3A_59 : i32 to index
        %swap3A_4100 = arith.index_cast %swap3A_4098 : i32 to index
        %swap3A_4101 = arith.constant 432 : index
        %swap3A_4102 = tpu.vector_load %arg5[%swap3A_4099, %swap3A_4100, %swap3A_4101] {strides = array<i32>} : memref<16x8x512xf32, #tpu.memory_space<vmem>>, vector<1x1x16xf32>,
        %swap3A_4103 = vector.shape_cast %swap3A_4102 : vector<1x1x16xf32> to vector<16xf32>
        %swap3A_4104 = vector.shape_cast %mul3A_4069 : vector<16xf32> to vector<1x1x16xf32>
        tpu.vector_store %arg5[%swap3A_4099, %swap3A_4100, %swap3A_4101], %swap3A_4104 {strides = array<i32>} : memref<16x8x512xf32, #tpu.memory_space<vmem>>, vector<1x1x16xf32>,
        %swap3A_4105 = arith.constant 6 : i32
        %swap3A_4106 = arith.index_cast %scan3A_59 : i32 to index
        %swap3A_4107 = arith.index_cast %swap3A_4105 : i32 to index
        %swap3A_4108 = arith.constant 432 : index
        %swap3A_4109 = tpu.vector_load %arg5[%swap3A_4106, %swap3A_4107, %swap3A_4108] {strides = array<i32>} : memref<16x8x512xf32, #tpu.memory_space<vmem>>, vector<1x1x16xf32>,
        %swap3A_4110 = vector.shape_cast %swap3A_4109 : vector<1x1x16xf32> to vector<16xf32>
        %swap3A_4111 = vector.shape_cast %mul3A_4069 : vector<16xf32> to vector<1x1x16xf32>
        tpu.vector_store %arg5[%swap3A_4106, %swap3A_4107, %swap3A_4108], %swap3A_4111 {strides = array<i32>} : memref<16x8x512xf32, #tpu.memory_space<vmem>>, vector<1x1x16xf32>,
        %swap3A_4112 = arith.constant 7 : i32
        %swap3A_4113 = arith.index_cast %scan3A_59 : i32 to index
        %swap3A_4114 = arith.index_cast %swap3A_4112 : i32 to index
        %swap3A_4115 = arith.constant 432 : index
        %swap3A_4116 = tpu.vector_load %arg5[%swap3A_4113, %swap3A_4114, %swap3A_4115] {strides = array<i32>} : memref<16x8x512xf32, #tpu.memory_space<vmem>>, vector<1x1x16xf32>,
        %swap3A_4117 = vector.shape_cast %swap3A_4116 : vector<1x1x16xf32> to vector<16xf32>
        %swap3A_4118 = vector.shape_cast %mul3A_4069 : vector<16xf32> to vector<1x1x16xf32>
        tpu.vector_store %arg5[%swap3A_4113, %swap3A_4114, %swap3A_4115], %swap3A_4118 {strides = array<i32>} : memref<16x8x512xf32, #tpu.memory_space<vmem>>, vector<1x1x16xf32>,
        %mul3A_4119 = arith.mulf %select_n3A_2037, %div3A_2175 : vector<16xf32>
        %swap3A_4120 = arith.constant 1 : i32
        %swap3A_4121 = arith.index_cast %scan3A_59 : i32 to index
        %swap3A_4122 = arith.index_cast %swap3A_4120 : i32 to index
        %swap3A_4123 = arith.constant 448 : index
        %swap3A_4124 = tpu.vector_load %arg5[%swap3A_4121, %swap3A_4122, %swap3A_4123] {strides = array<i32>} : memref<16x8x512xf32, #tpu.memory_space<vmem>>, vector<1x1x16xf32>,
        %swap3A_4125 = vector.shape_cast %swap3A_4124 : vector<1x1x16xf32> to vector<16xf32>
        %swap3A_4126 = vector.shape_cast %mul3A_4119 : vector<16xf32> to vector<1x1x16xf32>
        tpu.vector_store %arg5[%swap3A_4121, %swap3A_4122, %swap3A_4123], %swap3A_4126 {strides = array<i32>} : memref<16x8x512xf32, #tpu.memory_space<vmem>>, vector<1x1x16xf32>,
        %swap3A_4127 = arith.constant 2 : i32
        %swap3A_4128 = arith.index_cast %scan3A_59 : i32 to index
        %swap3A_4129 = arith.index_cast %swap3A_4127 : i32 to index
        %swap3A_4130 = arith.constant 448 : index
        %swap3A_4131 = tpu.vector_load %arg5[%swap3A_4128, %swap3A_4129, %swap3A_4130] {strides = array<i32>} : memref<16x8x512xf32, #tpu.memory_space<vmem>>, vector<1x1x16xf32>,
        %swap3A_4132 = vector.shape_cast %swap3A_4131 : vector<1x1x16xf32> to vector<16xf32>
        %swap3A_4133 = vector.shape_cast %mul3A_4119 : vector<16xf32> to vector<1x1x16xf32>
        tpu.vector_store %arg5[%swap3A_4128, %swap3A_4129, %swap3A_4130], %swap3A_4133 {strides = array<i32>} : memref<16x8x512xf32, #tpu.memory_space<vmem>>, vector<1x1x16xf32>,
        %swap3A_4134 = arith.constant 3 : i32
        %swap3A_4135 = arith.index_cast %scan3A_59 : i32 to index
        %swap3A_4136 = arith.index_cast %swap3A_4134 : i32 to index
        %swap3A_4137 = arith.constant 448 : index
        %swap3A_4138 = tpu.vector_load %arg5[%swap3A_4135, %swap3A_4136, %swap3A_4137] {strides = array<i32>} : memref<16x8x512xf32, #tpu.memory_space<vmem>>, vector<1x1x16xf32>,
        %swap3A_4139 = vector.shape_cast %swap3A_4138 : vector<1x1x16xf32> to vector<16xf32>
        %swap3A_4140 = vector.shape_cast %mul3A_4119 : vector<16xf32> to vector<1x1x16xf32>
        tpu.vector_store %arg5[%swap3A_4135, %swap3A_4136, %swap3A_4137], %swap3A_4140 {strides = array<i32>} : memref<16x8x512xf32, #tpu.memory_space<vmem>>, vector<1x1x16xf32>,
        %swap3A_4141 = arith.constant 4 : i32
        %swap3A_4142 = arith.index_cast %scan3A_59 : i32 to index
        %swap3A_4143 = arith.index_cast %swap3A_4141 : i32 to index
        %swap3A_4144 = arith.constant 448 : index
        %swap3A_4145 = tpu.vector_load %arg5[%swap3A_4142, %swap3A_4143, %swap3A_4144] {strides = array<i32>} : memref<16x8x512xf32, #tpu.memory_space<vmem>>, vector<1x1x16xf32>,
        %swap3A_4146 = vector.shape_cast %swap3A_4145 : vector<1x1x16xf32> to vector<16xf32>
        %swap3A_4147 = vector.shape_cast %mul3A_4119 : vector<16xf32> to vector<1x1x16xf32>
        tpu.vector_store %arg5[%swap3A_4142, %swap3A_4143, %swap3A_4144], %swap3A_4147 {strides = array<i32>} : memref<16x8x512xf32, #tpu.memory_space<vmem>>, vector<1x1x16xf32>,
        %swap3A_4148 = arith.constant 5 : i32
        %swap3A_4149 = arith.index_cast %scan3A_59 : i32 to index
        %swap3A_4150 = arith.index_cast %swap3A_4148 : i32 to index
        %swap3A_4151 = arith.constant 448 : index
        %swap3A_4152 = tpu.vector_load %arg5[%swap3A_4149, %swap3A_4150, %swap3A_4151] {strides = array<i32>} : memref<16x8x512xf32, #tpu.memory_space<vmem>>, vector<1x1x16xf32>,
        %swap3A_4153 = vector.shape_cast %swap3A_4152 : vector<1x1x16xf32> to vector<16xf32>
        %swap3A_4154 = vector.shape_cast %mul3A_4119 : vector<16xf32> to vector<1x1x16xf32>
        tpu.vector_store %arg5[%swap3A_4149, %swap3A_4150, %swap3A_4151], %swap3A_4154 {strides = array<i32>} : memref<16x8x512xf32, #tpu.memory_space<vmem>>, vector<1x1x16xf32>,
        %swap3A_4155 = arith.constant 6 : i32
        %swap3A_4156 = arith.index_cast %scan3A_59 : i32 to index
        %swap3A_4157 = arith.index_cast %swap3A_4155 : i32 to index
        %swap3A_4158 = arith.constant 448 : index
        %swap3A_4159 = tpu.vector_load %arg5[%swap3A_4156, %swap3A_4157, %swap3A_4158] {strides = array<i32>} : memref<16x8x512xf32, #tpu.memory_space<vmem>>, vector<1x1x16xf32>,
        %swap3A_4160 = vector.shape_cast %swap3A_4159 : vector<1x1x16xf32> to vector<16xf32>
        %swap3A_4161 = vector.shape_cast %mul3A_4119 : vector<16xf32> to vector<1x1x16xf32>
        tpu.vector_store %arg5[%swap3A_4156, %swap3A_4157, %swap3A_4158], %swap3A_4161 {strides = array<i32>} : memref<16x8x512xf32, #tpu.memory_space<vmem>>, vector<1x1x16xf32>,
        %swap3A_4162 = arith.constant 7 : i32
        %swap3A_4163 = arith.index_cast %scan3A_59 : i32 to index
        %swap3A_4164 = arith.index_cast %swap3A_4162 : i32 to index
        %swap3A_4165 = arith.constant 448 : index
        %swap3A_4166 = tpu.vector_load %arg5[%swap3A_4163, %swap3A_4164, %swap3A_4165] {strides = array<i32>} : memref<16x8x512xf32, #tpu.memory_space<vmem>>, vector<1x1x16xf32>,
        %swap3A_4167 = vector.shape_cast %swap3A_4166 : vector<1x1x16xf32> to vector<16xf32>
        %swap3A_4168 = vector.shape_cast %mul3A_4119 : vector<16xf32> to vector<1x1x16xf32>
        tpu.vector_store %arg5[%swap3A_4163, %swap3A_4164, %swap3A_4165], %swap3A_4168 {strides = array<i32>} : memref<16x8x512xf32, #tpu.memory_space<vmem>>, vector<1x1x16xf32>,
        %mul3A_4169 = arith.mulf %select_n3A_2041, %div3A_2175 : vector<16xf32>
        %swap3A_4170 = arith.constant 1 : i32
        %swap3A_4171 = arith.index_cast %scan3A_59 : i32 to index
        %swap3A_4172 = arith.index_cast %swap3A_4170 : i32 to index
        %swap3A_4173 = arith.constant 464 : index
        %swap3A_4174 = tpu.vector_load %arg5[%swap3A_4171, %swap3A_4172, %swap3A_4173] {strides = array<i32>} : memref<16x8x512xf32, #tpu.memory_space<vmem>>, vector<1x1x16xf32>,
        %swap3A_4175 = vector.shape_cast %swap3A_4174 : vector<1x1x16xf32> to vector<16xf32>
        %swap3A_4176 = vector.shape_cast %mul3A_4169 : vector<16xf32> to vector<1x1x16xf32>
        tpu.vector_store %arg5[%swap3A_4171, %swap3A_4172, %swap3A_4173], %swap3A_4176 {strides = array<i32>} : memref<16x8x512xf32, #tpu.memory_space<vmem>>, vector<1x1x16xf32>,
        %swap3A_4177 = arith.constant 2 : i32
        %swap3A_4178 = arith.index_cast %scan3A_59 : i32 to index
        %swap3A_4179 = arith.index_cast %swap3A_4177 : i32 to index
        %swap3A_4180 = arith.constant 464 : index
        %swap3A_4181 = tpu.vector_load %arg5[%swap3A_4178, %swap3A_4179, %swap3A_4180] {strides = array<i32>} : memref<16x8x512xf32, #tpu.memory_space<vmem>>, vector<1x1x16xf32>,
        %swap3A_4182 = vector.shape_cast %swap3A_4181 : vector<1x1x16xf32> to vector<16xf32>
        %swap3A_4183 = vector.shape_cast %mul3A_4169 : vector<16xf32> to vector<1x1x16xf32>
        tpu.vector_store %arg5[%swap3A_4178, %swap3A_4179, %swap3A_4180], %swap3A_4183 {strides = array<i32>} : memref<16x8x512xf32, #tpu.memory_space<vmem>>, vector<1x1x16xf32>,
        %swap3A_4184 = arith.constant 3 : i32
        %swap3A_4185 = arith.index_cast %scan3A_59 : i32 to index
        %swap3A_4186 = arith.index_cast %swap3A_4184 : i32 to index
        %swap3A_4187 = arith.constant 464 : index
        %swap3A_4188 = tpu.vector_load %arg5[%swap3A_4185, %swap3A_4186, %swap3A_4187] {strides = array<i32>} : memref<16x8x512xf32, #tpu.memory_space<vmem>>, vector<1x1x16xf32>,
        %swap3A_4189 = vector.shape_cast %swap3A_4188 : vector<1x1x16xf32> to vector<16xf32>
        %swap3A_4190 = vector.shape_cast %mul3A_4169 : vector<16xf32> to vector<1x1x16xf32>
        tpu.vector_store %arg5[%swap3A_4185, %swap3A_4186, %swap3A_4187], %swap3A_4190 {strides = array<i32>} : memref<16x8x512xf32, #tpu.memory_space<vmem>>, vector<1x1x16xf32>,
        %swap3A_4191 = arith.constant 4 : i32
        %swap3A_4192 = arith.index_cast %scan3A_59 : i32 to index
        %swap3A_4193 = arith.index_cast %swap3A_4191 : i32 to index
        %swap3A_4194 = arith.constant 464 : index
        %swap3A_4195 = tpu.vector_load %arg5[%swap3A_4192, %swap3A_4193, %swap3A_4194] {strides = array<i32>} : memref<16x8x512xf32, #tpu.memory_space<vmem>>, vector<1x1x16xf32>,
        %swap3A_4196 = vector.shape_cast %swap3A_4195 : vector<1x1x16xf32> to vector<16xf32>
        %swap3A_4197 = vector.shape_cast %mul3A_4169 : vector<16xf32> to vector<1x1x16xf32>
        tpu.vector_store %arg5[%swap3A_4192, %swap3A_4193, %swap3A_4194], %swap3A_4197 {strides = array<i32>} : memref<16x8x512xf32, #tpu.memory_space<vmem>>, vector<1x1x16xf32>,
        %swap3A_4198 = arith.constant 5 : i32
        %swap3A_4199 = arith.index_cast %scan3A_59 : i32 to index
        %swap3A_4200 = arith.index_cast %swap3A_4198 : i32 to index
        %swap3A_4201 = arith.constant 464 : index
        %swap3A_4202 = tpu.vector_load %arg5[%swap3A_4199, %swap3A_4200, %swap3A_4201] {strides = array<i32>} : memref<16x8x512xf32, #tpu.memory_space<vmem>>, vector<1x1x16xf32>,
        %swap3A_4203 = vector.shape_cast %swap3A_4202 : vector<1x1x16xf32> to vector<16xf32>
        %swap3A_4204 = vector.shape_cast %mul3A_4169 : vector<16xf32> to vector<1x1x16xf32>
        tpu.vector_store %arg5[%swap3A_4199, %swap3A_4200, %swap3A_4201], %swap3A_4204 {strides = array<i32>} : memref<16x8x512xf32, #tpu.memory_space<vmem>>, vector<1x1x16xf32>,
        %swap3A_4205 = arith.constant 6 : i32
        %swap3A_4206 = arith.index_cast %scan3A_59 : i32 to index
        %swap3A_4207 = arith.index_cast %swap3A_4205 : i32 to index
        %swap3A_4208 = arith.constant 464 : index
        %swap3A_4209 = tpu.vector_load %arg5[%swap3A_4206, %swap3A_4207, %swap3A_4208] {strides = array<i32>} : memref<16x8x512xf32, #tpu.memory_space<vmem>>, vector<1x1x16xf32>,
        %swap3A_4210 = vector.shape_cast %swap3A_4209 : vector<1x1x16xf32> to vector<16xf32>
        %swap3A_4211 = vector.shape_cast %mul3A_4169 : vector<16xf32> to vector<1x1x16xf32>
        tpu.vector_store %arg5[%swap3A_4206, %swap3A_4207, %swap3A_4208], %swap3A_4211 {strides = array<i32>} : memref<16x8x512xf32, #tpu.memory_space<vmem>>, vector<1x1x16xf32>,
        %swap3A_4212 = arith.constant 7 : i32
        %swap3A_4213 = arith.index_cast %scan3A_59 : i32 to index
        %swap3A_4214 = arith.index_cast %swap3A_4212 : i32 to index
        %swap3A_4215 = arith.constant 464 : index
        %swap3A_4216 = tpu.vector_load %arg5[%swap3A_4213, %swap3A_4214, %swap3A_4215] {strides = array<i32>} : memref<16x8x512xf32, #tpu.memory_space<vmem>>, vector<1x1x16xf32>,
        %swap3A_4217 = vector.shape_cast %swap3A_4216 : vector<1x1x16xf32> to vector<16xf32>
        %swap3A_4218 = vector.shape_cast %mul3A_4169 : vector<16xf32> to vector<1x1x16xf32>
        tpu.vector_store %arg5[%swap3A_4213, %swap3A_4214, %swap3A_4215], %swap3A_4218 {strides = array<i32>} : memref<16x8x512xf32, #tpu.memory_space<vmem>>, vector<1x1x16xf32>,
        %mul3A_4219 = arith.mulf %select_n3A_2045, %div3A_2175 : vector<16xf32>
        %swap3A_4220 = arith.constant 1 : i32
        %swap3A_4221 = arith.index_cast %scan3A_59 : i32 to index
        %swap3A_4222 = arith.index_cast %swap3A_4220 : i32 to index
        %swap3A_4223 = arith.constant 480 : index
        %swap3A_4224 = tpu.vector_load %arg5[%swap3A_4221, %swap3A_4222, %swap3A_4223] {strides = array<i32>} : memref<16x8x512xf32, #tpu.memory_space<vmem>>, vector<1x1x16xf32>,
        %swap3A_4225 = vector.shape_cast %swap3A_4224 : vector<1x1x16xf32> to vector<16xf32>
        %swap3A_4226 = vector.shape_cast %mul3A_4219 : vector<16xf32> to vector<1x1x16xf32>
        tpu.vector_store %arg5[%swap3A_4221, %swap3A_4222, %swap3A_4223], %swap3A_4226 {strides = array<i32>} : memref<16x8x512xf32, #tpu.memory_space<vmem>>, vector<1x1x16xf32>,
        %swap3A_4227 = arith.constant 2 : i32
        %swap3A_4228 = arith.index_cast %scan3A_59 : i32 to index
        %swap3A_4229 = arith.index_cast %swap3A_4227 : i32 to index
        %swap3A_4230 = arith.constant 480 : index
        %swap3A_4231 = tpu.vector_load %arg5[%swap3A_4228, %swap3A_4229, %swap3A_4230] {strides = array<i32>} : memref<16x8x512xf32, #tpu.memory_space<vmem>>, vector<1x1x16xf32>,
        %swap3A_4232 = vector.shape_cast %swap3A_4231 : vector<1x1x16xf32> to vector<16xf32>
        %swap3A_4233 = vector.shape_cast %mul3A_4219 : vector<16xf32> to vector<1x1x16xf32>
        tpu.vector_store %arg5[%swap3A_4228, %swap3A_4229, %swap3A_4230], %swap3A_4233 {strides = array<i32>} : memref<16x8x512xf32, #tpu.memory_space<vmem>>, vector<1x1x16xf32>,
        %swap3A_4234 = arith.constant 3 : i32
        %swap3A_4235 = arith.index_cast %scan3A_59 : i32 to index
        %swap3A_4236 = arith.index_cast %swap3A_4234 : i32 to index
        %swap3A_4237 = arith.constant 480 : index
        %swap3A_4238 = tpu.vector_load %arg5[%swap3A_4235, %swap3A_4236, %swap3A_4237] {strides = array<i32>} : memref<16x8x512xf32, #tpu.memory_space<vmem>>, vector<1x1x16xf32>,
        %swap3A_4239 = vector.shape_cast %swap3A_4238 : vector<1x1x16xf32> to vector<16xf32>
        %swap3A_4240 = vector.shape_cast %mul3A_4219 : vector<16xf32> to vector<1x1x16xf32>
        tpu.vector_store %arg5[%swap3A_4235, %swap3A_4236, %swap3A_4237], %swap3A_4240 {strides = array<i32>} : memref<16x8x512xf32, #tpu.memory_space<vmem>>, vector<1x1x16xf32>,
        %swap3A_4241 = arith.constant 4 : i32
        %swap3A_4242 = arith.index_cast %scan3A_59 : i32 to index
        %swap3A_4243 = arith.index_cast %swap3A_4241 : i32 to index
        %swap3A_4244 = arith.constant 480 : index
        %swap3A_4245 = tpu.vector_load %arg5[%swap3A_4242, %swap3A_4243, %swap3A_4244] {strides = array<i32>} : memref<16x8x512xf32, #tpu.memory_space<vmem>>, vector<1x1x16xf32>,
        %swap3A_4246 = vector.shape_cast %swap3A_4245 : vector<1x1x16xf32> to vector<16xf32>
        %swap3A_4247 = vector.shape_cast %mul3A_4219 : vector<16xf32> to vector<1x1x16xf32>
        tpu.vector_store %arg5[%swap3A_4242, %swap3A_4243, %swap3A_4244], %swap3A_4247 {strides = array<i32>} : memref<16x8x512xf32, #tpu.memory_space<vmem>>, vector<1x1x16xf32>,
        %swap3A_4248 = arith.constant 5 : i32
        %swap3A_4249 = arith.index_cast %scan3A_59 : i32 to index
        %swap3A_4250 = arith.index_cast %swap3A_4248 : i32 to index
        %swap3A_4251 = arith.constant 480 : index
        %swap3A_4252 = tpu.vector_load %arg5[%swap3A_4249, %swap3A_4250, %swap3A_4251] {strides = array<i32>} : memref<16x8x512xf32, #tpu.memory_space<vmem>>, vector<1x1x16xf32>,
        %swap3A_4253 = vector.shape_cast %swap3A_4252 : vector<1x1x16xf32> to vector<16xf32>
        %swap3A_4254 = vector.shape_cast %mul3A_4219 : vector<16xf32> to vector<1x1x16xf32>
        tpu.vector_store %arg5[%swap3A_4249, %swap3A_4250, %swap3A_4251], %swap3A_4254 {strides = array<i32>} : memref<16x8x512xf32, #tpu.memory_space<vmem>>, vector<1x1x16xf32>,
        %swap3A_4255 = arith.constant 6 : i32
        %swap3A_4256 = arith.index_cast %scan3A_59 : i32 to index
        %swap3A_4257 = arith.index_cast %swap3A_4255 : i32 to index
        %swap3A_4258 = arith.constant 480 : index
        %swap3A_4259 = tpu.vector_load %arg5[%swap3A_4256, %swap3A_4257, %swap3A_4258] {strides = array<i32>} : memref<16x8x512xf32, #tpu.memory_space<vmem>>, vector<1x1x16xf32>,
        %swap3A_4260 = vector.shape_cast %swap3A_4259 : vector<1x1x16xf32> to vector<16xf32>
        %swap3A_4261 = vector.shape_cast %mul3A_4219 : vector<16xf32> to vector<1x1x16xf32>
        tpu.vector_store %arg5[%swap3A_4256, %swap3A_4257, %swap3A_4258], %swap3A_4261 {strides = array<i32>} : memref<16x8x512xf32, #tpu.memory_space<vmem>>, vector<1x1x16xf32>,
        %swap3A_4262 = arith.constant 7 : i32
        %swap3A_4263 = arith.index_cast %scan3A_59 : i32 to index
        %swap3A_4264 = arith.index_cast %swap3A_4262 : i32 to index
        %swap3A_4265 = arith.constant 480 : index
        %swap3A_4266 = tpu.vector_load %arg5[%swap3A_4263, %swap3A_4264, %swap3A_4265] {strides = array<i32>} : memref<16x8x512xf32, #tpu.memory_space<vmem>>, vector<1x1x16xf32>,
        %swap3A_4267 = vector.shape_cast %swap3A_4266 : vector<1x1x16xf32> to vector<16xf32>
        %swap3A_4268 = vector.shape_cast %mul3A_4219 : vector<16xf32> to vector<1x1x16xf32>
        tpu.vector_store %arg5[%swap3A_4263, %swap3A_4264, %swap3A_4265], %swap3A_4268 {strides = array<i32>} : memref<16x8x512xf32, #tpu.memory_space<vmem>>, vector<1x1x16xf32>,
        %mul3A_4269 = arith.mulf %select_n3A_2049, %div3A_2175 : vector<16xf32>
        %swap3A_4270 = arith.constant 1 : i32
        %swap3A_4271 = arith.index_cast %scan3A_59 : i32 to index
        %swap3A_4272 = arith.index_cast %swap3A_4270 : i32 to index
        %swap3A_4273 = arith.constant 496 : index
        %swap3A_4274 = tpu.vector_load %arg5[%swap3A_4271, %swap3A_4272, %swap3A_4273] {strides = array<i32>} : memref<16x8x512xf32, #tpu.memory_space<vmem>>, vector<1x1x16xf32>,
        %swap3A_4275 = vector.shape_cast %swap3A_4274 : vector<1x1x16xf32> to vector<16xf32>
        %swap3A_4276 = vector.shape_cast %mul3A_4269 : vector<16xf32> to vector<1x1x16xf32>
        tpu.vector_store %arg5[%swap3A_4271, %swap3A_4272, %swap3A_4273], %swap3A_4276 {strides = array<i32>} : memref<16x8x512xf32, #tpu.memory_space<vmem>>, vector<1x1x16xf32>,
        %swap3A_4277 = arith.constant 2 : i32
        %swap3A_4278 = arith.index_cast %scan3A_59 : i32 to index
        %swap3A_4279 = arith.index_cast %swap3A_4277 : i32 to index
        %swap3A_4280 = arith.constant 496 : index
        %swap3A_4281 = tpu.vector_load %arg5[%swap3A_4278, %swap3A_4279, %swap3A_4280] {strides = array<i32>} : memref<16x8x512xf32, #tpu.memory_space<vmem>>, vector<1x1x16xf32>,
        %swap3A_4282 = vector.shape_cast %swap3A_4281 : vector<1x1x16xf32> to vector<16xf32>
        %swap3A_4283 = vector.shape_cast %mul3A_4269 : vector<16xf32> to vector<1x1x16xf32>
        tpu.vector_store %arg5[%swap3A_4278, %swap3A_4279, %swap3A_4280], %swap3A_4283 {strides = array<i32>} : memref<16x8x512xf32, #tpu.memory_space<vmem>>, vector<1x1x16xf32>,
        %swap3A_4284 = arith.constant 3 : i32
        %swap3A_4285 = arith.index_cast %scan3A_59 : i32 to index
        %swap3A_4286 = arith.index_cast %swap3A_4284 : i32 to index
        %swap3A_4287 = arith.constant 496 : index
        %swap3A_4288 = tpu.vector_load %arg5[%swap3A_4285, %swap3A_4286, %swap3A_4287] {strides = array<i32>} : memref<16x8x512xf32, #tpu.memory_space<vmem>>, vector<1x1x16xf32>,
        %swap3A_4289 = vector.shape_cast %swap3A_4288 : vector<1x1x16xf32> to vector<16xf32>
        %swap3A_4290 = vector.shape_cast %mul3A_4269 : vector<16xf32> to vector<1x1x16xf32>
        tpu.vector_store %arg5[%swap3A_4285, %swap3A_4286, %swap3A_4287], %swap3A_4290 {strides = array<i32>} : memref<16x8x512xf32, #tpu.memory_space<vmem>>, vector<1x1x16xf32>,
        %swap3A_4291 = arith.constant 4 : i32
        %swap3A_4292 = arith.index_cast %scan3A_59 : i32 to index
        %swap3A_4293 = arith.index_cast %swap3A_4291 : i32 to index
        %swap3A_4294 = arith.constant 496 : index
        %swap3A_4295 = tpu.vector_load %arg5[%swap3A_4292, %swap3A_4293, %swap3A_4294] {strides = array<i32>} : memref<16x8x512xf32, #tpu.memory_space<vmem>>, vector<1x1x16xf32>,
        %swap3A_4296 = vector.shape_cast %swap3A_4295 : vector<1x1x16xf32> to vector<16xf32>
        %swap3A_4297 = vector.shape_cast %mul3A_4269 : vector<16xf32> to vector<1x1x16xf32>
        tpu.vector_store %arg5[%swap3A_4292, %swap3A_4293, %swap3A_4294], %swap3A_4297 {strides = array<i32>} : memref<16x8x512xf32, #tpu.memory_space<vmem>>, vector<1x1x16xf32>,
        %swap3A_4298 = arith.constant 5 : i32
        %swap3A_4299 = arith.index_cast %scan3A_59 : i32 to index
        %swap3A_4300 = arith.index_cast %swap3A_4298 : i32 to index
        %swap3A_4301 = arith.constant 496 : index
        %swap3A_4302 = tpu.vector_load %arg5[%swap3A_4299, %swap3A_4300, %swap3A_4301] {strides = array<i32>} : memref<16x8x512xf32, #tpu.memory_space<vmem>>, vector<1x1x16xf32>,
        %swap3A_4303 = vector.shape_cast %swap3A_4302 : vector<1x1x16xf32> to vector<16xf32>
        %swap3A_4304 = vector.shape_cast %mul3A_4269 : vector<16xf32> to vector<1x1x16xf32>
        tpu.vector_store %arg5[%swap3A_4299, %swap3A_4300, %swap3A_4301], %swap3A_4304 {strides = array<i32>} : memref<16x8x512xf32, #tpu.memory_space<vmem>>, vector<1x1x16xf32>,
        %swap3A_4305 = arith.constant 6 : i32
        %swap3A_4306 = arith.index_cast %scan3A_59 : i32 to index
        %swap3A_4307 = arith.index_cast %swap3A_4305 : i32 to index
        %swap3A_4308 = arith.constant 496 : index
        %swap3A_4309 = tpu.vector_load %arg5[%swap3A_4306, %swap3A_4307, %swap3A_4308] {strides = array<i32>} : memref<16x8x512xf32, #tpu.memory_space<vmem>>, vector<1x1x16xf32>,
        %swap3A_4310 = vector.shape_cast %swap3A_4309 : vector<1x1x16xf32> to vector<16xf32>
        %swap3A_4311 = vector.shape_cast %mul3A_4269 : vector<16xf32> to vector<1x1x16xf32>
        tpu.vector_store %arg5[%swap3A_4306, %swap3A_4307, %swap3A_4308], %swap3A_4311 {strides = array<i32>} : memref<16x8x512xf32, #tpu.memory_space<vmem>>, vector<1x1x16xf32>,
        %swap3A_4312 = arith.constant 7 : i32
        %swap3A_4313 = arith.index_cast %scan3A_59 : i32 to index
        %swap3A_4314 = arith.index_cast %swap3A_4312 : i32 to index
        %swap3A_4315 = arith.constant 496 : index
        %swap3A_4316 = tpu.vector_load %arg5[%swap3A_4313, %swap3A_4314, %swap3A_4315] {strides = array<i32>} : memref<16x8x512xf32, #tpu.memory_space<vmem>>, vector<1x1x16xf32>,
        %swap3A_4317 = vector.shape_cast %swap3A_4316 : vector<1x1x16xf32> to vector<16xf32>
        %swap3A_4318 = vector.shape_cast %mul3A_4269 : vector<16xf32> to vector<1x1x16xf32>
        tpu.vector_store %arg5[%swap3A_4313, %swap3A_4314, %swap3A_4315], %swap3A_4318 {strides = array<i32>} : memref<16x8x512xf32, #tpu.memory_space<vmem>>, vector<1x1x16xf32>,
      }
      %scan3A_58 = arith.constant 16 : i32
      "tpu.region"() ({
        %run_scoped3A = tpu.sem_alloc : memref<!tpu.dma_semaphore, #tpu.memory_space<semaphore_mem>>
        %dma_start3A = arith.constant 0 : i32
        %dma_start3A_59 = arith.constant 0 : i32
        %dma_start3A_60 = tpu.memref_slice %arg3[%select_n3A, %add3A_52, %dma_start3A, %dma_start3A_59] : memref<8x512x8x512xf32, #tpu.memory_space<hbm>> -> memref<1x16x8x512xf32, #tpu.memory_space<hbm>>
        %dma_start3A_61 = tpu.memref_squeeze %dma_start3A_60 : memref<1x16x8x512xf32, #tpu.memory_space<hbm>> -> memref<16x8x512xf32, #tpu.memory_space<hbm>>
        %dma_start3A_62 = arith.constant 0 : i32
        %dma_start3A_63 = arith.constant 0 : i32
        %dma_start3A_64 = tpu.memref_slice %arg3[%select_n3A, %add3A_52, %dma_start3A_62, %dma_start3A_63] : memref<8x512x8x512xf32, #tpu.memory_space<hbm>> -> memref<1x16x8x512xf32, #tpu.memory_space<hbm>>
        %dma_start3A_65 = tpu.memref_squeeze %dma_start3A_64 : memref<1x16x8x512xf32, #tpu.memory_space<hbm>> -> memref<16x8x512xf32, #tpu.memory_space<hbm>>
        tpu.enqueue_dma source(%arg5 : memref<16x8x512xf32, #tpu.memory_space<vmem>>) target(%dma_start3A_65 : memref<16x8x512xf32, #tpu.memory_space<hbm>>) target_semaphore(%run_scoped3A : memref<!tpu.dma_semaphore, #tpu.memory_space<semaphore_mem>>)
        %dma_wait3A = arith.constant 0 : i32
        %dma_wait3A_66 = arith.constant 0 : i32
        %dma_wait3A_67 = tpu.memref_slice %arg3[%select_n3A, %add3A_52, %dma_wait3A, %dma_wait3A_66] : memref<8x512x8x512xf32, #tpu.memory_space<hbm>> -> memref<1x16x8x512xf32, #tpu.memory_space<hbm>>
        %dma_wait3A_68 = tpu.memref_squeeze %dma_wait3A_67 : memref<1x16x8x512xf32, #tpu.memory_space<hbm>> -> memref<16x8x512xf32, #tpu.memory_space<hbm>>
        %dma_wait3A_69 = arith.constant 0 : i32
        %dma_wait3A_70 = arith.constant 0 : i32
        %dma_wait3A_71 = tpu.memref_slice %arg3[%select_n3A, %add3A_52, %dma_wait3A_69, %dma_wait3A_70] : memref<8x512x8x512xf32, #tpu.memory_space<hbm>> -> memref<1x16x8x512xf32, #tpu.memory_space<hbm>>
        %dma_wait3A_72 = tpu.memref_squeeze %dma_wait3A_71 : memref<1x16x8x512xf32, #tpu.memory_space<hbm>> -> memref<16x8x512xf32, #tpu.memory_space<hbm>>
        tpu.wait_dma2 semaphore(%run_scoped3A : memref<!tpu.dma_semaphore, #tpu.memory_space<semaphore_mem>>) src(%arg5 : memref<16x8x512xf32, #tpu.memory_space<vmem>>) dst(%dma_wait3A_72 : memref<16x8x512xf32, #tpu.memory_space<hbm>>)
        tpu.yield
      }) : () -> ()
    }
    %scan3A_48 = arith.constant 8 : i32
    return
  }
}

module attributes {stable_mosaic.version = 14 : i64} {
  func.func @_tc_adj_kernel(%arg0: i32, %arg1: i32, %arg2: memref<1x512x512xf32, #tpu.memory_space<vmem>>, %arg3: memref<1x512x8x512xf32, #tpu.memory_space<vmem>>) attributes {dimension_semantics = [#tpu.dimension_semantics<arbitrary>, #tpu.dimension_semantics<arbitrary>], iteration_bounds = array<i64: 24, 1>, scalar_prefetch = 0 : i64, scratch_operands = 0 : i64, tpu.core_type = #tpu.core_type<tc>, window_params = [{transform_indices = @transform_0, window_bounds = array<i64: 1, 512, 512>}, {transform_indices = @transform_1, window_bounds = array<i64: 1, 512, 8, 512>}]} {
    %get3A = arith.constant 0 : index
    %get3A_0 = arith.constant 0 : index
    %get3A_1 = arith.constant 0 : index
    %get3A_2 = vector.load %arg2[%get3A, %get3A_0, %get3A_1] : memref<1x512x512xf32, #tpu.memory_space<vmem>>, vector<1x512x512xf32>
    %get3A_3 = vector.shape_cast %get3A_2 : vector<1x512x512xf32> to vector<512x512xf32>
    %iota3A = tpu.iota {dimensions = array<i32: 1>} : vector<512x512xi32>
    %iota3A_4 = tpu.iota {dimensions = array<i32: 0>} : vector<512x512xi32>
    %mul3A = arith.constant 512 : i32
    %mul3A_5 = arith.muli %arg1, %mul3A : i32
    %add3A = vector.broadcast %mul3A_5 : i32 to vector<512x512xi32>
    %add3A_6 = arith.addi %iota3A_4, %add3A : vector<512x512xi32>
    %eq3A = arith.cmpi eq, %iota3A, %add3A_6 : vector<512x512xi32>
    %jit3A = arith.constant -3.000000e+38 : f32
    %broadcast_in_dim3A = vector.broadcast %jit3A : f32 to vector<512x512xf32>
    %select_n3A = arith.select %eq3A, %broadcast_in_dim3A, %get3A_3 : vector<512x512xi1>, vector<512x512xf32>
    %reduce_max3A = arith.constant dense<0xFF800000> : vector<512xf32>
    %reduce_max3A_7 = vector.multi_reduction <maximumf>, %select_n3A, %reduce_max3A [1] : vector<512x512xf32> to vector<512xf32>
    %broadcast_in_dim3A_8 = vector.shape_cast %reduce_max3A_7 : vector<512xf32> to vector<512x1xf32>
    %broadcast_in_dim3A_9 = arith.constant false
    %broadcast_in_dim3A_10 = vector.broadcast %broadcast_in_dim3A_9 : i1 to vector<512x512xi1>
    %eq3A_11 = vector.broadcast %broadcast_in_dim3A_8 : vector<512x1xf32> to vector<512x512xf32>
    %eq3A_12 = arith.cmpf oeq, %select_n3A, %eq3A_11 : vector<512x512xf32>
    %or3A = arith.ori %broadcast_in_dim3A_10, %eq3A_12 : vector<512x512xi1>
    %jit3A_13 = arith.constant -3.000000e+38 : f32
    %broadcast_in_dim3A_14 = vector.broadcast %jit3A_13 : f32 to vector<512x512xf32>
    %select_n3A_15 = arith.select %eq3A_12, %broadcast_in_dim3A_14, %select_n3A : vector<512x512xi1>, vector<512x512xf32>
    %reduce_max3A_16 = arith.constant dense<0xFF800000> : vector<512xf32>
    %reduce_max3A_17 = vector.multi_reduction <maximumf>, %select_n3A_15, %reduce_max3A_16 [1] : vector<512x512xf32> to vector<512xf32>
    %broadcast_in_dim3A_18 = vector.shape_cast %reduce_max3A_17 : vector<512xf32> to vector<512x1xf32>
    %eq3A_19 = vector.broadcast %broadcast_in_dim3A_18 : vector<512x1xf32> to vector<512x512xf32>
    %eq3A_20 = arith.cmpf oeq, %select_n3A_15, %eq3A_19 : vector<512x512xf32>
    %or3A_21 = arith.ori %or3A, %eq3A_20 : vector<512x512xi1>
    %jit3A_22 = arith.constant -3.000000e+38 : f32
    %broadcast_in_dim3A_23 = vector.broadcast %jit3A_22 : f32 to vector<512x512xf32>
    %select_n3A_24 = arith.select %eq3A_20, %broadcast_in_dim3A_23, %select_n3A_15 : vector<512x512xi1>, vector<512x512xf32>
    %reduce_max3A_25 = arith.constant dense<0xFF800000> : vector<512xf32>
    %reduce_max3A_26 = vector.multi_reduction <maximumf>, %select_n3A_24, %reduce_max3A_25 [1] : vector<512x512xf32> to vector<512xf32>
    %broadcast_in_dim3A_27 = vector.shape_cast %reduce_max3A_26 : vector<512xf32> to vector<512x1xf32>
    %eq3A_28 = vector.broadcast %broadcast_in_dim3A_27 : vector<512x1xf32> to vector<512x512xf32>
    %eq3A_29 = arith.cmpf oeq, %select_n3A_24, %eq3A_28 : vector<512x512xf32>
    %or3A_30 = arith.ori %or3A_21, %eq3A_29 : vector<512x512xi1>
    %jit3A_31 = arith.constant -3.000000e+38 : f32
    %broadcast_in_dim3A_32 = vector.broadcast %jit3A_31 : f32 to vector<512x512xf32>
    %select_n3A_33 = arith.select %eq3A_29, %broadcast_in_dim3A_32, %select_n3A_24 : vector<512x512xi1>, vector<512x512xf32>
    %reduce_max3A_34 = arith.constant dense<0xFF800000> : vector<512xf32>
    %reduce_max3A_35 = vector.multi_reduction <maximumf>, %select_n3A_33, %reduce_max3A_34 [1] : vector<512x512xf32> to vector<512xf32>
    %broadcast_in_dim3A_36 = vector.shape_cast %reduce_max3A_35 : vector<512xf32> to vector<512x1xf32>
    %eq3A_37 = vector.broadcast %broadcast_in_dim3A_36 : vector<512x1xf32> to vector<512x512xf32>
    %eq3A_38 = arith.cmpf oeq, %select_n3A_33, %eq3A_37 : vector<512x512xf32>
    %or3A_39 = arith.ori %or3A_30, %eq3A_38 : vector<512x512xi1>
    %jit3A_40 = arith.constant -3.000000e+38 : f32
    %broadcast_in_dim3A_41 = vector.broadcast %jit3A_40 : f32 to vector<512x512xf32>
    %select_n3A_42 = arith.select %eq3A_38, %broadcast_in_dim3A_41, %select_n3A_33 : vector<512x512xi1>, vector<512x512xf32>
    %reduce_max3A_43 = arith.constant dense<0xFF800000> : vector<512xf32>
    %reduce_max3A_44 = vector.multi_reduction <maximumf>, %select_n3A_42, %reduce_max3A_43 [1] : vector<512x512xf32> to vector<512xf32>
    %broadcast_in_dim3A_45 = vector.shape_cast %reduce_max3A_44 : vector<512xf32> to vector<512x1xf32>
    %eq3A_46 = vector.broadcast %broadcast_in_dim3A_45 : vector<512x1xf32> to vector<512x512xf32>
    %eq3A_47 = arith.cmpf oeq, %select_n3A_42, %eq3A_46 : vector<512x512xf32>
    %or3A_48 = arith.ori %or3A_39, %eq3A_47 : vector<512x512xi1>
    %jit3A_49 = arith.constant -3.000000e+38 : f32
    %broadcast_in_dim3A_50 = vector.broadcast %jit3A_49 : f32 to vector<512x512xf32>
    %select_n3A_51 = arith.select %eq3A_47, %broadcast_in_dim3A_50, %select_n3A_42 : vector<512x512xi1>, vector<512x512xf32>
    %reduce_max3A_52 = arith.constant dense<0xFF800000> : vector<512xf32>
    %reduce_max3A_53 = vector.multi_reduction <maximumf>, %select_n3A_51, %reduce_max3A_52 [1] : vector<512x512xf32> to vector<512xf32>
    %broadcast_in_dim3A_54 = vector.shape_cast %reduce_max3A_53 : vector<512xf32> to vector<512x1xf32>
    %eq3A_55 = vector.broadcast %broadcast_in_dim3A_54 : vector<512x1xf32> to vector<512x512xf32>
    %eq3A_56 = arith.cmpf oeq, %select_n3A_51, %eq3A_55 : vector<512x512xf32>
    %or3A_57 = arith.ori %or3A_48, %eq3A_56 : vector<512x512xi1>
    %jit3A_58 = arith.constant -3.000000e+38 : f32
    %broadcast_in_dim3A_59 = vector.broadcast %jit3A_58 : f32 to vector<512x512xf32>
    %select_n3A_60 = arith.select %eq3A_56, %broadcast_in_dim3A_59, %select_n3A_51 : vector<512x512xi1>, vector<512x512xf32>
    %reduce_max3A_61 = arith.constant dense<0xFF800000> : vector<512xf32>
    %reduce_max3A_62 = vector.multi_reduction <maximumf>, %select_n3A_60, %reduce_max3A_61 [1] : vector<512x512xf32> to vector<512xf32>
    %broadcast_in_dim3A_63 = vector.shape_cast %reduce_max3A_62 : vector<512xf32> to vector<512x1xf32>
    %eq3A_64 = vector.broadcast %broadcast_in_dim3A_63 : vector<512x1xf32> to vector<512x512xf32>
    %eq3A_65 = arith.cmpf oeq, %select_n3A_60, %eq3A_64 : vector<512x512xf32>
    %or3A_66 = arith.ori %or3A_57, %eq3A_65 : vector<512x512xi1>
    %sub3A = vector.broadcast %broadcast_in_dim3A_8 : vector<512x1xf32> to vector<512x512xf32>
    %sub3A_67 = arith.subf %get3A_3, %sub3A : vector<512x512xf32>
    %min3A = arith.constant 6.000000e+01 : f32
    %min3A_68 = vector.broadcast %min3A : f32 to vector<512x512xf32>
    %min3A_69 = arith.minimumf %sub3A_67, %min3A_68 : vector<512x512xf32>
    %exp3A = math.exp %min3A_69 : vector<512x512xf32>
    %reduce_sum3A = arith.constant dense<0.000000e+00> : vector<512xf32>
    %reduce_sum3A_70 = vector.multi_reduction <add>, %exp3A, %reduce_sum3A [1] : vector<512x512xf32> to vector<512xf32>
    %broadcast_in_dim3A_71 = vector.shape_cast %reduce_sum3A_70 : vector<512xf32> to vector<512x1xf32>
    %jit3A_72 = arith.constant 0.000000e+00 : f32
    %broadcast_in_dim3A_73 = vector.broadcast %jit3A_72 : f32 to vector<512x512xf32>
    %select_n3A_74 = arith.select %or3A_66, %exp3A, %broadcast_in_dim3A_73 : vector<512x512xi1>, vector<512x512xf32>
    %reduce_sum3A_75 = arith.constant dense<0.000000e+00> : vector<512xf32>
    %reduce_sum3A_76 = vector.multi_reduction <add>, %select_n3A_74, %reduce_sum3A_75 [1] : vector<512x512xf32> to vector<512xf32>
    %broadcast_in_dim3A_77 = vector.shape_cast %reduce_sum3A_76 : vector<512xf32> to vector<512x1xf32>
    %mul3A_78 = arith.constant 9.99999993E-9 : f32
    %mul3A_79 = vector.broadcast %mul3A_78 : f32 to vector<512x1xf32>
    %mul3A_80 = arith.mulf %mul3A_79, %broadcast_in_dim3A_71 : vector<512x1xf32>
    %add3A_81 = arith.addf %broadcast_in_dim3A_77, %mul3A_80 : vector<512x1xf32>
    %div3A = vector.broadcast %add3A_81 : vector<512x1xf32> to vector<512x512xf32>
    %div3A_82 = arith.divf %select_n3A_74, %div3A : vector<512x512xf32>
    %jit3A_83 = arith.constant 1.000000e+00 : f32
    %jit3A_84 = arith.constant 0.000000e+00 : f32
    %broadcast_in_dim3A_85 = vector.broadcast %jit3A_83 : f32 to vector<512x512xf32>
    %broadcast_in_dim3A_86 = vector.broadcast %jit3A_84 : f32 to vector<512x512xf32>
    %select_n3A_87 = arith.select %eq3A, %broadcast_in_dim3A_85, %broadcast_in_dim3A_86 : vector<512x512xi1>, vector<512x512xf32>
    %swap3A = arith.constant 0 : index
    %swap3A_88 = arith.constant 0 : index
    %swap3A_89 = arith.constant 0 : index
    %swap3A_90 = arith.constant 0 : index
    %swap3A_91 = vector.load %arg3[%swap3A, %swap3A_88, %swap3A_89, %swap3A_90] : memref<1x512x8x512xf32, #tpu.memory_space<vmem>>, vector<1x512x1x512xf32>
    %swap3A_92 = vector.shape_cast %swap3A_91 : vector<1x512x1x512xf32> to vector<512x512xf32>
    %swap3A_93 = vector.shape_cast %select_n3A_87 : vector<512x512xf32> to vector<1x512x1x512xf32>
    tpu.vector_store %arg3[%swap3A, %swap3A_88, %swap3A_89, %swap3A_90], %swap3A_93 {strides = array<i32>} : memref<1x512x8x512xf32, #tpu.memory_space<vmem>>, vector<1x512x1x512xf32>,
    %broadcast_in_dim3A_94 = vector.shape_cast %div3A_82 : vector<512x512xf32> to vector<512x1x512xf32>
    %broadcast_in_dim3A_95 = vector.shape_cast %broadcast_in_dim3A_94 : vector<512x1x512xf32> to vector<512x1x512xf32>
    %broadcast_in_dim3A_96 = vector.broadcast %broadcast_in_dim3A_95 : vector<512x1x512xf32> to vector<512x7x512xf32>
    %swap3A_97 = arith.constant 0 : index
    %swap3A_98 = arith.constant 0 : index
    %swap3A_99 = arith.constant 1 : index
    %swap3A_100 = arith.constant 0 : index
    %swap3A_101 = vector.load %arg3[%swap3A_97, %swap3A_98, %swap3A_99, %swap3A_100] : memref<1x512x8x512xf32, #tpu.memory_space<vmem>>, vector<1x512x7x512xf32>
    %swap3A_102 = vector.shape_cast %swap3A_101 : vector<1x512x7x512xf32> to vector<512x7x512xf32>
    %swap3A_103 = vector.shape_cast %broadcast_in_dim3A_96 : vector<512x7x512xf32> to vector<1x512x7x512xf32>
    tpu.vector_store %arg3[%swap3A_97, %swap3A_98, %swap3A_99, %swap3A_100], %swap3A_103 {strides = array<i32>} : memref<1x512x8x512xf32, #tpu.memory_space<vmem>>, vector<1x512x7x512xf32>,
    return
  }
  func.func @transform_0(%arg0: i32, %arg1: i32) -> (i32, i32, i32) {
    %c0_i32 = arith.constant 0 : i32
    %c0_i32_0 = arith.constant 0 : i32
    return %arg0, %arg1, %c0_i32 : i32, i32, i32
  }
  func.func @transform_1(%arg0: i32, %arg1: i32) -> (i32, i32, i32, i32) {
    %c0_i32 = arith.constant 0 : i32
    %c0_i32_0 = arith.constant 0 : i32
    %c0_i32_1 = arith.constant 0 : i32
    return %arg0, %arg1, %c0_i32, %c0_i32_0 : i32, i32, i32, i32
  }
}

</mosaic_0001>

<sc_bundles>
// kernel: kernel.4.cloned.1.call-start
scs
__scs_entry_jumppad:
0x0: {  	(pc) =	sbr.rel $0x88, $3  }
0x1: {  	(tag) =	ssettag $0x0;
	lr =	simm.s32 $0x1  }
0x2: {  	[smem:$0x3FA0] =	sst lr;
	_ =	strace $0xD0000000  }
0x3: {  	_ = 	snop  }
0x4: {  	_ = 	snop  }
0x5: {  	_ = 	snop  }
0x6: {  	_ = 	snop  }
0x7: {  	_ = 	snop  }
__scs_overlays_trampoline_lowered:
0x8: {  	[smem:$0x3FAF] =	sst s0  }
0x9: {  	[smem:$0x3FB0] =	sst s1  }
0xa: {  	[smem:$0x3FB1] =	sst s2  }
0xb: {  	[smem:$0x3FB2] =	sst s3  }
0xc: {  	[smem:$0x3FB3] =	sst s4  }
0xd: {  	[smem:$0x3FB4] =	sst s5  }
0xe: {  	[smem:$0x3FB5] =	sst s6  }
0xf: {  	[smem:$0x3FB6] =	sst s7  }
0x10: {  	[smem:$0x3FB7] =	sst s8  }
0x11: {  	[smem:$0x3FB8] =	sst s9;
	s0 =	simm.s32 @!p0 $0x0  }
0x12: {  	s1 =	sld [smem:$0x3F9E];
	s0 =	simm.s32 @p0 $0x1  }
0x13: {  	[smem:$0x3FB9] =	sst s0;
	s0 =	simm.s32 @!p1 $0x0  }
0x14: {  	s2 =	sld [smem:$0x3F9D];
	s0 =	simm.s32 @p1 $0x1  }
0x15: {  	[smem:$0x3FBA] =	sst s0;
	s0 =	simm.s32 @!p2 $0x0  }
0x16: {  	s3 =	sld [smem:$0x3FDB];
	s0 =	simm.s32 @p2 $0x1  }
0x17: {  	s4 =	simm.s32 $0x1BF5;
	[smem:$0x3FBC] =	sst s0  }
0x18: {  	s0 =	sld [smem:$0x3F9F];
	_ =	swait.ge [sflag:s4], $0x0  }
0x19: {  	s7 =	sld [smem:$0x3FA0]  }
0x1a: {  	s8 =	sadd.s32 $0xFFFFE003, lr  }
0x1b: {  	s9 =	sadd.s32 $0xFFFFFEF7, lr;
	s5 =	simm.s32 $0xFFFFFFFF;
	p2 =	slt.u32 s8, $0xFFFFF086  }
0x1c: {  	p1 =	slt.u32 s9, $0xF7A;
	s5 =	simm.s32 @!p2 $0x0  }
0x1d: {  	s5 =	simm.s32 @p1 $0x1;
	p0 =	seq.s32 s7, s2  }
0x1e: {  	s7 =	smul.u32 @!p0 $0xF7A, s2;
	p2 =	seq.s32 @!p0 s5, $0x0  }
0x1f: {  	s9 =	smul.u32 $0xF7A, s1;
	s8 =	simm.s32 @!p0 $0x1BF5;
	p2 =	por !p2, p0  }
0x20: {  	[sflag:s8] =	ssyncset.s32 @!p0 $0xFFFFF086;
	s6 =	sadd.s32 @!p0 s3, s7;
	s7 =	simm.s32 @!p0 $0x108  }
0x21: {  	s3 =	sadd.s32 s3, s9;
	s6 =	sadd.s32 @!p0 $0x88, s6;
	s7 =	simm.s32 @p2 $0x1082  }
0x22: {  	[simem:s7], [sflag:s8] =	dma.local @!p0 [hbm:s6], $0xF7A  }
0x23: {  	s9 =	sor.u32 $0xD0000000, s2;
	s6 =	simm.s32 $0x108;
	_ =	swait.ge @!p0 [sflag:s8], $0x0  }
0x24: {  	s3 =	sadd.s32 $0x88, s3;
	s6 =	simm.s32 @!p1 $0x1082;
	[sflag:s4] =	ssyncset.s32 $0xFFFFF086  }
0x25: {  	[simem:s6], [sflag:s4] =	dma.local [hbm:s3], $0xF7A  }
0x26: {  	[smem:$0x3FA0] =	sst s1;
	(tag) =	ssettag s2;
	_ =	strace s9  }
0x27: {  	s1 =	sld [smem:$0x3FB0]  }
0x28: {  	s2 =	sld [smem:$0x3FB1]  }
0x29: {  	s4 =	sld [smem:$0x3FB3]  }
0x2a: {  	p0 =	seq.s32 s5, $0x0;
	s5 =	sld [smem:$0x3FB4]  }
0x2b: {  	s6 =	sld [smem:$0x3FB5]  }
0x2c: {  	s7 =	sld [smem:$0x3FB6]  }
0x2d: {  	s3 =	simm.s32 $0x108;
	s8 =	sld [smem:$0x3FB7]  }
0x2e: {  	s3 =	simm.s32 @!p0 $0x1082;
	s9 =	sld [smem:$0x3FB8]  }
0x2f: {  	lr =	sadd.s32 s0, s3;
	s0 =	sld [smem:$0x3FAF]  }
0x30: {  	s3 =	sld [smem:$0x3FB2]  }
0x31: {  	[smem:$0x3FBB] =	sst s10  }
0x32: {  	s10 =	sld [smem:$0x3FB9];
	_ =	sdelay $0x3  }
0x33: {  	p0 =	seq.s32 s10, $0x1;
	s10 =	sld [smem:$0x3FBB];
	_ =	sdelay $0x3  }
0x34: {  	[smem:$0x3FBB] =	sst s10  }
0x35: {  	s10 =	sld [smem:$0x3FBA];
	_ =	sdelay $0x3  }
0x36: {  	p1 =	seq.s32 s10, $0x1;
	s10 =	sld [smem:$0x3FBB];
	_ =	sdelay $0x3  }
0x37: {  	[smem:$0x3FBB] =	sst s10  }
0x38: {  	s10 =	sld [smem:$0x3FBC]  }
0x39: {  	_ = 	snop;
	(pc) =	sbr.ind lr, $3  }
0x3a: {  	_ = 	snop  }
0x3b: {  	_ = 	snop  }
0x3c: {  	p2 =	seq.s32 s10, $0x1;
	s10 =	sld [smem:$0x3FBB]  }
0x3d: {  	_ =	shalt  }
0x3e: {  	_ =	shalt  }
0x3f: {  	_ =	shalt  }
0x40: {  	_ =	shalt  }
0x41: {  	_ =	shalt  }
0x42: {  	_ =	shalt  }
0x43: {  	_ =	shalt  }
0x44: {  	_ =	shalt  }
0x45: {  	_ =	shalt  }
0x46: {  	_ =	shalt  }
0x47: {  	_ =	shalt  }
0x48: {  	_ =	shalt  }
0x49: {  	_ =	shalt  }
0x4a: {  	_ =	shalt  }
0x4b: {  	_ =	shalt  }
0x4c: {  	_ =	shalt  }
0x4d: {  	_ =	shalt  }
0x4e: {  	_ =	shalt  }
0x4f: {  	_ =	shalt  }
0x50: {  	_ =	shalt  }
0x51: {  	_ =	shalt  }
0x52: {  	_ =	shalt  }
0x53: {  	_ =	shalt  }
0x54: {  	_ =	shalt  }
0x55: {  	_ =	shalt  }
0x56: {  	_ =	shalt  }
0x57: {  	_ =	shalt  }
0x58: {  	_ =	shalt  }
0x59: {  	_ =	shalt  }
0x5a: {  	_ =	shalt  }
0x5b: {  	_ =	shalt  }
0x5c: {  	_ =	shalt  }
0x5d: {  	_ =	shalt  }
0x5e: {  	_ =	shalt  }
0x5f: {  	_ =	shalt  }
0x60: {  	_ =	shalt  }
0x61: {  	_ =	shalt  }
0x62: {  	_ =	shalt  }
0x63: {  	_ =	shalt  }
0x64: {  	_ =	shalt  }
0x65: {  	_ =	shalt  }
0x66: {  	_ =	shalt  }
0x67: {  	_ =	shalt  }
0x68: {  	_ =	shalt  }
0x69: {  	_ =	shalt  }
0x6a: {  	_ =	shalt  }
0x6b: {  	_ =	shalt  }
0x6c: {  	_ =	shalt  }
0x6d: {  	_ =	shalt  }
0x6e: {  	_ =	shalt  }
0x6f: {  	_ =	shalt  }
0x70: {  	_ =	shalt  }
0x71: {  	_ =	shalt  }
0x72: {  	_ =	shalt  }
0x73: {  	_ =	shalt  }
0x74: {  	_ =	shalt  }
0x75: {  	_ =	shalt  }
0x76: {  	_ =	shalt  }
0x77: {  	_ =	shalt  }
0x78: {  	_ =	shalt  }
0x79: {  	_ =	shalt  }
0x7a: {  	_ =	shalt  }
0x7b: {  	_ =	shalt  }
0x7c: {  	_ =	shalt  }
0x7d: {  	_ =	shalt  }
0x7e: {  	_ =	shalt  }
0x7f: {  	_ =	shalt  }
0x80: {  	_ =	shalt  }
0x81: {  	_ =	shalt  }
0x82: {  	_ =	shalt  }
0x83: {  	_ =	shalt  }
0x84: {  	_ =	shalt  }
0x85: {  	_ =	shalt  }
0x86: {  	_ =	shalt  }
0x87: {  	_ =	shalt  }
.Lfunc_end0:
.L_simem_size_0:
called_computation_lowered:
.L_overlay_start_0:
0x88: {  	s2 =	sld [smem:$0x3FD9]  }
0x89: {  	s3 =	sld [smem:$0x3FFE];
	_ =	sdelay $0x1  }
0x8a: {  	s1 =	srdreg.scid  }
0x8b: {  	s0 =	sand.u32 $0x1, s1  }
0x8c: {  	s16 =	sshll.u32 s0, $0xA;
	s2 =	sadd.s32 s3, s2  }
0x8d: {  	s2 =	sadd.s32 s2, s16  }
0x8e: {  	[smem:$0x3FC7] =	sst s2  }
0x8f: {  	_ = 	snop  }
0x90: {  	(tm) =	ssettm $0x1  }
0x91: {  	s17 =	sld [smem:$0x3FFB];
	_ =	sdelay $0x3  }
0x92: {  	_ =	strace s17  }
0x93: {  	s2 =	sld [smem:$0x3FFC];
	_ =	sdelay $0x3  }
0x94: {  	_ =	strace s2  }
0x95: {  	s2 =	sld [smem:$0x3FFD];
	_ =	sdelay $0x3  }
0x96: {  	_ =	strace s2  }
0x97: {  	_ =	strace $0x8FFFFFFF  }
0x98: {  	s18 =	sld [smem:$0x3FDB];
	_ =	sdelay $0x1  }
0x99: {  	s19 =	simm.s32 $_scs_section_size  }
0x9a: {  	s4 =	simm.s32 $_size__tile_overlayer_lowered;
	s5 =	simm.s32 $_tile_overlayer_lowered  }
0x9b: {  	s22 =	simm.s32 $0x1BFF;
	s21 =	sshll.u32 s5, $0x1;
	s2 =	sadd.s32 s19, s18  }
0x9c: {  	s6 =	simm.s32 $0x0;
	s20 =	sshll.u32 s4, $0x1;
	s4 =	sadd.s32 s21, s2  }
0x9d: {  	[timem:s6], [sflag:s22] =	dma.local [hbm:s4], s20  }
0x9e: {  	_ =	swait.ge [sflag:s22], s20  }
0x9f: {  	s3 =	ssub.s32 $0x0, s20;
	[sflag:s22] =	ssyncset.done $0x0  }
0xa0: {  	[sflag:s22] =	ssyncadd.s32 s3;
	_ =	sdelay $0x1  }
0xa1: {  	s23 =	simm.s32 $0x1B8B  }
0xa2: {  	_ =	swait.ge [sflag:s23], $0x1  }
0xa3: {  	[sflag:s23] =	ssyncset.done $0x0  }
0xa4: {  	s25 =	simm.s32 $0x1B8E;
	s24 =	sld [smem:$0x3FFE];
	[sflag:s23] =	ssyncadd.s32 $0xFFFFFFFF  }
0xa5: {  	s26 =	simm.s32 $execute0_lowered;
	[smem:$0x3FD2] =	sst s25  }
0xa6: {  	s4 =	sshll.u32 s26, $0x1;
	_ =	strace $0x80000046;
	[dreg:$0x1] =	wrdreg $0xFFFFFFFF  }
0xa7: {  	s28 =	simm.s32 $_size_execute0_lowered;
	s2 =	sadd.s32 s2, s4;
	[dreg:$0x0] =	wrdreg $0x0  }
0xa8: {  	s4 =	sshll.u32 s28, $0x1;
	[dreg:$0x2] =	wrdreg s2  }
0xa9: {  	[dreg:$0x3] =	wrdreg s4  }
0xaa: {  	[dreg:$0x4] =	wrdreg $0xC0  }
0xab: {  	_ =	task [dreg:s6], $0x5FFFF  }
0xac: {  	[dreg:$0x1] =	wrdreg $0xFFFFFFFF  }
0xad: {  	[dreg:$0x0] =	wrdreg $0x60  }
0xae: {  	[dreg:$0x2] =	wrdreg s24  }
0xaf: {  	[dreg:$0x3] =	wrdreg $0x9  }
0xb0: {  	_ =	task.clear_ibuf [dreg:s6], $0x4FFFF;
	_ =	strace $0x90000046  }
0xb1: {  	s29 =	simm.s32 $0x9;
	_ =	strace $0x80000048  }
0xb2: {  	_ =	swait.ge [sflag:s29], $0x1  }
0xb3: {  	[sflag:s29] =	ssyncadd.s32 $0xFFFFFFFF  }
0xb4: {  	_ =	strace $0x90000048  }
0xb5: {  	_ =	sfence  }
0xb6: {  	s30 =	sld [smem:$0x0];
	_ =	sdelay $0x2  }
0xb7: {  	s31 =	sshll.u32 s1, $0xD;
	s1 =	sshrl.u32 s1, $0x2  }
0xb8: {  	s3 =	sand.u32 $0x4000, s31;
	s1 =	sadd.s32 s1, s30  }
0xb9: {  	s0 =	sor.u32 s3, s0;
	s1 =	sshll.u32 s1, $0x11  }
0xba: {  	s0 =	sor.u32 s1, s0  }
0xbb: {  	s0 =	sadd.s32 $0x8F2B, s0  }
0xbc: {  	[sflag:s0] =	ssyncadd.remote.s32 $0x1  }
0xbd: {  	_ =	sfence.sel $0xFFFF  }
0xbe: {  	[dreg:$0x0] =	wrdreg $0xFFFFFFFF;
	(pc) =	sbr.abs _section_cstart, $3  }
0xbf: {  	[dreg:$0x1] =	wrdreg $0xFFFFFFFF  }
0xc0: {  	_ =	task.clear_ibuf [dreg:s6], $0x2FFFF;
	_ =	strace $0x9FFFFFFF  }
0xc1: {  	(tm) =	ssettm $0x7FFFFFFF  }
tec
execute0_lowered:
.L_overlay_start_1:
0x0: {  	(tag) =	ssettag $0x1  }
0x1: {  	v7 =	vlaneseq.u32  }
0x2: {  	v2 =	vor.u32 $0x190, v7  }
0x3: {  	v56 =	vor.u32 $0x1A0, v7;
	[tilespmem:$0x1FE10] =	vst v2  }
0x4: {  	v3 =	vor.u32 $0x1B0, v7;
	[tilespmem:$0x1FE20] =	vst v56  }
0x5: {  	[tilespmem:$0x1FE30] =	vst v3;
	v3 =	vor.u32 $0x1C0, v7  }
0x6: {  	s3 =	rddreg [dreg:$0x0];
	s1 =	simm.s32 $0x0;
	[tilespmem:$0x1FE40] =	vst v3;
	v3 =	vor.u32 $0x1D0, v7  }
0x7: {  	[smem:$0x7FF] =	sst s1;
	v61 =	vor.u32 $0x1E0, v7;
	[tilespmem:$0x1FE50] =	vst v3  }
0x8: {  	s0 =	rddreg [dreg:$0x1];
	v8 =	vor.u32 $0x10, v7;
	_ =	strace $0x80000047;
	[tilespmem:$0x1FE60] =	vst v61  }
0x9: {  	v9 =	vor.u32 $0x20, v7;
	[tilespmem:$0x1FE70] =	vst v8  }
0xa: {  	v10 =	vor.u32 $0x30, v7;
	[tilespmem:$0x1FE80] =	vst v9  }
0xb: {  	v11 =	vor.u32 $0x40, v7;
	[tilespmem:$0x1FE90] =	vst v10  }
0xc: {  	v12 =	vor.u32 $0x50, v7;
	[tilespmem:$0x1FEA0] =	vst v11  }
0xd: {  	v13 =	vor.u32 $0x60, v7;
	[tilespmem:$0x1FEB0] =	vst v12  }
0xe: {  	v14 =	vor.u32 $0x70, v7;
	[tilespmem:$0x1FEC0] =	vst v13  }
0xf: {  	v15 =	vor.u32 $0x80, v7;
	[tilespmem:$0x1FED0] =	vst v14  }
0x10: {  	v16 =	vor.u32 $0x90, v7;
	[tilespmem:$0x1FEE0] =	vst v15  }
0x11: {  	v17 =	vor.u32 $0xA0, v7;
	[tilespmem:$0x1FEF0] =	vst v16  }
0x12: {  	v0 =	vimm.s32 $0xEFCDAB89;
	v1 =	vimm.s32 $0x67452301;
	v18 =	vor.u32 $0xB0, v7;
	[tilespmem:$0x1FF00] =	vst v17  }
0x13: {  	v57 =	vimm.s32 $0xDCFE98BA;
	v60 =	vimm.s32 $0x54761032;
	v19 =	vor.u32 $0xC0, v7;
	[tilespmem:$0x1FF10] =	vst v18  }
0x14: {  	v4 =	vimm.s32 $0x32107654;
	v5 =	vimm.s32 $0xFEDCBA98;
	v21 =	vor.u32 $0xD0, v7;
	[tilespmem:$0x1FF20] =	vst v19  }
0x15: {  	v6 =	vimm.s32 $0x76543210;
	v36 =	vimm.f32 $0.0e+00;
	v22 =	vor.u32 $0xE0, v7;
	[tilespmem:$0x1FF30] =	vst v21  }
0x16: {  	v23 =	vor.u32 $0xF0, v7;
	v24 =	vor.u32 $0x100, v7;
	v25 =	vor.u32 $0x110, v7;
	[tilespmem:$0x1FF40] =	vst v22  }
0x17: {  	v26 =	vor.u32 $0x120, v7;
	v27 =	vor.u32 $0x130, v7;
	v28 =	vor.u32 $0x140, v7;
	[tilespmem:$0x1FF50] =	vst v23  }
0x18: {  	v29 =	vor.u32 $0x150, v7;
	v30 =	vor.u32 $0x160, v7;
	v51 =	vor.u32 $0x170, v7;
	[tilespmem:$0x1FF60] =	vst v24  }
0x19: {  	v0 =	vunpack.c.l.s4.s8 v0;
	v1 =	vunpack.c.l.s4.s8 v1;
	v2 =	vunpack.c.l.s4.s8 v57;
	[tilespmem:$0x1FF70] =	vst v25  }
0x1a: {  	s2 =	stileid.u32;
	v4 =	vunpack.c.l.s4.s8 v4;
	v5 =	vunpack.c.l.s4.s8 v5;
	v3 =	vimm.s32 $0xBA98FEDC;
	[tilespmem:$0x1FF80] =	vst v26  }
0x1b: {  	s5 =	srdreg.scid;
	s4 =	sshrl.u32 s2, $0x1;
	v58 =	vunpack.c.0.s8.s32 v2;
	v2 =	vunpack.c.l.s4.s8 v60;
	v3 =	vunpack.c.l.s4.s8 v3;
	[tilespmem:$0x1FF90] =	vst v27  }
0x1c: {  	s5 =	sand.u32 $0x1, s5;
	s7 =	sshll.u32 s2, $0x1;
	v6 =	vunpack.c.l.s4.s8 v6;
	s6 =	sshll.u32 s4, $0xF;
	v0 =	vunpack.c.0.s8.s32 v0;
	v1 =	vunpack.c.0.s8.s32 v1;
	[tilespmem:$0x1FFA0] =	vst v28  }
0x1d: {  	s8 =	ssub.s32 $0x2, s5;
	s7 =	sand.u32 $0x2, s7;
	s4 =	sshll.u32 s4, $0x12;
	v4 =	vunpack.c.0.s8.s32 v4;
	[tilespmem:$0x1FFB0] =	vst v29;
	v2 =	vunpack.c.0.s8.s32 v2;
	v3 =	vunpack.c.0.s8.s32 v3  }
0x1e: {  	v59 =	vor.u32 $0x180, v7;
	s6 =	sadd.s32 s6, s3;
	s9 =	sshrl.u32 s8, $0x1;
	s5 =	sor.u32 s5, s7;
	v62 =	vunpack.c.0.s8.s32 v5;
	v0 =	vcombine.low v1, v0;
	[tilespmem:$0x1FFC0] =	vst v30  }
0x1f: {  	s31 =	sadd.s32 s4, s3;
	s7 =	simm.s32 $0x1;
	s8 =	ssub.s32 s8, s9;
	[tilespmem:$0x1FFD0] =	vst v51;
	v1 =	vcombine.low v2, v58;
	v3 =	vcombine.low v4, v3;
	v4 =	vunpack.c.0.s8.s32 v6  }
0x20: {  	v5 =	vor.u32 $0x1F0, v7;
	s3 =	sshll.u32 s5, $0x7;
	s4 =	sadd.s32 $0x400, s6;
	s5 =	sadd.s32 $0x40400, s31;
	v63 =	vand.u32 $0xF, v62;
	[tilespmem:$0x1FFE0] =	vst v59;
	v50 =	vand.u32 $0xF, v0  }
0x21: {  	s9 =	simm.s32 $0x0;
	s6 =	smax.u32 s8, $0x1;
	s8 =	simm.s32 $0x2000;
	[tilespmem:$0x1FFF0] =	vst v5;
	v33 =	vand.u32 $0xF, v1;
	v34 =	vand.u32 $0xF, v3;
	v35 =	vcombine.low v63, v4  }
.LBB2_1:
0x22: {  	s10 =	simm.s32 $0x0  }
.LBB2_2:
0x23: {  	s11 =	sshll.u32 s10, $0x4  }
0x24: {  	s11 =	sadd.s32 s3, s11  }
0x25: {  	s12 =	sshll.u32 s11, $0x6  }
0x26: {  	s13 =	sadd.s32 s12, s4;
	s12 =	simm.s32 $0x0  }
0x27: {  	[tilespmem:s12], [sflag:$0x1] =	stream.linear.gather [hbm4b:s13+s12], $0x2000, $0x38;
	[tilespmem:$0x12000] =	vst v63  }
0x28: {  	_ =	swait.ge [sflag:s7], $0x2000  }
0x29: {  	[sflag:s7] =	ssyncset.done $0x0  }
0x2a: {  	[sflag:s7] =	ssyncadd.s32 $0xFFFFE000  }
.LBB2_3:
0x2b: {  	s13 =	sshll.u32 s12, $0x9;
	s14 =	sshll.u32 s12, $0x7  }
0x2c: {  	s13 =	sand.u32 $0x1000, s13;
	s14 =	sand.u32 $0x380, s14  }
0x2d: {  	s13 =	sor.u32 s14, s13  }
0x2e: {  	v6 =	vld [tilespmem:s13+$0x0];
	_ =	sdelay $0x2  }
0x2f: {  	s30 =	sor.u32 s11, s12  }
0x30: {  	v32 =	vmov s30  }
0x31: {  	v4 =	vimm.s32 $0x0;
	vm1 =	veq.s32 v32, v7;
	[tilespmem:$0x1FA70] =	vst v6  }
0x32: {  	v4 =	vsel vm1, $0xFFFFFFFF, v4;
	v20 =	vld [tilespmem:s13+$0x10]  }
0x33: {  	vm0 =	veq.s32 v32, v8;
	vm12 =	veq.s32 v32, v9;
	[tilespmem:$0x1FCF0] =	vst v4;
	v4 =	vimm.s32 $0x0;
	v0 =	vld [tilespmem:s13+$0x20]  }
0x34: {  	v31 =	vsel vm1, $0xFF61B1E6, v6;
	v6 =	vimm.s32 $0x0;
	v1 =	vld [tilespmem:s13+$0x30];
	v4 =	vsel vm0, $0xFFFFFFFF, v4  }
0x35: {  	v3 =	vld [tilespmem:s13+$0x40];
	v6 =	vsel vm12, $0xFFFFFFFF, v6;
	[tilespmem:$0x1FD00] =	vst v4  }
0x36: {  	v2 =	vld [tilespmem:s13+$0x50];
	[tilespmem:$0x1FD10] =	vst v6  }
0x37: {  	v7 =	vld [tilespmem:s13+$0x70];
	[tilespmem:$0x1FA80] =	vst v20  }
0x38: {  	v56 =	vld [tilespmem:s13+$0x400];
	[tilespmem:$0x1FA90] =	vst v0  }
0x39: {  	v55 =	vimm.s32 $0x0;
	v58 =	vld [tilespmem:s13+$0x410];
	[tilespmem:$0x1FAA0] =	vst v1  }
0x3a: {  	v57 =	vimm.s32 $0x0;
	v60 =	vimm.s32 $0x0;
	v61 =	vimm.s32 $0x0;
	v63 =	vld [tilespmem:s13+$0x450];
	[tilespmem:$0x1FAB0] =	vst v3  }
0x3b: {  	v62 =	vimm.s32 $0x0;
	v42 =	vimm.s32 $0x0;
	v43 =	vimm.s32 $0x0;
	v4 =	vld [tilespmem:s13+$0x60];
	[tilespmem:$0x1FAC0] =	vst v2  }
0x3c: {  	v54 =	vimm.s32 $0x0;
	vm13 =	veq.s32 v32, v10;
	vm14 =	veq.s32 v32, v11;
	[tilespmem:$0x1FAE0] =	vst v7  }
0x3d: {  	vm15 =	veq.s32 v32, v12;
	vm4 =	veq.s32 v32, v13;
	vm5 =	veq.s32 v32, v14;
	[tilespmem:$0x1FAF0] =	vst v56  }
0x3e: {  	vm6 =	veq.s32 v32, v15;
	vm7 =	veq.s32 v32, v16;
	vm8 =	veq.s32 v32, v17;
	[tilespmem:$0x1FB00] =	vst v58  }
0x3f: {  	vm9 =	veq.s32 v32, v18;
	vm10 =	veq.s32 v32, v19;
	vm11 =	veq.s32 v32, v21;
	v9 =	vld [tilespmem:s13+$0x430];
	[tilespmem:$0x1FB40] =	vst v63  }
0x40: {  	v48 =	vsel vm0, $0xFF61B1E6, v20;
	v52 =	vsel vm12, $0xFF61B1E6, v0;
	v0 =	vsel vm13, $0xFFFFFFFF, v55;
	[tilespmem:$0x1FAD0] =	vst v4  }
0x41: {  	v47 =	vsel vm13, $0xFF61B1E6, v1;
	v1 =	vsel vm14, $0xFFFFFFFF, v57;
	v49 =	vsel vm14, $0xFF61B1E6, v3;
	[tilespmem:$0x1FD20] =	vst v0  }
0x42: {  	v3 =	vimm.s32 $0x0;
	v46 =	vsel vm15, $0xFF61B1E6, v2;
	v2 =	vsel vm4, $0xFFFFFFFF, v60;
	[tilespmem:$0x1FD30] =	vst v1  }
0x43: {  	v44 =	vsel vm5, $0xFF61B1E6, v7;
	v38 =	vsel vm7, $0xFF61B1E6, v58;
	v3 =	vsel vm15, $0xFFFFFFFF, v3;
	[tilespmem:$0x1FD50] =	vst v2  }
0x44: {  	v39 =	vsel vm9, $0xFF61B1E6, v9;
	v55 =	vimm.s32 $0x0;
	v2 =	vsel vm5, $0xFFFFFFFF, v61;
	[tilespmem:$0x1FD40] =	vst v3  }
0x45: {  	v10 =	vld [tilespmem:s13+$0x440];
	vm12 =	veq.s32 v32, v22;
	v57 =	vimm.s32 $0x0;
	v0 =	vsel vm7, $0xFFFFFFFF, v42;
	[tilespmem:$0x1FD60] =	vst v2  }
0x46: {  	v53 =	vld [tilespmem:s13+$0x470];
	vm14 =	veq.s32 v32, v24;
	v6 =	vmax.f32 v31, v48;
	v2 =	vsel vm6, $0xFFFFFFFF, v62;
	[tilespmem:$0x1FD80] =	vst v0  }
0x47: {  	v58 =	vld [tilespmem:s13+$0x830];
	v45 =	vsel vm4, $0xFF61B1E6, v4;
	v6 =	vmax.f32 v6, v52;
	v0 =	vsel vm8, $0xFFFFFFFF, v43;
	[tilespmem:$0x1FD70] =	vst v2  }
0x48: {  	v4 =	vld [tilespmem:s13+$0x460];
	v43 =	vsel vm11, $0xFF61B1E6, v63;
	v6 =	vmax.f32 v6, v47;
	[tilespmem:$0x1FD90] =	vst v0;
	v0 =	vsel vm9, $0xFFFFFFFF, v54  }
0x49: {  	v3 =	vld [tilespmem:s13+$0x420];
	v63 =	vimm.s32 $0x0;
	v2 =	vsel vm12, $0xFFFFFFFF, v57;
	v6 =	vmax.f32 v6, v49;
	[tilespmem:$0x1FDA0] =	vst v0  }
0x4a: {  	v1 =	vsel vm14, $0xFFFFFFFF, v63;
	vm9 =	veq.s32 v32, v59;
	v59 =	vld [tilespmem:$0x1FE20];
	[tilespmem:$0x1FDD0] =	vst v2;
	v6 =	vmax.f32 v6, v46  }
0x4b: {  	v41 =	vsel vm6, $0xFF61B1E6, v56;
	v0 =	vsel vm10, $0xFFFFFFFF, v55;
	[tilespmem:$0x1FDF0] =	vst v1;
	v1 =	vld [tilespmem:s13+$0x850];
	v6 =	vmax.f32 v6, v45  }
0x4c: {  	v40 =	vsel vm10, $0xFF61B1E6, v10;
	v56 =	vimm.s32 $0x0;
	v2 =	vld [tilespmem:s13+$0xC10];
	[tilespmem:$0x1FDB0] =	vst v0;
	v6 =	vmax.f32 v6, v44  }
0x4d: {  	vm13 =	veq.s32 v32, v23;
	vm10 =	veq.s32 v32, v51;
	v51 =	vld [tilespmem:$0x1FE10];
	[tilespmem:$0x1FB50] =	vst v4;
	v7 =	vmax.f32 v6, v41  }
0x4e: {  	v0 =	vsel vm11, $0xFFFFFFFF, v56;
	[tilespmem:$0x1FB10] =	vst v3;
	v42 =	vsel vm8, $0xFF61B1E6, v3;
	v3 =	vld [tilespmem:s13+$0x800];
	v8 =	vmax.f32 v7, v38  }
0x4f: {  	[tilespmem:$0x1FDC0] =	vst v0;
	v0 =	vld [tilespmem:s13+$0x820];
	v60 =	vsel vm12, $0xFF61B1E6, v4;
	v4 =	vimm.s32 $0x0;
	v20 =	vmax.f32 v8, v42  }
0x50: {  	v4 =	vsel vm13, $0xFFFFFFFF, v4;
	v6 =	vld [tilespmem:s13+$0x810];
	v37 =	vmax.f32 v20, v39  }
0x51: {  	vm15 =	veq.s32 v32, v25;
	[tilespmem:$0x1FDE0] =	vst v4;
	v4 =	vld [tilespmem:s13+$0x840];
	v37 =	vmax.f32 v37, v40  }
0x52: {  	v54 =	vsel vm13, $0xFF61B1E6, v53;
	vm7 =	veq.s32 v32, v59;
	v59 =	vld [tilespmem:$0x1FE40];
	v37 =	vmax.f32 v37, v43  }
0x53: {  	v7 =	vld [tilespmem:s13+$0xC20];
	[tilespmem:$0x1FB70] =	vst v3;
	v61 =	vsel vm14, $0xFF61B1E6, v3;
	v3 =	vimm.s32 $0x0;
	v37 =	vmax.f32 v37, v60  }
0x54: {  	vm8 =	veq.s32 v32, v51;
	v51 =	vld [tilespmem:$0x1FE30];
	v3 =	vsel vm15, $0xFFFFFFFF, v3;
	v37 =	vmax.f32 v37, v54  }
0x55: {  	v55 =	vsel vm15, $0xFF61B1E6, v6;
	vm15 =	veq.s32 v32, v26;
	[tilespmem:$0x1FE00] =	vst v3;
	v3 =	vld [tilespmem:s13+$0x860];
	v37 =	vmax.f32 v37, v61  }
0x56: {  	v8 =	vld [tilespmem:s13+$0x870];
	vm14 =	veq.s32 v32, v27;
	v62 =	vsel vm15, $0xFF61B1E6, v0;
	v37 =	vmax.f32 v37, v55  }
0x57: {  	vm13 =	veq.s32 v32, v28;
	[tilespmem:$0x1FB90] =	vst v0;
	v56 =	vsel vm14, $0xFF61B1E6, v58;
	v0 =	vld [tilespmem:s13+$0xC00];
	v37 =	vmax.f32 v37, v62  }
0x58: {  	vm12 =	veq.s32 v32, v29;
	[tilespmem:$0x1FB80] =	vst v6;
	v63 =	vsel vm13, $0xFF61B1E6, v4;
	v6 =	vld [tilespmem:s13+$0xC30];
	v37 =	vmax.f32 v37, v56  }
0x59: {  	vm11 =	veq.s32 v32, v30;
	v57 =	vsel vm12, $0xFF61B1E6, v1;
	[tilespmem:$0x1FBB0] =	vst v4;
	v4 =	vld [tilespmem:s13+$0xC40];
	v37 =	vmax.f32 v37, v63  }
0x5a: {  	[tilespmem:$0x1FBA0] =	vst v58;
	vm5 =	veq.s32 v32, v59;
	v59 =	vld [tilespmem:$0x1FE60];
	v58 =	vsel vm11, $0xFF61B1E6, v3;
	v37 =	vmax.f32 v37, v57  }
0x5b: {  	[tilespmem:$0x1FB60] =	vst v53;
	vm6 =	veq.s32 v32, v51;
	v51 =	vld [tilespmem:$0x1FE50];
	v53 =	vsel vm10, $0xFF61B1E6, v8;
	v37 =	vmax.f32 v37, v58  }
0x5c: {  	[tilespmem:$0x1FBD0] =	vst v3;
	v3 =	vld [tilespmem:s13+$0xC50];
	v23 =	vsel vm9, $0xFF61B1E6, v0;
	v37 =	vmax.f32 v37, v53  }
0x5d: {  	[tilespmem:$0x1FBC0] =	vst v1;
	v1 =	vld [tilespmem:s13+$0xC60];
	v24 =	vsel vm8, $0xFF61B1E6, v2;
	v37 =	vmax.f32 v37, v23  }
0x5e: {  	[tilespmem:$0x1FC00] =	vst v2;
	v2 =	vld [tilespmem:s13+$0xC70];
	v25 =	vsel vm7, $0xFF61B1E6, v7;
	v37 =	vmax.f32 v37, v24  }
0x5f: {  	v26 =	vsel vm6, $0xFF61B1E6, v6;
	v37 =	vmax.f32 v37, v25  }
0x60: {  	v27 =	vsel vm5, $0xFF61B1E6, v4;
	vm4 =	veq.s32 v32, v51;
	v37 =	vmax.f32 v37, v26  }
0x61: {  	vm2 =	veq.s32 v32, v59;
	v28 =	vsel vm4, $0xFF61B1E6, v3;
	v37 =	vmax.f32 v37, v27  }
0x62: {  	vm3 =	veq.s32 v32, v5;
	v29 =	vsel vm2, $0xFF61B1E6, v1;
	v37 =	vmax.f32 v37, v28  }
0x63: {  	[tilespmem:$0x1FC50] =	vst v1;
	v30 =	vsel vm3, $0xFF61B1E6, v2;
	v1 =	vmax.f32 v37, v29  }
0x64: {  	v32 =	vmax.f32 v1, v30  }
0x65: {  	[tilespmem:$0x1FC60] =	vst v2;
	v2 =	vperm.xlane v32, v50;
	_ =	sdelay $0x1  }
0x66: {  	v32 =	vmax.f32 v32, v2  }
0x67: {  	v59 =	vperm.xlane v32, v33;
	_ =	sdelay $0x1  }
0x68: {  	v32 =	vmax.f32 v32, v59  }
0x69: {  	v59 =	vperm.xlane v32, v34;
	_ =	sdelay $0x1  }
0x6a: {  	v32 =	vmax.f32 v32, v59  }
0x6b: {  	v59 =	vperm.xlane v32, v35;
	_ =	sdelay $0x1  }
0x6c: {  	v59 =	vmax.f32 v32, v59  }
0x6d: {  	vm0 =	veq.f32 v31, v59;
	vm1 =	veq.f32 v48, v59  }
0x6e: {  	[tilespmem:$0x1FBF0] =	vst v0;
	v32 =	vsel vm0, $0xFF61B1E6, v31;
	v0 =	vsel vm1, $0xFF61B1E6, v48;
	vm0 =	veq.f32 v52, v59  }
0x6f: {  	v1 =	vsel vm0, $0xFF61B1E6, v52;
	v37 =	vmax.f32 v32, v0;
	vm0 =	veq.f32 v47, v59  }
0x70: {  	v2 =	vsel vm0, $0xFF61B1E6, v47;
	v51 =	vmax.f32 v37, v1;
	vm0 =	veq.f32 v49, v59  }
0x71: {  	[tilespmem:$0x1FC40] =	vst v3;
	v3 =	vsel vm0, $0xFF61B1E6, v49;
	v51 =	vmax.f32 v51, v2;
	vm0 =	veq.f32 v46, v59  }
0x72: {  	[tilespmem:$0x1FC30] =	vst v4;
	v4 =	vsel vm0, $0xFF61B1E6, v46;
	v51 =	vmax.f32 v51, v3;
	vm0 =	veq.f32 v45, v59  }
0x73: {  	v5 =	vsel vm0, $0xFF61B1E6, v45;
	v51 =	vmax.f32 v51, v4;
	vm0 =	veq.f32 v44, v59  }
0x74: {  	[tilespmem:$0x1FC20] =	vst v6;
	v6 =	vsel vm0, $0xFF61B1E6, v44;
	v51 =	vmax.f32 v51, v5;
	vm0 =	veq.f32 v41, v59  }
0x75: {  	[tilespmem:$0x1FC10] =	vst v7;
	v7 =	vsel vm0, $0xFF61B1E6, v41;
	v51 =	vmax.f32 v51, v6;
	vm0 =	veq.f32 v38, v59  }
0x76: {  	[tilespmem:$0x1FBE0] =	vst v8;
	v8 =	vsel vm0, $0xFF61B1E6, v38;
	v51 =	vmax.f32 v51, v7;
	vm0 =	veq.f32 v42, v59  }
0x77: {  	[tilespmem:$0x1FB20] =	vst v9;
	v9 =	vsel vm0, $0xFF61B1E6, v42;
	v51 =	vmax.f32 v51, v8;
	vm0 =	veq.f32 v39, v59  }
0x78: {  	[tilespmem:$0x1FB30] =	vst v10;
	v10 =	vsel vm0, $0xFF61B1E6, v39;
	v51 =	vmax.f32 v51, v9;
	vm0 =	veq.f32 v40, v59  }
0x79: {  	v11 =	vsel vm0, $0xFF61B1E6, v40;
	v51 =	vmax.f32 v51, v10;
	vm0 =	veq.f32 v43, v59  }
0x7a: {  	v12 =	vsel vm0, $0xFF61B1E6, v43;
	v51 =	vmax.f32 v51, v11;
	vm0 =	veq.f32 v60, v59  }
0x7b: {  	v13 =	vsel vm0, $0xFF61B1E6, v60;
	v51 =	vmax.f32 v51, v12;
	vm0 =	veq.f32 v54, v59  }
0x7c: {  	v14 =	vsel vm0, $0xFF61B1E6, v54;
	v51 =	vmax.f32 v51, v13;
	vm0 =	veq.f32 v61, v59  }
0x7d: {  	v15 =	vsel vm0, $0xFF61B1E6, v61;
	v51 =	vmax.f32 v51, v14;
	vm0 =	veq.f32 v55, v59  }
0x7e: {  	v16 =	vsel vm0, $0xFF61B1E6, v55;
	v51 =	vmax.f32 v51, v15;
	vm0 =	veq.f32 v62, v59  }
0x7f: {  	v17 =	vsel vm0, $0xFF61B1E6, v62;
	v51 =	vmax.f32 v51, v16;
	vm0 =	veq.f32 v56, v59  }
0x80: {  	v18 =	vsel vm0, $0xFF61B1E6, v56;
	v51 =	vmax.f32 v51, v17;
	vm0 =	veq.f32 v63, v59  }
0x81: {  	v19 =	vsel vm0, $0xFF61B1E6, v63;
	v51 =	vmax.f32 v51, v18;
	vm0 =	veq.f32 v57, v59  }
0x82: {  	v20 =	vsel vm0, $0xFF61B1E6, v57;
	v51 =	vmax.f32 v51, v19;
	vm0 =	veq.f32 v58, v59  }
0x83: {  	v21 =	vsel vm0, $0xFF61B1E6, v58;
	v51 =	vmax.f32 v51, v20;
	vm0 =	veq.f32 v53, v59  }
0x84: {  	v22 =	vsel vm0, $0xFF61B1E6, v53;
	v51 =	vmax.f32 v51, v21;
	vm0 =	veq.f32 v23, v59  }
0x85: {  	[tilespmem:$0x1FC70] =	vst v23;
	v23 =	vsel vm0, $0xFF61B1E6, v23;
	v51 =	vmax.f32 v51, v22;
	vm0 =	veq.f32 v24, v59  }
0x86: {  	[tilespmem:$0x1FC80] =	vst v24;
	v24 =	vsel vm0, $0xFF61B1E6, v24;
	v51 =	vmax.f32 v51, v23;
	vm0 =	veq.f32 v25, v59  }
0x87: {  	[tilespmem:$0x1FC90] =	vst v25;
	v25 =	vsel vm0, $0xFF61B1E6, v25;
	v51 =	vmax.f32 v51, v24;
	vm0 =	veq.f32 v26, v59  }
0x88: {  	[tilespmem:$0x1FCA0] =	vst v26;
	v26 =	vsel vm0, $0xFF61B1E6, v26;
	v51 =	vmax.f32 v51, v25;
	vm0 =	veq.f32 v27, v59  }
0x89: {  	[tilespmem:$0x1FCB0] =	vst v27;
	v27 =	vsel vm0, $0xFF61B1E6, v27;
	v51 =	vmax.f32 v51, v26;
	vm0 =	veq.f32 v28, v59  }
0x8a: {  	[tilespmem:$0x1FCC0] =	vst v28;
	v28 =	vsel vm0, $0xFF61B1E6, v28;
	v51 =	vmax.f32 v51, v27;
	vm0 =	veq.f32 v29, v59  }
0x8b: {  	[tilespmem:$0x1FCD0] =	vst v29;
	v29 =	vsel vm0, $0xFF61B1E6, v29;
	v51 =	vmax.f32 v51, v28;
	vm0 =	veq.f32 v30, v59  }
0x8c: {  	[tilespmem:$0x1FCE0] =	vst v30;
	v30 =	vsel vm0, $0xFF61B1E6, v30;
	v51 =	vmax.f32 v51, v29  }
0x8d: {  	v51 =	vmax.f32 v51, v30  }
0x8e: {  	v37 =	vperm.xlane v51, v50;
	_ =	sdelay $0x1  }
0x8f: {  	v37 =	vmax.f32 v51, v37  }
0x90: {  	v51 =	vperm.xlane v37, v33;
	_ =	sdelay $0x1  }
0x91: {  	v37 =	vmax.f32 v37, v51  }
0x92: {  	v51 =	vperm.xlane v37, v34;
	_ =	sdelay $0x1  }
0x93: {  	v37 =	vmax.f32 v37, v51  }
0x94: {  	v51 =	vperm.xlane v37, v35;
	_ =	sdelay $0x1  }
0x95: {  	v37 =	vmax.f32 v37, v51  }
0x96: {  	vm0 =	veq.f32 v32, v37;
	vm1 =	veq.f32 v0, v37  }
0x97: {  	v32 =	vsel vm0, $0xFF61B1E6, v32;
	v0 =	vsel vm1, $0xFF61B1E6, v0;
	vm0 =	veq.f32 v1, v37  }
0x98: {  	v1 =	vsel vm0, $0xFF61B1E6, v1;
	v51 =	vmax.f32 v32, v0;
	vm0 =	veq.f32 v2, v37  }
0x99: {  	v2 =	vsel vm0, $0xFF61B1E6, v2;
	v51 =	vmax.f32 v51, v1;
	vm0 =	veq.f32 v3, v37  }
0x9a: {  	v3 =	vsel vm0, $0xFF61B1E6, v3;
	v51 =	vmax.f32 v51, v2;
	vm0 =	veq.f32 v4, v37  }
0x9b: {  	v4 =	vsel vm0, $0xFF61B1E6, v4;
	v51 =	vmax.f32 v51, v3;
	vm0 =	veq.f32 v5, v37  }
0x9c: {  	v5 =	vsel vm0, $0xFF61B1E6, v5;
	v51 =	vmax.f32 v51, v4;
	vm0 =	veq.f32 v6, v37  }
0x9d: {  	v6 =	vsel vm0, $0xFF61B1E6, v6;
	v51 =	vmax.f32 v51, v5;
	vm0 =	veq.f32 v7, v37  }
0x9e: {  	v7 =	vsel vm0, $0xFF61B1E6, v7;
	v51 =	vmax.f32 v51, v6;
	vm0 =	veq.f32 v8, v37  }
0x9f: {  	v8 =	vsel vm0, $0xFF61B1E6, v8;
	v51 =	vmax.f32 v51, v7;
	vm0 =	veq.f32 v9, v37  }
0xa0: {  	v9 =	vsel vm0, $0xFF61B1E6, v9;
	v51 =	vmax.f32 v51, v8;
	vm0 =	veq.f32 v10, v37  }
0xa1: {  	v10 =	vsel vm0, $0xFF61B1E6, v10;
	v51 =	vmax.f32 v51, v9;
	vm0 =	veq.f32 v11, v37  }
0xa2: {  	v11 =	vsel vm0, $0xFF61B1E6, v11;
	v51 =	vmax.f32 v51, v10;
	vm0 =	veq.f32 v12, v37  }
0xa3: {  	v12 =	vsel vm0, $0xFF61B1E6, v12;
	v51 =	vmax.f32 v51, v11;
	vm0 =	veq.f32 v13, v37  }
0xa4: {  	v13 =	vsel vm0, $0xFF61B1E6, v13;
	v51 =	vmax.f32 v51, v12;
	vm0 =	veq.f32 v14, v37  }
0xa5: {  	v14 =	vsel vm0, $0xFF61B1E6, v14;
	v51 =	vmax.f32 v51, v13;
	vm0 =	veq.f32 v15, v37  }
0xa6: {  	v15 =	vsel vm0, $0xFF61B1E6, v15;
	v51 =	vmax.f32 v51, v14;
	vm0 =	veq.f32 v16, v37  }
0xa7: {  	v16 =	vsel vm0, $0xFF61B1E6, v16;
	v51 =	vmax.f32 v51, v15;
	vm0 =	veq.f32 v17, v37  }
0xa8: {  	v17 =	vsel vm0, $0xFF61B1E6, v17;
	v51 =	vmax.f32 v51, v16;
	vm0 =	veq.f32 v18, v37  }
0xa9: {  	v18 =	vsel vm0, $0xFF61B1E6, v18;
	v51 =	vmax.f32 v51, v17;
	vm0 =	veq.f32 v19, v37  }
0xaa: {  	v19 =	vsel vm0, $0xFF61B1E6, v19;
	v51 =	vmax.f32 v51, v18;
	vm0 =	veq.f32 v20, v37  }
0xab: {  	v20 =	vsel vm0, $0xFF61B1E6, v20;
	v51 =	vmax.f32 v51, v19;
	vm0 =	veq.f32 v21, v37  }
0xac: {  	v21 =	vsel vm0, $0xFF61B1E6, v21;
	v51 =	vmax.f32 v51, v20;
	vm0 =	veq.f32 v22, v37  }
0xad: {  	v22 =	vsel vm0, $0xFF61B1E6, v22;
	v51 =	vmax.f32 v51, v21;
	vm0 =	veq.f32 v23, v37  }
0xae: {  	v23 =	vsel vm0, $0xFF61B1E6, v23;
	v51 =	vmax.f32 v51, v22;
	vm0 =	veq.f32 v24, v37  }
0xaf: {  	v24 =	vsel vm0, $0xFF61B1E6, v24;
	v51 =	vmax.f32 v51, v23;
	vm0 =	veq.f32 v25, v37  }
0xb0: {  	v25 =	vsel vm0, $0xFF61B1E6, v25;
	v51 =	vmax.f32 v51, v24;
	vm0 =	veq.f32 v26, v37  }
0xb1: {  	v26 =	vsel vm0, $0xFF61B1E6, v26;
	v51 =	vmax.f32 v51, v25;
	vm0 =	veq.f32 v27, v37  }
0xb2: {  	v27 =	vsel vm0, $0xFF61B1E6, v27;
	v51 =	vmax.f32 v51, v26;
	vm0 =	veq.f32 v28, v37  }
0xb3: {  	v28 =	vsel vm0, $0xFF61B1E6, v28;
	v51 =	vmax.f32 v51, v27;
	vm0 =	veq.f32 v29, v37  }
0xb4: {  	v29 =	vsel vm0, $0xFF61B1E6, v29;
	v51 =	vmax.f32 v51, v28;
	vm0 =	veq.f32 v30, v37  }
0xb5: {  	v30 =	vsel vm0, $0xFF61B1E6, v30;
	v51 =	vmax.f32 v51, v29  }
0xb6: {  	v37 =	vmax.f32 v51, v30  }
0xb7: {  	v51 =	vperm.xlane v37, v50;
	_ =	sdelay $0x1  }
0xb8: {  	v37 =	vmax.f32 v37, v51  }
0xb9: {  	v51 =	vperm.xlane v37, v33;
	_ =	sdelay $0x1  }
0xba: {  	v37 =	vmax.f32 v37, v51  }
0xbb: {  	v51 =	vperm.xlane v37, v34;
	_ =	sdelay $0x1  }
0xbc: {  	v37 =	vmax.f32 v37, v51  }
0xbd: {  	v51 =	vperm.xlane v37, v35;
	_ =	sdelay $0x1  }
0xbe: {  	v37 =	vmax.f32 v37, v51  }
0xbf: {  	vm0 =	veq.f32 v32, v37;
	vm1 =	veq.f32 v0, v37  }
0xc0: {  	v32 =	vsel vm0, $0xFF61B1E6, v32;
	v0 =	vsel vm1, $0xFF61B1E6, v0;
	vm0 =	veq.f32 v1, v37  }
0xc1: {  	v1 =	vsel vm0, $0xFF61B1E6, v1;
	v51 =	vmax.f32 v32, v0;
	vm0 =	veq.f32 v2, v37  }
0xc2: {  	v2 =	vsel vm0, $0xFF61B1E6, v2;
	v51 =	vmax.f32 v51, v1;
	vm0 =	veq.f32 v3, v37  }
0xc3: {  	v3 =	vsel vm0, $0xFF61B1E6, v3;
	v51 =	vmax.f32 v51, v2;
	vm0 =	veq.f32 v4, v37  }
0xc4: {  	v4 =	vsel vm0, $0xFF61B1E6, v4;
	v51 =	vmax.f32 v51, v3;
	vm0 =	veq.f32 v5, v37  }
0xc5: {  	v5 =	vsel vm0, $0xFF61B1E6, v5;
	v51 =	vmax.f32 v51, v4;
	vm0 =	veq.f32 v6, v37  }
0xc6: {  	v6 =	vsel vm0, $0xFF61B1E6, v6;
	v51 =	vmax.f32 v51, v5;
	vm0 =	veq.f32 v7, v37  }
0xc7: {  	v7 =	vsel vm0, $0xFF61B1E6, v7;
	v51 =	vmax.f32 v51, v6;
	vm0 =	veq.f32 v8, v37  }
0xc8: {  	v8 =	vsel vm0, $0xFF61B1E6, v8;
	v51 =	vmax.f32 v51, v7;
	vm0 =	veq.f32 v9, v37  }
0xc9: {  	v9 =	vsel vm0, $0xFF61B1E6, v9;
	v51 =	vmax.f32 v51, v8;
	vm0 =	veq.f32 v10, v37  }
0xca: {  	v10 =	vsel vm0, $0xFF61B1E6, v10;
	v51 =	vmax.f32 v51, v9;
	vm0 =	veq.f32 v11, v37  }
0xcb: {  	v11 =	vsel vm0, $0xFF61B1E6, v11;
	v51 =	vmax.f32 v51, v10;
	vm0 =	veq.f32 v12, v37  }
0xcc: {  	v12 =	vsel vm0, $0xFF61B1E6, v12;
	v51 =	vmax.f32 v51, v11;
	vm0 =	veq.f32 v13, v37  }
0xcd: {  	v13 =	vsel vm0, $0xFF61B1E6, v13;
	v51 =	vmax.f32 v51, v12;
	vm0 =	veq.f32 v14, v37  }
0xce: {  	v14 =	vsel vm0, $0xFF61B1E6, v14;
	v51 =	vmax.f32 v51, v13;
	vm0 =	veq.f32 v15, v37  }
0xcf: {  	v15 =	vsel vm0, $0xFF61B1E6, v15;
	v51 =	vmax.f32 v51, v14;
	vm0 =	veq.f32 v16, v37  }
0xd0: {  	v16 =	vsel vm0, $0xFF61B1E6, v16;
	v51 =	vmax.f32 v51, v15;
	vm0 =	veq.f32 v17, v37  }
0xd1: {  	v17 =	vsel vm0, $0xFF61B1E6, v17;
	v51 =	vmax.f32 v51, v16;
	vm0 =	veq.f32 v18, v37  }
0xd2: {  	v18 =	vsel vm0, $0xFF61B1E6, v18;
	v51 =	vmax.f32 v51, v17;
	vm0 =	veq.f32 v19, v37  }
0xd3: {  	v19 =	vsel vm0, $0xFF61B1E6, v19;
	v51 =	vmax.f32 v51, v18;
	vm0 =	veq.f32 v20, v37  }
0xd4: {  	v20 =	vsel vm0, $0xFF61B1E6, v20;
	v51 =	vmax.f32 v51, v19;
	vm0 =	veq.f32 v21, v37  }
0xd5: {  	v21 =	vsel vm0, $0xFF61B1E6, v21;
	v51 =	vmax.f32 v51, v20;
	vm0 =	veq.f32 v22, v37  }
0xd6: {  	v22 =	vsel vm0, $0xFF61B1E6, v22;
	v51 =	vmax.f32 v51, v21;
	vm0 =	veq.f32 v23, v37  }
0xd7: {  	v23 =	vsel vm0, $0xFF61B1E6, v23;
	v51 =	vmax.f32 v51, v22;
	vm0 =	veq.f32 v24, v37  }
0xd8: {  	v24 =	vsel vm0, $0xFF61B1E6, v24;
	v51 =	vmax.f32 v51, v23;
	vm0 =	veq.f32 v25, v37  }
0xd9: {  	v25 =	vsel vm0, $0xFF61B1E6, v25;
	v51 =	vmax.f32 v51, v24;
	vm0 =	veq.f32 v26, v37  }
0xda: {  	v26 =	vsel vm0, $0xFF61B1E6, v26;
	v51 =	vmax.f32 v51, v25;
	vm0 =	veq.f32 v27, v37  }
0xdb: {  	v27 =	vsel vm0, $0xFF61B1E6, v27;
	v51 =	vmax.f32 v51, v26;
	vm0 =	veq.f32 v28, v37  }
0xdc: {  	v28 =	vsel vm0, $0xFF61B1E6, v28;
	v51 =	vmax.f32 v51, v27;
	vm0 =	veq.f32 v29, v37  }
0xdd: {  	v29 =	vsel vm0, $0xFF61B1E6, v29;
	v51 =	vmax.f32 v51, v28;
	vm0 =	veq.f32 v30, v37  }
0xde: {  	v30 =	vsel vm0, $0xFF61B1E6, v30;
	v51 =	vmax.f32 v51, v29  }
0xdf: {  	v37 =	vmax.f32 v51, v30  }
0xe0: {  	v51 =	vperm.xlane v37, v50;
	_ =	sdelay $0x1  }
0xe1: {  	v37 =	vmax.f32 v37, v51  }
0xe2: {  	v51 =	vperm.xlane v37, v33;
	_ =	sdelay $0x1  }
0xe3: {  	v37 =	vmax.f32 v37, v51  }
0xe4: {  	v51 =	vperm.xlane v37, v34;
	_ =	sdelay $0x1  }
0xe5: {  	v37 =	vmax.f32 v37, v51  }
0xe6: {  	v51 =	vperm.xlane v37, v35;
	_ =	sdelay $0x1  }
0xe7: {  	v37 =	vmax.f32 v37, v51  }
0xe8: {  	vm0 =	veq.f32 v32, v37;
	vm1 =	veq.f32 v0, v37  }
0xe9: {  	v32 =	vsel vm0, $0xFF61B1E6, v32;
	v0 =	vsel vm1, $0xFF61B1E6, v0;
	vm0 =	veq.f32 v1, v37  }
0xea: {  	v1 =	vsel vm0, $0xFF61B1E6, v1;
	v51 =	vmax.f32 v32, v0;
	vm0 =	veq.f32 v2, v37  }
0xeb: {  	v2 =	vsel vm0, $0xFF61B1E6, v2;
	v51 =	vmax.f32 v51, v1;
	vm0 =	veq.f32 v3, v37  }
0xec: {  	v3 =	vsel vm0, $0xFF61B1E6, v3;
	v51 =	vmax.f32 v51, v2;
	vm0 =	veq.f32 v4, v37  }
0xed: {  	v4 =	vsel vm0, $0xFF61B1E6, v4;
	v51 =	vmax.f32 v51, v3;
	vm0 =	veq.f32 v5, v37  }
0xee: {  	v5 =	vsel vm0, $0xFF61B1E6, v5;
	v51 =	vmax.f32 v51, v4;
	vm0 =	veq.f32 v6, v37  }
0xef: {  	v6 =	vsel vm0, $0xFF61B1E6, v6;
	v51 =	vmax.f32 v51, v5;
	vm0 =	veq.f32 v7, v37  }
0xf0: {  	v7 =	vsel vm0, $0xFF61B1E6, v7;
	v51 =	vmax.f32 v51, v6;
	vm0 =	veq.f32 v8, v37  }
0xf1: {  	v8 =	vsel vm0, $0xFF61B1E6, v8;
	v51 =	vmax.f32 v51, v7;
	vm0 =	veq.f32 v9, v37  }
0xf2: {  	v9 =	vsel vm0, $0xFF61B1E6, v9;
	v51 =	vmax.f32 v51, v8;
	vm0 =	veq.f32 v10, v37  }
0xf3: {  	v10 =	vsel vm0, $0xFF61B1E6, v10;
	v51 =	vmax.f32 v51, v9;
	vm0 =	veq.f32 v11, v37  }
0xf4: {  	v11 =	vsel vm0, $0xFF61B1E6, v11;
	v51 =	vmax.f32 v51, v10;
	vm0 =	veq.f32 v12, v37  }
0xf5: {  	v12 =	vsel vm0, $0xFF61B1E6, v12;
	v51 =	vmax.f32 v51, v11;
	vm0 =	veq.f32 v13, v37  }
0xf6: {  	v13 =	vsel vm0, $0xFF61B1E6, v13;
	v51 =	vmax.f32 v51, v12;
	vm0 =	veq.f32 v14, v37  }
0xf7: {  	v14 =	vsel vm0, $0xFF61B1E6, v14;
	v51 =	vmax.f32 v51, v13;
	vm0 =	veq.f32 v15, v37  }
0xf8: {  	v15 =	vsel vm0, $0xFF61B1E6, v15;
	v51 =	vmax.f32 v51, v14;
	vm0 =	veq.f32 v16, v37  }
0xf9: {  	v16 =	vsel vm0, $0xFF61B1E6, v16;
	v51 =	vmax.f32 v51, v15;
	vm0 =	veq.f32 v17, v37  }
0xfa: {  	v17 =	vsel vm0, $0xFF61B1E6, v17;
	v51 =	vmax.f32 v51, v16;
	vm0 =	veq.f32 v18, v37  }
0xfb: {  	v18 =	vsel vm0, $0xFF61B1E6, v18;
	v51 =	vmax.f32 v51, v17;
	vm0 =	veq.f32 v19, v37  }
0xfc: {  	v19 =	vsel vm0, $0xFF61B1E6, v19;
	v51 =	vmax.f32 v51, v18;
	vm0 =	veq.f32 v20, v37  }
0xfd: {  	v20 =	vsel vm0, $0xFF61B1E6, v20;
	v51 =	vmax.f32 v51, v19;
	vm0 =	veq.f32 v21, v37  }
0xfe: {  	v21 =	vsel vm0, $0xFF61B1E6, v21;
	v51 =	vmax.f32 v51, v20;
	vm0 =	veq.f32 v22, v37  }
0xff: {  	v22 =	vsel vm0, $0xFF61B1E6, v22;
	v51 =	vmax.f32 v51, v21;
	vm0 =	veq.f32 v23, v37  }
0x100: {  	v23 =	vsel vm0, $0xFF61B1E6, v23;
	v51 =	vmax.f32 v51, v22;
	vm0 =	veq.f32 v24, v37  }
0x101: {  	v24 =	vsel vm0, $0xFF61B1E6, v24;
	v51 =	vmax.f32 v51, v23;
	vm0 =	veq.f32 v25, v37  }
0x102: {  	v25 =	vsel vm0, $0xFF61B1E6, v25;
	v51 =	vmax.f32 v51, v24;
	vm0 =	veq.f32 v26, v37  }
0x103: {  	v26 =	vsel vm0, $0xFF61B1E6, v26;
	v51 =	vmax.f32 v51, v25;
	vm0 =	veq.f32 v27, v37  }
0x104: {  	v27 =	vsel vm0, $0xFF61B1E6, v27;
	v51 =	vmax.f32 v51, v26;
	vm0 =	veq.f32 v28, v37  }
0x105: {  	v28 =	vsel vm0, $0xFF61B1E6, v28;
	v51 =	vmax.f32 v51, v27;
	vm0 =	veq.f32 v29, v37  }
0x106: {  	v29 =	vsel vm0, $0xFF61B1E6, v29;
	v51 =	vmax.f32 v51, v28;
	vm0 =	veq.f32 v30, v37  }
0x107: {  	v30 =	vsel vm0, $0xFF61B1E6, v30;
	v51 =	vmax.f32 v51, v29  }
0x108: {  	v37 =	vmax.f32 v51, v30  }
0x109: {  	v51 =	vperm.xlane v37, v50;
	_ =	sdelay $0x1  }
0x10a: {  	v37 =	vmax.f32 v37, v51  }
0x10b: {  	v51 =	vperm.xlane v37, v33;
	_ =	sdelay $0x1  }
0x10c: {  	v37 =	vmax.f32 v37, v51  }
0x10d: {  	v51 =	vperm.xlane v37, v34;
	_ =	sdelay $0x1  }
0x10e: {  	v37 =	vmax.f32 v37, v51  }
0x10f: {  	v51 =	vperm.xlane v37, v35;
	_ =	sdelay $0x1  }
0x110: {  	v37 =	vmax.f32 v37, v51  }
0x111: {  	vm0 =	veq.f32 v32, v37;
	vm1 =	veq.f32 v0, v37  }
0x112: {  	v32 =	vsel vm0, $0xFF61B1E6, v32;
	v0 =	vsel vm1, $0xFF61B1E6, v0;
	vm0 =	veq.f32 v1, v37  }
0x113: {  	v1 =	vsel vm0, $0xFF61B1E6, v1;
	v51 =	vmax.f32 v32, v0;
	vm0 =	veq.f32 v2, v37  }
0x114: {  	v2 =	vsel vm0, $0xFF61B1E6, v2;
	v51 =	vmax.f32 v51, v1;
	vm0 =	veq.f32 v3, v37  }
0x115: {  	v3 =	vsel vm0, $0xFF61B1E6, v3;
	v51 =	vmax.f32 v51, v2;
	vm0 =	veq.f32 v4, v37  }
0x116: {  	v4 =	vsel vm0, $0xFF61B1E6, v4;
	v51 =	vmax.f32 v51, v3;
	vm0 =	veq.f32 v5, v37  }
0x117: {  	v5 =	vsel vm0, $0xFF61B1E6, v5;
	v51 =	vmax.f32 v51, v4;
	vm0 =	veq.f32 v6, v37  }
0x118: {  	v6 =	vsel vm0, $0xFF61B1E6, v6;
	v51 =	vmax.f32 v51, v5;
	vm0 =	veq.f32 v7, v37  }
0x119: {  	v7 =	vsel vm0, $0xFF61B1E6, v7;
	v51 =	vmax.f32 v51, v6;
	vm0 =	veq.f32 v8, v37  }
0x11a: {  	v8 =	vsel vm0, $0xFF61B1E6, v8;
	v51 =	vmax.f32 v51, v7;
	vm0 =	veq.f32 v9, v37  }
0x11b: {  	v9 =	vsel vm0, $0xFF61B1E6, v9;
	v51 =	vmax.f32 v51, v8;
	vm0 =	veq.f32 v10, v37  }
0x11c: {  	v10 =	vsel vm0, $0xFF61B1E6, v10;
	v51 =	vmax.f32 v51, v9;
	vm0 =	veq.f32 v11, v37  }
0x11d: {  	v11 =	vsel vm0, $0xFF61B1E6, v11;
	v51 =	vmax.f32 v51, v10;
	vm0 =	veq.f32 v12, v37  }
0x11e: {  	v12 =	vsel vm0, $0xFF61B1E6, v12;
	v51 =	vmax.f32 v51, v11;
	vm0 =	veq.f32 v13, v37  }
0x11f: {  	v13 =	vsel vm0, $0xFF61B1E6, v13;
	v51 =	vmax.f32 v51, v12;
	vm0 =	veq.f32 v14, v37  }
0x120: {  	v14 =	vsel vm0, $0xFF61B1E6, v14;
	v51 =	vmax.f32 v51, v13;
	vm0 =	veq.f32 v15, v37  }
0x121: {  	v15 =	vsel vm0, $0xFF61B1E6, v15;
	v51 =	vmax.f32 v51, v14;
	vm0 =	veq.f32 v16, v37  }
0x122: {  	v16 =	vsel vm0, $0xFF61B1E6, v16;
	v51 =	vmax.f32 v51, v15;
	vm0 =	veq.f32 v17, v37  }
0x123: {  	v17 =	vsel vm0, $0xFF61B1E6, v17;
	v51 =	vmax.f32 v51, v16;
	vm0 =	veq.f32 v18, v37  }
0x124: {  	v18 =	vsel vm0, $0xFF61B1E6, v18;
	v51 =	vmax.f32 v51, v17;
	vm0 =	veq.f32 v19, v37  }
0x125: {  	v19 =	vsel vm0, $0xFF61B1E6, v19;
	v51 =	vmax.f32 v51, v18;
	vm0 =	veq.f32 v20, v37  }
0x126: {  	v20 =	vsel vm0, $0xFF61B1E6, v20;
	v51 =	vmax.f32 v51, v19;
	vm0 =	veq.f32 v21, v37  }
0x127: {  	v21 =	vsel vm0, $0xFF61B1E6, v21;
	v51 =	vmax.f32 v51, v20;
	vm0 =	veq.f32 v22, v37  }
0x128: {  	v22 =	vsel vm0, $0xFF61B1E6, v22;
	v51 =	vmax.f32 v51, v21;
	vm0 =	veq.f32 v23, v37  }
0x129: {  	v23 =	vsel vm0, $0xFF61B1E6, v23;
	v51 =	vmax.f32 v51, v22;
	vm0 =	veq.f32 v24, v37  }
0x12a: {  	v24 =	vsel vm0, $0xFF61B1E6, v24;
	v51 =	vmax.f32 v51, v23;
	vm0 =	veq.f32 v25, v37  }
0x12b: {  	v25 =	vsel vm0, $0xFF61B1E6, v25;
	v51 =	vmax.f32 v51, v24;
	vm0 =	veq.f32 v26, v37  }
0x12c: {  	v26 =	vsel vm0, $0xFF61B1E6, v26;
	v51 =	vmax.f32 v51, v25;
	vm0 =	veq.f32 v27, v37  }
0x12d: {  	v27 =	vsel vm0, $0xFF61B1E6, v27;
	v51 =	vmax.f32 v51, v26;
	vm0 =	veq.f32 v28, v37  }
0x12e: {  	v28 =	vsel vm0, $0xFF61B1E6, v28;
	v51 =	vmax.f32 v51, v27;
	vm0 =	veq.f32 v29, v37  }
0x12f: {  	v29 =	vsel vm0, $0xFF61B1E6, v29;
	v51 =	vmax.f32 v51, v28;
	vm0 =	veq.f32 v30, v37  }
0x130: {  	v30 =	vsel vm0, $0xFF61B1E6, v30;
	v51 =	vmax.f32 v51, v29  }
0x131: {  	v37 =	vmax.f32 v51, v30  }
0x132: {  	v51 =	vperm.xlane v37, v50;
	_ =	sdelay $0x1  }
0x133: {  	v37 =	vmax.f32 v37, v51  }
0x134: {  	v51 =	vperm.xlane v37, v33;
	_ =	sdelay $0x1  }
0x135: {  	v37 =	vmax.f32 v37, v51  }
0x136: {  	v51 =	vperm.xlane v37, v34;
	_ =	sdelay $0x1  }
0x137: {  	v37 =	vmax.f32 v37, v51  }
0x138: {  	v51 =	vperm.xlane v37, v35;
	_ =	sdelay $0x1  }
0x139: {  	v37 =	vmax.f32 v37, v51  }
0x13a: {  	vm0 =	veq.f32 v32, v37;
	vm1 =	veq.f32 v0, v37  }
0x13b: {  	v32 =	vsel vm0, $0xFF61B1E6, v32;
	v0 =	vsel vm1, $0xFF61B1E6, v0;
	vm0 =	veq.f32 v1, v37  }
0x13c: {  	v1 =	vsel vm0, $0xFF61B1E6, v1;
	v0 =	vmax.f32 v32, v0;
	vm0 =	veq.f32 v2, v37  }
0x13d: {  	v2 =	vsel vm0, $0xFF61B1E6, v2;
	v0 =	vmax.f32 v0, v1;
	vm0 =	veq.f32 v3, v37  }
0x13e: {  	v32 =	vsel vm0, $0xFF61B1E6, v3;
	v0 =	vmax.f32 v0, v2;
	vm0 =	veq.f32 v4, v37  }
0x13f: {  	v2 =	vsel vm0, $0xFF61B1E6, v4;
	v0 =	vmax.f32 v0, v32;
	vm0 =	veq.f32 v5, v37  }
0x140: {  	v32 =	vsel vm0, $0xFF61B1E6, v5;
	v0 =	vmax.f32 v0, v2;
	vm0 =	veq.f32 v6, v37  }
0x141: {  	v2 =	vsel vm0, $0xFF61B1E6, v6;
	v0 =	vmax.f32 v0, v32;
	vm0 =	veq.f32 v7, v37  }
0x142: {  	v32 =	vsel vm0, $0xFF61B1E6, v7;
	v0 =	vmax.f32 v0, v2;
	vm0 =	veq.f32 v8, v37  }
0x143: {  	v2 =	vsel vm0, $0xFF61B1E6, v8;
	v0 =	vmax.f32 v0, v32;
	vm0 =	veq.f32 v9, v37  }
0x144: {  	v32 =	vsel vm0, $0xFF61B1E6, v9;
	v0 =	vmax.f32 v0, v2;
	vm0 =	veq.f32 v10, v37  }
0x145: {  	v2 =	vsel vm0, $0xFF61B1E6, v10;
	v0 =	vmax.f32 v0, v32;
	vm0 =	veq.f32 v11, v37  }
0x146: {  	v32 =	vsel vm0, $0xFF61B1E6, v11;
	v0 =	vmax.f32 v0, v2;
	vm0 =	veq.f32 v12, v37  }
0x147: {  	v2 =	vsel vm0, $0xFF61B1E6, v12;
	v0 =	vmax.f32 v0, v32;
	vm0 =	veq.f32 v13, v37  }
0x148: {  	v32 =	vsel vm0, $0xFF61B1E6, v13;
	v0 =	vmax.f32 v0, v2;
	vm0 =	veq.f32 v14, v37  }
0x149: {  	v2 =	vsel vm0, $0xFF61B1E6, v14;
	v0 =	vmax.f32 v0, v32;
	vm0 =	veq.f32 v15, v37  }
0x14a: {  	v32 =	vsel vm0, $0xFF61B1E6, v15;
	v0 =	vmax.f32 v0, v2;
	vm0 =	veq.f32 v16, v37  }
0x14b: {  	v2 =	vsel vm0, $0xFF61B1E6, v16;
	v0 =	vmax.f32 v0, v32;
	vm0 =	veq.f32 v17, v37  }
0x14c: {  	v32 =	vsel vm0, $0xFF61B1E6, v17;
	v0 =	vmax.f32 v0, v2;
	vm0 =	veq.f32 v18, v37  }
0x14d: {  	v2 =	vsel vm0, $0xFF61B1E6, v18;
	v0 =	vmax.f32 v0, v32;
	vm0 =	veq.f32 v19, v37  }
0x14e: {  	v32 =	vsel vm0, $0xFF61B1E6, v19;
	v0 =	vmax.f32 v0, v2;
	vm0 =	veq.f32 v20, v37  }
0x14f: {  	v2 =	vsel vm0, $0xFF61B1E6, v20;
	v0 =	vmax.f32 v0, v32;
	vm0 =	veq.f32 v21, v37  }
0x150: {  	v32 =	vsel vm0, $0xFF61B1E6, v21;
	v0 =	vmax.f32 v0, v2;
	vm0 =	veq.f32 v22, v37  }
0x151: {  	v2 =	vsel vm0, $0xFF61B1E6, v22;
	v0 =	vmax.f32 v0, v32;
	vm0 =	veq.f32 v23, v37  }
0x152: {  	v32 =	vsel vm0, $0xFF61B1E6, v23;
	v0 =	vmax.f32 v0, v2;
	vm0 =	veq.f32 v24, v37  }
0x153: {  	v2 =	vsel vm0, $0xFF61B1E6, v24;
	v0 =	vmax.f32 v0, v32;
	vm0 =	veq.f32 v25, v37  }
0x154: {  	v32 =	vsel vm0, $0xFF61B1E6, v25;
	v0 =	vmax.f32 v0, v2;
	vm0 =	veq.f32 v26, v37  }
0x155: {  	v2 =	vsel vm0, $0xFF61B1E6, v26;
	v0 =	vmax.f32 v0, v32;
	vm0 =	veq.f32 v27, v37  }
0x156: {  	v32 =	vsel vm0, $0xFF61B1E6, v27;
	v0 =	vmax.f32 v0, v2;
	vm0 =	veq.f32 v28, v37  }
0x157: {  	v2 =	vsel vm0, $0xFF61B1E6, v28;
	v0 =	vmax.f32 v0, v32;
	vm0 =	veq.f32 v29, v37  }
0x158: {  	v32 =	vsel vm0, $0xFF61B1E6, v29;
	v0 =	vmax.f32 v0, v2;
	vm0 =	veq.f32 v30, v37  }
0x159: {  	v4 =	vld [tilespmem:$0x1FA90];
	v37 =	vsel vm0, $0xFF61B1E6, v30;
	v0 =	vmax.f32 v0, v32  }
0x15a: {  	v0 =	vmax.f32 v0, v37  }
0x15b: {  	v32 =	vperm.xlane v0, v50  }
0x15c: {  	v37 =	vld [tilespmem:$0x1FA70]  }
0x15d: {  	v0 =	vmax.f32 v0, v32;
	v32 =	vld [tilespmem:$0x1FA80]  }
0x15e: {  	v4 =	vsub.f32 v4, v59;
	v3 =	vperm.xlane v0, v33;
	_ =	sdelay $0x1  }
0x15f: {  	v0 =	vmax.f32 v0, v3;
	v3 =	vmin.f32 v4, $6.000000000e+01  }
0x160: {  	v1 =	vsub.f32 v37, v59;
	v37 =	vmul.f32 $1.442695020e+00, v3;
	v3 =	vld [tilespmem:$0x1FAA0]  }
0x161: {  	v2 =	vsub.f32 v32, v59  }
0x162: {  	v1 =	vmin.f32 v1, $6.000000000e+01  }
0x163: {  	v1 =	vmul.f32 $1.442695020e+00, v1;
	v2 =	vmin.f32 v2, $6.000000000e+01  }
0x164: {  	v2 =	vmul.f32 $1.442695020e+00, v2  }
0x165: {  	(erf) = vpow2.f32 v1;
	v3 =	vsub.f32 v3, v59  }
0x166: {  	v4 =	vperm.xlane v0, v34;
	v32 =	vld [tilespmem:$0x1FAB0];
	(erf) = vpow2.f32 v2  }
0x167: {  	(erf) = vpow2.f32 v37;
	v37 =	vmin.f32 v3, $6.000000000e+01;
	v3 =	vld [tilespmem:$0x1FAC0]  }
0x168: {  	v0 =	vmax.f32 v0, v4;
	v4 =	vld [tilespmem:$0x1FAD0]  }
0x169: {  	v5 =	vld [tilespmem:$0x1FAE0];
	_ =	sdelay $0x1  }
0x16a: {  	v2 =	vsub.f32 v32, v59  }
0x16b: {  	v3 =	vsub.f32 v3, v59  }
0x16c: {  	v4 =	vsub.f32 v4, v59;
	v1 =	vmul.f32 $1.442695020e+00, v37;
	v2 =	vmin.f32 v2, $6.000000000e+01  }
0x16d: {  	v5 =	vsub.f32 v5, v59;
	v2 =	vmul.f32 $1.442695020e+00, v2;
	v3 =	vmin.f32 v3, $6.000000000e+01  }
0x16e: {  	(erf) = vpow2.f32 v1;
	v32 =	vmul.f32 $1.442695020e+00, v3;
	v3 =	vmin.f32 v4, $6.000000000e+01  }
0x16f: {  	(erf) = vpow2.f32 v2;
	v37 =	vmul.f32 $1.442695020e+00, v3;
	v3 =	vmin.f32 v5, $6.000000000e+01  }
0x170: {  	(erf) = vpow2.f32 v32;
	v32 =	vmul.f32 $1.442695020e+00, v3;
	v3 =	vld [tilespmem:$0x1FAF0];
	_ =	sdelay $0x4  }
0x171: {  	v6 =	vld [tilespmem:$0x1FB30];
	v3 =	vsub.f32 v3, v59  }
0x172: {  	(erf) = vpow2.f32 v37;
	v37 =	vld [tilespmem:$0x1FB00]  }
0x173: {  	(erf) = vpow2.f32 v32;
	v32 =	vmin.f32 v3, $6.000000000e+01;
	v3 =	vld [tilespmem:$0x1FB10]  }
0x174: {  	v5 =	vld [tilespmem:$0x1FB20];
	_ =	sdelay $0x2  }
0x175: {  	v2 =	vsub.f32 v37, v59  }
0x176: {  	v6 =	vsub.f32 v6, v59;
	v3 =	vsub.f32 v3, v59  }
0x177: {  	v5 =	vsub.f32 v5, v59;
	v1 =	vmul.f32 $1.442695020e+00, v32;
	v2 =	vmin.f32 v2, $6.000000000e+01  }
0x178: {  	v4 =	vperm.xlane v0, v35;
	v2 =	vmul.f32 $1.442695020e+00, v2;
	v3 =	vmin.f32 v3, $6.000000000e+01  }
0x179: {  	(erf) = vpow2.f32 v1;
	v37 =	vmul.f32 $1.442695020e+00, v3;
	v3 =	vmin.f32 v5, $6.000000000e+01  }
0x17a: {  	(erf) = vpow2.f32 v2;
	v32 =	vmul.f32 $1.442695020e+00, v3  }
0x17b: {  	v5 =	vpop (erf);
	v3 =	vmin.f32 v6, $6.000000000e+01;
	(erf) = vpow2.f32 v37  }
0x17c: {  	v6 =	vpop (erf);
	v37 =	vmul.f32 $1.442695020e+00, v3;
	v3 =	vld [tilespmem:$0x1FB40];
	(erf) = vpow2.f32 v32;
	v32 =	vmax.f32 v0, v4  }
0x17d: {  	vm1 =	vge.f32 v48, v32;
	v48 =	vld [tilespmem:$0x1FB50];
	_ =	sdelay $0x1  }
0x17e: {  	v0 =	vpop (erf)  }
0x17f: {  	v7 =	vpop (erf)  }
0x180: {  	vm0 =	vge.f32 v31, v32;
	v8 =	vpop (erf);
	v3 =	vsub.f32 v3, v59  }
0x181: {  	v31 =	vnsel vm0, $0x0, v5;
	v5 =	vadd.f32 v6, v5;
	v12 =	vpop (erf);
	v19 =	vsub.f32 v48, v59  }
0x182: {  	(erf) = vpow2.f32 v37;
	v29 =	vnsel vm1, $0x0, v6;
	v13 =	vpop (erf);
	v37 =	vmin.f32 v3, $6.000000000e+01  }
0x183: {  	v5 =	vadd.f32 v5, v0;
	v15 =	vpop (erf);
	v1 =	vmul.f32 $1.442695020e+00, v37;
	v19 =	vmin.f32 v19, $6.000000000e+01  }
0x184: {  	vm0 =	vge.f32 v52, v32;
	vm1 =	vge.f32 v47, v32;
	v16 =	vpop (erf);
	v19 =	vmul.f32 $1.442695020e+00, v19  }
0x185: {  	v25 =	vnsel vm1, $0x0, v7;
	v5 =	vadd.f32 v5, v7;
	v7 =	vld [tilespmem:$0x1FB60];
	v17 =	vpop (erf);
	(erf) = vpow2.f32 v1  }
0x186: {  	v27 =	vnsel vm0, $0x0, v0;
	vm0 =	vge.f32 v49, v32;
	v18 =	vpop (erf);
	(erf) = vpow2.f32 v19;
	v19 =	vld [tilespmem:$0x1FB70]  }
0x187: {  	v24 =	vnsel vm0, $0x0, v8;
	v5 =	vadd.f32 v5, v8;
	v8 =	vld [tilespmem:$0x1FB80];
	_ =	sdelay $0x2  }
0x188: {  	v7 =	vsub.f32 v7, v59  }
0x189: {  	v19 =	vsub.f32 v19, v59  }
0x18a: {  	vm0 =	vge.f32 v46, v32;
	v7 =	vmin.f32 v7, $6.000000000e+01;
	v8 =	vsub.f32 v8, v59  }
0x18b: {  	v14 =	vnsel vm0, $0x0, v12;
	v7 =	vmul.f32 $1.442695020e+00, v7;
	v19 =	vmin.f32 v19, $6.000000000e+01  }
0x18c: {  	v5 =	vadd.f32 v5, v12;
	v8 =	vmin.f32 v8, $6.000000000e+01;
	v12 =	vmul.f32 $1.442695020e+00, v19  }
0x18d: {  	v20 =	vpop (erf);
	(erf) = vpow2.f32 v7;
	v7 =	vmul.f32 $1.442695020e+00, v8  }
0x18e: {  	v6 =	vpop (erf);
	(erf) = vpow2.f32 v12;
	v12 =	vld [tilespmem:$0x1FB90]  }
0x18f: {  	vm1 =	vge.f32 v45, v32;
	(erf) = vpow2.f32 v7;
	v7 =	vld [tilespmem:$0x1FBA0]  }
0x190: {  	v22 =	vadd.f32 v29, v31;
	v11 =	vnsel vm1, $0x0, v13;
	v5 =	vadd.f32 v5, v13;
	v13 =	vld [tilespmem:$0x1FBB0];
	_ =	sdelay $0x1  }
0x191: {  	v22 =	vadd.f32 v22, v27  }
0x192: {  	v12 =	vsub.f32 v12, v59  }
0x193: {  	v22 =	vadd.f32 v22, v25;
	v7 =	vsub.f32 v7, v59  }
0x194: {  	v13 =	vsub.f32 v13, v59;
	v12 =	vmin.f32 v12, $6.000000000e+01  }
0x195: {  	v8 =	vadd.f32 v22, v24;
	v12 =	vmul.f32 $1.442695020e+00, v12;
	v7 =	vmin.f32 v7, $6.000000000e+01  }
0x196: {  	v5 =	vadd.f32 v5, v15;
	v13 =	vmin.f32 v13, $6.000000000e+01;
	v7 =	vmul.f32 $1.442695020e+00, v7  }
0x197: {  	v8 =	vadd.f32 v8, v14;
	(erf) = vpow2.f32 v12;
	v12 =	vmul.f32 $1.442695020e+00, v13;
	v13 =	vld [tilespmem:$0x1FBE0]  }
0x198: {  	v5 =	vadd.f32 v5, v16;
	v21 =	vpop (erf);
	(erf) = vpow2.f32 v7;
	v7 =	vld [tilespmem:$0x1FBC0]  }
0x199: {  	vm0 =	vge.f32 v44, v32;
	v8 =	vadd.f32 v8, v11;
	(erf) = vpow2.f32 v12;
	v12 =	vld [tilespmem:$0x1FBD0]  }
0x19a: {  	v10 =	vnsel vm0, $0x0, v15;
	vm0 =	vge.f32 v41, v32;
	v5 =	vadd.f32 v5, v17  }
0x19b: {  	vm1 =	vge.f32 v38, v32;
	v9 =	vnsel vm0, $0x0, v16;
	v8 =	vadd.f32 v8, v10  }
0x19c: {  	vm0 =	vge.f32 v42, v32;
	v4 =	vnsel vm1, $0x0, v17;
	v5 =	vadd.f32 v5, v18  }
0x19d: {  	vm1 =	vge.f32 v39, v32;
	v8 =	vadd.f32 v8, v9;
	v7 =	vsub.f32 v7, v59  }
0x19e: {  	v3 =	vnsel vm0, $0x0, v18;
	v13 =	vsub.f32 v13, v59;
	v12 =	vsub.f32 v12, v59  }
0x19f: {  	v5 =	vadd.f32 v5, v20;
	v8 =	vadd.f32 v8, v4;
	v7 =	vmin.f32 v7, $6.000000000e+01  }
0x1a0: {  	v13 =	vmin.f32 v13, $6.000000000e+01;
	v7 =	vmul.f32 $1.442695020e+00, v7;
	v12 =	vmin.f32 v12, $6.000000000e+01  }
0x1a1: {  	vm0 =	vge.f32 v40, v32;
	v5 =	vadd.f32 v5, v6;
	v12 =	vmul.f32 $1.442695020e+00, v12  }
0x1a2: {  	v8 =	vadd.f32 v8, v3;
	(erf) = vpow2.f32 v7;
	v7 =	vmul.f32 $1.442695020e+00, v13  }
0x1a3: {  	v2 =	vnsel vm1, $0x0, v20;
	v1 =	vnsel vm0, $0x0, v6;
	v13 =	vpop (erf);
	(erf) = vpow2.f32 v12  }
0x1a4: {  	v5 =	vadd.f32 v5, v21;
	v6 =	vpop (erf);
	(erf) = vpow2.f32 v7;
	v7 =	vadd.f32 v8, v2;
	_ =	sdelay $0x1  }
0x1a5: {  	vm0 =	vge.f32 v43, v32;
	v5 =	vadd.f32 v5, v13;
	v7 =	vadd.f32 v7, v1  }
0x1a6: {  	v0 =	vnsel vm0, $0x0, v21  }
0x1a7: {  	vm0 =	vge.f32 v60, v32;
	v5 =	vadd.f32 v5, v6;
	v7 =	vadd.f32 v7, v0  }
0x1a8: {  	v22 =	vnsel vm0, $0x0, v13;
	vm0 =	vge.f32 v54, v32;
	v15 =	vpop (erf)  }
0x1a9: {  	v23 =	vnsel vm0, $0x0, v6;
	v5 =	vadd.f32 v5, v15;
	v6 =	vadd.f32 v7, v22;
	v7 =	vld [tilespmem:$0x1FBF0]  }
0x1aa: {  	vm0 =	vge.f32 v55, v32;
	v16 =	vpop (erf)  }
0x1ab: {  	v17 =	vnsel vm0, $0x0, v16;
	v16 =	vadd.f32 v5, v16;
	v5 =	vld [tilespmem:$0x1FC00];
	_ =	sdelay $0x2  }
0x1ac: {  	vm1 =	vge.f32 v61, v32;
	v28 =	vsub.f32 v7, v59  }
0x1ad: {  	v18 =	vnsel vm1, $0x0, v15;
	vm1 =	vge.f32 v62, v32;
	v19 =	vpop (erf)  }
0x1ae: {  	v20 =	vpop (erf);
	v16 =	vadd.f32 v16, v19;
	v52 =	vsub.f32 v5, v59;
	v28 =	vmin.f32 v28, $6.000000000e+01  }
0x1af: {  	v54 =	vld [tilespmem:$0x1FC10];
	v13 =	vnsel vm1, $0x0, v19;
	v21 =	vpop (erf);
	v19 =	vmul.f32 $1.442695020e+00, v28  }
0x1b0: {  	v26 =	vpop (erf);
	v16 =	vadd.f32 v16, v20;
	v28 =	vmin.f32 v52, $6.000000000e+01  }
0x1b1: {  	vm1 =	vge.f32 v63, v32;
	v15 =	vpop (erf);
	(erf) = vpow2.f32 v19;
	v19 =	vmul.f32 $1.442695020e+00, v28;
	v28 =	vld [tilespmem:$0x1FC20]  }
0x1b2: {  	v8 =	vnsel vm1, $0x0, v21;
	v16 =	vadd.f32 v16, v21;
	v21 =	vld [tilespmem:$0x1FC30];
	_ =	sdelay $0x1  }
0x1b3: {  	vm0 =	vge.f32 v56, v32;
	v38 =	vsub.f32 v54, v59;
	v30 =	vadd.f32 v6, v23  }
0x1b4: {  	v12 =	vnsel vm0, $0x0, v20;
	vm0 =	vge.f32 v57, v32  }
0x1b5: {  	v20 =	vmin.f32 v38, $6.000000000e+01;
	v30 =	vadd.f32 v30, v18;
	v28 =	vsub.f32 v28, v59  }
0x1b6: {  	v49 =	vpop (erf);
	v21 =	vsub.f32 v21, v59;
	(erf) = vpow2.f32 v19;
	v19 =	vmul.f32 $1.442695020e+00, v20  }
0x1b7: {  	v7 =	vnsel vm0, $0x0, v26;
	v30 =	vadd.f32 v30, v17;
	v20 =	vmin.f32 v28, $6.000000000e+01  }
0x1b8: {  	(erf) = vpow2.f32 v19;
	v19 =	vmul.f32 $1.442695020e+00, v20;
	v20 =	vmin.f32 v21, $6.000000000e+01;
	v21 =	vld [tilespmem:$0x1FC40]  }
0x1b9: {  	vm0 =	vge.f32 v58, v32;
	v16 =	vadd.f32 v16, v26;
	v30 =	vadd.f32 v30, v13  }
0x1ba: {  	v6 =	vnsel vm0, $0x0, v15  }
0x1bb: {  	v15 =	vadd.f32 v16, v15;
	v28 =	vadd.f32 v30, v12;
	v16 =	vmul.f32 $1.442695020e+00, v20;
	v20 =	vld [tilespmem:$0x1FC50];
	_ =	sdelay $0x1  }
0x1bc: {  	v26 =	vadd.f32 v28, v8;
	v21 =	vsub.f32 v21, v59;
	_ =	sdelay $0x1  }
0x1bd: {  	(erf) = vpow2.f32 v19;
	v19 =	vmin.f32 v21, $6.000000000e+01;
	v21 =	vadd.f32 v26, v7;
	v26 =	vld [tilespmem:$0x1FC70]  }
0x1be: {  	v20 =	vsub.f32 v20, v59;
	v19 =	vmul.f32 $1.442695020e+00, v19;
	_ =	sdelay $0x1  }
0x1bf: {  	vm0 =	vge.f32 v53, v32;
	v20 =	vmin.f32 v20, $6.000000000e+01;
	v21 =	vadd.f32 v21, v6  }
0x1c0: {  	v5 =	vnsel vm0, $0x0, v49;
	(erf) = vpow2.f32 v16;
	v20 =	vmul.f32 $1.442695020e+00, v20  }
0x1c1: {  	(erf) = vpow2.f32 v19;
	v21 =	vadd.f32 v21, v5;
	v19 =	vpop (erf);
	vm0 =	vge.f32 v26, v32  }
0x1c2: {  	v30 =	vnsel vm0, $0x0, v19  }
0x1c3: {  	(erf) = vpow2.f32 v20;
	v20 =	vadd.f32 v21, v30;
	v21 =	vld [tilespmem:$0x1FC80];
	_ =	sdelay $0x2  }
0x1c4: {  	v15 =	vadd.f32 v15, v49  }
0x1c5: {  	v16 =	vld [tilespmem:$0x1FC60]  }
0x1c6: {  	v15 =	vadd.f32 v15, v19;
	v19 =	vpop (erf);
	vm0 =	vge.f32 v21, v32  }
0x1c7: {  	v28 =	vnsel vm0, $0x0, v19  }
0x1c8: {  	v15 =	vadd.f32 v15, v19;
	v19 =	vadd.f32 v20, v28;
	v20 =	vld [tilespmem:$0x1FC90];
	_ =	sdelay $0x1  }
0x1c9: {  	v16 =	vsub.f32 v16, v59;
	_ =	sdelay $0x1  }
0x1ca: {  	v16 =	vmin.f32 v16, $6.000000000e+01  }
0x1cb: {  	v16 =	vmul.f32 $1.442695020e+00, v16;
	vm0 =	vge.f32 v20, v32;
	v20 =	vld [tilespmem:$0x1FCA0];
	_ =	sdelay $0x3  }
0x1cc: {  	(erf) = vpow2.f32 v16;
	v16 =	vpop (erf)  }
0x1cd: {  	v26 =	vnsel vm0, $0x0, v16;
	vm0 =	vge.f32 v20, v32;
	v20 =	vld [tilespmem:$0x1FCB0];
	_ =	sdelay $0x2  }
0x1ce: {  	v15 =	vadd.f32 v15, v16;
	v16 =	vpop (erf);
	v19 =	vadd.f32 v19, v26  }
0x1cf: {  	v21 =	vnsel vm0, $0x0, v16  }
0x1d0: {  	v15 =	vadd.f32 v15, v16;
	v16 =	vpop (erf);
	v19 =	vadd.f32 v19, v21;
	vm0 =	vge.f32 v20, v32  }
0x1d1: {  	v20 =	vnsel vm0, $0x0, v16  }
0x1d2: {  	v55 =	vadd.f32 v19, v20;
	v19 =	vld [tilespmem:$0x1FCC0];
	_ =	sdelay $0x2  }
0x1d3: {  	v15 =	vadd.f32 v15, v16  }
0x1d4: {  	v16 =	vpop (erf)  }
0x1d5: {  	v15 =	vadd.f32 v15, v16;
	vm0 =	vge.f32 v19, v32  }
0x1d6: {  	v19 =	vnsel vm0, $0x0, v16;
	v16 =	vpop (erf)  }
0x1d7: {  	v56 =	vld [tilespmem:$0x1FCD0];
	v15 =	vadd.f32 v15, v16  }
0x1d8: {  	v57 =	vpop (erf)  }
0x1d9: {  	v58 =	vadd.f32 v15, v57;
	v15 =	vld [tilespmem:$0x1FCE0]  }
0x1da: {  	v60 =	vld [tilespmem:$0x1FCF0]  }
0x1db: {  	v61 =	vld [tilespmem:$0x1FD00]  }
0x1dc: {  	v63 =	vld [tilespmem:$0x1FD10];
	vm0 =	vge.f32 v56, v32;
	v37 =	vadd.f32 v55, v19  }
0x1dd: {  	v44 =	vld [tilespmem:$0x1FD20];
	v16 =	vnsel vm0, $0x0, v16  }
0x1de: {  	s31 =	sshll.u32 s12, $0xC;
	v46 =	vld [tilespmem:$0x1FD30];
	v42 =	vsel vm3, $0x3F800000, v36;
	v37 =	vadd.f32 v37, v16;
	vm0 =	vge.f32 v15, v32  }
0x1df: {  	s13 =	sand.u32 $0x3FFFF000, s31;
	v47 =	vld [tilespmem:$0x1FD40];
	v62 =	vperm.xlane v58, v50;
	v15 =	vnsel vm0, $0x0, v57;
	vm0 =	vnez.u8 v60  }
0x1e0: {  	[tilespmem:s13+$0x2C70] =	vst v42;
	v49 =	vld [tilespmem:$0x1FD50];
	v32 =	vsel vm0, $0x3F800000, v36;
	vm0 =	vnez.u8 v61;
	v37 =	vadd.f32 v37, v15  }
0x1e1: {  	v38 =	vsel vm0, $0x3F800000, v36;
	[tilespmem:s13+$0x2000] =	vst v32;
	vm0 =	vnez.u8 v63;
	v32 =	vadd.f32 v58, v62  }
0x1e2: {  	v52 =	vld [tilespmem:$0x1FD60];
	v40 =	vsel vm0, $0x3F800000, v36;
	[tilespmem:s13+$0x2010] =	vst v38;
	vm0 =	vnez.u8 v44;
	v45 =	vperm.xlane v37, v50  }
0x1e3: {  	v38 =	vsel vm0, $0x3F800000, v36;
	[tilespmem:s13+$0x2020] =	vst v40;
	vm0 =	vnez.u8 v46;
	v48 =	vperm.xlane v32, v33  }
0x1e4: {  	v54 =	vld [tilespmem:$0x1FD70];
	v40 =	vsel vm0, $0x3F800000, v36;
	[tilespmem:s13+$0x2030] =	vst v38;
	vm0 =	vnez.u8 v47;
	v37 =	vadd.f32 v37, v45  }
0x1e5: {  	v38 =	vsel vm0, $0x3F800000, v36;
	[tilespmem:s13+$0x2040] =	vst v40;
	vm0 =	vnez.u8 v49  }
0x1e6: {  	v32 =	vadd.f32 v32, v48;
	v49 =	vsel vm15, $0x3F800000, v36;
	[tilespmem:s13+$0x2050] =	vst v38;
	v53 =	vperm.xlane v37, v33  }
0x1e7: {  	v40 =	vsel vm0, $0x3F800000, v36;
	vm0 =	vnez.u8 v52;
	[tilespmem:s13+$0x2820] =	vst v49  }
0x1e8: {  	v55 =	vld [tilespmem:$0x1FD80];
	v52 =	vsel vm14, $0x3F800000, v36;
	[tilespmem:s13+$0x2060] =	vst v40;
	v56 =	vperm.xlane v32, v34;
	v37 =	vadd.f32 v37, v53  }
0x1e9: {  	v38 =	vsel vm0, $0x3F800000, v36;
	vm0 =	vnez.u8 v54;
	[tilespmem:s13+$0x2830] =	vst v52  }
0x1ea: {  	v57 =	vld [tilespmem:$0x1FD90];
	v54 =	vsel vm12, $0x3F800000, v36;
	[tilespmem:s13+$0x2070] =	vst v38;
	v32 =	vadd.f32 v32, v56;
	v60 =	vperm.xlane v37, v34  }
0x1eb: {  	v40 =	vsel vm0, $0x3F800000, v36;
	[tilespmem:s13+$0x2850] =	vst v54  }
0x1ec: {  	v53 =	vsel vm13, $0x3F800000, v36;
	[tilespmem:s13+$0x2400] =	vst v40;
	v63 =	vperm.xlane v32, v35;
	v37 =	vadd.f32 v37, v60  }
0x1ed: {  	v58 =	vld [tilespmem:$0x1FDA0];
	vm0 =	vnez.u8 v55;
	v55 =	vsel vm11, $0x3F800000, v36;
	[tilespmem:s13+$0x2840] =	vst v53  }
0x1ee: {  	v38 =	vsel vm0, $0x3F800000, v36;
	[tilespmem:s13+$0x2860] =	vst v55;
	v32 =	vadd.f32 v32, v63;
	v46 =	vperm.xlane v37, v35  }
0x1ef: {  	v61 =	vld [tilespmem:$0x1FDB0];
	vm0 =	vnez.u8 v57;
	v56 =	vsel vm10, $0x3F800000, v36;
	[tilespmem:s13+$0x2410] =	vst v38  }
0x1f0: {  	v57 =	vsel vm9, $0x3F800000, v36;
	[tilespmem:s13+$0x2870] =	vst v56;
	v32 =	vmul.f32 $9.999999930e-09, v32;
	v37 =	vadd.f32 v37, v46  }
0x1f1: {  	v40 =	vsel vm0, $0x3F800000, v36;
	[tilespmem:s13+$0x2C00] =	vst v57  }
0x1f2: {  	v62 =	vld [tilespmem:$0x1FDC0];
	vm0 =	vnez.u8 v58;
	v58 =	vsel vm8, $0x3F800000, v36;
	[tilespmem:s13+$0x2420] =	vst v40;
	v32 =	vadd.f32 v37, v32  }
0x1f3: {  	v38 =	vsel vm0, $0x3F800000, v36;
	[tilespmem:s13+$0x2C10] =	vst v58  }
0x1f4: {  	v44 =	vld [tilespmem:$0x1FDD0];
	vm0 =	vnez.u8 v61;
	v61 =	vsel vm6, $0x3F800000, v36;
	[tilespmem:s13+$0x2430] =	vst v38;
	(erf) = vrcp.f32 v32  }
0x1f5: {  	v45 =	vld [tilespmem:$0x1FDE0];
	v40 =	vsel vm0, $0x3F800000, v36;
	[tilespmem:s13+$0x2C30] =	vst v61  }
0x1f6: {  	v47 =	vld [tilespmem:$0x1FDF0];
	v60 =	vsel vm7, $0x3F800000, v36;
	[tilespmem:s13+$0x2440] =	vst v40  }
0x1f7: {  	v48 =	vld [tilespmem:$0x1FE00];
	vm0 =	vnez.u8 v62;
	v62 =	vsel vm5, $0x3F800000, v36;
	[tilespmem:s13+$0x2C20] =	vst v60  }
0x1f8: {  	v38 =	vsel vm0, $0x3F800000, v36;
	[tilespmem:s13+$0x2C40] =	vst v62  }
0x1f9: {  	vm0 =	vnez.u8 v44;
	v63 =	vsel vm4, $0x3F800000, v36;
	[tilespmem:s13+$0x2450] =	vst v38  }
0x1fa: {  	v40 =	vsel vm0, $0x3F800000, v36;
	vm0 =	vnez.u8 v45;
	[tilespmem:s13+$0x2C50] =	vst v63  }
0x1fb: {  	v38 =	vsel vm0, $0x3F800000, v36;
	[tilespmem:s13+$0x2460] =	vst v40;
	vm0 =	vnez.u8 v47  }
0x1fc: {  	v40 =	vsel vm0, $0x3F800000, v36;
	[tilespmem:s13+$0x2470] =	vst v38;
	vm0 =	vnez.u8 v48  }
0x1fd: {  	v38 =	vsel vm0, $0x3F800000, v36;
	[tilespmem:s13+$0x2800] =	vst v40;
	v41 =	vpop (erf)  }
0x1fe: {  	v40 =	vsel vm2, $0x3F800000, v36;
	[tilespmem:s13+$0x2810] =	vst v38;
	v31 =	vmul.f32 v41, v31  }
0x1ff: {  	[tilespmem:s13+$0x2C60] =	vst v40  }
0x200: {  	[tilespmem:s13+$0x2080] =	vst v31  }
0x201: {  	[tilespmem:s13+$0x2100] =	vst v31  }
0x202: {  	[tilespmem:s13+$0x2180] =	vst v31  }
0x203: {  	[tilespmem:s13+$0x2200] =	vst v31  }
0x204: {  	[tilespmem:s13+$0x2280] =	vst v31  }
0x205: {  	v29 =	vmul.f32 v41, v29;
	[tilespmem:s13+$0x2300] =	vst v31  }
0x206: {  	[tilespmem:s13+$0x2380] =	vst v31  }
0x207: {  	[tilespmem:s13+$0x2090] =	vst v29  }
0x208: {  	[tilespmem:s13+$0x2110] =	vst v29  }
0x209: {  	[tilespmem:s13+$0x2190] =	vst v29  }
0x20a: {  	[tilespmem:s13+$0x2210] =	vst v29  }
0x20b: {  	[tilespmem:s13+$0x2290] =	vst v29  }
0x20c: {  	v27 =	vmul.f32 v41, v27;
	[tilespmem:s13+$0x2310] =	vst v29  }
0x20d: {  	[tilespmem:s13+$0x2390] =	vst v29  }
0x20e: {  	[tilespmem:s13+$0x20A0] =	vst v27  }
0x20f: {  	[tilespmem:s13+$0x2120] =	vst v27  }
0x210: {  	[tilespmem:s13+$0x21A0] =	vst v27  }
0x211: {  	[tilespmem:s13+$0x2220] =	vst v27  }
0x212: {  	[tilespmem:s13+$0x22A0] =	vst v27  }
0x213: {  	v25 =	vmul.f32 v41, v25;
	[tilespmem:s13+$0x2320] =	vst v27  }
0x214: {  	[tilespmem:s13+$0x23A0] =	vst v27  }
0x215: {  	[tilespmem:s13+$0x20B0] =	vst v25  }
0x216: {  	[tilespmem:s13+$0x2130] =	vst v25  }
0x217: {  	[tilespmem:s13+$0x21B0] =	vst v25  }
0x218: {  	[tilespmem:s13+$0x2230] =	vst v25  }
0x219: {  	[tilespmem:s13+$0x22B0] =	vst v25  }
0x21a: {  	v24 =	vmul.f32 v41, v24;
	[tilespmem:s13+$0x2330] =	vst v25  }
0x21b: {  	[tilespmem:s13+$0x23B0] =	vst v25  }
0x21c: {  	[tilespmem:s13+$0x20C0] =	vst v24  }
0x21d: {  	[tilespmem:s13+$0x2140] =	vst v24  }
0x21e: {  	[tilespmem:s13+$0x21C0] =	vst v24  }
0x21f: {  	[tilespmem:s13+$0x2240] =	vst v24  }
0x220: {  	[tilespmem:s13+$0x22C0] =	vst v24  }
0x221: {  	v14 =	vmul.f32 v41, v14;
	[tilespmem:s13+$0x2340] =	vst v24  }
0x222: {  	[tilespmem:s13+$0x23C0] =	vst v24  }
0x223: {  	[tilespmem:s13+$0x20D0] =	vst v14  }
0x224: {  	[tilespmem:s13+$0x2150] =	vst v14  }
0x225: {  	[tilespmem:s13+$0x21D0] =	vst v14  }
0x226: {  	[tilespmem:s13+$0x2250] =	vst v14  }
0x227: {  	[tilespmem:s13+$0x22D0] =	vst v14  }
0x228: {  	v11 =	vmul.f32 v41, v11;
	[tilespmem:s13+$0x2350] =	vst v14  }
0x229: {  	[tilespmem:s13+$0x23D0] =	vst v14  }
0x22a: {  	[tilespmem:s13+$0x20E0] =	vst v11  }
0x22b: {  	[tilespmem:s13+$0x2160] =	vst v11  }
0x22c: {  	[tilespmem:s13+$0x21E0] =	vst v11  }
0x22d: {  	[tilespmem:s13+$0x2260] =	vst v11  }
0x22e: {  	[tilespmem:s13+$0x22E0] =	vst v11  }
0x22f: {  	v10 =	vmul.f32 v41, v10;
	[tilespmem:s13+$0x2360] =	vst v11  }
0x230: {  	[tilespmem:s13+$0x23E0] =	vst v11  }
0x231: {  	[tilespmem:s13+$0x20F0] =	vst v10  }
0x232: {  	[tilespmem:s13+$0x2170] =	vst v10  }
0x233: {  	[tilespmem:s13+$0x21F0] =	vst v10  }
0x234: {  	[tilespmem:s13+$0x2270] =	vst v10  }
0x235: {  	[tilespmem:s13+$0x22F0] =	vst v10  }
0x236: {  	v9 =	vmul.f32 v41, v9;
	[tilespmem:s13+$0x2370] =	vst v10  }
0x237: {  	[tilespmem:s13+$0x23F0] =	vst v10  }
0x238: {  	[tilespmem:s13+$0x2480] =	vst v9  }
0x239: {  	[tilespmem:s13+$0x2500] =	vst v9  }
0x23a: {  	[tilespmem:s13+$0x2580] =	vst v9  }
0x23b: {  	[tilespmem:s13+$0x2600] =	vst v9  }
0x23c: {  	[tilespmem:s13+$0x2680] =	vst v9  }
0x23d: {  	v4 =	vmul.f32 v41, v4;
	[tilespmem:s13+$0x2700] =	vst v9  }
0x23e: {  	[tilespmem:s13+$0x2780] =	vst v9  }
0x23f: {  	[tilespmem:s13+$0x2490] =	vst v4  }
0x240: {  	[tilespmem:s13+$0x2510] =	vst v4  }
0x241: {  	[tilespmem:s13+$0x2590] =	vst v4  }
0x242: {  	[tilespmem:s13+$0x2610] =	vst v4  }
0x243: {  	[tilespmem:s13+$0x2690] =	vst v4  }
0x244: {  	v3 =	vmul.f32 v41, v3;
	[tilespmem:s13+$0x2710] =	vst v4  }
0x245: {  	[tilespmem:s13+$0x2790] =	vst v4  }
0x246: {  	[tilespmem:s13+$0x24A0] =	vst v3  }
0x247: {  	[tilespmem:s13+$0x2520] =	vst v3  }
0x248: {  	[tilespmem:s13+$0x25A0] =	vst v3  }
0x249: {  	[tilespmem:s13+$0x2620] =	vst v3  }
0x24a: {  	[tilespmem:s13+$0x26A0] =	vst v3  }
0x24b: {  	v2 =	vmul.f32 v41, v2;
	[tilespmem:s13+$0x2720] =	vst v3  }
0x24c: {  	[tilespmem:s13+$0x27A0] =	vst v3  }
0x24d: {  	[tilespmem:s13+$0x24B0] =	vst v2  }
0x24e: {  	[tilespmem:s13+$0x2530] =	vst v2  }
0x24f: {  	[tilespmem:s13+$0x25B0] =	vst v2  }
0x250: {  	[tilespmem:s13+$0x2630] =	vst v2  }
0x251: {  	[tilespmem:s13+$0x26B0] =	vst v2  }
0x252: {  	v1 =	vmul.f32 v41, v1;
	[tilespmem:s13+$0x2730] =	vst v2  }
0x253: {  	[tilespmem:s13+$0x27B0] =	vst v2  }
0x254: {  	[tilespmem:s13+$0x24C0] =	vst v1  }
0x255: {  	[tilespmem:s13+$0x2540] =	vst v1  }
0x256: {  	[tilespmem:s13+$0x25C0] =	vst v1  }
0x257: {  	[tilespmem:s13+$0x2640] =	vst v1  }
0x258: {  	[tilespmem:s13+$0x26C0] =	vst v1  }
0x259: {  	v0 =	vmul.f32 v41, v0;
	[tilespmem:s13+$0x2740] =	vst v1  }
0x25a: {  	[tilespmem:s13+$0x27C0] =	vst v1  }
0x25b: {  	[tilespmem:s13+$0x24D0] =	vst v0  }
0x25c: {  	[tilespmem:s13+$0x2550] =	vst v0  }
0x25d: {  	[tilespmem:s13+$0x25D0] =	vst v0  }
0x25e: {  	[tilespmem:s13+$0x2650] =	vst v0  }
0x25f: {  	[tilespmem:s13+$0x26D0] =	vst v0  }
0x260: {  	v43 =	vmul.f32 v41, v22;
	[tilespmem:s13+$0x2750] =	vst v0  }
0x261: {  	[tilespmem:s13+$0x27D0] =	vst v0  }
0x262: {  	[tilespmem:s13+$0x24E0] =	vst v43  }
0x263: {  	[tilespmem:s13+$0x2560] =	vst v43  }
0x264: {  	[tilespmem:s13+$0x25E0] =	vst v43  }
0x265: {  	[tilespmem:s13+$0x2660] =	vst v43  }
0x266: {  	[tilespmem:s13+$0x26E0] =	vst v43  }
0x267: {  	v44 =	vmul.f32 v41, v23;
	[tilespmem:s13+$0x2760] =	vst v43  }
0x268: {  	[tilespmem:s13+$0x27E0] =	vst v43  }
0x269: {  	[tilespmem:s13+$0x24F0] =	vst v44  }
0x26a: {  	[tilespmem:s13+$0x2570] =	vst v44  }
0x26b: {  	[tilespmem:s13+$0x25F0] =	vst v44  }
0x26c: {  	[tilespmem:s13+$0x2670] =	vst v44  }
0x26d: {  	[tilespmem:s13+$0x26F0] =	vst v44  }
0x26e: {  	v45 =	vmul.f32 v41, v18;
	[tilespmem:s13+$0x2770] =	vst v44  }
0x26f: {  	[tilespmem:s13+$0x27F0] =	vst v44  }
0x270: {  	[tilespmem:s13+$0x2880] =	vst v45  }
0x271: {  	[tilespmem:s13+$0x2900] =	vst v45  }
0x272: {  	[tilespmem:s13+$0x2980] =	vst v45  }
0x273: {  	[tilespmem:s13+$0x2A00] =	vst v45  }
0x274: {  	[tilespmem:s13+$0x2A80] =	vst v45  }
0x275: {  	v46 =	vmul.f32 v41, v17;
	[tilespmem:s13+$0x2B00] =	vst v45  }
0x276: {  	[tilespmem:s13+$0x2B80] =	vst v45  }
0x277: {  	[tilespmem:s13+$0x2890] =	vst v46  }
0x278: {  	[tilespmem:s13+$0x2910] =	vst v46  }
0x279: {  	[tilespmem:s13+$0x2990] =	vst v46  }
0x27a: {  	[tilespmem:s13+$0x2A10] =	vst v46  }
0x27b: {  	[tilespmem:s13+$0x2A90] =	vst v46  }
0x27c: {  	v47 =	vmul.f32 v41, v13;
	[tilespmem:s13+$0x2B10] =	vst v46  }
0x27d: {  	[tilespmem:s13+$0x2B90] =	vst v46  }
0x27e: {  	[tilespmem:s13+$0x28A0] =	vst v47  }
0x27f: {  	[tilespmem:s13+$0x2920] =	vst v47  }
0x280: {  	[tilespmem:s13+$0x29A0] =	vst v47  }
0x281: {  	[tilespmem:s13+$0x2A20] =	vst v47  }
0x282: {  	[tilespmem:s13+$0x2AA0] =	vst v47  }
0x283: {  	v48 =	vmul.f32 v41, v12;
	[tilespmem:s13+$0x2B20] =	vst v47  }
0x284: {  	[tilespmem:s13+$0x2BA0] =	vst v47  }
0x285: {  	[tilespmem:s13+$0x28B0] =	vst v48  }
0x286: {  	[tilespmem:s13+$0x2930] =	vst v48  }
0x287: {  	[tilespmem:s13+$0x29B0] =	vst v48  }
0x288: {  	[tilespmem:s13+$0x2A30] =	vst v48  }
0x289: {  	[tilespmem:s13+$0x2AB0] =	vst v48  }
0x28a: {  	v49 =	vmul.f32 v41, v8;
	[tilespmem:s13+$0x2B30] =	vst v48  }
0x28b: {  	[tilespmem:s13+$0x2BB0] =	vst v48  }
0x28c: {  	[tilespmem:s13+$0x28C0] =	vst v49  }
0x28d: {  	[tilespmem:s13+$0x2940] =	vst v49  }
0x28e: {  	[tilespmem:s13+$0x29C0] =	vst v49  }
0x28f: {  	[tilespmem:s13+$0x2A40] =	vst v49  }
0x290: {  	[tilespmem:s13+$0x2AC0] =	vst v49  }
0x291: {  	v52 =	vmul.f32 v41, v7;
	[tilespmem:s13+$0x2B40] =	vst v49  }
0x292: {  	[tilespmem:s13+$0x2BC0] =	vst v49  }
0x293: {  	[tilespmem:s13+$0x28D0] =	vst v52  }
0x294: {  	[tilespmem:s13+$0x2950] =	vst v52  }
0x295: {  	[tilespmem:s13+$0x29D0] =	vst v52  }
0x296: {  	[tilespmem:s13+$0x2A50] =	vst v52  }
0x297: {  	[tilespmem:s13+$0x2AD0] =	vst v52  }
0x298: {  	v53 =	vmul.f32 v41, v6;
	[tilespmem:s13+$0x2B50] =	vst v52  }
0x299: {  	[tilespmem:s13+$0x2BD0] =	vst v52  }
0x29a: {  	[tilespmem:s13+$0x28E0] =	vst v53  }
0x29b: {  	[tilespmem:s13+$0x2960] =	vst v53  }
0x29c: {  	[tilespmem:s13+$0x29E0] =	vst v53  }
0x29d: {  	[tilespmem:s13+$0x2A60] =	vst v53  }
0x29e: {  	[tilespmem:s13+$0x2AE0] =	vst v53  }
0x29f: {  	v54 =	vmul.f32 v41, v5;
	[tilespmem:s13+$0x2B60] =	vst v53  }
0x2a0: {  	[tilespmem:s13+$0x2BE0] =	vst v53  }
0x2a1: {  	[tilespmem:s13+$0x28F0] =	vst v54  }
0x2a2: {  	[tilespmem:s13+$0x2970] =	vst v54  }
0x2a3: {  	[tilespmem:s13+$0x29F0] =	vst v54  }
0x2a4: {  	[tilespmem:s13+$0x2A70] =	vst v54  }
0x2a5: {  	[tilespmem:s13+$0x2AF0] =	vst v54  }
0x2a6: {  	v55 =	vmul.f32 v41, v30;
	[tilespmem:s13+$0x2B70] =	vst v54  }
0x2a7: {  	[tilespmem:s13+$0x2BF0] =	vst v54  }
0x2a8: {  	[tilespmem:s13+$0x2C80] =	vst v55  }
0x2a9: {  	[tilespmem:s13+$0x2D00] =	vst v55  }
0x2aa: {  	[tilespmem:s13+$0x2D80] =	vst v55  }
0x2ab: {  	[tilespmem:s13+$0x2E00] =	vst v55  }
0x2ac: {  	[tilespmem:s13+$0x2E80] =	vst v55  }
0x2ad: {  	v56 =	vmul.f32 v41, v28;
	[tilespmem:s13+$0x2F00] =	vst v55  }
0x2ae: {  	[tilespmem:s13+$0x2F80] =	vst v55  }
0x2af: {  	[tilespmem:s13+$0x2C90] =	vst v56  }
0x2b0: {  	[tilespmem:s13+$0x2D10] =	vst v56  }
0x2b1: {  	[tilespmem:s13+$0x2D90] =	vst v56  }
0x2b2: {  	[tilespmem:s13+$0x2E10] =	vst v56  }
0x2b3: {  	[tilespmem:s13+$0x2E90] =	vst v56  }
0x2b4: {  	v57 =	vmul.f32 v41, v26;
	[tilespmem:s13+$0x2F10] =	vst v56  }
0x2b5: {  	[tilespmem:s13+$0x2F90] =	vst v56  }
0x2b6: {  	[tilespmem:s13+$0x2CA0] =	vst v57  }
0x2b7: {  	[tilespmem:s13+$0x2D20] =	vst v57  }
0x2b8: {  	[tilespmem:s13+$0x2DA0] =	vst v57  }
0x2b9: {  	[tilespmem:s13+$0x2E20] =	vst v57  }
0x2ba: {  	[tilespmem:s13+$0x2EA0] =	vst v57  }
0x2bb: {  	v58 =	vmul.f32 v41, v21;
	[tilespmem:s13+$0x2F20] =	vst v57  }
0x2bc: {  	[tilespmem:s13+$0x2FA0] =	vst v57  }
0x2bd: {  	[tilespmem:s13+$0x2CB0] =	vst v58  }
0x2be: {  	[tilespmem:s13+$0x2D30] =	vst v58  }
0x2bf: {  	[tilespmem:s13+$0x2DB0] =	vst v58  }
0x2c0: {  	[tilespmem:s13+$0x2E30] =	vst v58  }
0x2c1: {  	[tilespmem:s13+$0x2EB0] =	vst v58  }
0x2c2: {  	v60 =	vmul.f32 v41, v20;
	[tilespmem:s13+$0x2F30] =	vst v58  }
0x2c3: {  	[tilespmem:s13+$0x2FB0] =	vst v58  }
0x2c4: {  	[tilespmem:s13+$0x2CC0] =	vst v60  }
0x2c5: {  	[tilespmem:s13+$0x2D40] =	vst v60  }
0x2c6: {  	[tilespmem:s13+$0x2DC0] =	vst v60  }
0x2c7: {  	v51 =	vld [tilespmem:$0x1FFD0];
	[tilespmem:s13+$0x2E40] =	vst v60  }
0x2c8: {  	v59 =	vld [tilespmem:$0x1FFE0];
	[tilespmem:s13+$0x2EC0] =	vst v60  }
0x2c9: {  	v22 =	vld [tilespmem:$0x1FF40];
	v61 =	vmul.f32 v41, v19;
	[tilespmem:s13+$0x2F40] =	vst v60  }
0x2ca: {  	v23 =	vld [tilespmem:$0x1FF50];
	[tilespmem:s13+$0x2FC0] =	vst v60  }
0x2cb: {  	v18 =	vld [tilespmem:$0x1FF10];
	[tilespmem:s13+$0x2CD0] =	vst v61  }
0x2cc: {  	v17 =	vld [tilespmem:$0x1FF00];
	[tilespmem:s13+$0x2D50] =	vst v61  }
0x2cd: {  	v13 =	vld [tilespmem:$0x1FEC0];
	[tilespmem:s13+$0x2DD0] =	vst v61  }
0x2ce: {  	v12 =	vld [tilespmem:$0x1FEB0];
	[tilespmem:s13+$0x2E50] =	vst v61  }
0x2cf: {  	v8 =	vld [tilespmem:$0x1FE70];
	[tilespmem:s13+$0x2ED0] =	vst v61  }
0x2d0: {  	v5 =	vld [tilespmem:$0x1FFF0];
	v62 =	vmul.f32 v41, v16;
	[tilespmem:s13+$0x2F50] =	vst v61  }
0x2d1: {  	v30 =	vld [tilespmem:$0x1FFC0];
	[tilespmem:s13+$0x2FD0] =	vst v61  }
0x2d2: {  	v28 =	vld [tilespmem:$0x1FFA0];
	[tilespmem:s13+$0x2CE0] =	vst v62  }
0x2d3: {  	v26 =	vld [tilespmem:$0x1FF80];
	[tilespmem:s13+$0x2D60] =	vst v62  }
0x2d4: {  	v21 =	vld [tilespmem:$0x1FF30];
	[tilespmem:s13+$0x2DE0] =	vst v62  }
0x2d5: {  	v19 =	vld [tilespmem:$0x1FF20];
	[tilespmem:s13+$0x2E60] =	vst v62  }
0x2d6: {  	v16 =	vld [tilespmem:$0x1FEF0];
	[tilespmem:s13+$0x2EE0] =	vst v62  }
0x2d7: {  	v63 =	vmul.f32 v41, v15;
	v15 =	vld [tilespmem:$0x1FEE0];
	[tilespmem:s13+$0x2F60] =	vst v62  }
0x2d8: {  	v29 =	vld [tilespmem:$0x1FFB0];
	[tilespmem:s13+$0x2FE0] =	vst v62  }
0x2d9: {  	v27 =	vld [tilespmem:$0x1FF90];
	[tilespmem:s13+$0x2CF0] =	vst v63  }
0x2da: {  	p0 =	sne.s32 s12, $0xF;
	v25 =	vld [tilespmem:$0x1FF70];
	[tilespmem:s13+$0x2D70] =	vst v63  }
.Ltmp0:
0x2db: {  	v24 =	vld [tilespmem:$0x1FF60];
	[tilespmem:s13+$0x2DF0] =	vst v63;
	(pc) =	sbr.rel @p0 .LBB2_3-.Ltmp0, $4  }
0x2dc: {  	v14 =	vld [tilespmem:$0x1FED0];
	[tilespmem:s13+$0x2E70] =	vst v63  }
0x2dd: {  	v11 =	vld [tilespmem:$0x1FEA0];
	[tilespmem:s13+$0x2EF0] =	vst v63  }
0x2de: {  	v10 =	vld [tilespmem:$0x1FE90];
	[tilespmem:s13+$0x2F70] =	vst v63  }
0x2df: {  	s12 =	sadd.s32 $0x1, s12;
	v7 =	vlaneseq.u32;
	v9 =	vld [tilespmem:$0x1FE80];
	[tilespmem:s13+$0x2FF0] =	vst v63  }
0x2e0: {  	s10 =	sadd.s32 $0x1, s10  }
0x2e1: {  	s11 =	sshll.u32 s11, $0x9;
	p0 =	sne.s32 s10, $0x8  }
.Ltmp1:
0x2e2: {  	s11 =	sadd.s32 s11, s5;
	(pc) =	sbr.rel @p0 .LBB2_2-.Ltmp1, $4  }
0x2e3: {  	[hbm4b:s11+s1] =	stream.linear.scatter [tilespmem:s8], [sflag:$0x1], $0x10000, $0x38;
	[tilespmem:$0x12000] =	vst v63  }
0x2e4: {  	_ =	swait.ge [sflag:s7], $0x10000  }
0x2e5: {  	[sflag:s7] =	ssyncset.done $0x0  }
0x2e6: {  	[sflag:s7] =	ssyncadd.s32 $0xFFFF0000  }
0x2e7: {  	s9 =	sadd.s32 $0x1, s9  }
0x2e8: {  	p0 =	sne.s32 s9, s6  }
.Ltmp2:
0x2e9: {  	_ = 	snop;
	(pc) =	sbr.rel @p0 .LBB2_1-.Ltmp2, $1  }
0x2ea: {  	_ =	sdelay $0x3  }
0x2eb: {  	_ =	sfence.sel $0x180000  }
0x2ec: {  	[bflag:$0x0] =	sbarrier.arrive $0xFFFF  }
0x2ed: {  	p0 =	sne.s32 s2, $0x0;
	_ =	strace $0x90000047  }
0x2ee: {  	s0 =	sadd.s32 @!p0 $0x100000, s0;
	[bflag:$0x2] =	sbarrier.arrive $0xFFFF  }
0x2ef: {  	[sflag:s0] =	ssyncadd.tile.s32 @!p0 $0x1;
	_ =	shalt  }
.Lfunc_end2:
_tile_overlayer_lowered:
.L_overlay_start_2:
0x2f0: {  	(tag) =	ssettag $0x2  }
0x2f1: {  	s0 =	rddreg [dreg:$0x0];
	s2 =	stileid.u32  }
0x2f2: {  	s1 =	rddreg [dreg:$0x1];
	p0 =	sne.s32 s2, $0x0  }
0x2f3: {  	s3 =	rddreg [dreg:$0x2];
	[bflag:$0x3] =	sbarrier.arrive $0xFFFF;
	s2 =	simm.s32 @!p0 $0x1C01  }
0x2f4: {  	[timem:s3], [sflag:s2] =	dma.local @!p0 [hbm:s0], s1  }
0x2f5: {  	s0 =	simm.s32 @!p0 $0x1  }
0x2f6: {  	_ =	swait.ge @!p0 [sflag:s0], s1  }
0x2f7: {  	s1 =	ssub.s32 @!p0 $0x0, s1;
	[sflag:s0] =	ssyncset.done @!p0 $0x0  }
0x2f8: {  	[sflag:s0] =	ssyncadd.s32 @!p0 s1  }
0x2f9: {  	[bflag:$0x3] =	sbarrier.arrive $0xFFFF  }
0x2fa: {  	_ =	shalt  }

</sc_bundles>
